<compile_context>
chip_gen: v7x
topology: tpu7x:2x2x1
jax: 0.10.2.dev20260603
libtpu: 0.0.44.dev20260713+nightly
codegen_flags: <defaults>
</compile_context>

<pallas_src>
import functools

import jax
import jax.numpy as jnp
import numpy as np
from jax import lax
from jax.experimental import pallas as pl
from jax.experimental.pallas import tpu as pltpu
from jax.experimental.pallas import tpu_sc as plsc

NC = 2
NS = 16
NW = NC * NS
CHUNK = 100
NCHUNK = 32
PER_W = NCHUNK * CHUNK
D = 128
DC = 16
THIRD = np.float32(1.0) / np.float32(3.0)


def _body(fe_hbm, g0_hbm, g1_hbm, g2_hbm, dfc_hbm, spt_hbm, dpt_hbm, out_fe,
          g0_v, g1_v, g2_v, dfc_v, spt_v, dpt_v,
          b00, b01, b02, o0, b10, b11, b12, o1,
          semfg0, semfg1, semfs0, semfs1,
          sempg0, sempg1, sempg2, sempg3,
          semps0, semps1, semps2, semps3):
    width = fe_hbm.shape[1]
    FB = [[b00, b01, b02], [b10, b11, b12]]
    FO = [o0, o1]
    PB = [b00, b01, b02, o0]
    GV = [g0_v, g1_v, g2_v]
    SEMFG = [semfg0, semfg1]
    SEMFS = [semfs0, semfs1]
    SEMPG = [sempg0, sempg1, sempg2, sempg3]
    SEMPS = [semps0, semps1, semps2, semps3]

    cid = lax.axis_index("c")
    sid = lax.axis_index("s")
    wid = sid * NC + cid

    pltpu.sync_copy(g0_hbm.at[wid], g0_v)
    pltpu.sync_copy(g1_hbm.at[wid], g1_v)
    pltpu.sync_copy(g2_hbm.at[wid], g2_v)
    pltpu.sync_copy(dfc_hbm.at[wid], dfc_v)
    pltpu.sync_copy(spt_hbm.at[wid], spt_v)
    pltpu.sync_copy(dpt_hbm.at[wid], dpt_v)

    issue = pltpu.async_copy

    def drain(src, dst, sem):
        pltpu.make_async_copy(src, dst, sem).wait()

    def face_g(j, sl, fn):
        for t in range(3):
            fn(fe_hbm.at[GV[t].at[j]], FB[sl][t], SEMFG[sl])

    def face_s(j, sl, fn):
        fn(FO[sl], out_fe.at[dfc_v.at[j]], SEMFS[sl])

    def pt_g(j, p, fn):
        fn(fe_hbm.at[spt_v.at[j]], PB[p], SEMPG[p])

    def pt_s(j, p, fn):
        fn(PB[p], out_fe.at[dpt_v.at[j]], SEMPS[p])

    def compute(sl):
        b0, b1, b2 = FB[sl]
        o = FO[sl]

        def mean_row(r, _):
            for g in range(width // 16):
                s = pl.ds(g * 16, 16)
                o[r, s] = (b0[r, s] + b1[r, s] + b2[r, s]) * THIRD
            return 0

        lax.fori_loop(0, CHUNK, mean_row, 0)

    def fstep(j, sl, *, wait2=True, ahead=True):
        face_g(j, sl, drain)
        if wait2:
            face_s(j - 2, sl, drain)
        compute(sl)
        face_s(j, sl, issue)
        if ahead:
            face_g(j + 2, sl, issue)

    face_g(0, 0, issue)
    face_g(1, 1, issue)
    fstep(0, 0, wait2=False)
    fstep(1, 1, wait2=False)

    def fouter(k, carry):
        jb = 2 * k + 2
        fstep(jb, 0)
        fstep(jb + 1, 1)
        return carry

    lax.fori_loop(0, (NCHUNK - 4) // 2, fouter, 0)
    fstep(NCHUNK - 2, 0, ahead=False)
    fstep(NCHUNK - 1, 1, ahead=False)
    face_s(NCHUNK - 2, 0, drain)
    face_s(NCHUNK - 1, 1, drain)

    def pstep(j, p, p2, *, wait2=True, ahead=True):
        if wait2:
            pt_s(j - 2, p2, drain)
        if ahead:
            pt_g(j + 2, p2, issue)
        pt_g(j, p, drain)
        pt_s(j, p, issue)

    pt_g(0, 0, issue)
    pt_g(1, 1, issue)
    pstep(0, 0, 2, wait2=False)
    pstep(1, 1, 3, wait2=False)

    def pouter(k, carry):
        jb = 4 * k + 2
        for s4 in range(4):
            pstep(jb + s4, (2 + s4) % 4, s4 % 4)
        return carry

    lax.fori_loop(0, (NCHUNK - 4) // 4, pouter, 0)
    pstep(NCHUNK - 2, 2, 0, ahead=False)
    pstep(NCHUNK - 1, 3, 1, ahead=False)
    pt_s(NCHUNK - 2, 2, drain)
    pt_s(NCHUNK - 1, 3, drain)


def _make_kernel(n_rows, total, width, tc_tiling):
    buf = pltpu.VMEM((CHUNK, width), jnp.float32)
    idx_buf = pltpu.VMEM((NCHUNK, CHUNK), jnp.int32)
    return pl.kernel(
        _body,
        out_type=jax.ShapeDtypeStruct((total, width), jnp.float32),
        mesh=plsc.VectorSubcoreMesh(
            core_axis_name="c", subcore_axis_name="s",
            num_cores=NC, num_subcores=NS),
        scratch_types=(
            [idx_buf] * 6 + [buf] * 8 + [pltpu.SemaphoreType.DMA] * 12
        ),
        compiler_params=pltpu.CompilerParams(use_tc_tiling_on_sc=tc_tiling),
    )


def kernel(coords, point_fe, point_batch, face_ds, face_batch):
    B = 8
    n_pts = point_batch.shape[0]
    n_fcs = face_batch.shape[0]
    total = n_pts + n_fcs
    npad = NW * PER_W

    ids8 = jnp.arange(B, dtype=jnp.int32)
    pt_counts = jnp.sum(
        (point_batch[:, None] == ids8[None, :]).astype(jnp.int32), axis=0)
    fc_counts = jnp.sum(
        (face_batch[:, None] == ids8[None, :]).astype(jnp.int32), axis=0)
    zero = jnp.zeros((1,), dtype=jnp.int32)
    pt_cum = jnp.concatenate([zero, jnp.cumsum(pt_counts)])
    fc_cum = jnp.concatenate([zero, jnp.cumsum(fc_counts)])
    cap = jnp.maximum(pt_counts - 1, 0)
    local = jnp.clip(face_ds, 0, cap[face_batch][:, None])
    g = pt_cum[face_batch][:, None] + local
    dest_fc = jnp.arange(n_fcs, dtype=jnp.int32) + pt_cum[face_batch + 1]
    dest_pt = jnp.arange(n_pts, dtype=jnp.int32) + fc_cum[point_batch]

    pad_src = jnp.arange(npad - n_fcs, dtype=jnp.int32)
    pad_dst = dest_pt[: npad - n_fcs]
    shape = (NW, NCHUNK, CHUNK)
    g0 = jnp.concatenate([g[:, 0], pad_src]).reshape(shape)
    g1 = jnp.concatenate([g[:, 1], pad_src]).reshape(shape)
    g2 = jnp.concatenate([g[:, 2], pad_src]).reshape(shape)
    dfc = jnp.concatenate([dest_fc, pad_dst]).reshape(shape)
    spt = jnp.concatenate(
        [jnp.arange(n_pts, dtype=jnp.int32), pad_src]).reshape(shape)
    dpt = jnp.concatenate([dest_pt, pad_dst]).reshape(shape)

    co_p = jnp.pad(coords, ((0, 0), (0, DC - coords.shape[1])))

    run_co = _make_kernel(n_pts, total, DC, False)
    run_fe = _make_kernel(n_pts, total, D, True)
    out_co = run_co(co_p, g0, g1, g2, dfc, spt, dpt)
    out_fe = run_fe(point_fe, g0, g1, g2, dfc, spt, dpt)
    return out_co[:, : coords.shape[1]], out_fe

# --- scband reference (transcript-rebuilt; emitter-appended) ---
"""Pipeline reference for scband-gunpooling-14027363188881 (READ-ONLY COPY).

The authoritative reference and input builder live on the scoring server;
editing this copy changes nothing except your own understanding.
"""

import jax, jax.numpy as jnp
import numpy as np


def setup_inputs(seed: int = 0) -> dict:
    key = jax.random.key(seed)
    k1, k2, k3, k4, k5 = jax.random.split(key, 5)
    coords = jax.random.normal(k1, (100000, 3), dtype=jnp.float32)
    point_fe = jax.random.normal(k2, (100000, 128), dtype=jnp.float32)
    point_batch = jnp.sort(jax.random.randint(k3, (100000,), 0, 8, dtype=jnp.int32))
    face_ds = jax.random.randint(k4, (100000, 3), 0, 6000, dtype=jnp.int32)
    face_batch = jnp.sort(jax.random.randint(k5, (100000,), 0, 8, dtype=jnp.int32))
    return {
        "coords": coords,
        "point_fe": point_fe,
        "point_batch": point_batch,
        "face_ds": face_ds,
        "face_batch": face_batch,
    }


def reference(coords, point_fe, point_batch, face_ds, face_batch):
    B = 8  # static randint maxval used by setup_inputs
    n_pts = point_batch.shape[0]
    n_fcs = face_batch.shape[0]
    # Per-batch counts and exclusive offsets (batches are contiguous since inputs are sorted).
    pt_counts = jnp.bincount(point_batch, length=B).astype(jnp.int32)
    fc_counts = jnp.bincount(face_batch, length=B).astype(jnp.int32)
    zero = jnp.zeros((1,), dtype=jnp.int32)
    pt_cum = jnp.concatenate([zero, jnp.cumsum(pt_counts).astype(jnp.int32)])
    fc_cum = jnp.concatenate([zero, jnp.cumsum(fc_counts).astype(jnp.int32)])
    # gather 3 endpoint rows per face and average them -> new vertices
    # Per-batch gather with clamped indices == global gather at offset + clipped local index.
    local = jnp.clip(face_ds, 0, jnp.maximum(pt_counts[face_batch] - 1, 0)[:, None])
    gidx = pt_cum[face_batch][:, None] + local
    new_coords = jnp.mean(coords[gidx, :], axis=1)
    new_point_fe = jnp.mean(point_fe[gidx, :], axis=1)
    # Destination rows for the batch-interleaved concatenation [points_b, faces_b]_b.
    dest_pt = jnp.arange(n_pts, dtype=jnp.int32) + fc_cum[point_batch]
    dest_fc = jnp.arange(n_fcs, dtype=jnp.int32) + pt_cum[face_batch + 1]
    total = n_pts + n_fcs
    out_coords = (
        jnp.zeros((total, coords.shape[1]), dtype=coords.dtype)
        .at[dest_pt].set(coords)
        .at[dest_fc].set(new_coords)
    )
    out_point_fe = (
        jnp.zeros((total, point_fe.shape[1]), dtype=point_fe.dtype)
        .at[dest_pt].set(point_fe)
        .at[dest_fc].set(new_point_fe)
    )
    return (out_coords, out_point_fe)

if __name__ == "__main__":
    import jax
    _d = setup_inputs()
    print(jax.jit(kernel)(*tuple(_d.values())))

</pallas_src>

<mosaic_0001>
#map = affine_map<(d0, d1) -> (0, 0)>
#map1 = affine_map<(d0, d1) -> (0, 0, 0)>
module attributes {stable_mosaic.version = 14 : i64} {
  func.func @_body(%arg0: i32, %arg1: i32, %arg2: memref<100000x128xf32, #tpu.memory_space<hbm>>, %arg3: memref<32x32x100xi32, #tpu.memory_space<hbm>>, %arg4: memref<32x32x100xi32, #tpu.memory_space<hbm>>, %arg5: memref<32x32x100xi32, #tpu.memory_space<hbm>>, %arg6: memref<32x32x100xi32, #tpu.memory_space<hbm>>, %arg7: memref<32x32x100xi32, #tpu.memory_space<hbm>>, %arg8: memref<32x32x100xi32, #tpu.memory_space<hbm>>, %arg9: memref<200000x128xf32, #tpu.memory_space<hbm>>, %arg10: memref<32x100xi32, #tpu.memory_space<vmem>>, %arg11: memref<32x100xi32, #tpu.memory_space<vmem>>, %arg12: memref<32x100xi32, #tpu.memory_space<vmem>>, %arg13: memref<32x100xi32, #tpu.memory_space<vmem>>, %arg14: memref<32x100xi32, #tpu.memory_space<vmem>>, %arg15: memref<32x100xi32, #tpu.memory_space<vmem>>, %arg16: memref<100x128xf32, #tpu.memory_space<vmem>>, %arg17: memref<100x128xf32, #tpu.memory_space<vmem>>, %arg18: memref<100x128xf32, #tpu.memory_space<vmem>>, %arg19: memref<100x128xf32, #tpu.memory_space<vmem>>, %arg20: memref<100x128xf32, #tpu.memory_space<vmem>>, %arg21: memref<100x128xf32, #tpu.memory_space<vmem>>, %arg22: memref<100x128xf32, #tpu.memory_space<vmem>>, %arg23: memref<100x128xf32, #tpu.memory_space<vmem>>, %arg24: memref<!tpu.dma_semaphore, #tpu.memory_space<semaphore_mem>>, %arg25: memref<!tpu.dma_semaphore, #tpu.memory_space<semaphore_mem>>, %arg26: memref<!tpu.dma_semaphore, #tpu.memory_space<semaphore_mem>>, %arg27: memref<!tpu.dma_semaphore, #tpu.memory_space<semaphore_mem>>, %arg28: memref<!tpu.dma_semaphore, #tpu.memory_space<semaphore_mem>>, %arg29: memref<!tpu.dma_semaphore, #tpu.memory_space<semaphore_mem>>, %arg30: memref<!tpu.dma_semaphore, #tpu.memory_space<semaphore_mem>>, %arg31: memref<!tpu.dma_semaphore, #tpu.memory_space<semaphore_mem>>, %arg32: memref<!tpu.dma_semaphore, #tpu.memory_space<semaphore_mem>>, %arg33: memref<!tpu.dma_semaphore, #tpu.memory_space<semaphore_mem>>, %arg34: memref<!tpu.dma_semaphore, #tpu.memory_space<semaphore_mem>>, %arg35: memref<!tpu.dma_semaphore, #tpu.memory_space<semaphore_mem>>) attributes {dimension_semantics = [#tpu.dimension_semantics<core_parallel>, #tpu.dimension_semantics<subcore_parallel>], iteration_bounds = array<i64: 2, 16>, scalar_prefetch = 0 : i64, scratch_operands = 26 : i64, tpu.core_type = #tpu.core_type<sc_vector_subcore>, window_params = [{transform_indices = #map}, {transform_indices = #map1}, {transform_indices = #map1}, {transform_indices = #map1}, {transform_indices = #map1}, {transform_indices = #map1}, {transform_indices = #map1}, {transform_indices = #map}]} {
    %mul3A = arith.constant 2 : i32
    %mul3A_0 = arith.muli %arg1, %mul3A : i32
    %add3A = arith.addi %mul3A_0, %arg0 : i32
    "tpu.region"() ({
      %run_scoped3A = tpu.sem_alloc : memref<!tpu.dma_semaphore, #tpu.memory_space<semaphore_mem>>
      %dma_start3A_374 = arith.constant 0 : i32
      %dma_start3A_375 = arith.constant 0 : i32
      %dma_start3A_376 = tpu.memref_slice %arg3[%add3A, %dma_start3A_374, %dma_start3A_375] : memref<32x32x100xi32, #tpu.memory_space<hbm>> -> memref<1x32x100xi32, #tpu.memory_space<hbm>>
      %dma_start3A_377 = tpu.memref_squeeze %dma_start3A_376 : memref<1x32x100xi32, #tpu.memory_space<hbm>> -> memref<32x100xi32, #tpu.memory_space<hbm>>
      %dma_start3A_378 = arith.constant 0 : i32
      %dma_start3A_379 = arith.constant 0 : i32
      %dma_start3A_380 = tpu.memref_slice %arg3[%add3A, %dma_start3A_378, %dma_start3A_379] : memref<32x32x100xi32, #tpu.memory_space<hbm>> -> memref<1x32x100xi32, #tpu.memory_space<hbm>>
      %dma_start3A_381 = tpu.memref_squeeze %dma_start3A_380 : memref<1x32x100xi32, #tpu.memory_space<hbm>> -> memref<32x100xi32, #tpu.memory_space<hbm>>
      tpu.enqueue_dma source(%dma_start3A_381 : memref<32x100xi32, #tpu.memory_space<hbm>>) target(%arg10 : memref<32x100xi32, #tpu.memory_space<vmem>>) target_semaphore(%run_scoped3A : memref<!tpu.dma_semaphore, #tpu.memory_space<semaphore_mem>>)
      %dma_wait3A_382 = arith.constant 0 : i32
      %dma_wait3A_383 = arith.constant 0 : i32
      %dma_wait3A_384 = tpu.memref_slice %arg3[%add3A, %dma_wait3A_382, %dma_wait3A_383] : memref<32x32x100xi32, #tpu.memory_space<hbm>> -> memref<1x32x100xi32, #tpu.memory_space<hbm>>
      %dma_wait3A_385 = tpu.memref_squeeze %dma_wait3A_384 : memref<1x32x100xi32, #tpu.memory_space<hbm>> -> memref<32x100xi32, #tpu.memory_space<hbm>>
      %dma_wait3A_386 = arith.constant 0 : i32
      %dma_wait3A_387 = arith.constant 0 : i32
      %dma_wait3A_388 = tpu.memref_slice %arg3[%add3A, %dma_wait3A_386, %dma_wait3A_387] : memref<32x32x100xi32, #tpu.memory_space<hbm>> -> memref<1x32x100xi32, #tpu.memory_space<hbm>>
      %dma_wait3A_389 = tpu.memref_squeeze %dma_wait3A_388 : memref<1x32x100xi32, #tpu.memory_space<hbm>> -> memref<32x100xi32, #tpu.memory_space<hbm>>
      tpu.wait_dma2 semaphore(%run_scoped3A : memref<!tpu.dma_semaphore, #tpu.memory_space<semaphore_mem>>) src(%dma_wait3A_389 : memref<32x100xi32, #tpu.memory_space<hbm>>) dst(%arg10 : memref<32x100xi32, #tpu.memory_space<vmem>>)
      tpu.yield
    }) : () -> ()
    "tpu.region"() ({
      %run_scoped3A = tpu.sem_alloc : memref<!tpu.dma_semaphore, #tpu.memory_space<semaphore_mem>>
      %dma_start3A_374 = arith.constant 0 : i32
      %dma_start3A_375 = arith.constant 0 : i32
      %dma_start3A_376 = tpu.memref_slice %arg4[%add3A, %dma_start3A_374, %dma_start3A_375] : memref<32x32x100xi32, #tpu.memory_space<hbm>> -> memref<1x32x100xi32, #tpu.memory_space<hbm>>
      %dma_start3A_377 = tpu.memref_squeeze %dma_start3A_376 : memref<1x32x100xi32, #tpu.memory_space<hbm>> -> memref<32x100xi32, #tpu.memory_space<hbm>>
      %dma_start3A_378 = arith.constant 0 : i32
      %dma_start3A_379 = arith.constant 0 : i32
      %dma_start3A_380 = tpu.memref_slice %arg4[%add3A, %dma_start3A_378, %dma_start3A_379] : memref<32x32x100xi32, #tpu.memory_space<hbm>> -> memref<1x32x100xi32, #tpu.memory_space<hbm>>
      %dma_start3A_381 = tpu.memref_squeeze %dma_start3A_380 : memref<1x32x100xi32, #tpu.memory_space<hbm>> -> memref<32x100xi32, #tpu.memory_space<hbm>>
      tpu.enqueue_dma source(%dma_start3A_381 : memref<32x100xi32, #tpu.memory_space<hbm>>) target(%arg11 : memref<32x100xi32, #tpu.memory_space<vmem>>) target_semaphore(%run_scoped3A : memref<!tpu.dma_semaphore, #tpu.memory_space<semaphore_mem>>)
      %dma_wait3A_382 = arith.constant 0 : i32
      %dma_wait3A_383 = arith.constant 0 : i32
      %dma_wait3A_384 = tpu.memref_slice %arg4[%add3A, %dma_wait3A_382, %dma_wait3A_383] : memref<32x32x100xi32, #tpu.memory_space<hbm>> -> memref<1x32x100xi32, #tpu.memory_space<hbm>>
      %dma_wait3A_385 = tpu.memref_squeeze %dma_wait3A_384 : memref<1x32x100xi32, #tpu.memory_space<hbm>> -> memref<32x100xi32, #tpu.memory_space<hbm>>
      %dma_wait3A_386 = arith.constant 0 : i32
      %dma_wait3A_387 = arith.constant 0 : i32
      %dma_wait3A_388 = tpu.memref_slice %arg4[%add3A, %dma_wait3A_386, %dma_wait3A_387] : memref<32x32x100xi32, #tpu.memory_space<hbm>> -> memref<1x32x100xi32, #tpu.memory_space<hbm>>
      %dma_wait3A_389 = tpu.memref_squeeze %dma_wait3A_388 : memref<1x32x100xi32, #tpu.memory_space<hbm>> -> memref<32x100xi32, #tpu.memory_space<hbm>>
      tpu.wait_dma2 semaphore(%run_scoped3A : memref<!tpu.dma_semaphore, #tpu.memory_space<semaphore_mem>>) src(%dma_wait3A_389 : memref<32x100xi32, #tpu.memory_space<hbm>>) dst(%arg11 : memref<32x100xi32, #tpu.memory_space<vmem>>)
      tpu.yield
    }) : () -> ()
    "tpu.region"() ({
      %run_scoped3A = tpu.sem_alloc : memref<!tpu.dma_semaphore, #tpu.memory_space<semaphore_mem>>
      %dma_start3A_374 = arith.constant 0 : i32
      %dma_start3A_375 = arith.constant 0 : i32
      %dma_start3A_376 = tpu.memref_slice %arg5[%add3A, %dma_start3A_374, %dma_start3A_375] : memref<32x32x100xi32, #tpu.memory_space<hbm>> -> memref<1x32x100xi32, #tpu.memory_space<hbm>>
      %dma_start3A_377 = tpu.memref_squeeze %dma_start3A_376 : memref<1x32x100xi32, #tpu.memory_space<hbm>> -> memref<32x100xi32, #tpu.memory_space<hbm>>
      %dma_start3A_378 = arith.constant 0 : i32
      %dma_start3A_379 = arith.constant 0 : i32
      %dma_start3A_380 = tpu.memref_slice %arg5[%add3A, %dma_start3A_378, %dma_start3A_379] : memref<32x32x100xi32, #tpu.memory_space<hbm>> -> memref<1x32x100xi32, #tpu.memory_space<hbm>>
      %dma_start3A_381 = tpu.memref_squeeze %dma_start3A_380 : memref<1x32x100xi32, #tpu.memory_space<hbm>> -> memref<32x100xi32, #tpu.memory_space<hbm>>
      tpu.enqueue_dma source(%dma_start3A_381 : memref<32x100xi32, #tpu.memory_space<hbm>>) target(%arg12 : memref<32x100xi32, #tpu.memory_space<vmem>>) target_semaphore(%run_scoped3A : memref<!tpu.dma_semaphore, #tpu.memory_space<semaphore_mem>>)
      %dma_wait3A_382 = arith.constant 0 : i32
      %dma_wait3A_383 = arith.constant 0 : i32
      %dma_wait3A_384 = tpu.memref_slice %arg5[%add3A, %dma_wait3A_382, %dma_wait3A_383] : memref<32x32x100xi32, #tpu.memory_space<hbm>> -> memref<1x32x100xi32, #tpu.memory_space<hbm>>
      %dma_wait3A_385 = tpu.memref_squeeze %dma_wait3A_384 : memref<1x32x100xi32, #tpu.memory_space<hbm>> -> memref<32x100xi32, #tpu.memory_space<hbm>>
      %dma_wait3A_386 = arith.constant 0 : i32
      %dma_wait3A_387 = arith.constant 0 : i32
      %dma_wait3A_388 = tpu.memref_slice %arg5[%add3A, %dma_wait3A_386, %dma_wait3A_387] : memref<32x32x100xi32, #tpu.memory_space<hbm>> -> memref<1x32x100xi32, #tpu.memory_space<hbm>>
      %dma_wait3A_389 = tpu.memref_squeeze %dma_wait3A_388 : memref<1x32x100xi32, #tpu.memory_space<hbm>> -> memref<32x100xi32, #tpu.memory_space<hbm>>
      tpu.wait_dma2 semaphore(%run_scoped3A : memref<!tpu.dma_semaphore, #tpu.memory_space<semaphore_mem>>) src(%dma_wait3A_389 : memref<32x100xi32, #tpu.memory_space<hbm>>) dst(%arg12 : memref<32x100xi32, #tpu.memory_space<vmem>>)
      tpu.yield
    }) : () -> ()
    "tpu.region"() ({
      %run_scoped3A = tpu.sem_alloc : memref<!tpu.dma_semaphore, #tpu.memory_space<semaphore_mem>>
      %dma_start3A_374 = arith.constant 0 : i32
      %dma_start3A_375 = arith.constant 0 : i32
      %dma_start3A_376 = tpu.memref_slice %arg6[%add3A, %dma_start3A_374, %dma_start3A_375] : memref<32x32x100xi32, #tpu.memory_space<hbm>> -> memref<1x32x100xi32, #tpu.memory_space<hbm>>
      %dma_start3A_377 = tpu.memref_squeeze %dma_start3A_376 : memref<1x32x100xi32, #tpu.memory_space<hbm>> -> memref<32x100xi32, #tpu.memory_space<hbm>>
      %dma_start3A_378 = arith.constant 0 : i32
      %dma_start3A_379 = arith.constant 0 : i32
      %dma_start3A_380 = tpu.memref_slice %arg6[%add3A, %dma_start3A_378, %dma_start3A_379] : memref<32x32x100xi32, #tpu.memory_space<hbm>> -> memref<1x32x100xi32, #tpu.memory_space<hbm>>
      %dma_start3A_381 = tpu.memref_squeeze %dma_start3A_380 : memref<1x32x100xi32, #tpu.memory_space<hbm>> -> memref<32x100xi32, #tpu.memory_space<hbm>>
      tpu.enqueue_dma source(%dma_start3A_381 : memref<32x100xi32, #tpu.memory_space<hbm>>) target(%arg13 : memref<32x100xi32, #tpu.memory_space<vmem>>) target_semaphore(%run_scoped3A : memref<!tpu.dma_semaphore, #tpu.memory_space<semaphore_mem>>)
      %dma_wait3A_382 = arith.constant 0 : i32
      %dma_wait3A_383 = arith.constant 0 : i32
      %dma_wait3A_384 = tpu.memref_slice %arg6[%add3A, %dma_wait3A_382, %dma_wait3A_383] : memref<32x32x100xi32, #tpu.memory_space<hbm>> -> memref<1x32x100xi32, #tpu.memory_space<hbm>>
      %dma_wait3A_385 = tpu.memref_squeeze %dma_wait3A_384 : memref<1x32x100xi32, #tpu.memory_space<hbm>> -> memref<32x100xi32, #tpu.memory_space<hbm>>
      %dma_wait3A_386 = arith.constant 0 : i32
      %dma_wait3A_387 = arith.constant 0 : i32
      %dma_wait3A_388 = tpu.memref_slice %arg6[%add3A, %dma_wait3A_386, %dma_wait3A_387] : memref<32x32x100xi32, #tpu.memory_space<hbm>> -> memref<1x32x100xi32, #tpu.memory_space<hbm>>
      %dma_wait3A_389 = tpu.memref_squeeze %dma_wait3A_388 : memref<1x32x100xi32, #tpu.memory_space<hbm>> -> memref<32x100xi32, #tpu.memory_space<hbm>>
      tpu.wait_dma2 semaphore(%run_scoped3A : memref<!tpu.dma_semaphore, #tpu.memory_space<semaphore_mem>>) src(%dma_wait3A_389 : memref<32x100xi32, #tpu.memory_space<hbm>>) dst(%arg13 : memref<32x100xi32, #tpu.memory_space<vmem>>)
      tpu.yield
    }) : () -> ()
    "tpu.region"() ({
      %run_scoped3A = tpu.sem_alloc : memref<!tpu.dma_semaphore, #tpu.memory_space<semaphore_mem>>
      %dma_start3A_374 = arith.constant 0 : i32
      %dma_start3A_375 = arith.constant 0 : i32
      %dma_start3A_376 = tpu.memref_slice %arg7[%add3A, %dma_start3A_374, %dma_start3A_375] : memref<32x32x100xi32, #tpu.memory_space<hbm>> -> memref<1x32x100xi32, #tpu.memory_space<hbm>>
      %dma_start3A_377 = tpu.memref_squeeze %dma_start3A_376 : memref<1x32x100xi32, #tpu.memory_space<hbm>> -> memref<32x100xi32, #tpu.memory_space<hbm>>
      %dma_start3A_378 = arith.constant 0 : i32
      %dma_start3A_379 = arith.constant 0 : i32
      %dma_start3A_380 = tpu.memref_slice %arg7[%add3A, %dma_start3A_378, %dma_start3A_379] : memref<32x32x100xi32, #tpu.memory_space<hbm>> -> memref<1x32x100xi32, #tpu.memory_space<hbm>>
      %dma_start3A_381 = tpu.memref_squeeze %dma_start3A_380 : memref<1x32x100xi32, #tpu.memory_space<hbm>> -> memref<32x100xi32, #tpu.memory_space<hbm>>
      tpu.enqueue_dma source(%dma_start3A_381 : memref<32x100xi32, #tpu.memory_space<hbm>>) target(%arg14 : memref<32x100xi32, #tpu.memory_space<vmem>>) target_semaphore(%run_scoped3A : memref<!tpu.dma_semaphore, #tpu.memory_space<semaphore_mem>>)
      %dma_wait3A_382 = arith.constant 0 : i32
      %dma_wait3A_383 = arith.constant 0 : i32
      %dma_wait3A_384 = tpu.memref_slice %arg7[%add3A, %dma_wait3A_382, %dma_wait3A_383] : memref<32x32x100xi32, #tpu.memory_space<hbm>> -> memref<1x32x100xi32, #tpu.memory_space<hbm>>
      %dma_wait3A_385 = tpu.memref_squeeze %dma_wait3A_384 : memref<1x32x100xi32, #tpu.memory_space<hbm>> -> memref<32x100xi32, #tpu.memory_space<hbm>>
      %dma_wait3A_386 = arith.constant 0 : i32
      %dma_wait3A_387 = arith.constant 0 : i32
      %dma_wait3A_388 = tpu.memref_slice %arg7[%add3A, %dma_wait3A_386, %dma_wait3A_387] : memref<32x32x100xi32, #tpu.memory_space<hbm>> -> memref<1x32x100xi32, #tpu.memory_space<hbm>>
      %dma_wait3A_389 = tpu.memref_squeeze %dma_wait3A_388 : memref<1x32x100xi32, #tpu.memory_space<hbm>> -> memref<32x100xi32, #tpu.memory_space<hbm>>
      tpu.wait_dma2 semaphore(%run_scoped3A : memref<!tpu.dma_semaphore, #tpu.memory_space<semaphore_mem>>) src(%dma_wait3A_389 : memref<32x100xi32, #tpu.memory_space<hbm>>) dst(%arg14 : memref<32x100xi32, #tpu.memory_space<vmem>>)
      tpu.yield
    }) : () -> ()
    "tpu.region"() ({
      %run_scoped3A = tpu.sem_alloc : memref<!tpu.dma_semaphore, #tpu.memory_space<semaphore_mem>>
      %dma_start3A_374 = arith.constant 0 : i32
      %dma_start3A_375 = arith.constant 0 : i32
      %dma_start3A_376 = tpu.memref_slice %arg8[%add3A, %dma_start3A_374, %dma_start3A_375] : memref<32x32x100xi32, #tpu.memory_space<hbm>> -> memref<1x32x100xi32, #tpu.memory_space<hbm>>
      %dma_start3A_377 = tpu.memref_squeeze %dma_start3A_376 : memref<1x32x100xi32, #tpu.memory_space<hbm>> -> memref<32x100xi32, #tpu.memory_space<hbm>>
      %dma_start3A_378 = arith.constant 0 : i32
      %dma_start3A_379 = arith.constant 0 : i32
      %dma_start3A_380 = tpu.memref_slice %arg8[%add3A, %dma_start3A_378, %dma_start3A_379] : memref<32x32x100xi32, #tpu.memory_space<hbm>> -> memref<1x32x100xi32, #tpu.memory_space<hbm>>
      %dma_start3A_381 = tpu.memref_squeeze %dma_start3A_380 : memref<1x32x100xi32, #tpu.memory_space<hbm>> -> memref<32x100xi32, #tpu.memory_space<hbm>>
      tpu.enqueue_dma source(%dma_start3A_381 : memref<32x100xi32, #tpu.memory_space<hbm>>) target(%arg15 : memref<32x100xi32, #tpu.memory_space<vmem>>) target_semaphore(%run_scoped3A : memref<!tpu.dma_semaphore, #tpu.memory_space<semaphore_mem>>)
      %dma_wait3A_382 = arith.constant 0 : i32
      %dma_wait3A_383 = arith.constant 0 : i32
      %dma_wait3A_384 = tpu.memref_slice %arg8[%add3A, %dma_wait3A_382, %dma_wait3A_383] : memref<32x32x100xi32, #tpu.memory_space<hbm>> -> memref<1x32x100xi32, #tpu.memory_space<hbm>>
      %dma_wait3A_385 = tpu.memref_squeeze %dma_wait3A_384 : memref<1x32x100xi32, #tpu.memory_space<hbm>> -> memref<32x100xi32, #tpu.memory_space<hbm>>
      %dma_wait3A_386 = arith.constant 0 : i32
      %dma_wait3A_387 = arith.constant 0 : i32
      %dma_wait3A_388 = tpu.memref_slice %arg8[%add3A, %dma_wait3A_386, %dma_wait3A_387] : memref<32x32x100xi32, #tpu.memory_space<hbm>> -> memref<1x32x100xi32, #tpu.memory_space<hbm>>
      %dma_wait3A_389 = tpu.memref_squeeze %dma_wait3A_388 : memref<1x32x100xi32, #tpu.memory_space<hbm>> -> memref<32x100xi32, #tpu.memory_space<hbm>>
      tpu.wait_dma2 semaphore(%run_scoped3A : memref<!tpu.dma_semaphore, #tpu.memory_space<semaphore_mem>>) src(%dma_wait3A_389 : memref<32x100xi32, #tpu.memory_space<hbm>>) dst(%arg15 : memref<32x100xi32, #tpu.memory_space<vmem>>)
      tpu.yield
    }) : () -> ()
    %dma_start3A = arith.constant 0 : i32
    %dma_start3A_1 = arith.constant 0 : i32
    %dma_start3A_2 = tpu.memref_slice %arg10[%dma_start3A, %dma_start3A_1] : memref<32x100xi32, #tpu.memory_space<vmem>> -> memref<1x100xi32, #tpu.memory_space<vmem>>
    %dma_start3A_3 = tpu.memref_squeeze %dma_start3A_2 : memref<1x100xi32, #tpu.memory_space<vmem>> -> memref<100xi32, #tpu.memory_space<vmem>>
    %dma_start3A_4 = arith.constant 0 : i32
    %dma_start3A_5 = arith.constant 0 : i32
    %dma_start3A_6 = tpu.memref_slice %arg2[%dma_start3A_4, %dma_start3A_5] : memref<100000x128xf32, #tpu.memory_space<hbm>> -> memref<100000x128xf32, #tpu.memory_space<hbm>>
    tpu.enqueue_indirect_dma source(%dma_start3A_6 : memref<100000x128xf32, #tpu.memory_space<hbm>>) target(%arg16 : memref<100x128xf32, #tpu.memory_space<vmem>>) offsets(%dma_start3A_3 : memref<100xi32, #tpu.memory_space<vmem>>) semaphore(%arg24 : memref<!tpu.dma_semaphore, #tpu.memory_space<semaphore_mem>>)
    %dma_start3A_7 = arith.constant 0 : i32
    %dma_start3A_8 = arith.constant 0 : i32
    %dma_start3A_9 = tpu.memref_slice %arg11[%dma_start3A_7, %dma_start3A_8] : memref<32x100xi32, #tpu.memory_space<vmem>> -> memref<1x100xi32, #tpu.memory_space<vmem>>
    %dma_start3A_10 = tpu.memref_squeeze %dma_start3A_9 : memref<1x100xi32, #tpu.memory_space<vmem>> -> memref<100xi32, #tpu.memory_space<vmem>>
    %dma_start3A_11 = arith.constant 0 : i32
    %dma_start3A_12 = arith.constant 0 : i32
    %dma_start3A_13 = tpu.memref_slice %arg2[%dma_start3A_11, %dma_start3A_12] : memref<100000x128xf32, #tpu.memory_space<hbm>> -> memref<100000x128xf32, #tpu.memory_space<hbm>>
    tpu.enqueue_indirect_dma source(%dma_start3A_13 : memref<100000x128xf32, #tpu.memory_space<hbm>>) target(%arg17 : memref<100x128xf32, #tpu.memory_space<vmem>>) offsets(%dma_start3A_10 : memref<100xi32, #tpu.memory_space<vmem>>) semaphore(%arg24 : memref<!tpu.dma_semaphore, #tpu.memory_space<semaphore_mem>>)
    %dma_start3A_14 = arith.constant 0 : i32
    %dma_start3A_15 = arith.constant 0 : i32
    %dma_start3A_16 = tpu.memref_slice %arg12[%dma_start3A_14, %dma_start3A_15] : memref<32x100xi32, #tpu.memory_space<vmem>> -> memref<1x100xi32, #tpu.memory_space<vmem>>
    %dma_start3A_17 = tpu.memref_squeeze %dma_start3A_16 : memref<1x100xi32, #tpu.memory_space<vmem>> -> memref<100xi32, #tpu.memory_space<vmem>>
    %dma_start3A_18 = arith.constant 0 : i32
    %dma_start3A_19 = arith.constant 0 : i32
    %dma_start3A_20 = tpu.memref_slice %arg2[%dma_start3A_18, %dma_start3A_19] : memref<100000x128xf32, #tpu.memory_space<hbm>> -> memref<100000x128xf32, #tpu.memory_space<hbm>>
    tpu.enqueue_indirect_dma source(%dma_start3A_20 : memref<100000x128xf32, #tpu.memory_space<hbm>>) target(%arg18 : memref<100x128xf32, #tpu.memory_space<vmem>>) offsets(%dma_start3A_17 : memref<100xi32, #tpu.memory_space<vmem>>) semaphore(%arg24 : memref<!tpu.dma_semaphore, #tpu.memory_space<semaphore_mem>>)
    %dma_start3A_21 = arith.constant 1 : i32
    %dma_start3A_22 = arith.constant 0 : i32
    %dma_start3A_23 = tpu.memref_slice %arg10[%dma_start3A_21, %dma_start3A_22] : memref<32x100xi32, #tpu.memory_space<vmem>> -> memref<1x100xi32, #tpu.memory_space<vmem>>
    %dma_start3A_24 = tpu.memref_squeeze %dma_start3A_23 : memref<1x100xi32, #tpu.memory_space<vmem>> -> memref<100xi32, #tpu.memory_space<vmem>>
    %dma_start3A_25 = arith.constant 0 : i32
    %dma_start3A_26 = arith.constant 0 : i32
    %dma_start3A_27 = tpu.memref_slice %arg2[%dma_start3A_25, %dma_start3A_26] : memref<100000x128xf32, #tpu.memory_space<hbm>> -> memref<100000x128xf32, #tpu.memory_space<hbm>>
    tpu.enqueue_indirect_dma source(%dma_start3A_27 : memref<100000x128xf32, #tpu.memory_space<hbm>>) target(%arg20 : memref<100x128xf32, #tpu.memory_space<vmem>>) offsets(%dma_start3A_24 : memref<100xi32, #tpu.memory_space<vmem>>) semaphore(%arg25 : memref<!tpu.dma_semaphore, #tpu.memory_space<semaphore_mem>>)
    %dma_start3A_28 = arith.constant 1 : i32
    %dma_start3A_29 = arith.constant 0 : i32
    %dma_start3A_30 = tpu.memref_slice %arg11[%dma_start3A_28, %dma_start3A_29] : memref<32x100xi32, #tpu.memory_space<vmem>> -> memref<1x100xi32, #tpu.memory_space<vmem>>
    %dma_start3A_31 = tpu.memref_squeeze %dma_start3A_30 : memref<1x100xi32, #tpu.memory_space<vmem>> -> memref<100xi32, #tpu.memory_space<vmem>>
    %dma_start3A_32 = arith.constant 0 : i32
    %dma_start3A_33 = arith.constant 0 : i32
    %dma_start3A_34 = tpu.memref_slice %arg2[%dma_start3A_32, %dma_start3A_33] : memref<100000x128xf32, #tpu.memory_space<hbm>> -> memref<100000x128xf32, #tpu.memory_space<hbm>>
    tpu.enqueue_indirect_dma source(%dma_start3A_34 : memref<100000x128xf32, #tpu.memory_space<hbm>>) target(%arg21 : memref<100x128xf32, #tpu.memory_space<vmem>>) offsets(%dma_start3A_31 : memref<100xi32, #tpu.memory_space<vmem>>) semaphore(%arg25 : memref<!tpu.dma_semaphore, #tpu.memory_space<semaphore_mem>>)
    %dma_start3A_35 = arith.constant 1 : i32
    %dma_start3A_36 = arith.constant 0 : i32
    %dma_start3A_37 = tpu.memref_slice %arg12[%dma_start3A_35, %dma_start3A_36] : memref<32x100xi32, #tpu.memory_space<vmem>> -> memref<1x100xi32, #tpu.memory_space<vmem>>
    %dma_start3A_38 = tpu.memref_squeeze %dma_start3A_37 : memref<1x100xi32, #tpu.memory_space<vmem>> -> memref<100xi32, #tpu.memory_space<vmem>>
    %dma_start3A_39 = arith.constant 0 : i32
    %dma_start3A_40 = arith.constant 0 : i32
    %dma_start3A_41 = tpu.memref_slice %arg2[%dma_start3A_39, %dma_start3A_40] : memref<100000x128xf32, #tpu.memory_space<hbm>> -> memref<100000x128xf32, #tpu.memory_space<hbm>>
    tpu.enqueue_indirect_dma source(%dma_start3A_41 : memref<100000x128xf32, #tpu.memory_space<hbm>>) target(%arg22 : memref<100x128xf32, #tpu.memory_space<vmem>>) offsets(%dma_start3A_38 : memref<100xi32, #tpu.memory_space<vmem>>) semaphore(%arg25 : memref<!tpu.dma_semaphore, #tpu.memory_space<semaphore_mem>>)
    %dma_wait3A = arith.constant 0 : i32
    %dma_wait3A_42 = arith.constant 0 : i32
    %dma_wait3A_43 = tpu.memref_slice %arg10[%dma_wait3A, %dma_wait3A_42] : memref<32x100xi32, #tpu.memory_space<vmem>> -> memref<1x100xi32, #tpu.memory_space<vmem>>
    %dma_wait3A_44 = tpu.memref_squeeze %dma_wait3A_43 : memref<1x100xi32, #tpu.memory_space<vmem>> -> memref<100xi32, #tpu.memory_space<vmem>>
    %dma_wait3A_45 = arith.constant 0 : i32
    %dma_wait3A_46 = arith.constant 0 : i32
    %dma_wait3A_47 = tpu.memref_slice %arg2[%dma_wait3A_45, %dma_wait3A_46] : memref<100000x128xf32, #tpu.memory_space<hbm>> -> memref<100000x128xf32, #tpu.memory_space<hbm>>
    tpu.wait_indirect_dma semaphore(%arg24 : memref<!tpu.dma_semaphore, #tpu.memory_space<semaphore_mem>>) src(%dma_wait3A_47 : memref<100000x128xf32, #tpu.memory_space<hbm>>) dst(%arg16 : memref<100x128xf32, #tpu.memory_space<vmem>>)
    %dma_wait3A_48 = arith.constant 0 : i32
    %dma_wait3A_49 = arith.constant 0 : i32
    %dma_wait3A_50 = tpu.memref_slice %arg11[%dma_wait3A_48, %dma_wait3A_49] : memref<32x100xi32, #tpu.memory_space<vmem>> -> memref<1x100xi32, #tpu.memory_space<vmem>>
    %dma_wait3A_51 = tpu.memref_squeeze %dma_wait3A_50 : memref<1x100xi32, #tpu.memory_space<vmem>> -> memref<100xi32, #tpu.memory_space<vmem>>
    %dma_wait3A_52 = arith.constant 0 : i32
    %dma_wait3A_53 = arith.constant 0 : i32
    %dma_wait3A_54 = tpu.memref_slice %arg2[%dma_wait3A_52, %dma_wait3A_53] : memref<100000x128xf32, #tpu.memory_space<hbm>> -> memref<100000x128xf32, #tpu.memory_space<hbm>>
    tpu.wait_indirect_dma semaphore(%arg24 : memref<!tpu.dma_semaphore, #tpu.memory_space<semaphore_mem>>) src(%dma_wait3A_54 : memref<100000x128xf32, #tpu.memory_space<hbm>>) dst(%arg17 : memref<100x128xf32, #tpu.memory_space<vmem>>)
    %dma_wait3A_55 = arith.constant 0 : i32
    %dma_wait3A_56 = arith.constant 0 : i32
    %dma_wait3A_57 = tpu.memref_slice %arg12[%dma_wait3A_55, %dma_wait3A_56] : memref<32x100xi32, #tpu.memory_space<vmem>> -> memref<1x100xi32, #tpu.memory_space<vmem>>
    %dma_wait3A_58 = tpu.memref_squeeze %dma_wait3A_57 : memref<1x100xi32, #tpu.memory_space<vmem>> -> memref<100xi32, #tpu.memory_space<vmem>>
    %dma_wait3A_59 = arith.constant 0 : i32
    %dma_wait3A_60 = arith.constant 0 : i32
    %dma_wait3A_61 = tpu.memref_slice %arg2[%dma_wait3A_59, %dma_wait3A_60] : memref<100000x128xf32, #tpu.memory_space<hbm>> -> memref<100000x128xf32, #tpu.memory_space<hbm>>
    tpu.wait_indirect_dma semaphore(%arg24 : memref<!tpu.dma_semaphore, #tpu.memory_space<semaphore_mem>>) src(%dma_wait3A_61 : memref<100000x128xf32, #tpu.memory_space<hbm>>) dst(%arg18 : memref<100x128xf32, #tpu.memory_space<vmem>>)
    %scan3A = arith.constant 0 : i32
    %scan3A_62 = arith.constant 0 : i32
    %scan3A_63 = arith.constant 100 : i32
    %scan3A_64 = arith.addi %scan3A_62, %scan3A_63 : i32
    %scan3A_65 = arith.constant 1 : i32
    %scan3A_66 = scf.for %scan3A_374 = %scan3A_62 to %scan3A_64 step %scan3A_65 iter_args(%scan3A_375 = %scan3A) -> (i32)  : i32 {
      %get3A = arith.index_cast %scan3A_374 : i32 to index
      %get3A_376 = arith.constant 0 : index
      %get3A_377 = tpu.vector_load %arg16[%get3A, %get3A_376] {strides = array<i32>} : memref<100x128xf32, #tpu.memory_space<vmem>>, vector<1x16xf32>,
      %get3A_378 = vector.shape_cast %get3A_377 : vector<1x16xf32> to vector<16xf32>
      %get3A_379 = arith.index_cast %scan3A_374 : i32 to index
      %get3A_380 = arith.constant 0 : index
      %get3A_381 = tpu.vector_load %arg17[%get3A_379, %get3A_380] {strides = array<i32>} : memref<100x128xf32, #tpu.memory_space<vmem>>, vector<1x16xf32>,
      %get3A_382 = vector.shape_cast %get3A_381 : vector<1x16xf32> to vector<16xf32>
      %add3A_383 = arith.addf %get3A_378, %get3A_382 : vector<16xf32>
      %get3A_384 = arith.index_cast %scan3A_374 : i32 to index
      %get3A_385 = arith.constant 0 : index
      %get3A_386 = tpu.vector_load %arg18[%get3A_384, %get3A_385] {strides = array<i32>} : memref<100x128xf32, #tpu.memory_space<vmem>>, vector<1x16xf32>,
      %get3A_387 = vector.shape_cast %get3A_386 : vector<1x16xf32> to vector<16xf32>
      %add3A_388 = arith.addf %add3A_383, %get3A_387 : vector<16xf32>
      %mul3A_389 = arith.constant 0.333333343 : f32
      %mul3A_390 = vector.broadcast %mul3A_389 : f32 to vector<16xf32>
      %mul3A_391 = arith.mulf %add3A_388, %mul3A_390 : vector<16xf32>
      %swap3A = arith.index_cast %scan3A_374 : i32 to index
      %swap3A_392 = arith.constant 0 : index
      %swap3A_393 = tpu.vector_load %arg19[%swap3A, %swap3A_392] {strides = array<i32>} : memref<100x128xf32, #tpu.memory_space<vmem>>, vector<1x16xf32>,
      %swap3A_394 = vector.shape_cast %swap3A_393 : vector<1x16xf32> to vector<16xf32>
      %swap3A_395 = vector.shape_cast %mul3A_391 : vector<16xf32> to vector<1x16xf32>
      tpu.vector_store %arg19[%swap3A, %swap3A_392], %swap3A_395 {strides = array<i32>} : memref<100x128xf32, #tpu.memory_space<vmem>>, vector<1x16xf32>,
      %get3A_396 = arith.index_cast %scan3A_374 : i32 to index
      %get3A_397 = arith.constant 16 : index
      %get3A_398 = tpu.vector_load %arg16[%get3A_396, %get3A_397] {strides = array<i32>} : memref<100x128xf32, #tpu.memory_space<vmem>>, vector<1x16xf32>,
      %get3A_399 = vector.shape_cast %get3A_398 : vector<1x16xf32> to vector<16xf32>
      %get3A_400 = arith.index_cast %scan3A_374 : i32 to index
      %get3A_401 = arith.constant 16 : index
      %get3A_402 = tpu.vector_load %arg17[%get3A_400, %get3A_401] {strides = array<i32>} : memref<100x128xf32, #tpu.memory_space<vmem>>, vector<1x16xf32>,
      %get3A_403 = vector.shape_cast %get3A_402 : vector<1x16xf32> to vector<16xf32>
      %add3A_404 = arith.addf %get3A_399, %get3A_403 : vector<16xf32>
      %get3A_405 = arith.index_cast %scan3A_374 : i32 to index
      %get3A_406 = arith.constant 16 : index
      %get3A_407 = tpu.vector_load %arg18[%get3A_405, %get3A_406] {strides = array<i32>} : memref<100x128xf32, #tpu.memory_space<vmem>>, vector<1x16xf32>,
      %get3A_408 = vector.shape_cast %get3A_407 : vector<1x16xf32> to vector<16xf32>
      %add3A_409 = arith.addf %add3A_404, %get3A_408 : vector<16xf32>
      %mul3A_410 = arith.constant 0.333333343 : f32
      %mul3A_411 = vector.broadcast %mul3A_410 : f32 to vector<16xf32>
      %mul3A_412 = arith.mulf %add3A_409, %mul3A_411 : vector<16xf32>
      %swap3A_413 = arith.index_cast %scan3A_374 : i32 to index
      %swap3A_414 = arith.constant 16 : index
      %swap3A_415 = tpu.vector_load %arg19[%swap3A_413, %swap3A_414] {strides = array<i32>} : memref<100x128xf32, #tpu.memory_space<vmem>>, vector<1x16xf32>,
      %swap3A_416 = vector.shape_cast %swap3A_415 : vector<1x16xf32> to vector<16xf32>
      %swap3A_417 = vector.shape_cast %mul3A_412 : vector<16xf32> to vector<1x16xf32>
      tpu.vector_store %arg19[%swap3A_413, %swap3A_414], %swap3A_417 {strides = array<i32>} : memref<100x128xf32, #tpu.memory_space<vmem>>, vector<1x16xf32>,
      %get3A_418 = arith.index_cast %scan3A_374 : i32 to index
      %get3A_419 = arith.constant 32 : index
      %get3A_420 = tpu.vector_load %arg16[%get3A_418, %get3A_419] {strides = array<i32>} : memref<100x128xf32, #tpu.memory_space<vmem>>, vector<1x16xf32>,
      %get3A_421 = vector.shape_cast %get3A_420 : vector<1x16xf32> to vector<16xf32>
      %get3A_422 = arith.index_cast %scan3A_374 : i32 to index
      %get3A_423 = arith.constant 32 : index
      %get3A_424 = tpu.vector_load %arg17[%get3A_422, %get3A_423] {strides = array<i32>} : memref<100x128xf32, #tpu.memory_space<vmem>>, vector<1x16xf32>,
      %get3A_425 = vector.shape_cast %get3A_424 : vector<1x16xf32> to vector<16xf32>
      %add3A_426 = arith.addf %get3A_421, %get3A_425 : vector<16xf32>
      %get3A_427 = arith.index_cast %scan3A_374 : i32 to index
      %get3A_428 = arith.constant 32 : index
      %get3A_429 = tpu.vector_load %arg18[%get3A_427, %get3A_428] {strides = array<i32>} : memref<100x128xf32, #tpu.memory_space<vmem>>, vector<1x16xf32>,
      %get3A_430 = vector.shape_cast %get3A_429 : vector<1x16xf32> to vector<16xf32>
      %add3A_431 = arith.addf %add3A_426, %get3A_430 : vector<16xf32>
      %mul3A_432 = arith.constant 0.333333343 : f32
      %mul3A_433 = vector.broadcast %mul3A_432 : f32 to vector<16xf32>
      %mul3A_434 = arith.mulf %add3A_431, %mul3A_433 : vector<16xf32>
      %swap3A_435 = arith.index_cast %scan3A_374 : i32 to index
      %swap3A_436 = arith.constant 32 : index
      %swap3A_437 = tpu.vector_load %arg19[%swap3A_435, %swap3A_436] {strides = array<i32>} : memref<100x128xf32, #tpu.memory_space<vmem>>, vector<1x16xf32>,
      %swap3A_438 = vector.shape_cast %swap3A_437 : vector<1x16xf32> to vector<16xf32>
      %swap3A_439 = vector.shape_cast %mul3A_434 : vector<16xf32> to vector<1x16xf32>
      tpu.vector_store %arg19[%swap3A_435, %swap3A_436], %swap3A_439 {strides = array<i32>} : memref<100x128xf32, #tpu.memory_space<vmem>>, vector<1x16xf32>,
      %get3A_440 = arith.index_cast %scan3A_374 : i32 to index
      %get3A_441 = arith.constant 48 : index
      %get3A_442 = tpu.vector_load %arg16[%get3A_440, %get3A_441] {strides = array<i32>} : memref<100x128xf32, #tpu.memory_space<vmem>>, vector<1x16xf32>,
      %get3A_443 = vector.shape_cast %get3A_442 : vector<1x16xf32> to vector<16xf32>
      %get3A_444 = arith.index_cast %scan3A_374 : i32 to index
      %get3A_445 = arith.constant 48 : index
      %get3A_446 = tpu.vector_load %arg17[%get3A_444, %get3A_445] {strides = array<i32>} : memref<100x128xf32, #tpu.memory_space<vmem>>, vector<1x16xf32>,
      %get3A_447 = vector.shape_cast %get3A_446 : vector<1x16xf32> to vector<16xf32>
      %add3A_448 = arith.addf %get3A_443, %get3A_447 : vector<16xf32>
      %get3A_449 = arith.index_cast %scan3A_374 : i32 to index
      %get3A_450 = arith.constant 48 : index
      %get3A_451 = tpu.vector_load %arg18[%get3A_449, %get3A_450] {strides = array<i32>} : memref<100x128xf32, #tpu.memory_space<vmem>>, vector<1x16xf32>,
      %get3A_452 = vector.shape_cast %get3A_451 : vector<1x16xf32> to vector<16xf32>
      %add3A_453 = arith.addf %add3A_448, %get3A_452 : vector<16xf32>
      %mul3A_454 = arith.constant 0.333333343 : f32
      %mul3A_455 = vector.broadcast %mul3A_454 : f32 to vector<16xf32>
      %mul3A_456 = arith.mulf %add3A_453, %mul3A_455 : vector<16xf32>
      %swap3A_457 = arith.index_cast %scan3A_374 : i32 to index
      %swap3A_458 = arith.constant 48 : index
      %swap3A_459 = tpu.vector_load %arg19[%swap3A_457, %swap3A_458] {strides = array<i32>} : memref<100x128xf32, #tpu.memory_space<vmem>>, vector<1x16xf32>,
      %swap3A_460 = vector.shape_cast %swap3A_459 : vector<1x16xf32> to vector<16xf32>
      %swap3A_461 = vector.shape_cast %mul3A_456 : vector<16xf32> to vector<1x16xf32>
      tpu.vector_store %arg19[%swap3A_457, %swap3A_458], %swap3A_461 {strides = array<i32>} : memref<100x128xf32, #tpu.memory_space<vmem>>, vector<1x16xf32>,
      %get3A_462 = arith.index_cast %scan3A_374 : i32 to index
      %get3A_463 = arith.constant 64 : index
      %get3A_464 = tpu.vector_load %arg16[%get3A_462, %get3A_463] {strides = array<i32>} : memref<100x128xf32, #tpu.memory_space<vmem>>, vector<1x16xf32>,
      %get3A_465 = vector.shape_cast %get3A_464 : vector<1x16xf32> to vector<16xf32>
      %get3A_466 = arith.index_cast %scan3A_374 : i32 to index
      %get3A_467 = arith.constant 64 : index
      %get3A_468 = tpu.vector_load %arg17[%get3A_466, %get3A_467] {strides = array<i32>} : memref<100x128xf32, #tpu.memory_space<vmem>>, vector<1x16xf32>,
      %get3A_469 = vector.shape_cast %get3A_468 : vector<1x16xf32> to vector<16xf32>
      %add3A_470 = arith.addf %get3A_465, %get3A_469 : vector<16xf32>
      %get3A_471 = arith.index_cast %scan3A_374 : i32 to index
      %get3A_472 = arith.constant 64 : index
      %get3A_473 = tpu.vector_load %arg18[%get3A_471, %get3A_472] {strides = array<i32>} : memref<100x128xf32, #tpu.memory_space<vmem>>, vector<1x16xf32>,
      %get3A_474 = vector.shape_cast %get3A_473 : vector<1x16xf32> to vector<16xf32>
      %add3A_475 = arith.addf %add3A_470, %get3A_474 : vector<16xf32>
      %mul3A_476 = arith.constant 0.333333343 : f32
      %mul3A_477 = vector.broadcast %mul3A_476 : f32 to vector<16xf32>
      %mul3A_478 = arith.mulf %add3A_475, %mul3A_477 : vector<16xf32>
      %swap3A_479 = arith.index_cast %scan3A_374 : i32 to index
      %swap3A_480 = arith.constant 64 : index
      %swap3A_481 = tpu.vector_load %arg19[%swap3A_479, %swap3A_480] {strides = array<i32>} : memref<100x128xf32, #tpu.memory_space<vmem>>, vector<1x16xf32>,
      %swap3A_482 = vector.shape_cast %swap3A_481 : vector<1x16xf32> to vector<16xf32>
      %swap3A_483 = vector.shape_cast %mul3A_478 : vector<16xf32> to vector<1x16xf32>
      tpu.vector_store %arg19[%swap3A_479, %swap3A_480], %swap3A_483 {strides = array<i32>} : memref<100x128xf32, #tpu.memory_space<vmem>>, vector<1x16xf32>,
      %get3A_484 = arith.index_cast %scan3A_374 : i32 to index
      %get3A_485 = arith.constant 80 : index
      %get3A_486 = tpu.vector_load %arg16[%get3A_484, %get3A_485] {strides = array<i32>} : memref<100x128xf32, #tpu.memory_space<vmem>>, vector<1x16xf32>,
      %get3A_487 = vector.shape_cast %get3A_486 : vector<1x16xf32> to vector<16xf32>
      %get3A_488 = arith.index_cast %scan3A_374 : i32 to index
      %get3A_489 = arith.constant 80 : index
      %get3A_490 = tpu.vector_load %arg17[%get3A_488, %get3A_489] {strides = array<i32>} : memref<100x128xf32, #tpu.memory_space<vmem>>, vector<1x16xf32>,
      %get3A_491 = vector.shape_cast %get3A_490 : vector<1x16xf32> to vector<16xf32>
      %add3A_492 = arith.addf %get3A_487, %get3A_491 : vector<16xf32>
      %get3A_493 = arith.index_cast %scan3A_374 : i32 to index
      %get3A_494 = arith.constant 80 : index
      %get3A_495 = tpu.vector_load %arg18[%get3A_493, %get3A_494] {strides = array<i32>} : memref<100x128xf32, #tpu.memory_space<vmem>>, vector<1x16xf32>,
      %get3A_496 = vector.shape_cast %get3A_495 : vector<1x16xf32> to vector<16xf32>
      %add3A_497 = arith.addf %add3A_492, %get3A_496 : vector<16xf32>
      %mul3A_498 = arith.constant 0.333333343 : f32
      %mul3A_499 = vector.broadcast %mul3A_498 : f32 to vector<16xf32>
      %mul3A_500 = arith.mulf %add3A_497, %mul3A_499 : vector<16xf32>
      %swap3A_501 = arith.index_cast %scan3A_374 : i32 to index
      %swap3A_502 = arith.constant 80 : index
      %swap3A_503 = tpu.vector_load %arg19[%swap3A_501, %swap3A_502] {strides = array<i32>} : memref<100x128xf32, #tpu.memory_space<vmem>>, vector<1x16xf32>,
      %swap3A_504 = vector.shape_cast %swap3A_503 : vector<1x16xf32> to vector<16xf32>
      %swap3A_505 = vector.shape_cast %mul3A_500 : vector<16xf32> to vector<1x16xf32>
      tpu.vector_store %arg19[%swap3A_501, %swap3A_502], %swap3A_505 {strides = array<i32>} : memref<100x128xf32, #tpu.memory_space<vmem>>, vector<1x16xf32>,
      %get3A_506 = arith.index_cast %scan3A_374 : i32 to index
      %get3A_507 = arith.constant 96 : index
      %get3A_508 = tpu.vector_load %arg16[%get3A_506, %get3A_507] {strides = array<i32>} : memref<100x128xf32, #tpu.memory_space<vmem>>, vector<1x16xf32>,
      %get3A_509 = vector.shape_cast %get3A_508 : vector<1x16xf32> to vector<16xf32>
      %get3A_510 = arith.index_cast %scan3A_374 : i32 to index
      %get3A_511 = arith.constant 96 : index
      %get3A_512 = tpu.vector_load %arg17[%get3A_510, %get3A_511] {strides = array<i32>} : memref<100x128xf32, #tpu.memory_space<vmem>>, vector<1x16xf32>,
      %get3A_513 = vector.shape_cast %get3A_512 : vector<1x16xf32> to vector<16xf32>
      %add3A_514 = arith.addf %get3A_509, %get3A_513 : vector<16xf32>
      %get3A_515 = arith.index_cast %scan3A_374 : i32 to index
      %get3A_516 = arith.constant 96 : index
      %get3A_517 = tpu.vector_load %arg18[%get3A_515, %get3A_516] {strides = array<i32>} : memref<100x128xf32, #tpu.memory_space<vmem>>, vector<1x16xf32>,
      %get3A_518 = vector.shape_cast %get3A_517 : vector<1x16xf32> to vector<16xf32>
      %add3A_519 = arith.addf %add3A_514, %get3A_518 : vector<16xf32>
      %mul3A_520 = arith.constant 0.333333343 : f32
      %mul3A_521 = vector.broadcast %mul3A_520 : f32 to vector<16xf32>
      %mul3A_522 = arith.mulf %add3A_519, %mul3A_521 : vector<16xf32>
      %swap3A_523 = arith.index_cast %scan3A_374 : i32 to index
      %swap3A_524 = arith.constant 96 : index
      %swap3A_525 = tpu.vector_load %arg19[%swap3A_523, %swap3A_524] {strides = array<i32>} : memref<100x128xf32, #tpu.memory_space<vmem>>, vector<1x16xf32>,
      %swap3A_526 = vector.shape_cast %swap3A_525 : vector<1x16xf32> to vector<16xf32>
      %swap3A_527 = vector.shape_cast %mul3A_522 : vector<16xf32> to vector<1x16xf32>
      tpu.vector_store %arg19[%swap3A_523, %swap3A_524], %swap3A_527 {strides = array<i32>} : memref<100x128xf32, #tpu.memory_space<vmem>>, vector<1x16xf32>,
      %get3A_528 = arith.index_cast %scan3A_374 : i32 to index
      %get3A_529 = arith.constant 112 : index
      %get3A_530 = tpu.vector_load %arg16[%get3A_528, %get3A_529] {strides = array<i32>} : memref<100x128xf32, #tpu.memory_space<vmem>>, vector<1x16xf32>,
      %get3A_531 = vector.shape_cast %get3A_530 : vector<1x16xf32> to vector<16xf32>
      %get3A_532 = arith.index_cast %scan3A_374 : i32 to index
      %get3A_533 = arith.constant 112 : index
      %get3A_534 = tpu.vector_load %arg17[%get3A_532, %get3A_533] {strides = array<i32>} : memref<100x128xf32, #tpu.memory_space<vmem>>, vector<1x16xf32>,
      %get3A_535 = vector.shape_cast %get3A_534 : vector<1x16xf32> to vector<16xf32>
      %add3A_536 = arith.addf %get3A_531, %get3A_535 : vector<16xf32>
      %get3A_537 = arith.index_cast %scan3A_374 : i32 to index
      %get3A_538 = arith.constant 112 : index
      %get3A_539 = tpu.vector_load %arg18[%get3A_537, %get3A_538] {strides = array<i32>} : memref<100x128xf32, #tpu.memory_space<vmem>>, vector<1x16xf32>,
      %get3A_540 = vector.shape_cast %get3A_539 : vector<1x16xf32> to vector<16xf32>
      %add3A_541 = arith.addf %add3A_536, %get3A_540 : vector<16xf32>
      %mul3A_542 = arith.constant 0.333333343 : f32
      %mul3A_543 = vector.broadcast %mul3A_542 : f32 to vector<16xf32>
      %mul3A_544 = arith.mulf %add3A_541, %mul3A_543 : vector<16xf32>
      %swap3A_545 = arith.index_cast %scan3A_374 : i32 to index
      %swap3A_546 = arith.constant 112 : index
      %swap3A_547 = tpu.vector_load %arg19[%swap3A_545, %swap3A_546] {strides = array<i32>} : memref<100x128xf32, #tpu.memory_space<vmem>>, vector<1x16xf32>,
      %swap3A_548 = vector.shape_cast %swap3A_547 : vector<1x16xf32> to vector<16xf32>
      %swap3A_549 = vector.shape_cast %mul3A_544 : vector<16xf32> to vector<1x16xf32>
      tpu.vector_store %arg19[%swap3A_545, %swap3A_546], %swap3A_549 {strides = array<i32>} : memref<100x128xf32, #tpu.memory_space<vmem>>, vector<1x16xf32>,
      %scan3A_550 = arith.constant 0 : i32
      scf.yield %scan3A_550 : i32
    }
    %scan3A_67 = arith.constant 100 : i32
    %dma_start3A_68 = arith.constant 0 : i32
    %dma_start3A_69 = arith.constant 0 : i32
    %dma_start3A_70 = tpu.memref_slice %arg13[%dma_start3A_68, %dma_start3A_69] : memref<32x100xi32, #tpu.memory_space<vmem>> -> memref<1x100xi32, #tpu.memory_space<vmem>>
    %dma_start3A_71 = tpu.memref_squeeze %dma_start3A_70 : memref<1x100xi32, #tpu.memory_space<vmem>> -> memref<100xi32, #tpu.memory_space<vmem>>
    %dma_start3A_72 = arith.constant 0 : i32
    %dma_start3A_73 = arith.constant 0 : i32
    %dma_start3A_74 = tpu.memref_slice %arg9[%dma_start3A_72, %dma_start3A_73] : memref<200000x128xf32, #tpu.memory_space<hbm>> -> memref<200000x128xf32, #tpu.memory_space<hbm>>
    tpu.enqueue_indirect_dma source(%arg19 : memref<100x128xf32, #tpu.memory_space<vmem>>) target(%dma_start3A_74 : memref<200000x128xf32, #tpu.memory_space<hbm>>) offsets(%dma_start3A_71 : memref<100xi32, #tpu.memory_space<vmem>>) semaphore(%arg26 : memref<!tpu.dma_semaphore, #tpu.memory_space<semaphore_mem>>)
    %dma_start3A_75 = arith.constant 2 : i32
    %dma_start3A_76 = arith.constant 0 : i32
    %dma_start3A_77 = tpu.memref_slice %arg10[%dma_start3A_75, %dma_start3A_76] : memref<32x100xi32, #tpu.memory_space<vmem>> -> memref<1x100xi32, #tpu.memory_space<vmem>>
    %dma_start3A_78 = tpu.memref_squeeze %dma_start3A_77 : memref<1x100xi32, #tpu.memory_space<vmem>> -> memref<100xi32, #tpu.memory_space<vmem>>
    %dma_start3A_79 = arith.constant 0 : i32
    %dma_start3A_80 = arith.constant 0 : i32
    %dma_start3A_81 = tpu.memref_slice %arg2[%dma_start3A_79, %dma_start3A_80] : memref<100000x128xf32, #tpu.memory_space<hbm>> -> memref<100000x128xf32, #tpu.memory_space<hbm>>
    tpu.enqueue_indirect_dma source(%dma_start3A_81 : memref<100000x128xf32, #tpu.memory_space<hbm>>) target(%arg16 : memref<100x128xf32, #tpu.memory_space<vmem>>) offsets(%dma_start3A_78 : memref<100xi32, #tpu.memory_space<vmem>>) semaphore(%arg24 : memref<!tpu.dma_semaphore, #tpu.memory_space<semaphore_mem>>)
    %dma_start3A_82 = arith.constant 2 : i32
    %dma_start3A_83 = arith.constant 0 : i32
    %dma_start3A_84 = tpu.memref_slice %arg11[%dma_start3A_82, %dma_start3A_83] : memref<32x100xi32, #tpu.memory_space<vmem>> -> memref<1x100xi32, #tpu.memory_space<vmem>>
    %dma_start3A_85 = tpu.memref_squeeze %dma_start3A_84 : memref<1x100xi32, #tpu.memory_space<vmem>> -> memref<100xi32, #tpu.memory_space<vmem>>
    %dma_start3A_86 = arith.constant 0 : i32
    %dma_start3A_87 = arith.constant 0 : i32
    %dma_start3A_88 = tpu.memref_slice %arg2[%dma_start3A_86, %dma_start3A_87] : memref<100000x128xf32, #tpu.memory_space<hbm>> -> memref<100000x128xf32, #tpu.memory_space<hbm>>
    tpu.enqueue_indirect_dma source(%dma_start3A_88 : memref<100000x128xf32, #tpu.memory_space<hbm>>) target(%arg17 : memref<100x128xf32, #tpu.memory_space<vmem>>) offsets(%dma_start3A_85 : memref<100xi32, #tpu.memory_space<vmem>>) semaphore(%arg24 : memref<!tpu.dma_semaphore, #tpu.memory_space<semaphore_mem>>)
    %dma_start3A_89 = arith.constant 2 : i32
    %dma_start3A_90 = arith.constant 0 : i32
    %dma_start3A_91 = tpu.memref_slice %arg12[%dma_start3A_89, %dma_start3A_90] : memref<32x100xi32, #tpu.memory_space<vmem>> -> memref<1x100xi32, #tpu.memory_space<vmem>>
    %dma_start3A_92 = tpu.memref_squeeze %dma_start3A_91 : memref<1x100xi32, #tpu.memory_space<vmem>> -> memref<100xi32, #tpu.memory_space<vmem>>
    %dma_start3A_93 = arith.constant 0 : i32
    %dma_start3A_94 = arith.constant 0 : i32
    %dma_start3A_95 = tpu.memref_slice %arg2[%dma_start3A_93, %dma_start3A_94] : memref<100000x128xf32, #tpu.memory_space<hbm>> -> memref<100000x128xf32, #tpu.memory_space<hbm>>
    tpu.enqueue_indirect_dma source(%dma_start3A_95 : memref<100000x128xf32, #tpu.memory_space<hbm>>) target(%arg18 : memref<100x128xf32, #tpu.memory_space<vmem>>) offsets(%dma_start3A_92 : memref<100xi32, #tpu.memory_space<vmem>>) semaphore(%arg24 : memref<!tpu.dma_semaphore, #tpu.memory_space<semaphore_mem>>)
    %dma_wait3A_96 = arith.constant 1 : i32
    %dma_wait3A_97 = arith.constant 0 : i32
    %dma_wait3A_98 = tpu.memref_slice %arg10[%dma_wait3A_96, %dma_wait3A_97] : memref<32x100xi32, #tpu.memory_space<vmem>> -> memref<1x100xi32, #tpu.memory_space<vmem>>
    %dma_wait3A_99 = tpu.memref_squeeze %dma_wait3A_98 : memref<1x100xi32, #tpu.memory_space<vmem>> -> memref<100xi32, #tpu.memory_space<vmem>>
    %dma_wait3A_100 = arith.constant 0 : i32
    %dma_wait3A_101 = arith.constant 0 : i32
    %dma_wait3A_102 = tpu.memref_slice %arg2[%dma_wait3A_100, %dma_wait3A_101] : memref<100000x128xf32, #tpu.memory_space<hbm>> -> memref<100000x128xf32, #tpu.memory_space<hbm>>
    tpu.wait_indirect_dma semaphore(%arg25 : memref<!tpu.dma_semaphore, #tpu.memory_space<semaphore_mem>>) src(%dma_wait3A_102 : memref<100000x128xf32, #tpu.memory_space<hbm>>) dst(%arg20 : memref<100x128xf32, #tpu.memory_space<vmem>>)
    %dma_wait3A_103 = arith.constant 1 : i32
    %dma_wait3A_104 = arith.constant 0 : i32
    %dma_wait3A_105 = tpu.memref_slice %arg11[%dma_wait3A_103, %dma_wait3A_104] : memref<32x100xi32, #tpu.memory_space<vmem>> -> memref<1x100xi32, #tpu.memory_space<vmem>>
    %dma_wait3A_106 = tpu.memref_squeeze %dma_wait3A_105 : memref<1x100xi32, #tpu.memory_space<vmem>> -> memref<100xi32, #tpu.memory_space<vmem>>
    %dma_wait3A_107 = arith.constant 0 : i32
    %dma_wait3A_108 = arith.constant 0 : i32
    %dma_wait3A_109 = tpu.memref_slice %arg2[%dma_wait3A_107, %dma_wait3A_108] : memref<100000x128xf32, #tpu.memory_space<hbm>> -> memref<100000x128xf32, #tpu.memory_space<hbm>>
    tpu.wait_indirect_dma semaphore(%arg25 : memref<!tpu.dma_semaphore, #tpu.memory_space<semaphore_mem>>) src(%dma_wait3A_109 : memref<100000x128xf32, #tpu.memory_space<hbm>>) dst(%arg21 : memref<100x128xf32, #tpu.memory_space<vmem>>)
    %dma_wait3A_110 = arith.constant 1 : i32
    %dma_wait3A_111 = arith.constant 0 : i32
    %dma_wait3A_112 = tpu.memref_slice %arg12[%dma_wait3A_110, %dma_wait3A_111] : memref<32x100xi32, #tpu.memory_space<vmem>> -> memref<1x100xi32, #tpu.memory_space<vmem>>
    %dma_wait3A_113 = tpu.memref_squeeze %dma_wait3A_112 : memref<1x100xi32, #tpu.memory_space<vmem>> -> memref<100xi32, #tpu.memory_space<vmem>>
    %dma_wait3A_114 = arith.constant 0 : i32
    %dma_wait3A_115 = arith.constant 0 : i32
    %dma_wait3A_116 = tpu.memref_slice %arg2[%dma_wait3A_114, %dma_wait3A_115] : memref<100000x128xf32, #tpu.memory_space<hbm>> -> memref<100000x128xf32, #tpu.memory_space<hbm>>
    tpu.wait_indirect_dma semaphore(%arg25 : memref<!tpu.dma_semaphore, #tpu.memory_space<semaphore_mem>>) src(%dma_wait3A_116 : memref<100000x128xf32, #tpu.memory_space<hbm>>) dst(%arg22 : memref<100x128xf32, #tpu.memory_space<vmem>>)
    %scan3A_117 = arith.constant 0 : i32
    %scan3A_118 = arith.constant 0 : i32
    %scan3A_119 = arith.constant 100 : i32
    %scan3A_120 = arith.addi %scan3A_118, %scan3A_119 : i32
    %scan3A_121 = arith.constant 1 : i32
    %scan3A_122 = scf.for %scan3A_374 = %scan3A_118 to %scan3A_120 step %scan3A_121 iter_args(%scan3A_375 = %scan3A_117) -> (i32)  : i32 {
      %get3A = arith.index_cast %scan3A_374 : i32 to index
      %get3A_376 = arith.constant 0 : index
      %get3A_377 = tpu.vector_load %arg20[%get3A, %get3A_376] {strides = array<i32>} : memref<100x128xf32, #tpu.memory_space<vmem>>, vector<1x16xf32>,
      %get3A_378 = vector.shape_cast %get3A_377 : vector<1x16xf32> to vector<16xf32>
      %get3A_379 = arith.index_cast %scan3A_374 : i32 to index
      %get3A_380 = arith.constant 0 : index
      %get3A_381 = tpu.vector_load %arg21[%get3A_379, %get3A_380] {strides = array<i32>} : memref<100x128xf32, #tpu.memory_space<vmem>>, vector<1x16xf32>,
      %get3A_382 = vector.shape_cast %get3A_381 : vector<1x16xf32> to vector<16xf32>
      %add3A_383 = arith.addf %get3A_378, %get3A_382 : vector<16xf32>
      %get3A_384 = arith.index_cast %scan3A_374 : i32 to index
      %get3A_385 = arith.constant 0 : index
      %get3A_386 = tpu.vector_load %arg22[%get3A_384, %get3A_385] {strides = array<i32>} : memref<100x128xf32, #tpu.memory_space<vmem>>, vector<1x16xf32>,
      %get3A_387 = vector.shape_cast %get3A_386 : vector<1x16xf32> to vector<16xf32>
      %add3A_388 = arith.addf %add3A_383, %get3A_387 : vector<16xf32>
      %mul3A_389 = arith.constant 0.333333343 : f32
      %mul3A_390 = vector.broadcast %mul3A_389 : f32 to vector<16xf32>
      %mul3A_391 = arith.mulf %add3A_388, %mul3A_390 : vector<16xf32>
      %swap3A = arith.index_cast %scan3A_374 : i32 to index
      %swap3A_392 = arith.constant 0 : index
      %swap3A_393 = tpu.vector_load %arg23[%swap3A, %swap3A_392] {strides = array<i32>} : memref<100x128xf32, #tpu.memory_space<vmem>>, vector<1x16xf32>,
      %swap3A_394 = vector.shape_cast %swap3A_393 : vector<1x16xf32> to vector<16xf32>
      %swap3A_395 = vector.shape_cast %mul3A_391 : vector<16xf32> to vector<1x16xf32>
      tpu.vector_store %arg23[%swap3A, %swap3A_392], %swap3A_395 {strides = array<i32>} : memref<100x128xf32, #tpu.memory_space<vmem>>, vector<1x16xf32>,
      %get3A_396 = arith.index_cast %scan3A_374 : i32 to index
      %get3A_397 = arith.constant 16 : index
      %get3A_398 = tpu.vector_load %arg20[%get3A_396, %get3A_397] {strides = array<i32>} : memref<100x128xf32, #tpu.memory_space<vmem>>, vector<1x16xf32>,
      %get3A_399 = vector.shape_cast %get3A_398 : vector<1x16xf32> to vector<16xf32>
      %get3A_400 = arith.index_cast %scan3A_374 : i32 to index
      %get3A_401 = arith.constant 16 : index
      %get3A_402 = tpu.vector_load %arg21[%get3A_400, %get3A_401] {strides = array<i32>} : memref<100x128xf32, #tpu.memory_space<vmem>>, vector<1x16xf32>,
      %get3A_403 = vector.shape_cast %get3A_402 : vector<1x16xf32> to vector<16xf32>
      %add3A_404 = arith.addf %get3A_399, %get3A_403 : vector<16xf32>
      %get3A_405 = arith.index_cast %scan3A_374 : i32 to index
      %get3A_406 = arith.constant 16 : index
      %get3A_407 = tpu.vector_load %arg22[%get3A_405, %get3A_406] {strides = array<i32>} : memref<100x128xf32, #tpu.memory_space<vmem>>, vector<1x16xf32>,
      %get3A_408 = vector.shape_cast %get3A_407 : vector<1x16xf32> to vector<16xf32>
      %add3A_409 = arith.addf %add3A_404, %get3A_408 : vector<16xf32>
      %mul3A_410 = arith.constant 0.333333343 : f32
      %mul3A_411 = vector.broadcast %mul3A_410 : f32 to vector<16xf32>
      %mul3A_412 = arith.mulf %add3A_409, %mul3A_411 : vector<16xf32>
      %swap3A_413 = arith.index_cast %scan3A_374 : i32 to index
      %swap3A_414 = arith.constant 16 : index
      %swap3A_415 = tpu.vector_load %arg23[%swap3A_413, %swap3A_414] {strides = array<i32>} : memref<100x128xf32, #tpu.memory_space<vmem>>, vector<1x16xf32>,
      %swap3A_416 = vector.shape_cast %swap3A_415 : vector<1x16xf32> to vector<16xf32>
      %swap3A_417 = vector.shape_cast %mul3A_412 : vector<16xf32> to vector<1x16xf32>
      tpu.vector_store %arg23[%swap3A_413, %swap3A_414], %swap3A_417 {strides = array<i32>} : memref<100x128xf32, #tpu.memory_space<vmem>>, vector<1x16xf32>,
      %get3A_418 = arith.index_cast %scan3A_374 : i32 to index
      %get3A_419 = arith.constant 32 : index
      %get3A_420 = tpu.vector_load %arg20[%get3A_418, %get3A_419] {strides = array<i32>} : memref<100x128xf32, #tpu.memory_space<vmem>>, vector<1x16xf32>,
      %get3A_421 = vector.shape_cast %get3A_420 : vector<1x16xf32> to vector<16xf32>
      %get3A_422 = arith.index_cast %scan3A_374 : i32 to index
      %get3A_423 = arith.constant 32 : index
      %get3A_424 = tpu.vector_load %arg21[%get3A_422, %get3A_423] {strides = array<i32>} : memref<100x128xf32, #tpu.memory_space<vmem>>, vector<1x16xf32>,
      %get3A_425 = vector.shape_cast %get3A_424 : vector<1x16xf32> to vector<16xf32>
      %add3A_426 = arith.addf %get3A_421, %get3A_425 : vector<16xf32>
      %get3A_427 = arith.index_cast %scan3A_374 : i32 to index
      %get3A_428 = arith.constant 32 : index
      %get3A_429 = tpu.vector_load %arg22[%get3A_427, %get3A_428] {strides = array<i32>} : memref<100x128xf32, #tpu.memory_space<vmem>>, vector<1x16xf32>,
      %get3A_430 = vector.shape_cast %get3A_429 : vector<1x16xf32> to vector<16xf32>
      %add3A_431 = arith.addf %add3A_426, %get3A_430 : vector<16xf32>
      %mul3A_432 = arith.constant 0.333333343 : f32
      %mul3A_433 = vector.broadcast %mul3A_432 : f32 to vector<16xf32>
      %mul3A_434 = arith.mulf %add3A_431, %mul3A_433 : vector<16xf32>
      %swap3A_435 = arith.index_cast %scan3A_374 : i32 to index
      %swap3A_436 = arith.constant 32 : index
      %swap3A_437 = tpu.vector_load %arg23[%swap3A_435, %swap3A_436] {strides = array<i32>} : memref<100x128xf32, #tpu.memory_space<vmem>>, vector<1x16xf32>,
      %swap3A_438 = vector.shape_cast %swap3A_437 : vector<1x16xf32> to vector<16xf32>
      %swap3A_439 = vector.shape_cast %mul3A_434 : vector<16xf32> to vector<1x16xf32>
      tpu.vector_store %arg23[%swap3A_435, %swap3A_436], %swap3A_439 {strides = array<i32>} : memref<100x128xf32, #tpu.memory_space<vmem>>, vector<1x16xf32>,
      %get3A_440 = arith.index_cast %scan3A_374 : i32 to index
      %get3A_441 = arith.constant 48 : index
      %get3A_442 = tpu.vector_load %arg20[%get3A_440, %get3A_441] {strides = array<i32>} : memref<100x128xf32, #tpu.memory_space<vmem>>, vector<1x16xf32>,
      %get3A_443 = vector.shape_cast %get3A_442 : vector<1x16xf32> to vector<16xf32>
      %get3A_444 = arith.index_cast %scan3A_374 : i32 to index
      %get3A_445 = arith.constant 48 : index
      %get3A_446 = tpu.vector_load %arg21[%get3A_444, %get3A_445] {strides = array<i32>} : memref<100x128xf32, #tpu.memory_space<vmem>>, vector<1x16xf32>,
      %get3A_447 = vector.shape_cast %get3A_446 : vector<1x16xf32> to vector<16xf32>
      %add3A_448 = arith.addf %get3A_443, %get3A_447 : vector<16xf32>
      %get3A_449 = arith.index_cast %scan3A_374 : i32 to index
      %get3A_450 = arith.constant 48 : index
      %get3A_451 = tpu.vector_load %arg22[%get3A_449, %get3A_450] {strides = array<i32>} : memref<100x128xf32, #tpu.memory_space<vmem>>, vector<1x16xf32>,
      %get3A_452 = vector.shape_cast %get3A_451 : vector<1x16xf32> to vector<16xf32>
      %add3A_453 = arith.addf %add3A_448, %get3A_452 : vector<16xf32>
      %mul3A_454 = arith.constant 0.333333343 : f32
      %mul3A_455 = vector.broadcast %mul3A_454 : f32 to vector<16xf32>
      %mul3A_456 = arith.mulf %add3A_453, %mul3A_455 : vector<16xf32>
      %swap3A_457 = arith.index_cast %scan3A_374 : i32 to index
      %swap3A_458 = arith.constant 48 : index
      %swap3A_459 = tpu.vector_load %arg23[%swap3A_457, %swap3A_458] {strides = array<i32>} : memref<100x128xf32, #tpu.memory_space<vmem>>, vector<1x16xf32>,
      %swap3A_460 = vector.shape_cast %swap3A_459 : vector<1x16xf32> to vector<16xf32>
      %swap3A_461 = vector.shape_cast %mul3A_456 : vector<16xf32> to vector<1x16xf32>
      tpu.vector_store %arg23[%swap3A_457, %swap3A_458], %swap3A_461 {strides = array<i32>} : memref<100x128xf32, #tpu.memory_space<vmem>>, vector<1x16xf32>,
      %get3A_462 = arith.index_cast %scan3A_374 : i32 to index
      %get3A_463 = arith.constant 64 : index
      %get3A_464 = tpu.vector_load %arg20[%get3A_462, %get3A_463] {strides = array<i32>} : memref<100x128xf32, #tpu.memory_space<vmem>>, vector<1x16xf32>,
      %get3A_465 = vector.shape_cast %get3A_464 : vector<1x16xf32> to vector<16xf32>
      %get3A_466 = arith.index_cast %scan3A_374 : i32 to index
      %get3A_467 = arith.constant 64 : index
      %get3A_468 = tpu.vector_load %arg21[%get3A_466, %get3A_467] {strides = array<i32>} : memref<100x128xf32, #tpu.memory_space<vmem>>, vector<1x16xf32>,
      %get3A_469 = vector.shape_cast %get3A_468 : vector<1x16xf32> to vector<16xf32>
      %add3A_470 = arith.addf %get3A_465, %get3A_469 : vector<16xf32>
      %get3A_471 = arith.index_cast %scan3A_374 : i32 to index
      %get3A_472 = arith.constant 64 : index
      %get3A_473 = tpu.vector_load %arg22[%get3A_471, %get3A_472] {strides = array<i32>} : memref<100x128xf32, #tpu.memory_space<vmem>>, vector<1x16xf32>,
      %get3A_474 = vector.shape_cast %get3A_473 : vector<1x16xf32> to vector<16xf32>
      %add3A_475 = arith.addf %add3A_470, %get3A_474 : vector<16xf32>
      %mul3A_476 = arith.constant 0.333333343 : f32
      %mul3A_477 = vector.broadcast %mul3A_476 : f32 to vector<16xf32>
      %mul3A_478 = arith.mulf %add3A_475, %mul3A_477 : vector<16xf32>
      %swap3A_479 = arith.index_cast %scan3A_374 : i32 to index
      %swap3A_480 = arith.constant 64 : index
      %swap3A_481 = tpu.vector_load %arg23[%swap3A_479, %swap3A_480] {strides = array<i32>} : memref<100x128xf32, #tpu.memory_space<vmem>>, vector<1x16xf32>,
      %swap3A_482 = vector.shape_cast %swap3A_481 : vector<1x16xf32> to vector<16xf32>
      %swap3A_483 = vector.shape_cast %mul3A_478 : vector<16xf32> to vector<1x16xf32>
      tpu.vector_store %arg23[%swap3A_479, %swap3A_480], %swap3A_483 {strides = array<i32>} : memref<100x128xf32, #tpu.memory_space<vmem>>, vector<1x16xf32>,
      %get3A_484 = arith.index_cast %scan3A_374 : i32 to index
      %get3A_485 = arith.constant 80 : index
      %get3A_486 = tpu.vector_load %arg20[%get3A_484, %get3A_485] {strides = array<i32>} : memref<100x128xf32, #tpu.memory_space<vmem>>, vector<1x16xf32>,
      %get3A_487 = vector.shape_cast %get3A_486 : vector<1x16xf32> to vector<16xf32>
      %get3A_488 = arith.index_cast %scan3A_374 : i32 to index
      %get3A_489 = arith.constant 80 : index
      %get3A_490 = tpu.vector_load %arg21[%get3A_488, %get3A_489] {strides = array<i32>} : memref<100x128xf32, #tpu.memory_space<vmem>>, vector<1x16xf32>,
      %get3A_491 = vector.shape_cast %get3A_490 : vector<1x16xf32> to vector<16xf32>
      %add3A_492 = arith.addf %get3A_487, %get3A_491 : vector<16xf32>
      %get3A_493 = arith.index_cast %scan3A_374 : i32 to index
      %get3A_494 = arith.constant 80 : index
      %get3A_495 = tpu.vector_load %arg22[%get3A_493, %get3A_494] {strides = array<i32>} : memref<100x128xf32, #tpu.memory_space<vmem>>, vector<1x16xf32>,
      %get3A_496 = vector.shape_cast %get3A_495 : vector<1x16xf32> to vector<16xf32>
      %add3A_497 = arith.addf %add3A_492, %get3A_496 : vector<16xf32>
      %mul3A_498 = arith.constant 0.333333343 : f32
      %mul3A_499 = vector.broadcast %mul3A_498 : f32 to vector<16xf32>
      %mul3A_500 = arith.mulf %add3A_497, %mul3A_499 : vector<16xf32>
      %swap3A_501 = arith.index_cast %scan3A_374 : i32 to index
      %swap3A_502 = arith.constant 80 : index
      %swap3A_503 = tpu.vector_load %arg23[%swap3A_501, %swap3A_502] {strides = array<i32>} : memref<100x128xf32, #tpu.memory_space<vmem>>, vector<1x16xf32>,
      %swap3A_504 = vector.shape_cast %swap3A_503 : vector<1x16xf32> to vector<16xf32>
      %swap3A_505 = vector.shape_cast %mul3A_500 : vector<16xf32> to vector<1x16xf32>
      tpu.vector_store %arg23[%swap3A_501, %swap3A_502], %swap3A_505 {strides = array<i32>} : memref<100x128xf32, #tpu.memory_space<vmem>>, vector<1x16xf32>,
      %get3A_506 = arith.index_cast %scan3A_374 : i32 to index
      %get3A_507 = arith.constant 96 : index
      %get3A_508 = tpu.vector_load %arg20[%get3A_506, %get3A_507] {strides = array<i32>} : memref<100x128xf32, #tpu.memory_space<vmem>>, vector<1x16xf32>,
      %get3A_509 = vector.shape_cast %get3A_508 : vector<1x16xf32> to vector<16xf32>
      %get3A_510 = arith.index_cast %scan3A_374 : i32 to index
      %get3A_511 = arith.constant 96 : index
      %get3A_512 = tpu.vector_load %arg21[%get3A_510, %get3A_511] {strides = array<i32>} : memref<100x128xf32, #tpu.memory_space<vmem>>, vector<1x16xf32>,
      %get3A_513 = vector.shape_cast %get3A_512 : vector<1x16xf32> to vector<16xf32>
      %add3A_514 = arith.addf %get3A_509, %get3A_513 : vector<16xf32>
      %get3A_515 = arith.index_cast %scan3A_374 : i32 to index
      %get3A_516 = arith.constant 96 : index
      %get3A_517 = tpu.vector_load %arg22[%get3A_515, %get3A_516] {strides = array<i32>} : memref<100x128xf32, #tpu.memory_space<vmem>>, vector<1x16xf32>,
      %get3A_518 = vector.shape_cast %get3A_517 : vector<1x16xf32> to vector<16xf32>
      %add3A_519 = arith.addf %add3A_514, %get3A_518 : vector<16xf32>
      %mul3A_520 = arith.constant 0.333333343 : f32
      %mul3A_521 = vector.broadcast %mul3A_520 : f32 to vector<16xf32>
      %mul3A_522 = arith.mulf %add3A_519, %mul3A_521 : vector<16xf32>
      %swap3A_523 = arith.index_cast %scan3A_374 : i32 to index
      %swap3A_524 = arith.constant 96 : index
      %swap3A_525 = tpu.vector_load %arg23[%swap3A_523, %swap3A_524] {strides = array<i32>} : memref<100x128xf32, #tpu.memory_space<vmem>>, vector<1x16xf32>,
      %swap3A_526 = vector.shape_cast %swap3A_525 : vector<1x16xf32> to vector<16xf32>
      %swap3A_527 = vector.shape_cast %mul3A_522 : vector<16xf32> to vector<1x16xf32>
      tpu.vector_store %arg23[%swap3A_523, %swap3A_524], %swap3A_527 {strides = array<i32>} : memref<100x128xf32, #tpu.memory_space<vmem>>, vector<1x16xf32>,
      %get3A_528 = arith.index_cast %scan3A_374 : i32 to index
      %get3A_529 = arith.constant 112 : index
      %get3A_530 = tpu.vector_load %arg20[%get3A_528, %get3A_529] {strides = array<i32>} : memref<100x128xf32, #tpu.memory_space<vmem>>, vector<1x16xf32>,
      %get3A_531 = vector.shape_cast %get3A_530 : vector<1x16xf32> to vector<16xf32>
      %get3A_532 = arith.index_cast %scan3A_374 : i32 to index
      %get3A_533 = arith.constant 112 : index
      %get3A_534 = tpu.vector_load %arg21[%get3A_532, %get3A_533] {strides = array<i32>} : memref<100x128xf32, #tpu.memory_space<vmem>>, vector<1x16xf32>,
      %get3A_535 = vector.shape_cast %get3A_534 : vector<1x16xf32> to vector<16xf32>
      %add3A_536 = arith.addf %get3A_531, %get3A_535 : vector<16xf32>
      %get3A_537 = arith.index_cast %scan3A_374 : i32 to index
      %get3A_538 = arith.constant 112 : index
      %get3A_539 = tpu.vector_load %arg22[%get3A_537, %get3A_538] {strides = array<i32>} : memref<100x128xf32, #tpu.memory_space<vmem>>, vector<1x16xf32>,
      %get3A_540 = vector.shape_cast %get3A_539 : vector<1x16xf32> to vector<16xf32>
      %add3A_541 = arith.addf %add3A_536, %get3A_540 : vector<16xf32>
      %mul3A_542 = arith.constant 0.333333343 : f32
      %mul3A_543 = vector.broadcast %mul3A_542 : f32 to vector<16xf32>
      %mul3A_544 = arith.mulf %add3A_541, %mul3A_543 : vector<16xf32>
      %swap3A_545 = arith.index_cast %scan3A_374 : i32 to index
      %swap3A_546 = arith.constant 112 : index
      %swap3A_547 = tpu.vector_load %arg23[%swap3A_545, %swap3A_546] {strides = array<i32>} : memref<100x128xf32, #tpu.memory_space<vmem>>, vector<1x16xf32>,
      %swap3A_548 = vector.shape_cast %swap3A_547 : vector<1x16xf32> to vector<16xf32>
      %swap3A_549 = vector.shape_cast %mul3A_544 : vector<16xf32> to vector<1x16xf32>
      tpu.vector_store %arg23[%swap3A_545, %swap3A_546], %swap3A_549 {strides = array<i32>} : memref<100x128xf32, #tpu.memory_space<vmem>>, vector<1x16xf32>,
      %scan3A_550 = arith.constant 0 : i32
      scf.yield %scan3A_550 : i32
    }
    %scan3A_123 = arith.constant 100 : i32
    %dma_start3A_124 = arith.constant 1 : i32
    %dma_start3A_125 = arith.constant 0 : i32
    %dma_start3A_126 = tpu.memref_slice %arg13[%dma_start3A_124, %dma_start3A_125] : memref<32x100xi32, #tpu.memory_space<vmem>> -> memref<1x100xi32, #tpu.memory_space<vmem>>
    %dma_start3A_127 = tpu.memref_squeeze %dma_start3A_126 : memref<1x100xi32, #tpu.memory_space<vmem>> -> memref<100xi32, #tpu.memory_space<vmem>>
    %dma_start3A_128 = arith.constant 0 : i32
    %dma_start3A_129 = arith.constant 0 : i32
    %dma_start3A_130 = tpu.memref_slice %arg9[%dma_start3A_128, %dma_start3A_129] : memref<200000x128xf32, #tpu.memory_space<hbm>> -> memref<200000x128xf32, #tpu.memory_space<hbm>>
    tpu.enqueue_indirect_dma source(%arg23 : memref<100x128xf32, #tpu.memory_space<vmem>>) target(%dma_start3A_130 : memref<200000x128xf32, #tpu.memory_space<hbm>>) offsets(%dma_start3A_127 : memref<100xi32, #tpu.memory_space<vmem>>) semaphore(%arg27 : memref<!tpu.dma_semaphore, #tpu.memory_space<semaphore_mem>>)
    %dma_start3A_131 = arith.constant 3 : i32
    %dma_start3A_132 = arith.constant 0 : i32
    %dma_start3A_133 = tpu.memref_slice %arg10[%dma_start3A_131, %dma_start3A_132] : memref<32x100xi32, #tpu.memory_space<vmem>> -> memref<1x100xi32, #tpu.memory_space<vmem>>
    %dma_start3A_134 = tpu.memref_squeeze %dma_start3A_133 : memref<1x100xi32, #tpu.memory_space<vmem>> -> memref<100xi32, #tpu.memory_space<vmem>>
    %dma_start3A_135 = arith.constant 0 : i32
    %dma_start3A_136 = arith.constant 0 : i32
    %dma_start3A_137 = tpu.memref_slice %arg2[%dma_start3A_135, %dma_start3A_136] : memref<100000x128xf32, #tpu.memory_space<hbm>> -> memref<100000x128xf32, #tpu.memory_space<hbm>>
    tpu.enqueue_indirect_dma source(%dma_start3A_137 : memref<100000x128xf32, #tpu.memory_space<hbm>>) target(%arg20 : memref<100x128xf32, #tpu.memory_space<vmem>>) offsets(%dma_start3A_134 : memref<100xi32, #tpu.memory_space<vmem>>) semaphore(%arg25 : memref<!tpu.dma_semaphore, #tpu.memory_space<semaphore_mem>>)
    %dma_start3A_138 = arith.constant 3 : i32
    %dma_start3A_139 = arith.constant 0 : i32
    %dma_start3A_140 = tpu.memref_slice %arg11[%dma_start3A_138, %dma_start3A_139] : memref<32x100xi32, #tpu.memory_space<vmem>> -> memref<1x100xi32, #tpu.memory_space<vmem>>
    %dma_start3A_141 = tpu.memref_squeeze %dma_start3A_140 : memref<1x100xi32, #tpu.memory_space<vmem>> -> memref<100xi32, #tpu.memory_space<vmem>>
    %dma_start3A_142 = arith.constant 0 : i32
    %dma_start3A_143 = arith.constant 0 : i32
    %dma_start3A_144 = tpu.memref_slice %arg2[%dma_start3A_142, %dma_start3A_143] : memref<100000x128xf32, #tpu.memory_space<hbm>> -> memref<100000x128xf32, #tpu.memory_space<hbm>>
    tpu.enqueue_indirect_dma source(%dma_start3A_144 : memref<100000x128xf32, #tpu.memory_space<hbm>>) target(%arg21 : memref<100x128xf32, #tpu.memory_space<vmem>>) offsets(%dma_start3A_141 : memref<100xi32, #tpu.memory_space<vmem>>) semaphore(%arg25 : memref<!tpu.dma_semaphore, #tpu.memory_space<semaphore_mem>>)
    %dma_start3A_145 = arith.constant 3 : i32
    %dma_start3A_146 = arith.constant 0 : i32
    %dma_start3A_147 = tpu.memref_slice %arg12[%dma_start3A_145, %dma_start3A_146] : memref<32x100xi32, #tpu.memory_space<vmem>> -> memref<1x100xi32, #tpu.memory_space<vmem>>
    %dma_start3A_148 = tpu.memref_squeeze %dma_start3A_147 : memref<1x100xi32, #tpu.memory_space<vmem>> -> memref<100xi32, #tpu.memory_space<vmem>>
    %dma_start3A_149 = arith.constant 0 : i32
    %dma_start3A_150 = arith.constant 0 : i32
    %dma_start3A_151 = tpu.memref_slice %arg2[%dma_start3A_149, %dma_start3A_150] : memref<100000x128xf32, #tpu.memory_space<hbm>> -> memref<100000x128xf32, #tpu.memory_space<hbm>>
    tpu.enqueue_indirect_dma source(%dma_start3A_151 : memref<100000x128xf32, #tpu.memory_space<hbm>>) target(%arg22 : memref<100x128xf32, #tpu.memory_space<vmem>>) offsets(%dma_start3A_148 : memref<100xi32, #tpu.memory_space<vmem>>) semaphore(%arg25 : memref<!tpu.dma_semaphore, #tpu.memory_space<semaphore_mem>>)
    %scan3A_152 = arith.constant 0 : i32
    %scan3A_153 = arith.constant 0 : i32
    %scan3A_154 = arith.constant 14 : i32
    %scan3A_155 = arith.addi %scan3A_153, %scan3A_154 : i32
    %scan3A_156 = arith.constant 1 : i32
    scf.for %scan3A_374 = %scan3A_153 to %scan3A_155 step %scan3A_156  : i32 {
      %mul3A_375 = arith.constant 2 : i32
      %mul3A_376 = arith.muli %mul3A_375, %scan3A_374 : i32
      %add3A_377 = arith.constant 2 : i32
      %add3A_378 = arith.addi %mul3A_376, %add3A_377 : i32
      %dma_wait3A_379 = arith.constant 0 : i32
      %dma_wait3A_380 = tpu.memref_slice %arg10[%add3A_378, %dma_wait3A_379] : memref<32x100xi32, #tpu.memory_space<vmem>> -> memref<1x100xi32, #tpu.memory_space<vmem>>
      %dma_wait3A_381 = tpu.memref_squeeze %dma_wait3A_380 : memref<1x100xi32, #tpu.memory_space<vmem>> -> memref<100xi32, #tpu.memory_space<vmem>>
      %dma_wait3A_382 = arith.constant 0 : i32
      %dma_wait3A_383 = arith.constant 0 : i32
      %dma_wait3A_384 = tpu.memref_slice %arg2[%dma_wait3A_382, %dma_wait3A_383] : memref<100000x128xf32, #tpu.memory_space<hbm>> -> memref<100000x128xf32, #tpu.memory_space<hbm>>
      tpu.wait_indirect_dma semaphore(%arg24 : memref<!tpu.dma_semaphore, #tpu.memory_space<semaphore_mem>>) src(%dma_wait3A_384 : memref<100000x128xf32, #tpu.memory_space<hbm>>) dst(%arg16 : memref<100x128xf32, #tpu.memory_space<vmem>>)
      %dma_wait3A_385 = arith.constant 0 : i32
      %dma_wait3A_386 = tpu.memref_slice %arg11[%add3A_378, %dma_wait3A_385] : memref<32x100xi32, #tpu.memory_space<vmem>> -> memref<1x100xi32, #tpu.memory_space<vmem>>
      %dma_wait3A_387 = tpu.memref_squeeze %dma_wait3A_386 : memref<1x100xi32, #tpu.memory_space<vmem>> -> memref<100xi32, #tpu.memory_space<vmem>>
      %dma_wait3A_388 = arith.constant 0 : i32
      %dma_wait3A_389 = arith.constant 0 : i32
      %dma_wait3A_390 = tpu.memref_slice %arg2[%dma_wait3A_388, %dma_wait3A_389] : memref<100000x128xf32, #tpu.memory_space<hbm>> -> memref<100000x128xf32, #tpu.memory_space<hbm>>
      tpu.wait_indirect_dma semaphore(%arg24 : memref<!tpu.dma_semaphore, #tpu.memory_space<semaphore_mem>>) src(%dma_wait3A_390 : memref<100000x128xf32, #tpu.memory_space<hbm>>) dst(%arg17 : memref<100x128xf32, #tpu.memory_space<vmem>>)
      %dma_wait3A_391 = arith.constant 0 : i32
      %dma_wait3A_392 = tpu.memref_slice %arg12[%add3A_378, %dma_wait3A_391] : memref<32x100xi32, #tpu.memory_space<vmem>> -> memref<1x100xi32, #tpu.memory_space<vmem>>
      %dma_wait3A_393 = tpu.memref_squeeze %dma_wait3A_392 : memref<1x100xi32, #tpu.memory_space<vmem>> -> memref<100xi32, #tpu.memory_space<vmem>>
      %dma_wait3A_394 = arith.constant 0 : i32
      %dma_wait3A_395 = arith.constant 0 : i32
      %dma_wait3A_396 = tpu.memref_slice %arg2[%dma_wait3A_394, %dma_wait3A_395] : memref<100000x128xf32, #tpu.memory_space<hbm>> -> memref<100000x128xf32, #tpu.memory_space<hbm>>
      tpu.wait_indirect_dma semaphore(%arg24 : memref<!tpu.dma_semaphore, #tpu.memory_space<semaphore_mem>>) src(%dma_wait3A_396 : memref<100000x128xf32, #tpu.memory_space<hbm>>) dst(%arg18 : memref<100x128xf32, #tpu.memory_space<vmem>>)
      %sub3A = arith.constant 2 : i32
      %sub3A_397 = arith.subi %add3A_378, %sub3A : i32
      %dma_wait3A_398 = arith.constant 0 : i32
      %dma_wait3A_399 = tpu.memref_slice %arg13[%sub3A_397, %dma_wait3A_398] : memref<32x100xi32, #tpu.memory_space<vmem>> -> memref<1x100xi32, #tpu.memory_space<vmem>>
      %dma_wait3A_400 = tpu.memref_squeeze %dma_wait3A_399 : memref<1x100xi32, #tpu.memory_space<vmem>> -> memref<100xi32, #tpu.memory_space<vmem>>
      %dma_wait3A_401 = arith.constant 0 : i32
      %dma_wait3A_402 = arith.constant 0 : i32
      %dma_wait3A_403 = tpu.memref_slice %arg9[%dma_wait3A_401, %dma_wait3A_402] : memref<200000x128xf32, #tpu.memory_space<hbm>> -> memref<200000x128xf32, #tpu.memory_space<hbm>>
      tpu.wait_indirect_dma semaphore(%arg26 : memref<!tpu.dma_semaphore, #tpu.memory_space<semaphore_mem>>) src(%arg19 : memref<100x128xf32, #tpu.memory_space<vmem>>) dst(%dma_wait3A_403 : memref<200000x128xf32, #tpu.memory_space<hbm>>)
      %scan3A_404 = arith.constant 0 : i32
      %scan3A_405 = arith.constant 0 : i32
      %scan3A_406 = arith.constant 100 : i32
      %scan3A_407 = arith.addi %scan3A_405, %scan3A_406 : i32
      %scan3A_408 = arith.constant 1 : i32
      %scan3A_409 = scf.for %scan3A_498 = %scan3A_405 to %scan3A_407 step %scan3A_408 iter_args(%scan3A_499 = %scan3A_404) -> (i32)  : i32 {
        %get3A = arith.index_cast %scan3A_498 : i32 to index
        %get3A_500 = arith.constant 0 : index
        %get3A_501 = tpu.vector_load %arg16[%get3A, %get3A_500] {strides = array<i32>} : memref<100x128xf32, #tpu.memory_space<vmem>>, vector<1x16xf32>,
        %get3A_502 = vector.shape_cast %get3A_501 : vector<1x16xf32> to vector<16xf32>
        %get3A_503 = arith.index_cast %scan3A_498 : i32 to index
        %get3A_504 = arith.constant 0 : index
        %get3A_505 = tpu.vector_load %arg17[%get3A_503, %get3A_504] {strides = array<i32>} : memref<100x128xf32, #tpu.memory_space<vmem>>, vector<1x16xf32>,
        %get3A_506 = vector.shape_cast %get3A_505 : vector<1x16xf32> to vector<16xf32>
        %add3A_507 = arith.addf %get3A_502, %get3A_506 : vector<16xf32>
        %get3A_508 = arith.index_cast %scan3A_498 : i32 to index
        %get3A_509 = arith.constant 0 : index
        %get3A_510 = tpu.vector_load %arg18[%get3A_508, %get3A_509] {strides = array<i32>} : memref<100x128xf32, #tpu.memory_space<vmem>>, vector<1x16xf32>,
        %get3A_511 = vector.shape_cast %get3A_510 : vector<1x16xf32> to vector<16xf32>
        %add3A_512 = arith.addf %add3A_507, %get3A_511 : vector<16xf32>
        %mul3A_513 = arith.constant 0.333333343 : f32
        %mul3A_514 = vector.broadcast %mul3A_513 : f32 to vector<16xf32>
        %mul3A_515 = arith.mulf %add3A_512, %mul3A_514 : vector<16xf32>
        %swap3A = arith.index_cast %scan3A_498 : i32 to index
        %swap3A_516 = arith.constant 0 : index
        %swap3A_517 = tpu.vector_load %arg19[%swap3A, %swap3A_516] {strides = array<i32>} : memref<100x128xf32, #tpu.memory_space<vmem>>, vector<1x16xf32>,
        %swap3A_518 = vector.shape_cast %swap3A_517 : vector<1x16xf32> to vector<16xf32>
        %swap3A_519 = vector.shape_cast %mul3A_515 : vector<16xf32> to vector<1x16xf32>
        tpu.vector_store %arg19[%swap3A, %swap3A_516], %swap3A_519 {strides = array<i32>} : memref<100x128xf32, #tpu.memory_space<vmem>>, vector<1x16xf32>,
        %get3A_520 = arith.index_cast %scan3A_498 : i32 to index
        %get3A_521 = arith.constant 16 : index
        %get3A_522 = tpu.vector_load %arg16[%get3A_520, %get3A_521] {strides = array<i32>} : memref<100x128xf32, #tpu.memory_space<vmem>>, vector<1x16xf32>,
        %get3A_523 = vector.shape_cast %get3A_522 : vector<1x16xf32> to vector<16xf32>
        %get3A_524 = arith.index_cast %scan3A_498 : i32 to index
        %get3A_525 = arith.constant 16 : index
        %get3A_526 = tpu.vector_load %arg17[%get3A_524, %get3A_525] {strides = array<i32>} : memref<100x128xf32, #tpu.memory_space<vmem>>, vector<1x16xf32>,
        %get3A_527 = vector.shape_cast %get3A_526 : vector<1x16xf32> to vector<16xf32>
        %add3A_528 = arith.addf %get3A_523, %get3A_527 : vector<16xf32>
        %get3A_529 = arith.index_cast %scan3A_498 : i32 to index
        %get3A_530 = arith.constant 16 : index
        %get3A_531 = tpu.vector_load %arg18[%get3A_529, %get3A_530] {strides = array<i32>} : memref<100x128xf32, #tpu.memory_space<vmem>>, vector<1x16xf32>,
        %get3A_532 = vector.shape_cast %get3A_531 : vector<1x16xf32> to vector<16xf32>
        %add3A_533 = arith.addf %add3A_528, %get3A_532 : vector<16xf32>
        %mul3A_534 = arith.constant 0.333333343 : f32
        %mul3A_535 = vector.broadcast %mul3A_534 : f32 to vector<16xf32>
        %mul3A_536 = arith.mulf %add3A_533, %mul3A_535 : vector<16xf32>
        %swap3A_537 = arith.index_cast %scan3A_498 : i32 to index
        %swap3A_538 = arith.constant 16 : index
        %swap3A_539 = tpu.vector_load %arg19[%swap3A_537, %swap3A_538] {strides = array<i32>} : memref<100x128xf32, #tpu.memory_space<vmem>>, vector<1x16xf32>,
        %swap3A_540 = vector.shape_cast %swap3A_539 : vector<1x16xf32> to vector<16xf32>
        %swap3A_541 = vector.shape_cast %mul3A_536 : vector<16xf32> to vector<1x16xf32>
        tpu.vector_store %arg19[%swap3A_537, %swap3A_538], %swap3A_541 {strides = array<i32>} : memref<100x128xf32, #tpu.memory_space<vmem>>, vector<1x16xf32>,
        %get3A_542 = arith.index_cast %scan3A_498 : i32 to index
        %get3A_543 = arith.constant 32 : index
        %get3A_544 = tpu.vector_load %arg16[%get3A_542, %get3A_543] {strides = array<i32>} : memref<100x128xf32, #tpu.memory_space<vmem>>, vector<1x16xf32>,
        %get3A_545 = vector.shape_cast %get3A_544 : vector<1x16xf32> to vector<16xf32>
        %get3A_546 = arith.index_cast %scan3A_498 : i32 to index
        %get3A_547 = arith.constant 32 : index
        %get3A_548 = tpu.vector_load %arg17[%get3A_546, %get3A_547] {strides = array<i32>} : memref<100x128xf32, #tpu.memory_space<vmem>>, vector<1x16xf32>,
        %get3A_549 = vector.shape_cast %get3A_548 : vector<1x16xf32> to vector<16xf32>
        %add3A_550 = arith.addf %get3A_545, %get3A_549 : vector<16xf32>
        %get3A_551 = arith.index_cast %scan3A_498 : i32 to index
        %get3A_552 = arith.constant 32 : index
        %get3A_553 = tpu.vector_load %arg18[%get3A_551, %get3A_552] {strides = array<i32>} : memref<100x128xf32, #tpu.memory_space<vmem>>, vector<1x16xf32>,
        %get3A_554 = vector.shape_cast %get3A_553 : vector<1x16xf32> to vector<16xf32>
        %add3A_555 = arith.addf %add3A_550, %get3A_554 : vector<16xf32>
        %mul3A_556 = arith.constant 0.333333343 : f32
        %mul3A_557 = vector.broadcast %mul3A_556 : f32 to vector<16xf32>
        %mul3A_558 = arith.mulf %add3A_555, %mul3A_557 : vector<16xf32>
        %swap3A_559 = arith.index_cast %scan3A_498 : i32 to index
        %swap3A_560 = arith.constant 32 : index
        %swap3A_561 = tpu.vector_load %arg19[%swap3A_559, %swap3A_560] {strides = array<i32>} : memref<100x128xf32, #tpu.memory_space<vmem>>, vector<1x16xf32>,
        %swap3A_562 = vector.shape_cast %swap3A_561 : vector<1x16xf32> to vector<16xf32>
        %swap3A_563 = vector.shape_cast %mul3A_558 : vector<16xf32> to vector<1x16xf32>
        tpu.vector_store %arg19[%swap3A_559, %swap3A_560], %swap3A_563 {strides = array<i32>} : memref<100x128xf32, #tpu.memory_space<vmem>>, vector<1x16xf32>,
        %get3A_564 = arith.index_cast %scan3A_498 : i32 to index
        %get3A_565 = arith.constant 48 : index
        %get3A_566 = tpu.vector_load %arg16[%get3A_564, %get3A_565] {strides = array<i32>} : memref<100x128xf32, #tpu.memory_space<vmem>>, vector<1x16xf32>,
        %get3A_567 = vector.shape_cast %get3A_566 : vector<1x16xf32> to vector<16xf32>
        %get3A_568 = arith.index_cast %scan3A_498 : i32 to index
        %get3A_569 = arith.constant 48 : index
        %get3A_570 = tpu.vector_load %arg17[%get3A_568, %get3A_569] {strides = array<i32>} : memref<100x128xf32, #tpu.memory_space<vmem>>, vector<1x16xf32>,
        %get3A_571 = vector.shape_cast %get3A_570 : vector<1x16xf32> to vector<16xf32>
        %add3A_572 = arith.addf %get3A_567, %get3A_571 : vector<16xf32>
        %get3A_573 = arith.index_cast %scan3A_498 : i32 to index
        %get3A_574 = arith.constant 48 : index
        %get3A_575 = tpu.vector_load %arg18[%get3A_573, %get3A_574] {strides = array<i32>} : memref<100x128xf32, #tpu.memory_space<vmem>>, vector<1x16xf32>,
        %get3A_576 = vector.shape_cast %get3A_575 : vector<1x16xf32> to vector<16xf32>
        %add3A_577 = arith.addf %add3A_572, %get3A_576 : vector<16xf32>
        %mul3A_578 = arith.constant 0.333333343 : f32
        %mul3A_579 = vector.broadcast %mul3A_578 : f32 to vector<16xf32>
        %mul3A_580 = arith.mulf %add3A_577, %mul3A_579 : vector<16xf32>
        %swap3A_581 = arith.index_cast %scan3A_498 : i32 to index
        %swap3A_582 = arith.constant 48 : index
        %swap3A_583 = tpu.vector_load %arg19[%swap3A_581, %swap3A_582] {strides = array<i32>} : memref<100x128xf32, #tpu.memory_space<vmem>>, vector<1x16xf32>,
        %swap3A_584 = vector.shape_cast %swap3A_583 : vector<1x16xf32> to vector<16xf32>
        %swap3A_585 = vector.shape_cast %mul3A_580 : vector<16xf32> to vector<1x16xf32>
        tpu.vector_store %arg19[%swap3A_581, %swap3A_582], %swap3A_585 {strides = array<i32>} : memref<100x128xf32, #tpu.memory_space<vmem>>, vector<1x16xf32>,
        %get3A_586 = arith.index_cast %scan3A_498 : i32 to index
        %get3A_587 = arith.constant 64 : index
        %get3A_588 = tpu.vector_load %arg16[%get3A_586, %get3A_587] {strides = array<i32>} : memref<100x128xf32, #tpu.memory_space<vmem>>, vector<1x16xf32>,
        %get3A_589 = vector.shape_cast %get3A_588 : vector<1x16xf32> to vector<16xf32>
        %get3A_590 = arith.index_cast %scan3A_498 : i32 to index
        %get3A_591 = arith.constant 64 : index
        %get3A_592 = tpu.vector_load %arg17[%get3A_590, %get3A_591] {strides = array<i32>} : memref<100x128xf32, #tpu.memory_space<vmem>>, vector<1x16xf32>,
        %get3A_593 = vector.shape_cast %get3A_592 : vector<1x16xf32> to vector<16xf32>
        %add3A_594 = arith.addf %get3A_589, %get3A_593 : vector<16xf32>
        %get3A_595 = arith.index_cast %scan3A_498 : i32 to index
        %get3A_596 = arith.constant 64 : index
        %get3A_597 = tpu.vector_load %arg18[%get3A_595, %get3A_596] {strides = array<i32>} : memref<100x128xf32, #tpu.memory_space<vmem>>, vector<1x16xf32>,
        %get3A_598 = vector.shape_cast %get3A_597 : vector<1x16xf32> to vector<16xf32>
        %add3A_599 = arith.addf %add3A_594, %get3A_598 : vector<16xf32>
        %mul3A_600 = arith.constant 0.333333343 : f32
        %mul3A_601 = vector.broadcast %mul3A_600 : f32 to vector<16xf32>
        %mul3A_602 = arith.mulf %add3A_599, %mul3A_601 : vector<16xf32>
        %swap3A_603 = arith.index_cast %scan3A_498 : i32 to index
        %swap3A_604 = arith.constant 64 : index
        %swap3A_605 = tpu.vector_load %arg19[%swap3A_603, %swap3A_604] {strides = array<i32>} : memref<100x128xf32, #tpu.memory_space<vmem>>, vector<1x16xf32>,
        %swap3A_606 = vector.shape_cast %swap3A_605 : vector<1x16xf32> to vector<16xf32>
        %swap3A_607 = vector.shape_cast %mul3A_602 : vector<16xf32> to vector<1x16xf32>
        tpu.vector_store %arg19[%swap3A_603, %swap3A_604], %swap3A_607 {strides = array<i32>} : memref<100x128xf32, #tpu.memory_space<vmem>>, vector<1x16xf32>,
        %get3A_608 = arith.index_cast %scan3A_498 : i32 to index
        %get3A_609 = arith.constant 80 : index
        %get3A_610 = tpu.vector_load %arg16[%get3A_608, %get3A_609] {strides = array<i32>} : memref<100x128xf32, #tpu.memory_space<vmem>>, vector<1x16xf32>,
        %get3A_611 = vector.shape_cast %get3A_610 : vector<1x16xf32> to vector<16xf32>
        %get3A_612 = arith.index_cast %scan3A_498 : i32 to index
        %get3A_613 = arith.constant 80 : index
        %get3A_614 = tpu.vector_load %arg17[%get3A_612, %get3A_613] {strides = array<i32>} : memref<100x128xf32, #tpu.memory_space<vmem>>, vector<1x16xf32>,
        %get3A_615 = vector.shape_cast %get3A_614 : vector<1x16xf32> to vector<16xf32>
        %add3A_616 = arith.addf %get3A_611, %get3A_615 : vector<16xf32>
        %get3A_617 = arith.index_cast %scan3A_498 : i32 to index
        %get3A_618 = arith.constant 80 : index
        %get3A_619 = tpu.vector_load %arg18[%get3A_617, %get3A_618] {strides = array<i32>} : memref<100x128xf32, #tpu.memory_space<vmem>>, vector<1x16xf32>,
        %get3A_620 = vector.shape_cast %get3A_619 : vector<1x16xf32> to vector<16xf32>
        %add3A_621 = arith.addf %add3A_616, %get3A_620 : vector<16xf32>
        %mul3A_622 = arith.constant 0.333333343 : f32
        %mul3A_623 = vector.broadcast %mul3A_622 : f32 to vector<16xf32>
        %mul3A_624 = arith.mulf %add3A_621, %mul3A_623 : vector<16xf32>
        %swap3A_625 = arith.index_cast %scan3A_498 : i32 to index
        %swap3A_626 = arith.constant 80 : index
        %swap3A_627 = tpu.vector_load %arg19[%swap3A_625, %swap3A_626] {strides = array<i32>} : memref<100x128xf32, #tpu.memory_space<vmem>>, vector<1x16xf32>,
        %swap3A_628 = vector.shape_cast %swap3A_627 : vector<1x16xf32> to vector<16xf32>
        %swap3A_629 = vector.shape_cast %mul3A_624 : vector<16xf32> to vector<1x16xf32>
        tpu.vector_store %arg19[%swap3A_625, %swap3A_626], %swap3A_629 {strides = array<i32>} : memref<100x128xf32, #tpu.memory_space<vmem>>, vector<1x16xf32>,
        %get3A_630 = arith.index_cast %scan3A_498 : i32 to index
        %get3A_631 = arith.constant 96 : index
        %get3A_632 = tpu.vector_load %arg16[%get3A_630, %get3A_631] {strides = array<i32>} : memref<100x128xf32, #tpu.memory_space<vmem>>, vector<1x16xf32>,
        %get3A_633 = vector.shape_cast %get3A_632 : vector<1x16xf32> to vector<16xf32>
        %get3A_634 = arith.index_cast %scan3A_498 : i32 to index
        %get3A_635 = arith.constant 96 : index
        %get3A_636 = tpu.vector_load %arg17[%get3A_634, %get3A_635] {strides = array<i32>} : memref<100x128xf32, #tpu.memory_space<vmem>>, vector<1x16xf32>,
        %get3A_637 = vector.shape_cast %get3A_636 : vector<1x16xf32> to vector<16xf32>
        %add3A_638 = arith.addf %get3A_633, %get3A_637 : vector<16xf32>
        %get3A_639 = arith.index_cast %scan3A_498 : i32 to index
        %get3A_640 = arith.constant 96 : index
        %get3A_641 = tpu.vector_load %arg18[%get3A_639, %get3A_640] {strides = array<i32>} : memref<100x128xf32, #tpu.memory_space<vmem>>, vector<1x16xf32>,
        %get3A_642 = vector.shape_cast %get3A_641 : vector<1x16xf32> to vector<16xf32>
        %add3A_643 = arith.addf %add3A_638, %get3A_642 : vector<16xf32>
        %mul3A_644 = arith.constant 0.333333343 : f32
        %mul3A_645 = vector.broadcast %mul3A_644 : f32 to vector<16xf32>
        %mul3A_646 = arith.mulf %add3A_643, %mul3A_645 : vector<16xf32>
        %swap3A_647 = arith.index_cast %scan3A_498 : i32 to index
        %swap3A_648 = arith.constant 96 : index
        %swap3A_649 = tpu.vector_load %arg19[%swap3A_647, %swap3A_648] {strides = array<i32>} : memref<100x128xf32, #tpu.memory_space<vmem>>, vector<1x16xf32>,
        %swap3A_650 = vector.shape_cast %swap3A_649 : vector<1x16xf32> to vector<16xf32>
        %swap3A_651 = vector.shape_cast %mul3A_646 : vector<16xf32> to vector<1x16xf32>
        tpu.vector_store %arg19[%swap3A_647, %swap3A_648], %swap3A_651 {strides = array<i32>} : memref<100x128xf32, #tpu.memory_space<vmem>>, vector<1x16xf32>,
        %get3A_652 = arith.index_cast %scan3A_498 : i32 to index
        %get3A_653 = arith.constant 112 : index
        %get3A_654 = tpu.vector_load %arg16[%get3A_652, %get3A_653] {strides = array<i32>} : memref<100x128xf32, #tpu.memory_space<vmem>>, vector<1x16xf32>,
        %get3A_655 = vector.shape_cast %get3A_654 : vector<1x16xf32> to vector<16xf32>
        %get3A_656 = arith.index_cast %scan3A_498 : i32 to index
        %get3A_657 = arith.constant 112 : index
        %get3A_658 = tpu.vector_load %arg17[%get3A_656, %get3A_657] {strides = array<i32>} : memref<100x128xf32, #tpu.memory_space<vmem>>, vector<1x16xf32>,
        %get3A_659 = vector.shape_cast %get3A_658 : vector<1x16xf32> to vector<16xf32>
        %add3A_660 = arith.addf %get3A_655, %get3A_659 : vector<16xf32>
        %get3A_661 = arith.index_cast %scan3A_498 : i32 to index
        %get3A_662 = arith.constant 112 : index
        %get3A_663 = tpu.vector_load %arg18[%get3A_661, %get3A_662] {strides = array<i32>} : memref<100x128xf32, #tpu.memory_space<vmem>>, vector<1x16xf32>,
        %get3A_664 = vector.shape_cast %get3A_663 : vector<1x16xf32> to vector<16xf32>
        %add3A_665 = arith.addf %add3A_660, %get3A_664 : vector<16xf32>
        %mul3A_666 = arith.constant 0.333333343 : f32
        %mul3A_667 = vector.broadcast %mul3A_666 : f32 to vector<16xf32>
        %mul3A_668 = arith.mulf %add3A_665, %mul3A_667 : vector<16xf32>
        %swap3A_669 = arith.index_cast %scan3A_498 : i32 to index
        %swap3A_670 = arith.constant 112 : index
        %swap3A_671 = tpu.vector_load %arg19[%swap3A_669, %swap3A_670] {strides = array<i32>} : memref<100x128xf32, #tpu.memory_space<vmem>>, vector<1x16xf32>,
        %swap3A_672 = vector.shape_cast %swap3A_671 : vector<1x16xf32> to vector<16xf32>
        %swap3A_673 = vector.shape_cast %mul3A_668 : vector<16xf32> to vector<1x16xf32>
        tpu.vector_store %arg19[%swap3A_669, %swap3A_670], %swap3A_673 {strides = array<i32>} : memref<100x128xf32, #tpu.memory_space<vmem>>, vector<1x16xf32>,
        %scan3A_674 = arith.constant 0 : i32
        scf.yield %scan3A_674 : i32
      }
      %scan3A_410 = arith.constant 100 : i32
      %dma_start3A_411 = arith.constant 0 : i32
      %dma_start3A_412 = tpu.memref_slice %arg13[%add3A_378, %dma_start3A_411] : memref<32x100xi32, #tpu.memory_space<vmem>> -> memref<1x100xi32, #tpu.memory_space<vmem>>
      %dma_start3A_413 = tpu.memref_squeeze %dma_start3A_412 : memref<1x100xi32, #tpu.memory_space<vmem>> -> memref<100xi32, #tpu.memory_space<vmem>>
      %dma_start3A_414 = arith.constant 0 : i32
      %dma_start3A_415 = arith.constant 0 : i32
      %dma_start3A_416 = tpu.memref_slice %arg9[%dma_start3A_414, %dma_start3A_415] : memref<200000x128xf32, #tpu.memory_space<hbm>> -> memref<200000x128xf32, #tpu.memory_space<hbm>>
      tpu.enqueue_indirect_dma source(%arg19 : memref<100x128xf32, #tpu.memory_space<vmem>>) target(%dma_start3A_416 : memref<200000x128xf32, #tpu.memory_space<hbm>>) offsets(%dma_start3A_413 : memref<100xi32, #tpu.memory_space<vmem>>) semaphore(%arg26 : memref<!tpu.dma_semaphore, #tpu.memory_space<semaphore_mem>>)
      %add3A_417 = arith.constant 2 : i32
      %add3A_418 = arith.addi %add3A_378, %add3A_417 : i32
      %dma_start3A_419 = arith.constant 0 : i32
      %dma_start3A_420 = tpu.memref_slice %arg10[%add3A_418, %dma_start3A_419] : memref<32x100xi32, #tpu.memory_space<vmem>> -> memref<1x100xi32, #tpu.memory_space<vmem>>
      %dma_start3A_421 = tpu.memref_squeeze %dma_start3A_420 : memref<1x100xi32, #tpu.memory_space<vmem>> -> memref<100xi32, #tpu.memory_space<vmem>>
      %dma_start3A_422 = arith.constant 0 : i32
      %dma_start3A_423 = arith.constant 0 : i32
      %dma_start3A_424 = tpu.memref_slice %arg2[%dma_start3A_422, %dma_start3A_423] : memref<100000x128xf32, #tpu.memory_space<hbm>> -> memref<100000x128xf32, #tpu.memory_space<hbm>>
      tpu.enqueue_indirect_dma source(%dma_start3A_424 : memref<100000x128xf32, #tpu.memory_space<hbm>>) target(%arg16 : memref<100x128xf32, #tpu.memory_space<vmem>>) offsets(%dma_start3A_421 : memref<100xi32, #tpu.memory_space<vmem>>) semaphore(%arg24 : memref<!tpu.dma_semaphore, #tpu.memory_space<semaphore_mem>>)
      %dma_start3A_425 = arith.constant 0 : i32
      %dma_start3A_426 = tpu.memref_slice %arg11[%add3A_418, %dma_start3A_425] : memref<32x100xi32, #tpu.memory_space<vmem>> -> memref<1x100xi32, #tpu.memory_space<vmem>>
      %dma_start3A_427 = tpu.memref_squeeze %dma_start3A_426 : memref<1x100xi32, #tpu.memory_space<vmem>> -> memref<100xi32, #tpu.memory_space<vmem>>
      %dma_start3A_428 = arith.constant 0 : i32
      %dma_start3A_429 = arith.constant 0 : i32
      %dma_start3A_430 = tpu.memref_slice %arg2[%dma_start3A_428, %dma_start3A_429] : memref<100000x128xf32, #tpu.memory_space<hbm>> -> memref<100000x128xf32, #tpu.memory_space<hbm>>
      tpu.enqueue_indirect_dma source(%dma_start3A_430 : memref<100000x128xf32, #tpu.memory_space<hbm>>) target(%arg17 : memref<100x128xf32, #tpu.memory_space<vmem>>) offsets(%dma_start3A_427 : memref<100xi32, #tpu.memory_space<vmem>>) semaphore(%arg24 : memref<!tpu.dma_semaphore, #tpu.memory_space<semaphore_mem>>)
      %dma_start3A_431 = arith.constant 0 : i32
      %dma_start3A_432 = tpu.memref_slice %arg12[%add3A_418, %dma_start3A_431] : memref<32x100xi32, #tpu.memory_space<vmem>> -> memref<1x100xi32, #tpu.memory_space<vmem>>
      %dma_start3A_433 = tpu.memref_squeeze %dma_start3A_432 : memref<1x100xi32, #tpu.memory_space<vmem>> -> memref<100xi32, #tpu.memory_space<vmem>>
      %dma_start3A_434 = arith.constant 0 : i32
      %dma_start3A_435 = arith.constant 0 : i32
      %dma_start3A_436 = tpu.memref_slice %arg2[%dma_start3A_434, %dma_start3A_435] : memref<100000x128xf32, #tpu.memory_space<hbm>> -> memref<100000x128xf32, #tpu.memory_space<hbm>>
      tpu.enqueue_indirect_dma source(%dma_start3A_436 : memref<100000x128xf32, #tpu.memory_space<hbm>>) target(%arg18 : memref<100x128xf32, #tpu.memory_space<vmem>>) offsets(%dma_start3A_433 : memref<100xi32, #tpu.memory_space<vmem>>) semaphore(%arg24 : memref<!tpu.dma_semaphore, #tpu.memory_space<semaphore_mem>>)
      %add3A_437 = arith.constant 1 : i32
      %add3A_438 = arith.addi %add3A_378, %add3A_437 : i32
      %dma_wait3A_439 = arith.constant 0 : i32
      %dma_wait3A_440 = tpu.memref_slice %arg10[%add3A_438, %dma_wait3A_439] : memref<32x100xi32, #tpu.memory_space<vmem>> -> memref<1x100xi32, #tpu.memory_space<vmem>>
      %dma_wait3A_441 = tpu.memref_squeeze %dma_wait3A_440 : memref<1x100xi32, #tpu.memory_space<vmem>> -> memref<100xi32, #tpu.memory_space<vmem>>
      %dma_wait3A_442 = arith.constant 0 : i32
      %dma_wait3A_443 = arith.constant 0 : i32
      %dma_wait3A_444 = tpu.memref_slice %arg2[%dma_wait3A_442, %dma_wait3A_443] : memref<100000x128xf32, #tpu.memory_space<hbm>> -> memref<100000x128xf32, #tpu.memory_space<hbm>>
      tpu.wait_indirect_dma semaphore(%arg25 : memref<!tpu.dma_semaphore, #tpu.memory_space<semaphore_mem>>) src(%dma_wait3A_444 : memref<100000x128xf32, #tpu.memory_space<hbm>>) dst(%arg20 : memref<100x128xf32, #tpu.memory_space<vmem>>)
      %dma_wait3A_445 = arith.constant 0 : i32
      %dma_wait3A_446 = tpu.memref_slice %arg11[%add3A_438, %dma_wait3A_445] : memref<32x100xi32, #tpu.memory_space<vmem>> -> memref<1x100xi32, #tpu.memory_space<vmem>>
      %dma_wait3A_447 = tpu.memref_squeeze %dma_wait3A_446 : memref<1x100xi32, #tpu.memory_space<vmem>> -> memref<100xi32, #tpu.memory_space<vmem>>
      %dma_wait3A_448 = arith.constant 0 : i32
      %dma_wait3A_449 = arith.constant 0 : i32
      %dma_wait3A_450 = tpu.memref_slice %arg2[%dma_wait3A_448, %dma_wait3A_449] : memref<100000x128xf32, #tpu.memory_space<hbm>> -> memref<100000x128xf32, #tpu.memory_space<hbm>>
      tpu.wait_indirect_dma semaphore(%arg25 : memref<!tpu.dma_semaphore, #tpu.memory_space<semaphore_mem>>) src(%dma_wait3A_450 : memref<100000x128xf32, #tpu.memory_space<hbm>>) dst(%arg21 : memref<100x128xf32, #tpu.memory_space<vmem>>)
      %dma_wait3A_451 = arith.constant 0 : i32
      %dma_wait3A_452 = tpu.memref_slice %arg12[%add3A_438, %dma_wait3A_451] : memref<32x100xi32, #tpu.memory_space<vmem>> -> memref<1x100xi32, #tpu.memory_space<vmem>>
      %dma_wait3A_453 = tpu.memref_squeeze %dma_wait3A_452 : memref<1x100xi32, #tpu.memory_space<vmem>> -> memref<100xi32, #tpu.memory_space<vmem>>
      %dma_wait3A_454 = arith.constant 0 : i32
      %dma_wait3A_455 = arith.constant 0 : i32
      %dma_wait3A_456 = tpu.memref_slice %arg2[%dma_wait3A_454, %dma_wait3A_455] : memref<100000x128xf32, #tpu.memory_space<hbm>> -> memref<100000x128xf32, #tpu.memory_space<hbm>>
      tpu.wait_indirect_dma semaphore(%arg25 : memref<!tpu.dma_semaphore, #tpu.memory_space<semaphore_mem>>) src(%dma_wait3A_456 : memref<100000x128xf32, #tpu.memory_space<hbm>>) dst(%arg22 : memref<100x128xf32, #tpu.memory_space<vmem>>)
      %sub3A_457 = arith.constant 2 : i32
      %sub3A_458 = arith.subi %add3A_438, %sub3A_457 : i32
      %dma_wait3A_459 = arith.constant 0 : i32
      %dma_wait3A_460 = tpu.memref_slice %arg13[%sub3A_458, %dma_wait3A_459] : memref<32x100xi32, #tpu.memory_space<vmem>> -> memref<1x100xi32, #tpu.memory_space<vmem>>
      %dma_wait3A_461 = tpu.memref_squeeze %dma_wait3A_460 : memref<1x100xi32, #tpu.memory_space<vmem>> -> memref<100xi32, #tpu.memory_space<vmem>>
      %dma_wait3A_462 = arith.constant 0 : i32
      %dma_wait3A_463 = arith.constant 0 : i32
      %dma_wait3A_464 = tpu.memref_slice %arg9[%dma_wait3A_462, %dma_wait3A_463] : memref<200000x128xf32, #tpu.memory_space<hbm>> -> memref<200000x128xf32, #tpu.memory_space<hbm>>
      tpu.wait_indirect_dma semaphore(%arg27 : memref<!tpu.dma_semaphore, #tpu.memory_space<semaphore_mem>>) src(%arg23 : memref<100x128xf32, #tpu.memory_space<vmem>>) dst(%dma_wait3A_464 : memref<200000x128xf32, #tpu.memory_space<hbm>>)
      %scan3A_465 = arith.constant 0 : i32
      %scan3A_466 = arith.constant 0 : i32
      %scan3A_467 = arith.constant 100 : i32
      %scan3A_468 = arith.addi %scan3A_466, %scan3A_467 : i32
      %scan3A_469 = arith.constant 1 : i32
      %scan3A_470 = scf.for %scan3A_498 = %scan3A_466 to %scan3A_468 step %scan3A_469 iter_args(%scan3A_499 = %scan3A_465) -> (i32)  : i32 {
        %get3A = arith.index_cast %scan3A_498 : i32 to index
        %get3A_500 = arith.constant 0 : index
        %get3A_501 = tpu.vector_load %arg20[%get3A, %get3A_500] {strides = array<i32>} : memref<100x128xf32, #tpu.memory_space<vmem>>, vector<1x16xf32>,
        %get3A_502 = vector.shape_cast %get3A_501 : vector<1x16xf32> to vector<16xf32>
        %get3A_503 = arith.index_cast %scan3A_498 : i32 to index
        %get3A_504 = arith.constant 0 : index
        %get3A_505 = tpu.vector_load %arg21[%get3A_503, %get3A_504] {strides = array<i32>} : memref<100x128xf32, #tpu.memory_space<vmem>>, vector<1x16xf32>,
        %get3A_506 = vector.shape_cast %get3A_505 : vector<1x16xf32> to vector<16xf32>
        %add3A_507 = arith.addf %get3A_502, %get3A_506 : vector<16xf32>
        %get3A_508 = arith.index_cast %scan3A_498 : i32 to index
        %get3A_509 = arith.constant 0 : index
        %get3A_510 = tpu.vector_load %arg22[%get3A_508, %get3A_509] {strides = array<i32>} : memref<100x128xf32, #tpu.memory_space<vmem>>, vector<1x16xf32>,
        %get3A_511 = vector.shape_cast %get3A_510 : vector<1x16xf32> to vector<16xf32>
        %add3A_512 = arith.addf %add3A_507, %get3A_511 : vector<16xf32>
        %mul3A_513 = arith.constant 0.333333343 : f32
        %mul3A_514 = vector.broadcast %mul3A_513 : f32 to vector<16xf32>
        %mul3A_515 = arith.mulf %add3A_512, %mul3A_514 : vector<16xf32>
        %swap3A = arith.index_cast %scan3A_498 : i32 to index
        %swap3A_516 = arith.constant 0 : index
        %swap3A_517 = tpu.vector_load %arg23[%swap3A, %swap3A_516] {strides = array<i32>} : memref<100x128xf32, #tpu.memory_space<vmem>>, vector<1x16xf32>,
        %swap3A_518 = vector.shape_cast %swap3A_517 : vector<1x16xf32> to vector<16xf32>
        %swap3A_519 = vector.shape_cast %mul3A_515 : vector<16xf32> to vector<1x16xf32>
        tpu.vector_store %arg23[%swap3A, %swap3A_516], %swap3A_519 {strides = array<i32>} : memref<100x128xf32, #tpu.memory_space<vmem>>, vector<1x16xf32>,
        %get3A_520 = arith.index_cast %scan3A_498 : i32 to index
        %get3A_521 = arith.constant 16 : index
        %get3A_522 = tpu.vector_load %arg20[%get3A_520, %get3A_521] {strides = array<i32>} : memref<100x128xf32, #tpu.memory_space<vmem>>, vector<1x16xf32>,
        %get3A_523 = vector.shape_cast %get3A_522 : vector<1x16xf32> to vector<16xf32>
        %get3A_524 = arith.index_cast %scan3A_498 : i32 to index
        %get3A_525 = arith.constant 16 : index
        %get3A_526 = tpu.vector_load %arg21[%get3A_524, %get3A_525] {strides = array<i32>} : memref<100x128xf32, #tpu.memory_space<vmem>>, vector<1x16xf32>,
        %get3A_527 = vector.shape_cast %get3A_526 : vector<1x16xf32> to vector<16xf32>
        %add3A_528 = arith.addf %get3A_523, %get3A_527 : vector<16xf32>
        %get3A_529 = arith.index_cast %scan3A_498 : i32 to index
        %get3A_530 = arith.constant 16 : index
        %get3A_531 = tpu.vector_load %arg22[%get3A_529, %get3A_530] {strides = array<i32>} : memref<100x128xf32, #tpu.memory_space<vmem>>, vector<1x16xf32>,
        %get3A_532 = vector.shape_cast %get3A_531 : vector<1x16xf32> to vector<16xf32>
        %add3A_533 = arith.addf %add3A_528, %get3A_532 : vector<16xf32>
        %mul3A_534 = arith.constant 0.333333343 : f32
        %mul3A_535 = vector.broadcast %mul3A_534 : f32 to vector<16xf32>
        %mul3A_536 = arith.mulf %add3A_533, %mul3A_535 : vector<16xf32>
        %swap3A_537 = arith.index_cast %scan3A_498 : i32 to index
        %swap3A_538 = arith.constant 16 : index
        %swap3A_539 = tpu.vector_load %arg23[%swap3A_537, %swap3A_538] {strides = array<i32>} : memref<100x128xf32, #tpu.memory_space<vmem>>, vector<1x16xf32>,
        %swap3A_540 = vector.shape_cast %swap3A_539 : vector<1x16xf32> to vector<16xf32>
        %swap3A_541 = vector.shape_cast %mul3A_536 : vector<16xf32> to vector<1x16xf32>
        tpu.vector_store %arg23[%swap3A_537, %swap3A_538], %swap3A_541 {strides = array<i32>} : memref<100x128xf32, #tpu.memory_space<vmem>>, vector<1x16xf32>,
        %get3A_542 = arith.index_cast %scan3A_498 : i32 to index
        %get3A_543 = arith.constant 32 : index
        %get3A_544 = tpu.vector_load %arg20[%get3A_542, %get3A_543] {strides = array<i32>} : memref<100x128xf32, #tpu.memory_space<vmem>>, vector<1x16xf32>,
        %get3A_545 = vector.shape_cast %get3A_544 : vector<1x16xf32> to vector<16xf32>
        %get3A_546 = arith.index_cast %scan3A_498 : i32 to index
        %get3A_547 = arith.constant 32 : index
        %get3A_548 = tpu.vector_load %arg21[%get3A_546, %get3A_547] {strides = array<i32>} : memref<100x128xf32, #tpu.memory_space<vmem>>, vector<1x16xf32>,
        %get3A_549 = vector.shape_cast %get3A_548 : vector<1x16xf32> to vector<16xf32>
        %add3A_550 = arith.addf %get3A_545, %get3A_549 : vector<16xf32>
        %get3A_551 = arith.index_cast %scan3A_498 : i32 to index
        %get3A_552 = arith.constant 32 : index
        %get3A_553 = tpu.vector_load %arg22[%get3A_551, %get3A_552] {strides = array<i32>} : memref<100x128xf32, #tpu.memory_space<vmem>>, vector<1x16xf32>,
        %get3A_554 = vector.shape_cast %get3A_553 : vector<1x16xf32> to vector<16xf32>
        %add3A_555 = arith.addf %add3A_550, %get3A_554 : vector<16xf32>
        %mul3A_556 = arith.constant 0.333333343 : f32
        %mul3A_557 = vector.broadcast %mul3A_556 : f32 to vector<16xf32>
        %mul3A_558 = arith.mulf %add3A_555, %mul3A_557 : vector<16xf32>
        %swap3A_559 = arith.index_cast %scan3A_498 : i32 to index
        %swap3A_560 = arith.constant 32 : index
        %swap3A_561 = tpu.vector_load %arg23[%swap3A_559, %swap3A_560] {strides = array<i32>} : memref<100x128xf32, #tpu.memory_space<vmem>>, vector<1x16xf32>,
        %swap3A_562 = vector.shape_cast %swap3A_561 : vector<1x16xf32> to vector<16xf32>
        %swap3A_563 = vector.shape_cast %mul3A_558 : vector<16xf32> to vector<1x16xf32>
        tpu.vector_store %arg23[%swap3A_559, %swap3A_560], %swap3A_563 {strides = array<i32>} : memref<100x128xf32, #tpu.memory_space<vmem>>, vector<1x16xf32>,
        %get3A_564 = arith.index_cast %scan3A_498 : i32 to index
        %get3A_565 = arith.constant 48 : index
        %get3A_566 = tpu.vector_load %arg20[%get3A_564, %get3A_565] {strides = array<i32>} : memref<100x128xf32, #tpu.memory_space<vmem>>, vector<1x16xf32>,
        %get3A_567 = vector.shape_cast %get3A_566 : vector<1x16xf32> to vector<16xf32>
        %get3A_568 = arith.index_cast %scan3A_498 : i32 to index
        %get3A_569 = arith.constant 48 : index
        %get3A_570 = tpu.vector_load %arg21[%get3A_568, %get3A_569] {strides = array<i32>} : memref<100x128xf32, #tpu.memory_space<vmem>>, vector<1x16xf32>,
        %get3A_571 = vector.shape_cast %get3A_570 : vector<1x16xf32> to vector<16xf32>
        %add3A_572 = arith.addf %get3A_567, %get3A_571 : vector<16xf32>
        %get3A_573 = arith.index_cast %scan3A_498 : i32 to index
        %get3A_574 = arith.constant 48 : index
        %get3A_575 = tpu.vector_load %arg22[%get3A_573, %get3A_574] {strides = array<i32>} : memref<100x128xf32, #tpu.memory_space<vmem>>, vector<1x16xf32>,
        %get3A_576 = vector.shape_cast %get3A_575 : vector<1x16xf32> to vector<16xf32>
        %add3A_577 = arith.addf %add3A_572, %get3A_576 : vector<16xf32>
        %mul3A_578 = arith.constant 0.333333343 : f32
        %mul3A_579 = vector.broadcast %mul3A_578 : f32 to vector<16xf32>
        %mul3A_580 = arith.mulf %add3A_577, %mul3A_579 : vector<16xf32>
        %swap3A_581 = arith.index_cast %scan3A_498 : i32 to index
        %swap3A_582 = arith.constant 48 : index
        %swap3A_583 = tpu.vector_load %arg23[%swap3A_581, %swap3A_582] {strides = array<i32>} : memref<100x128xf32, #tpu.memory_space<vmem>>, vector<1x16xf32>,
        %swap3A_584 = vector.shape_cast %swap3A_583 : vector<1x16xf32> to vector<16xf32>
        %swap3A_585 = vector.shape_cast %mul3A_580 : vector<16xf32> to vector<1x16xf32>
        tpu.vector_store %arg23[%swap3A_581, %swap3A_582], %swap3A_585 {strides = array<i32>} : memref<100x128xf32, #tpu.memory_space<vmem>>, vector<1x16xf32>,
        %get3A_586 = arith.index_cast %scan3A_498 : i32 to index
        %get3A_587 = arith.constant 64 : index
        %get3A_588 = tpu.vector_load %arg20[%get3A_586, %get3A_587] {strides = array<i32>} : memref<100x128xf32, #tpu.memory_space<vmem>>, vector<1x16xf32>,
        %get3A_589 = vector.shape_cast %get3A_588 : vector<1x16xf32> to vector<16xf32>
        %get3A_590 = arith.index_cast %scan3A_498 : i32 to index
        %get3A_591 = arith.constant 64 : index
        %get3A_592 = tpu.vector_load %arg21[%get3A_590, %get3A_591] {strides = array<i32>} : memref<100x128xf32, #tpu.memory_space<vmem>>, vector<1x16xf32>,
        %get3A_593 = vector.shape_cast %get3A_592 : vector<1x16xf32> to vector<16xf32>
        %add3A_594 = arith.addf %get3A_589, %get3A_593 : vector<16xf32>
        %get3A_595 = arith.index_cast %scan3A_498 : i32 to index
        %get3A_596 = arith.constant 64 : index
        %get3A_597 = tpu.vector_load %arg22[%get3A_595, %get3A_596] {strides = array<i32>} : memref<100x128xf32, #tpu.memory_space<vmem>>, vector<1x16xf32>,
        %get3A_598 = vector.shape_cast %get3A_597 : vector<1x16xf32> to vector<16xf32>
        %add3A_599 = arith.addf %add3A_594, %get3A_598 : vector<16xf32>
        %mul3A_600 = arith.constant 0.333333343 : f32
        %mul3A_601 = vector.broadcast %mul3A_600 : f32 to vector<16xf32>
        %mul3A_602 = arith.mulf %add3A_599, %mul3A_601 : vector<16xf32>
        %swap3A_603 = arith.index_cast %scan3A_498 : i32 to index
        %swap3A_604 = arith.constant 64 : index
        %swap3A_605 = tpu.vector_load %arg23[%swap3A_603, %swap3A_604] {strides = array<i32>} : memref<100x128xf32, #tpu.memory_space<vmem>>, vector<1x16xf32>,
        %swap3A_606 = vector.shape_cast %swap3A_605 : vector<1x16xf32> to vector<16xf32>
        %swap3A_607 = vector.shape_cast %mul3A_602 : vector<16xf32> to vector<1x16xf32>
        tpu.vector_store %arg23[%swap3A_603, %swap3A_604], %swap3A_607 {strides = array<i32>} : memref<100x128xf32, #tpu.memory_space<vmem>>, vector<1x16xf32>,
        %get3A_608 = arith.index_cast %scan3A_498 : i32 to index
        %get3A_609 = arith.constant 80 : index
        %get3A_610 = tpu.vector_load %arg20[%get3A_608, %get3A_609] {strides = array<i32>} : memref<100x128xf32, #tpu.memory_space<vmem>>, vector<1x16xf32>,
        %get3A_611 = vector.shape_cast %get3A_610 : vector<1x16xf32> to vector<16xf32>
        %get3A_612 = arith.index_cast %scan3A_498 : i32 to index
        %get3A_613 = arith.constant 80 : index
        %get3A_614 = tpu.vector_load %arg21[%get3A_612, %get3A_613] {strides = array<i32>} : memref<100x128xf32, #tpu.memory_space<vmem>>, vector<1x16xf32>,
        %get3A_615 = vector.shape_cast %get3A_614 : vector<1x16xf32> to vector<16xf32>
        %add3A_616 = arith.addf %get3A_611, %get3A_615 : vector<16xf32>
        %get3A_617 = arith.index_cast %scan3A_498 : i32 to index
        %get3A_618 = arith.constant 80 : index
        %get3A_619 = tpu.vector_load %arg22[%get3A_617, %get3A_618] {strides = array<i32>} : memref<100x128xf32, #tpu.memory_space<vmem>>, vector<1x16xf32>,
        %get3A_620 = vector.shape_cast %get3A_619 : vector<1x16xf32> to vector<16xf32>
        %add3A_621 = arith.addf %add3A_616, %get3A_620 : vector<16xf32>
        %mul3A_622 = arith.constant 0.333333343 : f32
        %mul3A_623 = vector.broadcast %mul3A_622 : f32 to vector<16xf32>
        %mul3A_624 = arith.mulf %add3A_621, %mul3A_623 : vector<16xf32>
        %swap3A_625 = arith.index_cast %scan3A_498 : i32 to index
        %swap3A_626 = arith.constant 80 : index
        %swap3A_627 = tpu.vector_load %arg23[%swap3A_625, %swap3A_626] {strides = array<i32>} : memref<100x128xf32, #tpu.memory_space<vmem>>, vector<1x16xf32>,
        %swap3A_628 = vector.shape_cast %swap3A_627 : vector<1x16xf32> to vector<16xf32>
        %swap3A_629 = vector.shape_cast %mul3A_624 : vector<16xf32> to vector<1x16xf32>
        tpu.vector_store %arg23[%swap3A_625, %swap3A_626], %swap3A_629 {strides = array<i32>} : memref<100x128xf32, #tpu.memory_space<vmem>>, vector<1x16xf32>,
        %get3A_630 = arith.index_cast %scan3A_498 : i32 to index
        %get3A_631 = arith.constant 96 : index
        %get3A_632 = tpu.vector_load %arg20[%get3A_630, %get3A_631] {strides = array<i32>} : memref<100x128xf32, #tpu.memory_space<vmem>>, vector<1x16xf32>,
        %get3A_633 = vector.shape_cast %get3A_632 : vector<1x16xf32> to vector<16xf32>
        %get3A_634 = arith.index_cast %scan3A_498 : i32 to index
        %get3A_635 = arith.constant 96 : index
        %get3A_636 = tpu.vector_load %arg21[%get3A_634, %get3A_635] {strides = array<i32>} : memref<100x128xf32, #tpu.memory_space<vmem>>, vector<1x16xf32>,
        %get3A_637 = vector.shape_cast %get3A_636 : vector<1x16xf32> to vector<16xf32>
        %add3A_638 = arith.addf %get3A_633, %get3A_637 : vector<16xf32>
        %get3A_639 = arith.index_cast %scan3A_498 : i32 to index
        %get3A_640 = arith.constant 96 : index
        %get3A_641 = tpu.vector_load %arg22[%get3A_639, %get3A_640] {strides = array<i32>} : memref<100x128xf32, #tpu.memory_space<vmem>>, vector<1x16xf32>,
        %get3A_642 = vector.shape_cast %get3A_641 : vector<1x16xf32> to vector<16xf32>
        %add3A_643 = arith.addf %add3A_638, %get3A_642 : vector<16xf32>
        %mul3A_644 = arith.constant 0.333333343 : f32
        %mul3A_645 = vector.broadcast %mul3A_644 : f32 to vector<16xf32>
        %mul3A_646 = arith.mulf %add3A_643, %mul3A_645 : vector<16xf32>
        %swap3A_647 = arith.index_cast %scan3A_498 : i32 to index
        %swap3A_648 = arith.constant 96 : index
        %swap3A_649 = tpu.vector_load %arg23[%swap3A_647, %swap3A_648] {strides = array<i32>} : memref<100x128xf32, #tpu.memory_space<vmem>>, vector<1x16xf32>,
        %swap3A_650 = vector.shape_cast %swap3A_649 : vector<1x16xf32> to vector<16xf32>
        %swap3A_651 = vector.shape_cast %mul3A_646 : vector<16xf32> to vector<1x16xf32>
        tpu.vector_store %arg23[%swap3A_647, %swap3A_648], %swap3A_651 {strides = array<i32>} : memref<100x128xf32, #tpu.memory_space<vmem>>, vector<1x16xf32>,
        %get3A_652 = arith.index_cast %scan3A_498 : i32 to index
        %get3A_653 = arith.constant 112 : index
        %get3A_654 = tpu.vector_load %arg20[%get3A_652, %get3A_653] {strides = array<i32>} : memref<100x128xf32, #tpu.memory_space<vmem>>, vector<1x16xf32>,
        %get3A_655 = vector.shape_cast %get3A_654 : vector<1x16xf32> to vector<16xf32>
        %get3A_656 = arith.index_cast %scan3A_498 : i32 to index
        %get3A_657 = arith.constant 112 : index
        %get3A_658 = tpu.vector_load %arg21[%get3A_656, %get3A_657] {strides = array<i32>} : memref<100x128xf32, #tpu.memory_space<vmem>>, vector<1x16xf32>,
        %get3A_659 = vector.shape_cast %get3A_658 : vector<1x16xf32> to vector<16xf32>
        %add3A_660 = arith.addf %get3A_655, %get3A_659 : vector<16xf32>
        %get3A_661 = arith.index_cast %scan3A_498 : i32 to index
        %get3A_662 = arith.constant 112 : index
        %get3A_663 = tpu.vector_load %arg22[%get3A_661, %get3A_662] {strides = array<i32>} : memref<100x128xf32, #tpu.memory_space<vmem>>, vector<1x16xf32>,
        %get3A_664 = vector.shape_cast %get3A_663 : vector<1x16xf32> to vector<16xf32>
        %add3A_665 = arith.addf %add3A_660, %get3A_664 : vector<16xf32>
        %mul3A_666 = arith.constant 0.333333343 : f32
        %mul3A_667 = vector.broadcast %mul3A_666 : f32 to vector<16xf32>
        %mul3A_668 = arith.mulf %add3A_665, %mul3A_667 : vector<16xf32>
        %swap3A_669 = arith.index_cast %scan3A_498 : i32 to index
        %swap3A_670 = arith.constant 112 : index
        %swap3A_671 = tpu.vector_load %arg23[%swap3A_669, %swap3A_670] {strides = array<i32>} : memref<100x128xf32, #tpu.memory_space<vmem>>, vector<1x16xf32>,
        %swap3A_672 = vector.shape_cast %swap3A_671 : vector<1x16xf32> to vector<16xf32>
        %swap3A_673 = vector.shape_cast %mul3A_668 : vector<16xf32> to vector<1x16xf32>
        tpu.vector_store %arg23[%swap3A_669, %swap3A_670], %swap3A_673 {strides = array<i32>} : memref<100x128xf32, #tpu.memory_space<vmem>>, vector<1x16xf32>,
        %scan3A_674 = arith.constant 0 : i32
        scf.yield %scan3A_674 : i32
      }
      %scan3A_471 = arith.constant 100 : i32
      %dma_start3A_472 = arith.constant 0 : i32
      %dma_start3A_473 = tpu.memref_slice %arg13[%add3A_438, %dma_start3A_472] : memref<32x100xi32, #tpu.memory_space<vmem>> -> memref<1x100xi32, #tpu.memory_space<vmem>>
      %dma_start3A_474 = tpu.memref_squeeze %dma_start3A_473 : memref<1x100xi32, #tpu.memory_space<vmem>> -> memref<100xi32, #tpu.memory_space<vmem>>
      %dma_start3A_475 = arith.constant 0 : i32
      %dma_start3A_476 = arith.constant 0 : i32
      %dma_start3A_477 = tpu.memref_slice %arg9[%dma_start3A_475, %dma_start3A_476] : memref<200000x128xf32, #tpu.memory_space<hbm>> -> memref<200000x128xf32, #tpu.memory_space<hbm>>
      tpu.enqueue_indirect_dma source(%arg23 : memref<100x128xf32, #tpu.memory_space<vmem>>) target(%dma_start3A_477 : memref<200000x128xf32, #tpu.memory_space<hbm>>) offsets(%dma_start3A_474 : memref<100xi32, #tpu.memory_space<vmem>>) semaphore(%arg27 : memref<!tpu.dma_semaphore, #tpu.memory_space<semaphore_mem>>)
      %add3A_478 = arith.constant 2 : i32
      %add3A_479 = arith.addi %add3A_438, %add3A_478 : i32
      %dma_start3A_480 = arith.constant 0 : i32
      %dma_start3A_481 = tpu.memref_slice %arg10[%add3A_479, %dma_start3A_480] : memref<32x100xi32, #tpu.memory_space<vmem>> -> memref<1x100xi32, #tpu.memory_space<vmem>>
      %dma_start3A_482 = tpu.memref_squeeze %dma_start3A_481 : memref<1x100xi32, #tpu.memory_space<vmem>> -> memref<100xi32, #tpu.memory_space<vmem>>
      %dma_start3A_483 = arith.constant 0 : i32
      %dma_start3A_484 = arith.constant 0 : i32
      %dma_start3A_485 = tpu.memref_slice %arg2[%dma_start3A_483, %dma_start3A_484] : memref<100000x128xf32, #tpu.memory_space<hbm>> -> memref<100000x128xf32, #tpu.memory_space<hbm>>
      tpu.enqueue_indirect_dma source(%dma_start3A_485 : memref<100000x128xf32, #tpu.memory_space<hbm>>) target(%arg20 : memref<100x128xf32, #tpu.memory_space<vmem>>) offsets(%dma_start3A_482 : memref<100xi32, #tpu.memory_space<vmem>>) semaphore(%arg25 : memref<!tpu.dma_semaphore, #tpu.memory_space<semaphore_mem>>)
      %dma_start3A_486 = arith.constant 0 : i32
      %dma_start3A_487 = tpu.memref_slice %arg11[%add3A_479, %dma_start3A_486] : memref<32x100xi32, #tpu.memory_space<vmem>> -> memref<1x100xi32, #tpu.memory_space<vmem>>
      %dma_start3A_488 = tpu.memref_squeeze %dma_start3A_487 : memref<1x100xi32, #tpu.memory_space<vmem>> -> memref<100xi32, #tpu.memory_space<vmem>>
      %dma_start3A_489 = arith.constant 0 : i32
      %dma_start3A_490 = arith.constant 0 : i32
      %dma_start3A_491 = tpu.memref_slice %arg2[%dma_start3A_489, %dma_start3A_490] : memref<100000x128xf32, #tpu.memory_space<hbm>> -> memref<100000x128xf32, #tpu.memory_space<hbm>>
      tpu.enqueue_indirect_dma source(%dma_start3A_491 : memref<100000x128xf32, #tpu.memory_space<hbm>>) target(%arg21 : memref<100x128xf32, #tpu.memory_space<vmem>>) offsets(%dma_start3A_488 : memref<100xi32, #tpu.memory_space<vmem>>) semaphore(%arg25 : memref<!tpu.dma_semaphore, #tpu.memory_space<semaphore_mem>>)
      %dma_start3A_492 = arith.constant 0 : i32
      %dma_start3A_493 = tpu.memref_slice %arg12[%add3A_479, %dma_start3A_492] : memref<32x100xi32, #tpu.memory_space<vmem>> -> memref<1x100xi32, #tpu.memory_space<vmem>>
      %dma_start3A_494 = tpu.memref_squeeze %dma_start3A_493 : memref<1x100xi32, #tpu.memory_space<vmem>> -> memref<100xi32, #tpu.memory_space<vmem>>
      %dma_start3A_495 = arith.constant 0 : i32
      %dma_start3A_496 = arith.constant 0 : i32
      %dma_start3A_497 = tpu.memref_slice %arg2[%dma_start3A_495, %dma_start3A_496] : memref<100000x128xf32, #tpu.memory_space<hbm>> -> memref<100000x128xf32, #tpu.memory_space<hbm>>
      tpu.enqueue_indirect_dma source(%dma_start3A_497 : memref<100000x128xf32, #tpu.memory_space<hbm>>) target(%arg22 : memref<100x128xf32, #tpu.memory_space<vmem>>) offsets(%dma_start3A_494 : memref<100xi32, #tpu.memory_space<vmem>>) semaphore(%arg25 : memref<!tpu.dma_semaphore, #tpu.memory_space<semaphore_mem>>)
    }
    %scan3A_157 = arith.constant 14 : i32
    %dma_wait3A_158 = arith.constant 30 : i32
    %dma_wait3A_159 = arith.constant 0 : i32
    %dma_wait3A_160 = tpu.memref_slice %arg10[%dma_wait3A_158, %dma_wait3A_159] : memref<32x100xi32, #tpu.memory_space<vmem>> -> memref<1x100xi32, #tpu.memory_space<vmem>>
    %dma_wait3A_161 = tpu.memref_squeeze %dma_wait3A_160 : memref<1x100xi32, #tpu.memory_space<vmem>> -> memref<100xi32, #tpu.memory_space<vmem>>
    %dma_wait3A_162 = arith.constant 0 : i32
    %dma_wait3A_163 = arith.constant 0 : i32
    %dma_wait3A_164 = tpu.memref_slice %arg2[%dma_wait3A_162, %dma_wait3A_163] : memref<100000x128xf32, #tpu.memory_space<hbm>> -> memref<100000x128xf32, #tpu.memory_space<hbm>>
    tpu.wait_indirect_dma semaphore(%arg24 : memref<!tpu.dma_semaphore, #tpu.memory_space<semaphore_mem>>) src(%dma_wait3A_164 : memref<100000x128xf32, #tpu.memory_space<hbm>>) dst(%arg16 : memref<100x128xf32, #tpu.memory_space<vmem>>)
    %dma_wait3A_165 = arith.constant 30 : i32
    %dma_wait3A_166 = arith.constant 0 : i32
    %dma_wait3A_167 = tpu.memref_slice %arg11[%dma_wait3A_165, %dma_wait3A_166] : memref<32x100xi32, #tpu.memory_space<vmem>> -> memref<1x100xi32, #tpu.memory_space<vmem>>
    %dma_wait3A_168 = tpu.memref_squeeze %dma_wait3A_167 : memref<1x100xi32, #tpu.memory_space<vmem>> -> memref<100xi32, #tpu.memory_space<vmem>>
    %dma_wait3A_169 = arith.constant 0 : i32
    %dma_wait3A_170 = arith.constant 0 : i32
    %dma_wait3A_171 = tpu.memref_slice %arg2[%dma_wait3A_169, %dma_wait3A_170] : memref<100000x128xf32, #tpu.memory_space<hbm>> -> memref<100000x128xf32, #tpu.memory_space<hbm>>
    tpu.wait_indirect_dma semaphore(%arg24 : memref<!tpu.dma_semaphore, #tpu.memory_space<semaphore_mem>>) src(%dma_wait3A_171 : memref<100000x128xf32, #tpu.memory_space<hbm>>) dst(%arg17 : memref<100x128xf32, #tpu.memory_space<vmem>>)
    %dma_wait3A_172 = arith.constant 30 : i32
    %dma_wait3A_173 = arith.constant 0 : i32
    %dma_wait3A_174 = tpu.memref_slice %arg12[%dma_wait3A_172, %dma_wait3A_173] : memref<32x100xi32, #tpu.memory_space<vmem>> -> memref<1x100xi32, #tpu.memory_space<vmem>>
    %dma_wait3A_175 = tpu.memref_squeeze %dma_wait3A_174 : memref<1x100xi32, #tpu.memory_space<vmem>> -> memref<100xi32, #tpu.memory_space<vmem>>
    %dma_wait3A_176 = arith.constant 0 : i32
    %dma_wait3A_177 = arith.constant 0 : i32
    %dma_wait3A_178 = tpu.memref_slice %arg2[%dma_wait3A_176, %dma_wait3A_177] : memref<100000x128xf32, #tpu.memory_space<hbm>> -> memref<100000x128xf32, #tpu.memory_space<hbm>>
    tpu.wait_indirect_dma semaphore(%arg24 : memref<!tpu.dma_semaphore, #tpu.memory_space<semaphore_mem>>) src(%dma_wait3A_178 : memref<100000x128xf32, #tpu.memory_space<hbm>>) dst(%arg18 : memref<100x128xf32, #tpu.memory_space<vmem>>)
    %dma_wait3A_179 = arith.constant 28 : i32
    %dma_wait3A_180 = arith.constant 0 : i32
    %dma_wait3A_181 = tpu.memref_slice %arg13[%dma_wait3A_179, %dma_wait3A_180] : memref<32x100xi32, #tpu.memory_space<vmem>> -> memref<1x100xi32, #tpu.memory_space<vmem>>
    %dma_wait3A_182 = tpu.memref_squeeze %dma_wait3A_181 : memref<1x100xi32, #tpu.memory_space<vmem>> -> memref<100xi32, #tpu.memory_space<vmem>>
    %dma_wait3A_183 = arith.constant 0 : i32
    %dma_wait3A_184 = arith.constant 0 : i32
    %dma_wait3A_185 = tpu.memref_slice %arg9[%dma_wait3A_183, %dma_wait3A_184] : memref<200000x128xf32, #tpu.memory_space<hbm>> -> memref<200000x128xf32, #tpu.memory_space<hbm>>
    tpu.wait_indirect_dma semaphore(%arg26 : memref<!tpu.dma_semaphore, #tpu.memory_space<semaphore_mem>>) src(%arg19 : memref<100x128xf32, #tpu.memory_space<vmem>>) dst(%dma_wait3A_185 : memref<200000x128xf32, #tpu.memory_space<hbm>>)
    %scan3A_186 = arith.constant 0 : i32
    %scan3A_187 = arith.constant 0 : i32
    %scan3A_188 = arith.constant 100 : i32
    %scan3A_189 = arith.addi %scan3A_187, %scan3A_188 : i32
    %scan3A_190 = arith.constant 1 : i32
    %scan3A_191 = scf.for %scan3A_374 = %scan3A_187 to %scan3A_189 step %scan3A_190 iter_args(%scan3A_375 = %scan3A_186) -> (i32)  : i32 {
      %get3A = arith.index_cast %scan3A_374 : i32 to index
      %get3A_376 = arith.constant 0 : index
      %get3A_377 = tpu.vector_load %arg16[%get3A, %get3A_376] {strides = array<i32>} : memref<100x128xf32, #tpu.memory_space<vmem>>, vector<1x16xf32>,
      %get3A_378 = vector.shape_cast %get3A_377 : vector<1x16xf32> to vector<16xf32>
      %get3A_379 = arith.index_cast %scan3A_374 : i32 to index
      %get3A_380 = arith.constant 0 : index
      %get3A_381 = tpu.vector_load %arg17[%get3A_379, %get3A_380] {strides = array<i32>} : memref<100x128xf32, #tpu.memory_space<vmem>>, vector<1x16xf32>,
      %get3A_382 = vector.shape_cast %get3A_381 : vector<1x16xf32> to vector<16xf32>
      %add3A_383 = arith.addf %get3A_378, %get3A_382 : vector<16xf32>
      %get3A_384 = arith.index_cast %scan3A_374 : i32 to index
      %get3A_385 = arith.constant 0 : index
      %get3A_386 = tpu.vector_load %arg18[%get3A_384, %get3A_385] {strides = array<i32>} : memref<100x128xf32, #tpu.memory_space<vmem>>, vector<1x16xf32>,
      %get3A_387 = vector.shape_cast %get3A_386 : vector<1x16xf32> to vector<16xf32>
      %add3A_388 = arith.addf %add3A_383, %get3A_387 : vector<16xf32>
      %mul3A_389 = arith.constant 0.333333343 : f32
      %mul3A_390 = vector.broadcast %mul3A_389 : f32 to vector<16xf32>
      %mul3A_391 = arith.mulf %add3A_388, %mul3A_390 : vector<16xf32>
      %swap3A = arith.index_cast %scan3A_374 : i32 to index
      %swap3A_392 = arith.constant 0 : index
      %swap3A_393 = tpu.vector_load %arg19[%swap3A, %swap3A_392] {strides = array<i32>} : memref<100x128xf32, #tpu.memory_space<vmem>>, vector<1x16xf32>,
      %swap3A_394 = vector.shape_cast %swap3A_393 : vector<1x16xf32> to vector<16xf32>
      %swap3A_395 = vector.shape_cast %mul3A_391 : vector<16xf32> to vector<1x16xf32>
      tpu.vector_store %arg19[%swap3A, %swap3A_392], %swap3A_395 {strides = array<i32>} : memref<100x128xf32, #tpu.memory_space<vmem>>, vector<1x16xf32>,
      %get3A_396 = arith.index_cast %scan3A_374 : i32 to index
      %get3A_397 = arith.constant 16 : index
      %get3A_398 = tpu.vector_load %arg16[%get3A_396, %get3A_397] {strides = array<i32>} : memref<100x128xf32, #tpu.memory_space<vmem>>, vector<1x16xf32>,
      %get3A_399 = vector.shape_cast %get3A_398 : vector<1x16xf32> to vector<16xf32>
      %get3A_400 = arith.index_cast %scan3A_374 : i32 to index
      %get3A_401 = arith.constant 16 : index
      %get3A_402 = tpu.vector_load %arg17[%get3A_400, %get3A_401] {strides = array<i32>} : memref<100x128xf32, #tpu.memory_space<vmem>>, vector<1x16xf32>,
      %get3A_403 = vector.shape_cast %get3A_402 : vector<1x16xf32> to vector<16xf32>
      %add3A_404 = arith.addf %get3A_399, %get3A_403 : vector<16xf32>
      %get3A_405 = arith.index_cast %scan3A_374 : i32 to index
      %get3A_406 = arith.constant 16 : index
      %get3A_407 = tpu.vector_load %arg18[%get3A_405, %get3A_406] {strides = array<i32>} : memref<100x128xf32, #tpu.memory_space<vmem>>, vector<1x16xf32>,
      %get3A_408 = vector.shape_cast %get3A_407 : vector<1x16xf32> to vector<16xf32>
      %add3A_409 = arith.addf %add3A_404, %get3A_408 : vector<16xf32>
      %mul3A_410 = arith.constant 0.333333343 : f32
      %mul3A_411 = vector.broadcast %mul3A_410 : f32 to vector<16xf32>
      %mul3A_412 = arith.mulf %add3A_409, %mul3A_411 : vector<16xf32>
      %swap3A_413 = arith.index_cast %scan3A_374 : i32 to index
      %swap3A_414 = arith.constant 16 : index
      %swap3A_415 = tpu.vector_load %arg19[%swap3A_413, %swap3A_414] {strides = array<i32>} : memref<100x128xf32, #tpu.memory_space<vmem>>, vector<1x16xf32>,
      %swap3A_416 = vector.shape_cast %swap3A_415 : vector<1x16xf32> to vector<16xf32>
      %swap3A_417 = vector.shape_cast %mul3A_412 : vector<16xf32> to vector<1x16xf32>
      tpu.vector_store %arg19[%swap3A_413, %swap3A_414], %swap3A_417 {strides = array<i32>} : memref<100x128xf32, #tpu.memory_space<vmem>>, vector<1x16xf32>,
      %get3A_418 = arith.index_cast %scan3A_374 : i32 to index
      %get3A_419 = arith.constant 32 : index
      %get3A_420 = tpu.vector_load %arg16[%get3A_418, %get3A_419] {strides = array<i32>} : memref<100x128xf32, #tpu.memory_space<vmem>>, vector<1x16xf32>,
      %get3A_421 = vector.shape_cast %get3A_420 : vector<1x16xf32> to vector<16xf32>
      %get3A_422 = arith.index_cast %scan3A_374 : i32 to index
      %get3A_423 = arith.constant 32 : index
      %get3A_424 = tpu.vector_load %arg17[%get3A_422, %get3A_423] {strides = array<i32>} : memref<100x128xf32, #tpu.memory_space<vmem>>, vector<1x16xf32>,
      %get3A_425 = vector.shape_cast %get3A_424 : vector<1x16xf32> to vector<16xf32>
      %add3A_426 = arith.addf %get3A_421, %get3A_425 : vector<16xf32>
      %get3A_427 = arith.index_cast %scan3A_374 : i32 to index
      %get3A_428 = arith.constant 32 : index
      %get3A_429 = tpu.vector_load %arg18[%get3A_427, %get3A_428] {strides = array<i32>} : memref<100x128xf32, #tpu.memory_space<vmem>>, vector<1x16xf32>,
      %get3A_430 = vector.shape_cast %get3A_429 : vector<1x16xf32> to vector<16xf32>
      %add3A_431 = arith.addf %add3A_426, %get3A_430 : vector<16xf32>
      %mul3A_432 = arith.constant 0.333333343 : f32
      %mul3A_433 = vector.broadcast %mul3A_432 : f32 to vector<16xf32>
      %mul3A_434 = arith.mulf %add3A_431, %mul3A_433 : vector<16xf32>
      %swap3A_435 = arith.index_cast %scan3A_374 : i32 to index
      %swap3A_436 = arith.constant 32 : index
      %swap3A_437 = tpu.vector_load %arg19[%swap3A_435, %swap3A_436] {strides = array<i32>} : memref<100x128xf32, #tpu.memory_space<vmem>>, vector<1x16xf32>,
      %swap3A_438 = vector.shape_cast %swap3A_437 : vector<1x16xf32> to vector<16xf32>
      %swap3A_439 = vector.shape_cast %mul3A_434 : vector<16xf32> to vector<1x16xf32>
      tpu.vector_store %arg19[%swap3A_435, %swap3A_436], %swap3A_439 {strides = array<i32>} : memref<100x128xf32, #tpu.memory_space<vmem>>, vector<1x16xf32>,
      %get3A_440 = arith.index_cast %scan3A_374 : i32 to index
      %get3A_441 = arith.constant 48 : index
      %get3A_442 = tpu.vector_load %arg16[%get3A_440, %get3A_441] {strides = array<i32>} : memref<100x128xf32, #tpu.memory_space<vmem>>, vector<1x16xf32>,
      %get3A_443 = vector.shape_cast %get3A_442 : vector<1x16xf32> to vector<16xf32>
      %get3A_444 = arith.index_cast %scan3A_374 : i32 to index
      %get3A_445 = arith.constant 48 : index
      %get3A_446 = tpu.vector_load %arg17[%get3A_444, %get3A_445] {strides = array<i32>} : memref<100x128xf32, #tpu.memory_space<vmem>>, vector<1x16xf32>,
      %get3A_447 = vector.shape_cast %get3A_446 : vector<1x16xf32> to vector<16xf32>
      %add3A_448 = arith.addf %get3A_443, %get3A_447 : vector<16xf32>
      %get3A_449 = arith.index_cast %scan3A_374 : i32 to index
      %get3A_450 = arith.constant 48 : index
      %get3A_451 = tpu.vector_load %arg18[%get3A_449, %get3A_450] {strides = array<i32>} : memref<100x128xf32, #tpu.memory_space<vmem>>, vector<1x16xf32>,
      %get3A_452 = vector.shape_cast %get3A_451 : vector<1x16xf32> to vector<16xf32>
      %add3A_453 = arith.addf %add3A_448, %get3A_452 : vector<16xf32>
      %mul3A_454 = arith.constant 0.333333343 : f32
      %mul3A_455 = vector.broadcast %mul3A_454 : f32 to vector<16xf32>
      %mul3A_456 = arith.mulf %add3A_453, %mul3A_455 : vector<16xf32>
      %swap3A_457 = arith.index_cast %scan3A_374 : i32 to index
      %swap3A_458 = arith.constant 48 : index
      %swap3A_459 = tpu.vector_load %arg19[%swap3A_457, %swap3A_458] {strides = array<i32>} : memref<100x128xf32, #tpu.memory_space<vmem>>, vector<1x16xf32>,
      %swap3A_460 = vector.shape_cast %swap3A_459 : vector<1x16xf32> to vector<16xf32>
      %swap3A_461 = vector.shape_cast %mul3A_456 : vector<16xf32> to vector<1x16xf32>
      tpu.vector_store %arg19[%swap3A_457, %swap3A_458], %swap3A_461 {strides = array<i32>} : memref<100x128xf32, #tpu.memory_space<vmem>>, vector<1x16xf32>,
      %get3A_462 = arith.index_cast %scan3A_374 : i32 to index
      %get3A_463 = arith.constant 64 : index
      %get3A_464 = tpu.vector_load %arg16[%get3A_462, %get3A_463] {strides = array<i32>} : memref<100x128xf32, #tpu.memory_space<vmem>>, vector<1x16xf32>,
      %get3A_465 = vector.shape_cast %get3A_464 : vector<1x16xf32> to vector<16xf32>
      %get3A_466 = arith.index_cast %scan3A_374 : i32 to index
      %get3A_467 = arith.constant 64 : index
      %get3A_468 = tpu.vector_load %arg17[%get3A_466, %get3A_467] {strides = array<i32>} : memref<100x128xf32, #tpu.memory_space<vmem>>, vector<1x16xf32>,
      %get3A_469 = vector.shape_cast %get3A_468 : vector<1x16xf32> to vector<16xf32>
      %add3A_470 = arith.addf %get3A_465, %get3A_469 : vector<16xf32>
      %get3A_471 = arith.index_cast %scan3A_374 : i32 to index
      %get3A_472 = arith.constant 64 : index
      %get3A_473 = tpu.vector_load %arg18[%get3A_471, %get3A_472] {strides = array<i32>} : memref<100x128xf32, #tpu.memory_space<vmem>>, vector<1x16xf32>,
      %get3A_474 = vector.shape_cast %get3A_473 : vector<1x16xf32> to vector<16xf32>
      %add3A_475 = arith.addf %add3A_470, %get3A_474 : vector<16xf32>
      %mul3A_476 = arith.constant 0.333333343 : f32
      %mul3A_477 = vector.broadcast %mul3A_476 : f32 to vector<16xf32>
      %mul3A_478 = arith.mulf %add3A_475, %mul3A_477 : vector<16xf32>
      %swap3A_479 = arith.index_cast %scan3A_374 : i32 to index
      %swap3A_480 = arith.constant 64 : index
      %swap3A_481 = tpu.vector_load %arg19[%swap3A_479, %swap3A_480] {strides = array<i32>} : memref<100x128xf32, #tpu.memory_space<vmem>>, vector<1x16xf32>,
      %swap3A_482 = vector.shape_cast %swap3A_481 : vector<1x16xf32> to vector<16xf32>
      %swap3A_483 = vector.shape_cast %mul3A_478 : vector<16xf32> to vector<1x16xf32>
      tpu.vector_store %arg19[%swap3A_479, %swap3A_480], %swap3A_483 {strides = array<i32>} : memref<100x128xf32, #tpu.memory_space<vmem>>, vector<1x16xf32>,
      %get3A_484 = arith.index_cast %scan3A_374 : i32 to index
      %get3A_485 = arith.constant 80 : index
      %get3A_486 = tpu.vector_load %arg16[%get3A_484, %get3A_485] {strides = array<i32>} : memref<100x128xf32, #tpu.memory_space<vmem>>, vector<1x16xf32>,
      %get3A_487 = vector.shape_cast %get3A_486 : vector<1x16xf32> to vector<16xf32>
      %get3A_488 = arith.index_cast %scan3A_374 : i32 to index
      %get3A_489 = arith.constant 80 : index
      %get3A_490 = tpu.vector_load %arg17[%get3A_488, %get3A_489] {strides = array<i32>} : memref<100x128xf32, #tpu.memory_space<vmem>>, vector<1x16xf32>,
      %get3A_491 = vector.shape_cast %get3A_490 : vector<1x16xf32> to vector<16xf32>
      %add3A_492 = arith.addf %get3A_487, %get3A_491 : vector<16xf32>
      %get3A_493 = arith.index_cast %scan3A_374 : i32 to index
      %get3A_494 = arith.constant 80 : index
      %get3A_495 = tpu.vector_load %arg18[%get3A_493, %get3A_494] {strides = array<i32>} : memref<100x128xf32, #tpu.memory_space<vmem>>, vector<1x16xf32>,
      %get3A_496 = vector.shape_cast %get3A_495 : vector<1x16xf32> to vector<16xf32>
      %add3A_497 = arith.addf %add3A_492, %get3A_496 : vector<16xf32>
      %mul3A_498 = arith.constant 0.333333343 : f32
      %mul3A_499 = vector.broadcast %mul3A_498 : f32 to vector<16xf32>
      %mul3A_500 = arith.mulf %add3A_497, %mul3A_499 : vector<16xf32>
      %swap3A_501 = arith.index_cast %scan3A_374 : i32 to index
      %swap3A_502 = arith.constant 80 : index
      %swap3A_503 = tpu.vector_load %arg19[%swap3A_501, %swap3A_502] {strides = array<i32>} : memref<100x128xf32, #tpu.memory_space<vmem>>, vector<1x16xf32>,
      %swap3A_504 = vector.shape_cast %swap3A_503 : vector<1x16xf32> to vector<16xf32>
      %swap3A_505 = vector.shape_cast %mul3A_500 : vector<16xf32> to vector<1x16xf32>
      tpu.vector_store %arg19[%swap3A_501, %swap3A_502], %swap3A_505 {strides = array<i32>} : memref<100x128xf32, #tpu.memory_space<vmem>>, vector<1x16xf32>,
      %get3A_506 = arith.index_cast %scan3A_374 : i32 to index
      %get3A_507 = arith.constant 96 : index
      %get3A_508 = tpu.vector_load %arg16[%get3A_506, %get3A_507] {strides = array<i32>} : memref<100x128xf32, #tpu.memory_space<vmem>>, vector<1x16xf32>,
      %get3A_509 = vector.shape_cast %get3A_508 : vector<1x16xf32> to vector<16xf32>
      %get3A_510 = arith.index_cast %scan3A_374 : i32 to index
      %get3A_511 = arith.constant 96 : index
      %get3A_512 = tpu.vector_load %arg17[%get3A_510, %get3A_511] {strides = array<i32>} : memref<100x128xf32, #tpu.memory_space<vmem>>, vector<1x16xf32>,
      %get3A_513 = vector.shape_cast %get3A_512 : vector<1x16xf32> to vector<16xf32>
      %add3A_514 = arith.addf %get3A_509, %get3A_513 : vector<16xf32>
      %get3A_515 = arith.index_cast %scan3A_374 : i32 to index
      %get3A_516 = arith.constant 96 : index
      %get3A_517 = tpu.vector_load %arg18[%get3A_515, %get3A_516] {strides = array<i32>} : memref<100x128xf32, #tpu.memory_space<vmem>>, vector<1x16xf32>,
      %get3A_518 = vector.shape_cast %get3A_517 : vector<1x16xf32> to vector<16xf32>
      %add3A_519 = arith.addf %add3A_514, %get3A_518 : vector<16xf32>
      %mul3A_520 = arith.constant 0.333333343 : f32
      %mul3A_521 = vector.broadcast %mul3A_520 : f32 to vector<16xf32>
      %mul3A_522 = arith.mulf %add3A_519, %mul3A_521 : vector<16xf32>
      %swap3A_523 = arith.index_cast %scan3A_374 : i32 to index
      %swap3A_524 = arith.constant 96 : index
      %swap3A_525 = tpu.vector_load %arg19[%swap3A_523, %swap3A_524] {strides = array<i32>} : memref<100x128xf32, #tpu.memory_space<vmem>>, vector<1x16xf32>,
      %swap3A_526 = vector.shape_cast %swap3A_525 : vector<1x16xf32> to vector<16xf32>
      %swap3A_527 = vector.shape_cast %mul3A_522 : vector<16xf32> to vector<1x16xf32>
      tpu.vector_store %arg19[%swap3A_523, %swap3A_524], %swap3A_527 {strides = array<i32>} : memref<100x128xf32, #tpu.memory_space<vmem>>, vector<1x16xf32>,
      %get3A_528 = arith.index_cast %scan3A_374 : i32 to index
      %get3A_529 = arith.constant 112 : index
      %get3A_530 = tpu.vector_load %arg16[%get3A_528, %get3A_529] {strides = array<i32>} : memref<100x128xf32, #tpu.memory_space<vmem>>, vector<1x16xf32>,
      %get3A_531 = vector.shape_cast %get3A_530 : vector<1x16xf32> to vector<16xf32>
      %get3A_532 = arith.index_cast %scan3A_374 : i32 to index
      %get3A_533 = arith.constant 112 : index
      %get3A_534 = tpu.vector_load %arg17[%get3A_532, %get3A_533] {strides = array<i32>} : memref<100x128xf32, #tpu.memory_space<vmem>>, vector<1x16xf32>,
      %get3A_535 = vector.shape_cast %get3A_534 : vector<1x16xf32> to vector<16xf32>
      %add3A_536 = arith.addf %get3A_531, %get3A_535 : vector<16xf32>
      %get3A_537 = arith.index_cast %scan3A_374 : i32 to index
      %get3A_538 = arith.constant 112 : index
      %get3A_539 = tpu.vector_load %arg18[%get3A_537, %get3A_538] {strides = array<i32>} : memref<100x128xf32, #tpu.memory_space<vmem>>, vector<1x16xf32>,
      %get3A_540 = vector.shape_cast %get3A_539 : vector<1x16xf32> to vector<16xf32>
      %add3A_541 = arith.addf %add3A_536, %get3A_540 : vector<16xf32>
      %mul3A_542 = arith.constant 0.333333343 : f32
      %mul3A_543 = vector.broadcast %mul3A_542 : f32 to vector<16xf32>
      %mul3A_544 = arith.mulf %add3A_541, %mul3A_543 : vector<16xf32>
      %swap3A_545 = arith.index_cast %scan3A_374 : i32 to index
      %swap3A_546 = arith.constant 112 : index
      %swap3A_547 = tpu.vector_load %arg19[%swap3A_545, %swap3A_546] {strides = array<i32>} : memref<100x128xf32, #tpu.memory_space<vmem>>, vector<1x16xf32>,
      %swap3A_548 = vector.shape_cast %swap3A_547 : vector<1x16xf32> to vector<16xf32>
      %swap3A_549 = vector.shape_cast %mul3A_544 : vector<16xf32> to vector<1x16xf32>
      tpu.vector_store %arg19[%swap3A_545, %swap3A_546], %swap3A_549 {strides = array<i32>} : memref<100x128xf32, #tpu.memory_space<vmem>>, vector<1x16xf32>,
      %scan3A_550 = arith.constant 0 : i32
      scf.yield %scan3A_550 : i32
    }
    %scan3A_192 = arith.constant 100 : i32
    %dma_start3A_193 = arith.constant 30 : i32
    %dma_start3A_194 = arith.constant 0 : i32
    %dma_start3A_195 = tpu.memref_slice %arg13[%dma_start3A_193, %dma_start3A_194] : memref<32x100xi32, #tpu.memory_space<vmem>> -> memref<1x100xi32, #tpu.memory_space<vmem>>
    %dma_start3A_196 = tpu.memref_squeeze %dma_start3A_195 : memref<1x100xi32, #tpu.memory_space<vmem>> -> memref<100xi32, #tpu.memory_space<vmem>>
    %dma_start3A_197 = arith.constant 0 : i32
    %dma_start3A_198 = arith.constant 0 : i32
    %dma_start3A_199 = tpu.memref_slice %arg9[%dma_start3A_197, %dma_start3A_198] : memref<200000x128xf32, #tpu.memory_space<hbm>> -> memref<200000x128xf32, #tpu.memory_space<hbm>>
    tpu.enqueue_indirect_dma source(%arg19 : memref<100x128xf32, #tpu.memory_space<vmem>>) target(%dma_start3A_199 : memref<200000x128xf32, #tpu.memory_space<hbm>>) offsets(%dma_start3A_196 : memref<100xi32, #tpu.memory_space<vmem>>) semaphore(%arg26 : memref<!tpu.dma_semaphore, #tpu.memory_space<semaphore_mem>>)
    %dma_wait3A_200 = arith.constant 31 : i32
    %dma_wait3A_201 = arith.constant 0 : i32
    %dma_wait3A_202 = tpu.memref_slice %arg10[%dma_wait3A_200, %dma_wait3A_201] : memref<32x100xi32, #tpu.memory_space<vmem>> -> memref<1x100xi32, #tpu.memory_space<vmem>>
    %dma_wait3A_203 = tpu.memref_squeeze %dma_wait3A_202 : memref<1x100xi32, #tpu.memory_space<vmem>> -> memref<100xi32, #tpu.memory_space<vmem>>
    %dma_wait3A_204 = arith.constant 0 : i32
    %dma_wait3A_205 = arith.constant 0 : i32
    %dma_wait3A_206 = tpu.memref_slice %arg2[%dma_wait3A_204, %dma_wait3A_205] : memref<100000x128xf32, #tpu.memory_space<hbm>> -> memref<100000x128xf32, #tpu.memory_space<hbm>>
    tpu.wait_indirect_dma semaphore(%arg25 : memref<!tpu.dma_semaphore, #tpu.memory_space<semaphore_mem>>) src(%dma_wait3A_206 : memref<100000x128xf32, #tpu.memory_space<hbm>>) dst(%arg20 : memref<100x128xf32, #tpu.memory_space<vmem>>)
    %dma_wait3A_207 = arith.constant 31 : i32
    %dma_wait3A_208 = arith.constant 0 : i32
    %dma_wait3A_209 = tpu.memref_slice %arg11[%dma_wait3A_207, %dma_wait3A_208] : memref<32x100xi32, #tpu.memory_space<vmem>> -> memref<1x100xi32, #tpu.memory_space<vmem>>
    %dma_wait3A_210 = tpu.memref_squeeze %dma_wait3A_209 : memref<1x100xi32, #tpu.memory_space<vmem>> -> memref<100xi32, #tpu.memory_space<vmem>>
    %dma_wait3A_211 = arith.constant 0 : i32
    %dma_wait3A_212 = arith.constant 0 : i32
    %dma_wait3A_213 = tpu.memref_slice %arg2[%dma_wait3A_211, %dma_wait3A_212] : memref<100000x128xf32, #tpu.memory_space<hbm>> -> memref<100000x128xf32, #tpu.memory_space<hbm>>
    tpu.wait_indirect_dma semaphore(%arg25 : memref<!tpu.dma_semaphore, #tpu.memory_space<semaphore_mem>>) src(%dma_wait3A_213 : memref<100000x128xf32, #tpu.memory_space<hbm>>) dst(%arg21 : memref<100x128xf32, #tpu.memory_space<vmem>>)
    %dma_wait3A_214 = arith.constant 31 : i32
    %dma_wait3A_215 = arith.constant 0 : i32
    %dma_wait3A_216 = tpu.memref_slice %arg12[%dma_wait3A_214, %dma_wait3A_215] : memref<32x100xi32, #tpu.memory_space<vmem>> -> memref<1x100xi32, #tpu.memory_space<vmem>>
    %dma_wait3A_217 = tpu.memref_squeeze %dma_wait3A_216 : memref<1x100xi32, #tpu.memory_space<vmem>> -> memref<100xi32, #tpu.memory_space<vmem>>
    %dma_wait3A_218 = arith.constant 0 : i32
    %dma_wait3A_219 = arith.constant 0 : i32
    %dma_wait3A_220 = tpu.memref_slice %arg2[%dma_wait3A_218, %dma_wait3A_219] : memref<100000x128xf32, #tpu.memory_space<hbm>> -> memref<100000x128xf32, #tpu.memory_space<hbm>>
    tpu.wait_indirect_dma semaphore(%arg25 : memref<!tpu.dma_semaphore, #tpu.memory_space<semaphore_mem>>) src(%dma_wait3A_220 : memref<100000x128xf32, #tpu.memory_space<hbm>>) dst(%arg22 : memref<100x128xf32, #tpu.memory_space<vmem>>)
    %dma_wait3A_221 = arith.constant 29 : i32
    %dma_wait3A_222 = arith.constant 0 : i32
    %dma_wait3A_223 = tpu.memref_slice %arg13[%dma_wait3A_221, %dma_wait3A_222] : memref<32x100xi32, #tpu.memory_space<vmem>> -> memref<1x100xi32, #tpu.memory_space<vmem>>
    %dma_wait3A_224 = tpu.memref_squeeze %dma_wait3A_223 : memref<1x100xi32, #tpu.memory_space<vmem>> -> memref<100xi32, #tpu.memory_space<vmem>>
    %dma_wait3A_225 = arith.constant 0 : i32
    %dma_wait3A_226 = arith.constant 0 : i32
    %dma_wait3A_227 = tpu.memref_slice %arg9[%dma_wait3A_225, %dma_wait3A_226] : memref<200000x128xf32, #tpu.memory_space<hbm>> -> memref<200000x128xf32, #tpu.memory_space<hbm>>
    tpu.wait_indirect_dma semaphore(%arg27 : memref<!tpu.dma_semaphore, #tpu.memory_space<semaphore_mem>>) src(%arg23 : memref<100x128xf32, #tpu.memory_space<vmem>>) dst(%dma_wait3A_227 : memref<200000x128xf32, #tpu.memory_space<hbm>>)
    %scan3A_228 = arith.constant 0 : i32
    %scan3A_229 = arith.constant 0 : i32
    %scan3A_230 = arith.constant 100 : i32
    %scan3A_231 = arith.addi %scan3A_229, %scan3A_230 : i32
    %scan3A_232 = arith.constant 1 : i32
    %scan3A_233 = scf.for %scan3A_374 = %scan3A_229 to %scan3A_231 step %scan3A_232 iter_args(%scan3A_375 = %scan3A_228) -> (i32)  : i32 {
      %get3A = arith.index_cast %scan3A_374 : i32 to index
      %get3A_376 = arith.constant 0 : index
      %get3A_377 = tpu.vector_load %arg20[%get3A, %get3A_376] {strides = array<i32>} : memref<100x128xf32, #tpu.memory_space<vmem>>, vector<1x16xf32>,
      %get3A_378 = vector.shape_cast %get3A_377 : vector<1x16xf32> to vector<16xf32>
      %get3A_379 = arith.index_cast %scan3A_374 : i32 to index
      %get3A_380 = arith.constant 0 : index
      %get3A_381 = tpu.vector_load %arg21[%get3A_379, %get3A_380] {strides = array<i32>} : memref<100x128xf32, #tpu.memory_space<vmem>>, vector<1x16xf32>,
      %get3A_382 = vector.shape_cast %get3A_381 : vector<1x16xf32> to vector<16xf32>
      %add3A_383 = arith.addf %get3A_378, %get3A_382 : vector<16xf32>
      %get3A_384 = arith.index_cast %scan3A_374 : i32 to index
      %get3A_385 = arith.constant 0 : index
      %get3A_386 = tpu.vector_load %arg22[%get3A_384, %get3A_385] {strides = array<i32>} : memref<100x128xf32, #tpu.memory_space<vmem>>, vector<1x16xf32>,
      %get3A_387 = vector.shape_cast %get3A_386 : vector<1x16xf32> to vector<16xf32>
      %add3A_388 = arith.addf %add3A_383, %get3A_387 : vector<16xf32>
      %mul3A_389 = arith.constant 0.333333343 : f32
      %mul3A_390 = vector.broadcast %mul3A_389 : f32 to vector<16xf32>
      %mul3A_391 = arith.mulf %add3A_388, %mul3A_390 : vector<16xf32>
      %swap3A = arith.index_cast %scan3A_374 : i32 to index
      %swap3A_392 = arith.constant 0 : index
      %swap3A_393 = tpu.vector_load %arg23[%swap3A, %swap3A_392] {strides = array<i32>} : memref<100x128xf32, #tpu.memory_space<vmem>>, vector<1x16xf32>,
      %swap3A_394 = vector.shape_cast %swap3A_393 : vector<1x16xf32> to vector<16xf32>
      %swap3A_395 = vector.shape_cast %mul3A_391 : vector<16xf32> to vector<1x16xf32>
      tpu.vector_store %arg23[%swap3A, %swap3A_392], %swap3A_395 {strides = array<i32>} : memref<100x128xf32, #tpu.memory_space<vmem>>, vector<1x16xf32>,
      %get3A_396 = arith.index_cast %scan3A_374 : i32 to index
      %get3A_397 = arith.constant 16 : index
      %get3A_398 = tpu.vector_load %arg20[%get3A_396, %get3A_397] {strides = array<i32>} : memref<100x128xf32, #tpu.memory_space<vmem>>, vector<1x16xf32>,
      %get3A_399 = vector.shape_cast %get3A_398 : vector<1x16xf32> to vector<16xf32>
      %get3A_400 = arith.index_cast %scan3A_374 : i32 to index
      %get3A_401 = arith.constant 16 : index
      %get3A_402 = tpu.vector_load %arg21[%get3A_400, %get3A_401] {strides = array<i32>} : memref<100x128xf32, #tpu.memory_space<vmem>>, vector<1x16xf32>,
      %get3A_403 = vector.shape_cast %get3A_402 : vector<1x16xf32> to vector<16xf32>
      %add3A_404 = arith.addf %get3A_399, %get3A_403 : vector<16xf32>
      %get3A_405 = arith.index_cast %scan3A_374 : i32 to index
      %get3A_406 = arith.constant 16 : index
      %get3A_407 = tpu.vector_load %arg22[%get3A_405, %get3A_406] {strides = array<i32>} : memref<100x128xf32, #tpu.memory_space<vmem>>, vector<1x16xf32>,
      %get3A_408 = vector.shape_cast %get3A_407 : vector<1x16xf32> to vector<16xf32>
      %add3A_409 = arith.addf %add3A_404, %get3A_408 : vector<16xf32>
      %mul3A_410 = arith.constant 0.333333343 : f32
      %mul3A_411 = vector.broadcast %mul3A_410 : f32 to vector<16xf32>
      %mul3A_412 = arith.mulf %add3A_409, %mul3A_411 : vector<16xf32>
      %swap3A_413 = arith.index_cast %scan3A_374 : i32 to index
      %swap3A_414 = arith.constant 16 : index
      %swap3A_415 = tpu.vector_load %arg23[%swap3A_413, %swap3A_414] {strides = array<i32>} : memref<100x128xf32, #tpu.memory_space<vmem>>, vector<1x16xf32>,
      %swap3A_416 = vector.shape_cast %swap3A_415 : vector<1x16xf32> to vector<16xf32>
      %swap3A_417 = vector.shape_cast %mul3A_412 : vector<16xf32> to vector<1x16xf32>
      tpu.vector_store %arg23[%swap3A_413, %swap3A_414], %swap3A_417 {strides = array<i32>} : memref<100x128xf32, #tpu.memory_space<vmem>>, vector<1x16xf32>,
      %get3A_418 = arith.index_cast %scan3A_374 : i32 to index
      %get3A_419 = arith.constant 32 : index
      %get3A_420 = tpu.vector_load %arg20[%get3A_418, %get3A_419] {strides = array<i32>} : memref<100x128xf32, #tpu.memory_space<vmem>>, vector<1x16xf32>,
      %get3A_421 = vector.shape_cast %get3A_420 : vector<1x16xf32> to vector<16xf32>
      %get3A_422 = arith.index_cast %scan3A_374 : i32 to index
      %get3A_423 = arith.constant 32 : index
      %get3A_424 = tpu.vector_load %arg21[%get3A_422, %get3A_423] {strides = array<i32>} : memref<100x128xf32, #tpu.memory_space<vmem>>, vector<1x16xf32>,
      %get3A_425 = vector.shape_cast %get3A_424 : vector<1x16xf32> to vector<16xf32>
      %add3A_426 = arith.addf %get3A_421, %get3A_425 : vector<16xf32>
      %get3A_427 = arith.index_cast %scan3A_374 : i32 to index
      %get3A_428 = arith.constant 32 : index
      %get3A_429 = tpu.vector_load %arg22[%get3A_427, %get3A_428] {strides = array<i32>} : memref<100x128xf32, #tpu.memory_space<vmem>>, vector<1x16xf32>,
      %get3A_430 = vector.shape_cast %get3A_429 : vector<1x16xf32> to vector<16xf32>
      %add3A_431 = arith.addf %add3A_426, %get3A_430 : vector<16xf32>
      %mul3A_432 = arith.constant 0.333333343 : f32
      %mul3A_433 = vector.broadcast %mul3A_432 : f32 to vector<16xf32>
      %mul3A_434 = arith.mulf %add3A_431, %mul3A_433 : vector<16xf32>
      %swap3A_435 = arith.index_cast %scan3A_374 : i32 to index
      %swap3A_436 = arith.constant 32 : index
      %swap3A_437 = tpu.vector_load %arg23[%swap3A_435, %swap3A_436] {strides = array<i32>} : memref<100x128xf32, #tpu.memory_space<vmem>>, vector<1x16xf32>,
      %swap3A_438 = vector.shape_cast %swap3A_437 : vector<1x16xf32> to vector<16xf32>
      %swap3A_439 = vector.shape_cast %mul3A_434 : vector<16xf32> to vector<1x16xf32>
      tpu.vector_store %arg23[%swap3A_435, %swap3A_436], %swap3A_439 {strides = array<i32>} : memref<100x128xf32, #tpu.memory_space<vmem>>, vector<1x16xf32>,
      %get3A_440 = arith.index_cast %scan3A_374 : i32 to index
      %get3A_441 = arith.constant 48 : index
      %get3A_442 = tpu.vector_load %arg20[%get3A_440, %get3A_441] {strides = array<i32>} : memref<100x128xf32, #tpu.memory_space<vmem>>, vector<1x16xf32>,
      %get3A_443 = vector.shape_cast %get3A_442 : vector<1x16xf32> to vector<16xf32>
      %get3A_444 = arith.index_cast %scan3A_374 : i32 to index
      %get3A_445 = arith.constant 48 : index
      %get3A_446 = tpu.vector_load %arg21[%get3A_444, %get3A_445] {strides = array<i32>} : memref<100x128xf32, #tpu.memory_space<vmem>>, vector<1x16xf32>,
      %get3A_447 = vector.shape_cast %get3A_446 : vector<1x16xf32> to vector<16xf32>
      %add3A_448 = arith.addf %get3A_443, %get3A_447 : vector<16xf32>
      %get3A_449 = arith.index_cast %scan3A_374 : i32 to index
      %get3A_450 = arith.constant 48 : index
      %get3A_451 = tpu.vector_load %arg22[%get3A_449, %get3A_450] {strides = array<i32>} : memref<100x128xf32, #tpu.memory_space<vmem>>, vector<1x16xf32>,
      %get3A_452 = vector.shape_cast %get3A_451 : vector<1x16xf32> to vector<16xf32>
      %add3A_453 = arith.addf %add3A_448, %get3A_452 : vector<16xf32>
      %mul3A_454 = arith.constant 0.333333343 : f32
      %mul3A_455 = vector.broadcast %mul3A_454 : f32 to vector<16xf32>
      %mul3A_456 = arith.mulf %add3A_453, %mul3A_455 : vector<16xf32>
      %swap3A_457 = arith.index_cast %scan3A_374 : i32 to index
      %swap3A_458 = arith.constant 48 : index
      %swap3A_459 = tpu.vector_load %arg23[%swap3A_457, %swap3A_458] {strides = array<i32>} : memref<100x128xf32, #tpu.memory_space<vmem>>, vector<1x16xf32>,
      %swap3A_460 = vector.shape_cast %swap3A_459 : vector<1x16xf32> to vector<16xf32>
      %swap3A_461 = vector.shape_cast %mul3A_456 : vector<16xf32> to vector<1x16xf32>
      tpu.vector_store %arg23[%swap3A_457, %swap3A_458], %swap3A_461 {strides = array<i32>} : memref<100x128xf32, #tpu.memory_space<vmem>>, vector<1x16xf32>,
      %get3A_462 = arith.index_cast %scan3A_374 : i32 to index
      %get3A_463 = arith.constant 64 : index
      %get3A_464 = tpu.vector_load %arg20[%get3A_462, %get3A_463] {strides = array<i32>} : memref<100x128xf32, #tpu.memory_space<vmem>>, vector<1x16xf32>,
      %get3A_465 = vector.shape_cast %get3A_464 : vector<1x16xf32> to vector<16xf32>
      %get3A_466 = arith.index_cast %scan3A_374 : i32 to index
      %get3A_467 = arith.constant 64 : index
      %get3A_468 = tpu.vector_load %arg21[%get3A_466, %get3A_467] {strides = array<i32>} : memref<100x128xf32, #tpu.memory_space<vmem>>, vector<1x16xf32>,
      %get3A_469 = vector.shape_cast %get3A_468 : vector<1x16xf32> to vector<16xf32>
      %add3A_470 = arith.addf %get3A_465, %get3A_469 : vector<16xf32>
      %get3A_471 = arith.index_cast %scan3A_374 : i32 to index
      %get3A_472 = arith.constant 64 : index
      %get3A_473 = tpu.vector_load %arg22[%get3A_471, %get3A_472] {strides = array<i32>} : memref<100x128xf32, #tpu.memory_space<vmem>>, vector<1x16xf32>,
      %get3A_474 = vector.shape_cast %get3A_473 : vector<1x16xf32> to vector<16xf32>
      %add3A_475 = arith.addf %add3A_470, %get3A_474 : vector<16xf32>
      %mul3A_476 = arith.constant 0.333333343 : f32
      %mul3A_477 = vector.broadcast %mul3A_476 : f32 to vector<16xf32>
      %mul3A_478 = arith.mulf %add3A_475, %mul3A_477 : vector<16xf32>
      %swap3A_479 = arith.index_cast %scan3A_374 : i32 to index
      %swap3A_480 = arith.constant 64 : index
      %swap3A_481 = tpu.vector_load %arg23[%swap3A_479, %swap3A_480] {strides = array<i32>} : memref<100x128xf32, #tpu.memory_space<vmem>>, vector<1x16xf32>,
      %swap3A_482 = vector.shape_cast %swap3A_481 : vector<1x16xf32> to vector<16xf32>
      %swap3A_483 = vector.shape_cast %mul3A_478 : vector<16xf32> to vector<1x16xf32>
      tpu.vector_store %arg23[%swap3A_479, %swap3A_480], %swap3A_483 {strides = array<i32>} : memref<100x128xf32, #tpu.memory_space<vmem>>, vector<1x16xf32>,
      %get3A_484 = arith.index_cast %scan3A_374 : i32 to index
      %get3A_485 = arith.constant 80 : index
      %get3A_486 = tpu.vector_load %arg20[%get3A_484, %get3A_485] {strides = array<i32>} : memref<100x128xf32, #tpu.memory_space<vmem>>, vector<1x16xf32>,
      %get3A_487 = vector.shape_cast %get3A_486 : vector<1x16xf32> to vector<16xf32>
      %get3A_488 = arith.index_cast %scan3A_374 : i32 to index
      %get3A_489 = arith.constant 80 : index
      %get3A_490 = tpu.vector_load %arg21[%get3A_488, %get3A_489] {strides = array<i32>} : memref<100x128xf32, #tpu.memory_space<vmem>>, vector<1x16xf32>,
      %get3A_491 = vector.shape_cast %get3A_490 : vector<1x16xf32> to vector<16xf32>
      %add3A_492 = arith.addf %get3A_487, %get3A_491 : vector<16xf32>
      %get3A_493 = arith.index_cast %scan3A_374 : i32 to index
      %get3A_494 = arith.constant 80 : index
      %get3A_495 = tpu.vector_load %arg22[%get3A_493, %get3A_494] {strides = array<i32>} : memref<100x128xf32, #tpu.memory_space<vmem>>, vector<1x16xf32>,
      %get3A_496 = vector.shape_cast %get3A_495 : vector<1x16xf32> to vector<16xf32>
      %add3A_497 = arith.addf %add3A_492, %get3A_496 : vector<16xf32>
      %mul3A_498 = arith.constant 0.333333343 : f32
      %mul3A_499 = vector.broadcast %mul3A_498 : f32 to vector<16xf32>
      %mul3A_500 = arith.mulf %add3A_497, %mul3A_499 : vector<16xf32>
      %swap3A_501 = arith.index_cast %scan3A_374 : i32 to index
      %swap3A_502 = arith.constant 80 : index
      %swap3A_503 = tpu.vector_load %arg23[%swap3A_501, %swap3A_502] {strides = array<i32>} : memref<100x128xf32, #tpu.memory_space<vmem>>, vector<1x16xf32>,
      %swap3A_504 = vector.shape_cast %swap3A_503 : vector<1x16xf32> to vector<16xf32>
      %swap3A_505 = vector.shape_cast %mul3A_500 : vector<16xf32> to vector<1x16xf32>
      tpu.vector_store %arg23[%swap3A_501, %swap3A_502], %swap3A_505 {strides = array<i32>} : memref<100x128xf32, #tpu.memory_space<vmem>>, vector<1x16xf32>,
      %get3A_506 = arith.index_cast %scan3A_374 : i32 to index
      %get3A_507 = arith.constant 96 : index
      %get3A_508 = tpu.vector_load %arg20[%get3A_506, %get3A_507] {strides = array<i32>} : memref<100x128xf32, #tpu.memory_space<vmem>>, vector<1x16xf32>,
      %get3A_509 = vector.shape_cast %get3A_508 : vector<1x16xf32> to vector<16xf32>
      %get3A_510 = arith.index_cast %scan3A_374 : i32 to index
      %get3A_511 = arith.constant 96 : index
      %get3A_512 = tpu.vector_load %arg21[%get3A_510, %get3A_511] {strides = array<i32>} : memref<100x128xf32, #tpu.memory_space<vmem>>, vector<1x16xf32>,
      %get3A_513 = vector.shape_cast %get3A_512 : vector<1x16xf32> to vector<16xf32>
      %add3A_514 = arith.addf %get3A_509, %get3A_513 : vector<16xf32>
      %get3A_515 = arith.index_cast %scan3A_374 : i32 to index
      %get3A_516 = arith.constant 96 : index
      %get3A_517 = tpu.vector_load %arg22[%get3A_515, %get3A_516] {strides = array<i32>} : memref<100x128xf32, #tpu.memory_space<vmem>>, vector<1x16xf32>,
      %get3A_518 = vector.shape_cast %get3A_517 : vector<1x16xf32> to vector<16xf32>
      %add3A_519 = arith.addf %add3A_514, %get3A_518 : vector<16xf32>
      %mul3A_520 = arith.constant 0.333333343 : f32
      %mul3A_521 = vector.broadcast %mul3A_520 : f32 to vector<16xf32>
      %mul3A_522 = arith.mulf %add3A_519, %mul3A_521 : vector<16xf32>
      %swap3A_523 = arith.index_cast %scan3A_374 : i32 to index
      %swap3A_524 = arith.constant 96 : index
      %swap3A_525 = tpu.vector_load %arg23[%swap3A_523, %swap3A_524] {strides = array<i32>} : memref<100x128xf32, #tpu.memory_space<vmem>>, vector<1x16xf32>,
      %swap3A_526 = vector.shape_cast %swap3A_525 : vector<1x16xf32> to vector<16xf32>
      %swap3A_527 = vector.shape_cast %mul3A_522 : vector<16xf32> to vector<1x16xf32>
      tpu.vector_store %arg23[%swap3A_523, %swap3A_524], %swap3A_527 {strides = array<i32>} : memref<100x128xf32, #tpu.memory_space<vmem>>, vector<1x16xf32>,
      %get3A_528 = arith.index_cast %scan3A_374 : i32 to index
      %get3A_529 = arith.constant 112 : index
      %get3A_530 = tpu.vector_load %arg20[%get3A_528, %get3A_529] {strides = array<i32>} : memref<100x128xf32, #tpu.memory_space<vmem>>, vector<1x16xf32>,
      %get3A_531 = vector.shape_cast %get3A_530 : vector<1x16xf32> to vector<16xf32>
      %get3A_532 = arith.index_cast %scan3A_374 : i32 to index
      %get3A_533 = arith.constant 112 : index
      %get3A_534 = tpu.vector_load %arg21[%get3A_532, %get3A_533] {strides = array<i32>} : memref<100x128xf32, #tpu.memory_space<vmem>>, vector<1x16xf32>,
      %get3A_535 = vector.shape_cast %get3A_534 : vector<1x16xf32> to vector<16xf32>
      %add3A_536 = arith.addf %get3A_531, %get3A_535 : vector<16xf32>
      %get3A_537 = arith.index_cast %scan3A_374 : i32 to index
      %get3A_538 = arith.constant 112 : index
      %get3A_539 = tpu.vector_load %arg22[%get3A_537, %get3A_538] {strides = array<i32>} : memref<100x128xf32, #tpu.memory_space<vmem>>, vector<1x16xf32>,
      %get3A_540 = vector.shape_cast %get3A_539 : vector<1x16xf32> to vector<16xf32>
      %add3A_541 = arith.addf %add3A_536, %get3A_540 : vector<16xf32>
      %mul3A_542 = arith.constant 0.333333343 : f32
      %mul3A_543 = vector.broadcast %mul3A_542 : f32 to vector<16xf32>
      %mul3A_544 = arith.mulf %add3A_541, %mul3A_543 : vector<16xf32>
      %swap3A_545 = arith.index_cast %scan3A_374 : i32 to index
      %swap3A_546 = arith.constant 112 : index
      %swap3A_547 = tpu.vector_load %arg23[%swap3A_545, %swap3A_546] {strides = array<i32>} : memref<100x128xf32, #tpu.memory_space<vmem>>, vector<1x16xf32>,
      %swap3A_548 = vector.shape_cast %swap3A_547 : vector<1x16xf32> to vector<16xf32>
      %swap3A_549 = vector.shape_cast %mul3A_544 : vector<16xf32> to vector<1x16xf32>
      tpu.vector_store %arg23[%swap3A_545, %swap3A_546], %swap3A_549 {strides = array<i32>} : memref<100x128xf32, #tpu.memory_space<vmem>>, vector<1x16xf32>,
      %scan3A_550 = arith.constant 0 : i32
      scf.yield %scan3A_550 : i32
    }
    %scan3A_234 = arith.constant 100 : i32
    %dma_start3A_235 = arith.constant 31 : i32
    %dma_start3A_236 = arith.constant 0 : i32
    %dma_start3A_237 = tpu.memref_slice %arg13[%dma_start3A_235, %dma_start3A_236] : memref<32x100xi32, #tpu.memory_space<vmem>> -> memref<1x100xi32, #tpu.memory_space<vmem>>
    %dma_start3A_238 = tpu.memref_squeeze %dma_start3A_237 : memref<1x100xi32, #tpu.memory_space<vmem>> -> memref<100xi32, #tpu.memory_space<vmem>>
    %dma_start3A_239 = arith.constant 0 : i32
    %dma_start3A_240 = arith.constant 0 : i32
    %dma_start3A_241 = tpu.memref_slice %arg9[%dma_start3A_239, %dma_start3A_240] : memref<200000x128xf32, #tpu.memory_space<hbm>> -> memref<200000x128xf32, #tpu.memory_space<hbm>>
    tpu.enqueue_indirect_dma source(%arg23 : memref<100x128xf32, #tpu.memory_space<vmem>>) target(%dma_start3A_241 : memref<200000x128xf32, #tpu.memory_space<hbm>>) offsets(%dma_start3A_238 : memref<100xi32, #tpu.memory_space<vmem>>) semaphore(%arg27 : memref<!tpu.dma_semaphore, #tpu.memory_space<semaphore_mem>>)
    %dma_wait3A_242 = arith.constant 30 : i32
    %dma_wait3A_243 = arith.constant 0 : i32
    %dma_wait3A_244 = tpu.memref_slice %arg13[%dma_wait3A_242, %dma_wait3A_243] : memref<32x100xi32, #tpu.memory_space<vmem>> -> memref<1x100xi32, #tpu.memory_space<vmem>>
    %dma_wait3A_245 = tpu.memref_squeeze %dma_wait3A_244 : memref<1x100xi32, #tpu.memory_space<vmem>> -> memref<100xi32, #tpu.memory_space<vmem>>
    %dma_wait3A_246 = arith.constant 0 : i32
    %dma_wait3A_247 = arith.constant 0 : i32
    %dma_wait3A_248 = tpu.memref_slice %arg9[%dma_wait3A_246, %dma_wait3A_247] : memref<200000x128xf32, #tpu.memory_space<hbm>> -> memref<200000x128xf32, #tpu.memory_space<hbm>>
    tpu.wait_indirect_dma semaphore(%arg26 : memref<!tpu.dma_semaphore, #tpu.memory_space<semaphore_mem>>) src(%arg19 : memref<100x128xf32, #tpu.memory_space<vmem>>) dst(%dma_wait3A_248 : memref<200000x128xf32, #tpu.memory_space<hbm>>)
    %dma_wait3A_249 = arith.constant 31 : i32
    %dma_wait3A_250 = arith.constant 0 : i32
    %dma_wait3A_251 = tpu.memref_slice %arg13[%dma_wait3A_249, %dma_wait3A_250] : memref<32x100xi32, #tpu.memory_space<vmem>> -> memref<1x100xi32, #tpu.memory_space<vmem>>
    %dma_wait3A_252 = tpu.memref_squeeze %dma_wait3A_251 : memref<1x100xi32, #tpu.memory_space<vmem>> -> memref<100xi32, #tpu.memory_space<vmem>>
    %dma_wait3A_253 = arith.constant 0 : i32
    %dma_wait3A_254 = arith.constant 0 : i32
    %dma_wait3A_255 = tpu.memref_slice %arg9[%dma_wait3A_253, %dma_wait3A_254] : memref<200000x128xf32, #tpu.memory_space<hbm>> -> memref<200000x128xf32, #tpu.memory_space<hbm>>
    tpu.wait_indirect_dma semaphore(%arg27 : memref<!tpu.dma_semaphore, #tpu.memory_space<semaphore_mem>>) src(%arg23 : memref<100x128xf32, #tpu.memory_space<vmem>>) dst(%dma_wait3A_255 : memref<200000x128xf32, #tpu.memory_space<hbm>>)
    %dma_start3A_256 = arith.constant 0 : i32
    %dma_start3A_257 = arith.constant 0 : i32
    %dma_start3A_258 = tpu.memref_slice %arg14[%dma_start3A_256, %dma_start3A_257] : memref<32x100xi32, #tpu.memory_space<vmem>> -> memref<1x100xi32, #tpu.memory_space<vmem>>
    %dma_start3A_259 = tpu.memref_squeeze %dma_start3A_258 : memref<1x100xi32, #tpu.memory_space<vmem>> -> memref<100xi32, #tpu.memory_space<vmem>>
    %dma_start3A_260 = arith.constant 0 : i32
    %dma_start3A_261 = arith.constant 0 : i32
    %dma_start3A_262 = tpu.memref_slice %arg2[%dma_start3A_260, %dma_start3A_261] : memref<100000x128xf32, #tpu.memory_space<hbm>> -> memref<100000x128xf32, #tpu.memory_space<hbm>>
    tpu.enqueue_indirect_dma source(%dma_start3A_262 : memref<100000x128xf32, #tpu.memory_space<hbm>>) target(%arg16 : memref<100x128xf32, #tpu.memory_space<vmem>>) offsets(%dma_start3A_259 : memref<100xi32, #tpu.memory_space<vmem>>) semaphore(%arg28 : memref<!tpu.dma_semaphore, #tpu.memory_space<semaphore_mem>>)
    %dma_start3A_263 = arith.constant 1 : i32
    %dma_start3A_264 = arith.constant 0 : i32
    %dma_start3A_265 = tpu.memref_slice %arg14[%dma_start3A_263, %dma_start3A_264] : memref<32x100xi32, #tpu.memory_space<vmem>> -> memref<1x100xi32, #tpu.memory_space<vmem>>
    %dma_start3A_266 = tpu.memref_squeeze %dma_start3A_265 : memref<1x100xi32, #tpu.memory_space<vmem>> -> memref<100xi32, #tpu.memory_space<vmem>>
    %dma_start3A_267 = arith.constant 0 : i32
    %dma_start3A_268 = arith.constant 0 : i32
    %dma_start3A_269 = tpu.memref_slice %arg2[%dma_start3A_267, %dma_start3A_268] : memref<100000x128xf32, #tpu.memory_space<hbm>> -> memref<100000x128xf32, #tpu.memory_space<hbm>>
    tpu.enqueue_indirect_dma source(%dma_start3A_269 : memref<100000x128xf32, #tpu.memory_space<hbm>>) target(%arg17 : memref<100x128xf32, #tpu.memory_space<vmem>>) offsets(%dma_start3A_266 : memref<100xi32, #tpu.memory_space<vmem>>) semaphore(%arg29 : memref<!tpu.dma_semaphore, #tpu.memory_space<semaphore_mem>>)
    %dma_start3A_270 = arith.constant 2 : i32
    %dma_start3A_271 = arith.constant 0 : i32
    %dma_start3A_272 = tpu.memref_slice %arg14[%dma_start3A_270, %dma_start3A_271] : memref<32x100xi32, #tpu.memory_space<vmem>> -> memref<1x100xi32, #tpu.memory_space<vmem>>
    %dma_start3A_273 = tpu.memref_squeeze %dma_start3A_272 : memref<1x100xi32, #tpu.memory_space<vmem>> -> memref<100xi32, #tpu.memory_space<vmem>>
    %dma_start3A_274 = arith.constant 0 : i32
    %dma_start3A_275 = arith.constant 0 : i32
    %dma_start3A_276 = tpu.memref_slice %arg2[%dma_start3A_274, %dma_start3A_275] : memref<100000x128xf32, #tpu.memory_space<hbm>> -> memref<100000x128xf32, #tpu.memory_space<hbm>>
    tpu.enqueue_indirect_dma source(%dma_start3A_276 : memref<100000x128xf32, #tpu.memory_space<hbm>>) target(%arg18 : memref<100x128xf32, #tpu.memory_space<vmem>>) offsets(%dma_start3A_273 : memref<100xi32, #tpu.memory_space<vmem>>) semaphore(%arg30 : memref<!tpu.dma_semaphore, #tpu.memory_space<semaphore_mem>>)
    %dma_wait3A_277 = arith.constant 0 : i32
    %dma_wait3A_278 = arith.constant 0 : i32
    %dma_wait3A_279 = tpu.memref_slice %arg14[%dma_wait3A_277, %dma_wait3A_278] : memref<32x100xi32, #tpu.memory_space<vmem>> -> memref<1x100xi32, #tpu.memory_space<vmem>>
    %dma_wait3A_280 = tpu.memref_squeeze %dma_wait3A_279 : memref<1x100xi32, #tpu.memory_space<vmem>> -> memref<100xi32, #tpu.memory_space<vmem>>
    %dma_wait3A_281 = arith.constant 0 : i32
    %dma_wait3A_282 = arith.constant 0 : i32
    %dma_wait3A_283 = tpu.memref_slice %arg2[%dma_wait3A_281, %dma_wait3A_282] : memref<100000x128xf32, #tpu.memory_space<hbm>> -> memref<100000x128xf32, #tpu.memory_space<hbm>>
    tpu.wait_indirect_dma semaphore(%arg28 : memref<!tpu.dma_semaphore, #tpu.memory_space<semaphore_mem>>) src(%dma_wait3A_283 : memref<100000x128xf32, #tpu.memory_space<hbm>>) dst(%arg16 : memref<100x128xf32, #tpu.memory_space<vmem>>)
    %dma_start3A_284 = arith.constant 0 : i32
    %dma_start3A_285 = arith.constant 0 : i32
    %dma_start3A_286 = tpu.memref_slice %arg15[%dma_start3A_284, %dma_start3A_285] : memref<32x100xi32, #tpu.memory_space<vmem>> -> memref<1x100xi32, #tpu.memory_space<vmem>>
    %dma_start3A_287 = tpu.memref_squeeze %dma_start3A_286 : memref<1x100xi32, #tpu.memory_space<vmem>> -> memref<100xi32, #tpu.memory_space<vmem>>
    %dma_start3A_288 = arith.constant 0 : i32
    %dma_start3A_289 = arith.constant 0 : i32
    %dma_start3A_290 = tpu.memref_slice %arg9[%dma_start3A_288, %dma_start3A_289] : memref<200000x128xf32, #tpu.memory_space<hbm>> -> memref<200000x128xf32, #tpu.memory_space<hbm>>
    tpu.enqueue_indirect_dma source(%arg16 : memref<100x128xf32, #tpu.memory_space<vmem>>) target(%dma_start3A_290 : memref<200000x128xf32, #tpu.memory_space<hbm>>) offsets(%dma_start3A_287 : memref<100xi32, #tpu.memory_space<vmem>>) semaphore(%arg32 : memref<!tpu.dma_semaphore, #tpu.memory_space<semaphore_mem>>)
    %dma_start3A_291 = arith.constant 3 : i32
    %dma_start3A_292 = arith.constant 0 : i32
    %dma_start3A_293 = tpu.memref_slice %arg14[%dma_start3A_291, %dma_start3A_292] : memref<32x100xi32, #tpu.memory_space<vmem>> -> memref<1x100xi32, #tpu.memory_space<vmem>>
    %dma_start3A_294 = tpu.memref_squeeze %dma_start3A_293 : memref<1x100xi32, #tpu.memory_space<vmem>> -> memref<100xi32, #tpu.memory_space<vmem>>
    %dma_start3A_295 = arith.constant 0 : i32
    %dma_start3A_296 = arith.constant 0 : i32
    %dma_start3A_297 = tpu.memref_slice %arg2[%dma_start3A_295, %dma_start3A_296] : memref<100000x128xf32, #tpu.memory_space<hbm>> -> memref<100000x128xf32, #tpu.memory_space<hbm>>
    tpu.enqueue_indirect_dma source(%dma_start3A_297 : memref<100000x128xf32, #tpu.memory_space<hbm>>) target(%arg19 : memref<100x128xf32, #tpu.memory_space<vmem>>) offsets(%dma_start3A_294 : memref<100xi32, #tpu.memory_space<vmem>>) semaphore(%arg31 : memref<!tpu.dma_semaphore, #tpu.memory_space<semaphore_mem>>)
    %dma_wait3A_298 = arith.constant 1 : i32
    %dma_wait3A_299 = arith.constant 0 : i32
    %dma_wait3A_300 = tpu.memref_slice %arg14[%dma_wait3A_298, %dma_wait3A_299] : memref<32x100xi32, #tpu.memory_space<vmem>> -> memref<1x100xi32, #tpu.memory_space<vmem>>
    %dma_wait3A_301 = tpu.memref_squeeze %dma_wait3A_300 : memref<1x100xi32, #tpu.memory_space<vmem>> -> memref<100xi32, #tpu.memory_space<vmem>>
    %dma_wait3A_302 = arith.constant 0 : i32
    %dma_wait3A_303 = arith.constant 0 : i32
    %dma_wait3A_304 = tpu.memref_slice %arg2[%dma_wait3A_302, %dma_wait3A_303] : memref<100000x128xf32, #tpu.memory_space<hbm>> -> memref<100000x128xf32, #tpu.memory_space<hbm>>
    tpu.wait_indirect_dma semaphore(%arg29 : memref<!tpu.dma_semaphore, #tpu.memory_space<semaphore_mem>>) src(%dma_wait3A_304 : memref<100000x128xf32, #tpu.memory_space<hbm>>) dst(%arg17 : memref<100x128xf32, #tpu.memory_space<vmem>>)
    %dma_start3A_305 = arith.constant 1 : i32
    %dma_start3A_306 = arith.constant 0 : i32
    %dma_start3A_307 = tpu.memref_slice %arg15[%dma_start3A_305, %dma_start3A_306] : memref<32x100xi32, #tpu.memory_space<vmem>> -> memref<1x100xi32, #tpu.memory_space<vmem>>
    %dma_start3A_308 = tpu.memref_squeeze %dma_start3A_307 : memref<1x100xi32, #tpu.memory_space<vmem>> -> memref<100xi32, #tpu.memory_space<vmem>>
    %dma_start3A_309 = arith.constant 0 : i32
    %dma_start3A_310 = arith.constant 0 : i32
    %dma_start3A_311 = tpu.memref_slice %arg9[%dma_start3A_309, %dma_start3A_310] : memref<200000x128xf32, #tpu.memory_space<hbm>> -> memref<200000x128xf32, #tpu.memory_space<hbm>>
    tpu.enqueue_indirect_dma source(%arg17 : memref<100x128xf32, #tpu.memory_space<vmem>>) target(%dma_start3A_311 : memref<200000x128xf32, #tpu.memory_space<hbm>>) offsets(%dma_start3A_308 : memref<100xi32, #tpu.memory_space<vmem>>) semaphore(%arg33 : memref<!tpu.dma_semaphore, #tpu.memory_space<semaphore_mem>>)
    %scan3A_312 = arith.constant 0 : i32
    %scan3A_313 = arith.constant 0 : i32
    %scan3A_314 = arith.constant 7 : i32
    %scan3A_315 = arith.addi %scan3A_313, %scan3A_314 : i32
    %scan3A_316 = arith.constant 1 : i32
    scf.for %scan3A_374 = %scan3A_313 to %scan3A_315 step %scan3A_316  : i32 {
      %mul3A_375 = arith.constant 4 : i32
      %mul3A_376 = arith.muli %mul3A_375, %scan3A_374 : i32
      %add3A_377 = arith.constant 2 : i32
      %add3A_378 = arith.addi %mul3A_376, %add3A_377 : i32
      %add3A_379 = arith.constant 0 : i32
      %add3A_380 = arith.addi %add3A_378, %add3A_379 : i32
      %sub3A = arith.constant 2 : i32
      %sub3A_381 = arith.subi %add3A_380, %sub3A : i32
      %dma_wait3A_382 = arith.constant 0 : i32
      %dma_wait3A_383 = tpu.memref_slice %arg15[%sub3A_381, %dma_wait3A_382] : memref<32x100xi32, #tpu.memory_space<vmem>> -> memref<1x100xi32, #tpu.memory_space<vmem>>
      %dma_wait3A_384 = tpu.memref_squeeze %dma_wait3A_383 : memref<1x100xi32, #tpu.memory_space<vmem>> -> memref<100xi32, #tpu.memory_space<vmem>>
      %dma_wait3A_385 = arith.constant 0 : i32
      %dma_wait3A_386 = arith.constant 0 : i32
      %dma_wait3A_387 = tpu.memref_slice %arg9[%dma_wait3A_385, %dma_wait3A_386] : memref<200000x128xf32, #tpu.memory_space<hbm>> -> memref<200000x128xf32, #tpu.memory_space<hbm>>
      tpu.wait_indirect_dma semaphore(%arg32 : memref<!tpu.dma_semaphore, #tpu.memory_space<semaphore_mem>>) src(%arg16 : memref<100x128xf32, #tpu.memory_space<vmem>>) dst(%dma_wait3A_387 : memref<200000x128xf32, #tpu.memory_space<hbm>>)
      %add3A_388 = arith.constant 2 : i32
      %add3A_389 = arith.addi %add3A_380, %add3A_388 : i32
      %dma_start3A_390 = arith.constant 0 : i32
      %dma_start3A_391 = tpu.memref_slice %arg14[%add3A_389, %dma_start3A_390] : memref<32x100xi32, #tpu.memory_space<vmem>> -> memref<1x100xi32, #tpu.memory_space<vmem>>
      %dma_start3A_392 = tpu.memref_squeeze %dma_start3A_391 : memref<1x100xi32, #tpu.memory_space<vmem>> -> memref<100xi32, #tpu.memory_space<vmem>>
      %dma_start3A_393 = arith.constant 0 : i32
      %dma_start3A_394 = arith.constant 0 : i32
      %dma_start3A_395 = tpu.memref_slice %arg2[%dma_start3A_393, %dma_start3A_394] : memref<100000x128xf32, #tpu.memory_space<hbm>> -> memref<100000x128xf32, #tpu.memory_space<hbm>>
      tpu.enqueue_indirect_dma source(%dma_start3A_395 : memref<100000x128xf32, #tpu.memory_space<hbm>>) target(%arg16 : memref<100x128xf32, #tpu.memory_space<vmem>>) offsets(%dma_start3A_392 : memref<100xi32, #tpu.memory_space<vmem>>) semaphore(%arg28 : memref<!tpu.dma_semaphore, #tpu.memory_space<semaphore_mem>>)
      %dma_wait3A_396 = arith.constant 0 : i32
      %dma_wait3A_397 = tpu.memref_slice %arg14[%add3A_380, %dma_wait3A_396] : memref<32x100xi32, #tpu.memory_space<vmem>> -> memref<1x100xi32, #tpu.memory_space<vmem>>
      %dma_wait3A_398 = tpu.memref_squeeze %dma_wait3A_397 : memref<1x100xi32, #tpu.memory_space<vmem>> -> memref<100xi32, #tpu.memory_space<vmem>>
      %dma_wait3A_399 = arith.constant 0 : i32
      %dma_wait3A_400 = arith.constant 0 : i32
      %dma_wait3A_401 = tpu.memref_slice %arg2[%dma_wait3A_399, %dma_wait3A_400] : memref<100000x128xf32, #tpu.memory_space<hbm>> -> memref<100000x128xf32, #tpu.memory_space<hbm>>
      tpu.wait_indirect_dma semaphore(%arg30 : memref<!tpu.dma_semaphore, #tpu.memory_space<semaphore_mem>>) src(%dma_wait3A_401 : memref<100000x128xf32, #tpu.memory_space<hbm>>) dst(%arg18 : memref<100x128xf32, #tpu.memory_space<vmem>>)
      %dma_start3A_402 = arith.constant 0 : i32
      %dma_start3A_403 = tpu.memref_slice %arg15[%add3A_380, %dma_start3A_402] : memref<32x100xi32, #tpu.memory_space<vmem>> -> memref<1x100xi32, #tpu.memory_space<vmem>>
      %dma_start3A_404 = tpu.memref_squeeze %dma_start3A_403 : memref<1x100xi32, #tpu.memory_space<vmem>> -> memref<100xi32, #tpu.memory_space<vmem>>
      %dma_start3A_405 = arith.constant 0 : i32
      %dma_start3A_406 = arith.constant 0 : i32
      %dma_start3A_407 = tpu.memref_slice %arg9[%dma_start3A_405, %dma_start3A_406] : memref<200000x128xf32, #tpu.memory_space<hbm>> -> memref<200000x128xf32, #tpu.memory_space<hbm>>
      tpu.enqueue_indirect_dma source(%arg18 : memref<100x128xf32, #tpu.memory_space<vmem>>) target(%dma_start3A_407 : memref<200000x128xf32, #tpu.memory_space<hbm>>) offsets(%dma_start3A_404 : memref<100xi32, #tpu.memory_space<vmem>>) semaphore(%arg34 : memref<!tpu.dma_semaphore, #tpu.memory_space<semaphore_mem>>)
      %add3A_408 = arith.constant 1 : i32
      %add3A_409 = arith.addi %add3A_378, %add3A_408 : i32
      %sub3A_410 = arith.constant 2 : i32
      %sub3A_411 = arith.subi %add3A_409, %sub3A_410 : i32
      %dma_wait3A_412 = arith.constant 0 : i32
      %dma_wait3A_413 = tpu.memref_slice %arg15[%sub3A_411, %dma_wait3A_412] : memref<32x100xi32, #tpu.memory_space<vmem>> -> memref<1x100xi32, #tpu.memory_space<vmem>>
      %dma_wait3A_414 = tpu.memref_squeeze %dma_wait3A_413 : memref<1x100xi32, #tpu.memory_space<vmem>> -> memref<100xi32, #tpu.memory_space<vmem>>
      %dma_wait3A_415 = arith.constant 0 : i32
      %dma_wait3A_416 = arith.constant 0 : i32
      %dma_wait3A_417 = tpu.memref_slice %arg9[%dma_wait3A_415, %dma_wait3A_416] : memref<200000x128xf32, #tpu.memory_space<hbm>> -> memref<200000x128xf32, #tpu.memory_space<hbm>>
      tpu.wait_indirect_dma semaphore(%arg33 : memref<!tpu.dma_semaphore, #tpu.memory_space<semaphore_mem>>) src(%arg17 : memref<100x128xf32, #tpu.memory_space<vmem>>) dst(%dma_wait3A_417 : memref<200000x128xf32, #tpu.memory_space<hbm>>)
      %add3A_418 = arith.constant 2 : i32
      %add3A_419 = arith.addi %add3A_409, %add3A_418 : i32
      %dma_start3A_420 = arith.constant 0 : i32
      %dma_start3A_421 = tpu.memref_slice %arg14[%add3A_419, %dma_start3A_420] : memref<32x100xi32, #tpu.memory_space<vmem>> -> memref<1x100xi32, #tpu.memory_space<vmem>>
      %dma_start3A_422 = tpu.memref_squeeze %dma_start3A_421 : memref<1x100xi32, #tpu.memory_space<vmem>> -> memref<100xi32, #tpu.memory_space<vmem>>
      %dma_start3A_423 = arith.constant 0 : i32
      %dma_start3A_424 = arith.constant 0 : i32
      %dma_start3A_425 = tpu.memref_slice %arg2[%dma_start3A_423, %dma_start3A_424] : memref<100000x128xf32, #tpu.memory_space<hbm>> -> memref<100000x128xf32, #tpu.memory_space<hbm>>
      tpu.enqueue_indirect_dma source(%dma_start3A_425 : memref<100000x128xf32, #tpu.memory_space<hbm>>) target(%arg17 : memref<100x128xf32, #tpu.memory_space<vmem>>) offsets(%dma_start3A_422 : memref<100xi32, #tpu.memory_space<vmem>>) semaphore(%arg29 : memref<!tpu.dma_semaphore, #tpu.memory_space<semaphore_mem>>)
      %dma_wait3A_426 = arith.constant 0 : i32
      %dma_wait3A_427 = tpu.memref_slice %arg14[%add3A_409, %dma_wait3A_426] : memref<32x100xi32, #tpu.memory_space<vmem>> -> memref<1x100xi32, #tpu.memory_space<vmem>>
      %dma_wait3A_428 = tpu.memref_squeeze %dma_wait3A_427 : memref<1x100xi32, #tpu.memory_space<vmem>> -> memref<100xi32, #tpu.memory_space<vmem>>
      %dma_wait3A_429 = arith.constant 0 : i32
      %dma_wait3A_430 = arith.constant 0 : i32
      %dma_wait3A_431 = tpu.memref_slice %arg2[%dma_wait3A_429, %dma_wait3A_430] : memref<100000x128xf32, #tpu.memory_space<hbm>> -> memref<100000x128xf32, #tpu.memory_space<hbm>>
      tpu.wait_indirect_dma semaphore(%arg31 : memref<!tpu.dma_semaphore, #tpu.memory_space<semaphore_mem>>) src(%dma_wait3A_431 : memref<100000x128xf32, #tpu.memory_space<hbm>>) dst(%arg19 : memref<100x128xf32, #tpu.memory_space<vmem>>)
      %dma_start3A_432 = arith.constant 0 : i32
      %dma_start3A_433 = tpu.memref_slice %arg15[%add3A_409, %dma_start3A_432] : memref<32x100xi32, #tpu.memory_space<vmem>> -> memref<1x100xi32, #tpu.memory_space<vmem>>
      %dma_start3A_434 = tpu.memref_squeeze %dma_start3A_433 : memref<1x100xi32, #tpu.memory_space<vmem>> -> memref<100xi32, #tpu.memory_space<vmem>>
      %dma_start3A_435 = arith.constant 0 : i32
      %dma_start3A_436 = arith.constant 0 : i32
      %dma_start3A_437 = tpu.memref_slice %arg9[%dma_start3A_435, %dma_start3A_436] : memref<200000x128xf32, #tpu.memory_space<hbm>> -> memref<200000x128xf32, #tpu.memory_space<hbm>>
      tpu.enqueue_indirect_dma source(%arg19 : memref<100x128xf32, #tpu.memory_space<vmem>>) target(%dma_start3A_437 : memref<200000x128xf32, #tpu.memory_space<hbm>>) offsets(%dma_start3A_434 : memref<100xi32, #tpu.memory_space<vmem>>) semaphore(%arg35 : memref<!tpu.dma_semaphore, #tpu.memory_space<semaphore_mem>>)
      %add3A_438 = arith.constant 2 : i32
      %add3A_439 = arith.addi %add3A_378, %add3A_438 : i32
      %sub3A_440 = arith.constant 2 : i32
      %sub3A_441 = arith.subi %add3A_439, %sub3A_440 : i32
      %dma_wait3A_442 = arith.constant 0 : i32
      %dma_wait3A_443 = tpu.memref_slice %arg15[%sub3A_441, %dma_wait3A_442] : memref<32x100xi32, #tpu.memory_space<vmem>> -> memref<1x100xi32, #tpu.memory_space<vmem>>
      %dma_wait3A_444 = tpu.memref_squeeze %dma_wait3A_443 : memref<1x100xi32, #tpu.memory_space<vmem>> -> memref<100xi32, #tpu.memory_space<vmem>>
      %dma_wait3A_445 = arith.constant 0 : i32
      %dma_wait3A_446 = arith.constant 0 : i32
      %dma_wait3A_447 = tpu.memref_slice %arg9[%dma_wait3A_445, %dma_wait3A_446] : memref<200000x128xf32, #tpu.memory_space<hbm>> -> memref<200000x128xf32, #tpu.memory_space<hbm>>
      tpu.wait_indirect_dma semaphore(%arg34 : memref<!tpu.dma_semaphore, #tpu.memory_space<semaphore_mem>>) src(%arg18 : memref<100x128xf32, #tpu.memory_space<vmem>>) dst(%dma_wait3A_447 : memref<200000x128xf32, #tpu.memory_space<hbm>>)
      %add3A_448 = arith.constant 2 : i32
      %add3A_449 = arith.addi %add3A_439, %add3A_448 : i32
      %dma_start3A_450 = arith.constant 0 : i32
      %dma_start3A_451 = tpu.memref_slice %arg14[%add3A_449, %dma_start3A_450] : memref<32x100xi32, #tpu.memory_space<vmem>> -> memref<1x100xi32, #tpu.memory_space<vmem>>
      %dma_start3A_452 = tpu.memref_squeeze %dma_start3A_451 : memref<1x100xi32, #tpu.memory_space<vmem>> -> memref<100xi32, #tpu.memory_space<vmem>>
      %dma_start3A_453 = arith.constant 0 : i32
      %dma_start3A_454 = arith.constant 0 : i32
      %dma_start3A_455 = tpu.memref_slice %arg2[%dma_start3A_453, %dma_start3A_454] : memref<100000x128xf32, #tpu.memory_space<hbm>> -> memref<100000x128xf32, #tpu.memory_space<hbm>>
      tpu.enqueue_indirect_dma source(%dma_start3A_455 : memref<100000x128xf32, #tpu.memory_space<hbm>>) target(%arg18 : memref<100x128xf32, #tpu.memory_space<vmem>>) offsets(%dma_start3A_452 : memref<100xi32, #tpu.memory_space<vmem>>) semaphore(%arg30 : memref<!tpu.dma_semaphore, #tpu.memory_space<semaphore_mem>>)
      %dma_wait3A_456 = arith.constant 0 : i32
      %dma_wait3A_457 = tpu.memref_slice %arg14[%add3A_439, %dma_wait3A_456] : memref<32x100xi32, #tpu.memory_space<vmem>> -> memref<1x100xi32, #tpu.memory_space<vmem>>
      %dma_wait3A_458 = tpu.memref_squeeze %dma_wait3A_457 : memref<1x100xi32, #tpu.memory_space<vmem>> -> memref<100xi32, #tpu.memory_space<vmem>>
      %dma_wait3A_459 = arith.constant 0 : i32
      %dma_wait3A_460 = arith.constant 0 : i32
      %dma_wait3A_461 = tpu.memref_slice %arg2[%dma_wait3A_459, %dma_wait3A_460] : memref<100000x128xf32, #tpu.memory_space<hbm>> -> memref<100000x128xf32, #tpu.memory_space<hbm>>
      tpu.wait_indirect_dma semaphore(%arg28 : memref<!tpu.dma_semaphore, #tpu.memory_space<semaphore_mem>>) src(%dma_wait3A_461 : memref<100000x128xf32, #tpu.memory_space<hbm>>) dst(%arg16 : memref<100x128xf32, #tpu.memory_space<vmem>>)
      %dma_start3A_462 = arith.constant 0 : i32
      %dma_start3A_463 = tpu.memref_slice %arg15[%add3A_439, %dma_start3A_462] : memref<32x100xi32, #tpu.memory_space<vmem>> -> memref<1x100xi32, #tpu.memory_space<vmem>>
      %dma_start3A_464 = tpu.memref_squeeze %dma_start3A_463 : memref<1x100xi32, #tpu.memory_space<vmem>> -> memref<100xi32, #tpu.memory_space<vmem>>
      %dma_start3A_465 = arith.constant 0 : i32
      %dma_start3A_466 = arith.constant 0 : i32
      %dma_start3A_467 = tpu.memref_slice %arg9[%dma_start3A_465, %dma_start3A_466] : memref<200000x128xf32, #tpu.memory_space<hbm>> -> memref<200000x128xf32, #tpu.memory_space<hbm>>
      tpu.enqueue_indirect_dma source(%arg16 : memref<100x128xf32, #tpu.memory_space<vmem>>) target(%dma_start3A_467 : memref<200000x128xf32, #tpu.memory_space<hbm>>) offsets(%dma_start3A_464 : memref<100xi32, #tpu.memory_space<vmem>>) semaphore(%arg32 : memref<!tpu.dma_semaphore, #tpu.memory_space<semaphore_mem>>)
      %add3A_468 = arith.constant 3 : i32
      %add3A_469 = arith.addi %add3A_378, %add3A_468 : i32
      %sub3A_470 = arith.constant 2 : i32
      %sub3A_471 = arith.subi %add3A_469, %sub3A_470 : i32
      %dma_wait3A_472 = arith.constant 0 : i32
      %dma_wait3A_473 = tpu.memref_slice %arg15[%sub3A_471, %dma_wait3A_472] : memref<32x100xi32, #tpu.memory_space<vmem>> -> memref<1x100xi32, #tpu.memory_space<vmem>>
      %dma_wait3A_474 = tpu.memref_squeeze %dma_wait3A_473 : memref<1x100xi32, #tpu.memory_space<vmem>> -> memref<100xi32, #tpu.memory_space<vmem>>
      %dma_wait3A_475 = arith.constant 0 : i32
      %dma_wait3A_476 = arith.constant 0 : i32
      %dma_wait3A_477 = tpu.memref_slice %arg9[%dma_wait3A_475, %dma_wait3A_476] : memref<200000x128xf32, #tpu.memory_space<hbm>> -> memref<200000x128xf32, #tpu.memory_space<hbm>>
      tpu.wait_indirect_dma semaphore(%arg35 : memref<!tpu.dma_semaphore, #tpu.memory_space<semaphore_mem>>) src(%arg19 : memref<100x128xf32, #tpu.memory_space<vmem>>) dst(%dma_wait3A_477 : memref<200000x128xf32, #tpu.memory_space<hbm>>)
      %add3A_478 = arith.constant 2 : i32
      %add3A_479 = arith.addi %add3A_469, %add3A_478 : i32
      %dma_start3A_480 = arith.constant 0 : i32
      %dma_start3A_481 = tpu.memref_slice %arg14[%add3A_479, %dma_start3A_480] : memref<32x100xi32, #tpu.memory_space<vmem>> -> memref<1x100xi32, #tpu.memory_space<vmem>>
      %dma_start3A_482 = tpu.memref_squeeze %dma_start3A_481 : memref<1x100xi32, #tpu.memory_space<vmem>> -> memref<100xi32, #tpu.memory_space<vmem>>
      %dma_start3A_483 = arith.constant 0 : i32
      %dma_start3A_484 = arith.constant 0 : i32
      %dma_start3A_485 = tpu.memref_slice %arg2[%dma_start3A_483, %dma_start3A_484] : memref<100000x128xf32, #tpu.memory_space<hbm>> -> memref<100000x128xf32, #tpu.memory_space<hbm>>
      tpu.enqueue_indirect_dma source(%dma_start3A_485 : memref<100000x128xf32, #tpu.memory_space<hbm>>) target(%arg19 : memref<100x128xf32, #tpu.memory_space<vmem>>) offsets(%dma_start3A_482 : memref<100xi32, #tpu.memory_space<vmem>>) semaphore(%arg31 : memref<!tpu.dma_semaphore, #tpu.memory_space<semaphore_mem>>)
      %dma_wait3A_486 = arith.constant 0 : i32
      %dma_wait3A_487 = tpu.memref_slice %arg14[%add3A_469, %dma_wait3A_486] : memref<32x100xi32, #tpu.memory_space<vmem>> -> memref<1x100xi32, #tpu.memory_space<vmem>>
      %dma_wait3A_488 = tpu.memref_squeeze %dma_wait3A_487 : memref<1x100xi32, #tpu.memory_space<vmem>> -> memref<100xi32, #tpu.memory_space<vmem>>
      %dma_wait3A_489 = arith.constant 0 : i32
      %dma_wait3A_490 = arith.constant 0 : i32
      %dma_wait3A_491 = tpu.memref_slice %arg2[%dma_wait3A_489, %dma_wait3A_490] : memref<100000x128xf32, #tpu.memory_space<hbm>> -> memref<100000x128xf32, #tpu.memory_space<hbm>>
      tpu.wait_indirect_dma semaphore(%arg29 : memref<!tpu.dma_semaphore, #tpu.memory_space<semaphore_mem>>) src(%dma_wait3A_491 : memref<100000x128xf32, #tpu.memory_space<hbm>>) dst(%arg17 : memref<100x128xf32, #tpu.memory_space<vmem>>)
      %dma_start3A_492 = arith.constant 0 : i32
      %dma_start3A_493 = tpu.memref_slice %arg15[%add3A_469, %dma_start3A_492] : memref<32x100xi32, #tpu.memory_space<vmem>> -> memref<1x100xi32, #tpu.memory_space<vmem>>
      %dma_start3A_494 = tpu.memref_squeeze %dma_start3A_493 : memref<1x100xi32, #tpu.memory_space<vmem>> -> memref<100xi32, #tpu.memory_space<vmem>>
      %dma_start3A_495 = arith.constant 0 : i32
      %dma_start3A_496 = arith.constant 0 : i32
      %dma_start3A_497 = tpu.memref_slice %arg9[%dma_start3A_495, %dma_start3A_496] : memref<200000x128xf32, #tpu.memory_space<hbm>> -> memref<200000x128xf32, #tpu.memory_space<hbm>>
      tpu.enqueue_indirect_dma source(%arg17 : memref<100x128xf32, #tpu.memory_space<vmem>>) target(%dma_start3A_497 : memref<200000x128xf32, #tpu.memory_space<hbm>>) offsets(%dma_start3A_494 : memref<100xi32, #tpu.memory_space<vmem>>) semaphore(%arg33 : memref<!tpu.dma_semaphore, #tpu.memory_space<semaphore_mem>>)
    }
    %scan3A_317 = arith.constant 7 : i32
    %dma_wait3A_318 = arith.constant 28 : i32
    %dma_wait3A_319 = arith.constant 0 : i32
    %dma_wait3A_320 = tpu.memref_slice %arg15[%dma_wait3A_318, %dma_wait3A_319] : memref<32x100xi32, #tpu.memory_space<vmem>> -> memref<1x100xi32, #tpu.memory_space<vmem>>
    %dma_wait3A_321 = tpu.memref_squeeze %dma_wait3A_320 : memref<1x100xi32, #tpu.memory_space<vmem>> -> memref<100xi32, #tpu.memory_space<vmem>>
    %dma_wait3A_322 = arith.constant 0 : i32
    %dma_wait3A_323 = arith.constant 0 : i32
    %dma_wait3A_324 = tpu.memref_slice %arg9[%dma_wait3A_322, %dma_wait3A_323] : memref<200000x128xf32, #tpu.memory_space<hbm>> -> memref<200000x128xf32, #tpu.memory_space<hbm>>
    tpu.wait_indirect_dma semaphore(%arg32 : memref<!tpu.dma_semaphore, #tpu.memory_space<semaphore_mem>>) src(%arg16 : memref<100x128xf32, #tpu.memory_space<vmem>>) dst(%dma_wait3A_324 : memref<200000x128xf32, #tpu.memory_space<hbm>>)
    %dma_wait3A_325 = arith.constant 30 : i32
    %dma_wait3A_326 = arith.constant 0 : i32
    %dma_wait3A_327 = tpu.memref_slice %arg14[%dma_wait3A_325, %dma_wait3A_326] : memref<32x100xi32, #tpu.memory_space<vmem>> -> memref<1x100xi32, #tpu.memory_space<vmem>>
    %dma_wait3A_328 = tpu.memref_squeeze %dma_wait3A_327 : memref<1x100xi32, #tpu.memory_space<vmem>> -> memref<100xi32, #tpu.memory_space<vmem>>
    %dma_wait3A_329 = arith.constant 0 : i32
    %dma_wait3A_330 = arith.constant 0 : i32
    %dma_wait3A_331 = tpu.memref_slice %arg2[%dma_wait3A_329, %dma_wait3A_330] : memref<100000x128xf32, #tpu.memory_space<hbm>> -> memref<100000x128xf32, #tpu.memory_space<hbm>>
    tpu.wait_indirect_dma semaphore(%arg30 : memref<!tpu.dma_semaphore, #tpu.memory_space<semaphore_mem>>) src(%dma_wait3A_331 : memref<100000x128xf32, #tpu.memory_space<hbm>>) dst(%arg18 : memref<100x128xf32, #tpu.memory_space<vmem>>)
    %dma_start3A_332 = arith.constant 30 : i32
    %dma_start3A_333 = arith.constant 0 : i32
    %dma_start3A_334 = tpu.memref_slice %arg15[%dma_start3A_332, %dma_start3A_333] : memref<32x100xi32, #tpu.memory_space<vmem>> -> memref<1x100xi32, #tpu.memory_space<vmem>>
    %dma_start3A_335 = tpu.memref_squeeze %dma_start3A_334 : memref<1x100xi32, #tpu.memory_space<vmem>> -> memref<100xi32, #tpu.memory_space<vmem>>
    %dma_start3A_336 = arith.constant 0 : i32
    %dma_start3A_337 = arith.constant 0 : i32
    %dma_start3A_338 = tpu.memref_slice %arg9[%dma_start3A_336, %dma_start3A_337] : memref<200000x128xf32, #tpu.memory_space<hbm>> -> memref<200000x128xf32, #tpu.memory_space<hbm>>
    tpu.enqueue_indirect_dma source(%arg18 : memref<100x128xf32, #tpu.memory_space<vmem>>) target(%dma_start3A_338 : memref<200000x128xf32, #tpu.memory_space<hbm>>) offsets(%dma_start3A_335 : memref<100xi32, #tpu.memory_space<vmem>>) semaphore(%arg34 : memref<!tpu.dma_semaphore, #tpu.memory_space<semaphore_mem>>)
    %dma_wait3A_339 = arith.constant 29 : i32
    %dma_wait3A_340 = arith.constant 0 : i32
    %dma_wait3A_341 = tpu.memref_slice %arg15[%dma_wait3A_339, %dma_wait3A_340] : memref<32x100xi32, #tpu.memory_space<vmem>> -> memref<1x100xi32, #tpu.memory_space<vmem>>
    %dma_wait3A_342 = tpu.memref_squeeze %dma_wait3A_341 : memref<1x100xi32, #tpu.memory_space<vmem>> -> memref<100xi32, #tpu.memory_space<vmem>>
    %dma_wait3A_343 = arith.constant 0 : i32
    %dma_wait3A_344 = arith.constant 0 : i32
    %dma_wait3A_345 = tpu.memref_slice %arg9[%dma_wait3A_343, %dma_wait3A_344] : memref<200000x128xf32, #tpu.memory_space<hbm>> -> memref<200000x128xf32, #tpu.memory_space<hbm>>
    tpu.wait_indirect_dma semaphore(%arg33 : memref<!tpu.dma_semaphore, #tpu.memory_space<semaphore_mem>>) src(%arg17 : memref<100x128xf32, #tpu.memory_space<vmem>>) dst(%dma_wait3A_345 : memref<200000x128xf32, #tpu.memory_space<hbm>>)
    %dma_wait3A_346 = arith.constant 31 : i32
    %dma_wait3A_347 = arith.constant 0 : i32
    %dma_wait3A_348 = tpu.memref_slice %arg14[%dma_wait3A_346, %dma_wait3A_347] : memref<32x100xi32, #tpu.memory_space<vmem>> -> memref<1x100xi32, #tpu.memory_space<vmem>>
    %dma_wait3A_349 = tpu.memref_squeeze %dma_wait3A_348 : memref<1x100xi32, #tpu.memory_space<vmem>> -> memref<100xi32, #tpu.memory_space<vmem>>
    %dma_wait3A_350 = arith.constant 0 : i32
    %dma_wait3A_351 = arith.constant 0 : i32
    %dma_wait3A_352 = tpu.memref_slice %arg2[%dma_wait3A_350, %dma_wait3A_351] : memref<100000x128xf32, #tpu.memory_space<hbm>> -> memref<100000x128xf32, #tpu.memory_space<hbm>>
    tpu.wait_indirect_dma semaphore(%arg31 : memref<!tpu.dma_semaphore, #tpu.memory_space<semaphore_mem>>) src(%dma_wait3A_352 : memref<100000x128xf32, #tpu.memory_space<hbm>>) dst(%arg19 : memref<100x128xf32, #tpu.memory_space<vmem>>)
    %dma_start3A_353 = arith.constant 31 : i32
    %dma_start3A_354 = arith.constant 0 : i32
    %dma_start3A_355 = tpu.memref_slice %arg15[%dma_start3A_353, %dma_start3A_354] : memref<32x100xi32, #tpu.memory_space<vmem>> -> memref<1x100xi32, #tpu.memory_space<vmem>>
    %dma_start3A_356 = tpu.memref_squeeze %dma_start3A_355 : memref<1x100xi32, #tpu.memory_space<vmem>> -> memref<100xi32, #tpu.memory_space<vmem>>
    %dma_start3A_357 = arith.constant 0 : i32
    %dma_start3A_358 = arith.constant 0 : i32
    %dma_start3A_359 = tpu.memref_slice %arg9[%dma_start3A_357, %dma_start3A_358] : memref<200000x128xf32, #tpu.memory_space<hbm>> -> memref<200000x128xf32, #tpu.memory_space<hbm>>
    tpu.enqueue_indirect_dma source(%arg19 : memref<100x128xf32, #tpu.memory_space<vmem>>) target(%dma_start3A_359 : memref<200000x128xf32, #tpu.memory_space<hbm>>) offsets(%dma_start3A_356 : memref<100xi32, #tpu.memory_space<vmem>>) semaphore(%arg35 : memref<!tpu.dma_semaphore, #tpu.memory_space<semaphore_mem>>)
    %dma_wait3A_360 = arith.constant 30 : i32
    %dma_wait3A_361 = arith.constant 0 : i32
    %dma_wait3A_362 = tpu.memref_slice %arg15[%dma_wait3A_360, %dma_wait3A_361] : memref<32x100xi32, #tpu.memory_space<vmem>> -> memref<1x100xi32, #tpu.memory_space<vmem>>
    %dma_wait3A_363 = tpu.memref_squeeze %dma_wait3A_362 : memref<1x100xi32, #tpu.memory_space<vmem>> -> memref<100xi32, #tpu.memory_space<vmem>>
    %dma_wait3A_364 = arith.constant 0 : i32
    %dma_wait3A_365 = arith.constant 0 : i32
    %dma_wait3A_366 = tpu.memref_slice %arg9[%dma_wait3A_364, %dma_wait3A_365] : memref<200000x128xf32, #tpu.memory_space<hbm>> -> memref<200000x128xf32, #tpu.memory_space<hbm>>
    tpu.wait_indirect_dma semaphore(%arg34 : memref<!tpu.dma_semaphore, #tpu.memory_space<semaphore_mem>>) src(%arg18 : memref<100x128xf32, #tpu.memory_space<vmem>>) dst(%dma_wait3A_366 : memref<200000x128xf32, #tpu.memory_space<hbm>>)
    %dma_wait3A_367 = arith.constant 31 : i32
    %dma_wait3A_368 = arith.constant 0 : i32
    %dma_wait3A_369 = tpu.memref_slice %arg15[%dma_wait3A_367, %dma_wait3A_368] : memref<32x100xi32, #tpu.memory_space<vmem>> -> memref<1x100xi32, #tpu.memory_space<vmem>>
    %dma_wait3A_370 = tpu.memref_squeeze %dma_wait3A_369 : memref<1x100xi32, #tpu.memory_space<vmem>> -> memref<100xi32, #tpu.memory_space<vmem>>
    %dma_wait3A_371 = arith.constant 0 : i32
    %dma_wait3A_372 = arith.constant 0 : i32
    %dma_wait3A_373 = tpu.memref_slice %arg9[%dma_wait3A_371, %dma_wait3A_372] : memref<200000x128xf32, #tpu.memory_space<hbm>> -> memref<200000x128xf32, #tpu.memory_space<hbm>>
    tpu.wait_indirect_dma semaphore(%arg35 : memref<!tpu.dma_semaphore, #tpu.memory_space<semaphore_mem>>) src(%arg19 : memref<100x128xf32, #tpu.memory_space<vmem>>) dst(%dma_wait3A_373 : memref<200000x128xf32, #tpu.memory_space<hbm>>)
    return
  }
}

#map = affine_map<(d0, d1) -> (0, 0)>
#map1 = affine_map<(d0, d1) -> (0, 0, 0)>
module attributes {stable_mosaic.version = 14 : i64} {
  func.func @_body(%arg0: i32, %arg1: i32, %arg2: memref<100000x16xf32, #tpu.memory_space<hbm>>, %arg3: memref<32x32x100xi32, #tpu.memory_space<hbm>>, %arg4: memref<32x32x100xi32, #tpu.memory_space<hbm>>, %arg5: memref<32x32x100xi32, #tpu.memory_space<hbm>>, %arg6: memref<32x32x100xi32, #tpu.memory_space<hbm>>, %arg7: memref<32x32x100xi32, #tpu.memory_space<hbm>>, %arg8: memref<32x32x100xi32, #tpu.memory_space<hbm>>, %arg9: memref<200000x16xf32, #tpu.memory_space<hbm>>, %arg10: memref<32x100xi32, #tpu.memory_space<vmem>>, %arg11: memref<32x100xi32, #tpu.memory_space<vmem>>, %arg12: memref<32x100xi32, #tpu.memory_space<vmem>>, %arg13: memref<32x100xi32, #tpu.memory_space<vmem>>, %arg14: memref<32x100xi32, #tpu.memory_space<vmem>>, %arg15: memref<32x100xi32, #tpu.memory_space<vmem>>, %arg16: memref<100x16xf32, #tpu.memory_space<vmem>>, %arg17: memref<100x16xf32, #tpu.memory_space<vmem>>, %arg18: memref<100x16xf32, #tpu.memory_space<vmem>>, %arg19: memref<100x16xf32, #tpu.memory_space<vmem>>, %arg20: memref<100x16xf32, #tpu.memory_space<vmem>>, %arg21: memref<100x16xf32, #tpu.memory_space<vmem>>, %arg22: memref<100x16xf32, #tpu.memory_space<vmem>>, %arg23: memref<100x16xf32, #tpu.memory_space<vmem>>, %arg24: memref<!tpu.dma_semaphore, #tpu.memory_space<semaphore_mem>>, %arg25: memref<!tpu.dma_semaphore, #tpu.memory_space<semaphore_mem>>, %arg26: memref<!tpu.dma_semaphore, #tpu.memory_space<semaphore_mem>>, %arg27: memref<!tpu.dma_semaphore, #tpu.memory_space<semaphore_mem>>, %arg28: memref<!tpu.dma_semaphore, #tpu.memory_space<semaphore_mem>>, %arg29: memref<!tpu.dma_semaphore, #tpu.memory_space<semaphore_mem>>, %arg30: memref<!tpu.dma_semaphore, #tpu.memory_space<semaphore_mem>>, %arg31: memref<!tpu.dma_semaphore, #tpu.memory_space<semaphore_mem>>, %arg32: memref<!tpu.dma_semaphore, #tpu.memory_space<semaphore_mem>>, %arg33: memref<!tpu.dma_semaphore, #tpu.memory_space<semaphore_mem>>, %arg34: memref<!tpu.dma_semaphore, #tpu.memory_space<semaphore_mem>>, %arg35: memref<!tpu.dma_semaphore, #tpu.memory_space<semaphore_mem>>) attributes {dimension_semantics = [#tpu.dimension_semantics<core_parallel>, #tpu.dimension_semantics<subcore_parallel>], iteration_bounds = array<i64: 2, 16>, scalar_prefetch = 0 : i64, scratch_operands = 26 : i64, tpu.core_type = #tpu.core_type<sc_vector_subcore>, window_params = [{transform_indices = #map}, {transform_indices = #map1}, {transform_indices = #map1}, {transform_indices = #map1}, {transform_indices = #map1}, {transform_indices = #map1}, {transform_indices = #map1}, {transform_indices = #map}]} {
    %mul3A = arith.constant 2 : i32
    %mul3A_0 = arith.muli %arg1, %mul3A : i32
    %add3A = arith.addi %mul3A_0, %arg0 : i32
    "tpu.region"() ({
      %run_scoped3A = tpu.sem_alloc : memref<!tpu.dma_semaphore, #tpu.memory_space<semaphore_mem>>
      %dma_start3A_374 = arith.constant 0 : i32
      %dma_start3A_375 = arith.constant 0 : i32
      %dma_start3A_376 = tpu.memref_slice %arg3[%add3A, %dma_start3A_374, %dma_start3A_375] : memref<32x32x100xi32, #tpu.memory_space<hbm>> -> memref<1x32x100xi32, #tpu.memory_space<hbm>>
      %dma_start3A_377 = tpu.memref_squeeze %dma_start3A_376 : memref<1x32x100xi32, #tpu.memory_space<hbm>> -> memref<32x100xi32, #tpu.memory_space<hbm>>
      %dma_start3A_378 = arith.constant 0 : i32
      %dma_start3A_379 = arith.constant 0 : i32
      %dma_start3A_380 = tpu.memref_slice %arg3[%add3A, %dma_start3A_378, %dma_start3A_379] : memref<32x32x100xi32, #tpu.memory_space<hbm>> -> memref<1x32x100xi32, #tpu.memory_space<hbm>>
      %dma_start3A_381 = tpu.memref_squeeze %dma_start3A_380 : memref<1x32x100xi32, #tpu.memory_space<hbm>> -> memref<32x100xi32, #tpu.memory_space<hbm>>
      tpu.enqueue_dma source(%dma_start3A_381 : memref<32x100xi32, #tpu.memory_space<hbm>>) target(%arg10 : memref<32x100xi32, #tpu.memory_space<vmem>>) target_semaphore(%run_scoped3A : memref<!tpu.dma_semaphore, #tpu.memory_space<semaphore_mem>>)
      %dma_wait3A_382 = arith.constant 0 : i32
      %dma_wait3A_383 = arith.constant 0 : i32
      %dma_wait3A_384 = tpu.memref_slice %arg3[%add3A, %dma_wait3A_382, %dma_wait3A_383] : memref<32x32x100xi32, #tpu.memory_space<hbm>> -> memref<1x32x100xi32, #tpu.memory_space<hbm>>
      %dma_wait3A_385 = tpu.memref_squeeze %dma_wait3A_384 : memref<1x32x100xi32, #tpu.memory_space<hbm>> -> memref<32x100xi32, #tpu.memory_space<hbm>>
      %dma_wait3A_386 = arith.constant 0 : i32
      %dma_wait3A_387 = arith.constant 0 : i32
      %dma_wait3A_388 = tpu.memref_slice %arg3[%add3A, %dma_wait3A_386, %dma_wait3A_387] : memref<32x32x100xi32, #tpu.memory_space<hbm>> -> memref<1x32x100xi32, #tpu.memory_space<hbm>>
      %dma_wait3A_389 = tpu.memref_squeeze %dma_wait3A_388 : memref<1x32x100xi32, #tpu.memory_space<hbm>> -> memref<32x100xi32, #tpu.memory_space<hbm>>
      tpu.wait_dma2 semaphore(%run_scoped3A : memref<!tpu.dma_semaphore, #tpu.memory_space<semaphore_mem>>) src(%dma_wait3A_389 : memref<32x100xi32, #tpu.memory_space<hbm>>) dst(%arg10 : memref<32x100xi32, #tpu.memory_space<vmem>>)
      tpu.yield
    }) : () -> ()
    "tpu.region"() ({
      %run_scoped3A = tpu.sem_alloc : memref<!tpu.dma_semaphore, #tpu.memory_space<semaphore_mem>>
      %dma_start3A_374 = arith.constant 0 : i32
      %dma_start3A_375 = arith.constant 0 : i32
      %dma_start3A_376 = tpu.memref_slice %arg4[%add3A, %dma_start3A_374, %dma_start3A_375] : memref<32x32x100xi32, #tpu.memory_space<hbm>> -> memref<1x32x100xi32, #tpu.memory_space<hbm>>
      %dma_start3A_377 = tpu.memref_squeeze %dma_start3A_376 : memref<1x32x100xi32, #tpu.memory_space<hbm>> -> memref<32x100xi32, #tpu.memory_space<hbm>>
      %dma_start3A_378 = arith.constant 0 : i32
      %dma_start3A_379 = arith.constant 0 : i32
      %dma_start3A_380 = tpu.memref_slice %arg4[%add3A, %dma_start3A_378, %dma_start3A_379] : memref<32x32x100xi32, #tpu.memory_space<hbm>> -> memref<1x32x100xi32, #tpu.memory_space<hbm>>
      %dma_start3A_381 = tpu.memref_squeeze %dma_start3A_380 : memref<1x32x100xi32, #tpu.memory_space<hbm>> -> memref<32x100xi32, #tpu.memory_space<hbm>>
      tpu.enqueue_dma source(%dma_start3A_381 : memref<32x100xi32, #tpu.memory_space<hbm>>) target(%arg11 : memref<32x100xi32, #tpu.memory_space<vmem>>) target_semaphore(%run_scoped3A : memref<!tpu.dma_semaphore, #tpu.memory_space<semaphore_mem>>)
      %dma_wait3A_382 = arith.constant 0 : i32
      %dma_wait3A_383 = arith.constant 0 : i32
      %dma_wait3A_384 = tpu.memref_slice %arg4[%add3A, %dma_wait3A_382, %dma_wait3A_383] : memref<32x32x100xi32, #tpu.memory_space<hbm>> -> memref<1x32x100xi32, #tpu.memory_space<hbm>>
      %dma_wait3A_385 = tpu.memref_squeeze %dma_wait3A_384 : memref<1x32x100xi32, #tpu.memory_space<hbm>> -> memref<32x100xi32, #tpu.memory_space<hbm>>
      %dma_wait3A_386 = arith.constant 0 : i32
      %dma_wait3A_387 = arith.constant 0 : i32
      %dma_wait3A_388 = tpu.memref_slice %arg4[%add3A, %dma_wait3A_386, %dma_wait3A_387] : memref<32x32x100xi32, #tpu.memory_space<hbm>> -> memref<1x32x100xi32, #tpu.memory_space<hbm>>
      %dma_wait3A_389 = tpu.memref_squeeze %dma_wait3A_388 : memref<1x32x100xi32, #tpu.memory_space<hbm>> -> memref<32x100xi32, #tpu.memory_space<hbm>>
      tpu.wait_dma2 semaphore(%run_scoped3A : memref<!tpu.dma_semaphore, #tpu.memory_space<semaphore_mem>>) src(%dma_wait3A_389 : memref<32x100xi32, #tpu.memory_space<hbm>>) dst(%arg11 : memref<32x100xi32, #tpu.memory_space<vmem>>)
      tpu.yield
    }) : () -> ()
    "tpu.region"() ({
      %run_scoped3A = tpu.sem_alloc : memref<!tpu.dma_semaphore, #tpu.memory_space<semaphore_mem>>
      %dma_start3A_374 = arith.constant 0 : i32
      %dma_start3A_375 = arith.constant 0 : i32
      %dma_start3A_376 = tpu.memref_slice %arg5[%add3A, %dma_start3A_374, %dma_start3A_375] : memref<32x32x100xi32, #tpu.memory_space<hbm>> -> memref<1x32x100xi32, #tpu.memory_space<hbm>>
      %dma_start3A_377 = tpu.memref_squeeze %dma_start3A_376 : memref<1x32x100xi32, #tpu.memory_space<hbm>> -> memref<32x100xi32, #tpu.memory_space<hbm>>
      %dma_start3A_378 = arith.constant 0 : i32
      %dma_start3A_379 = arith.constant 0 : i32
      %dma_start3A_380 = tpu.memref_slice %arg5[%add3A, %dma_start3A_378, %dma_start3A_379] : memref<32x32x100xi32, #tpu.memory_space<hbm>> -> memref<1x32x100xi32, #tpu.memory_space<hbm>>
      %dma_start3A_381 = tpu.memref_squeeze %dma_start3A_380 : memref<1x32x100xi32, #tpu.memory_space<hbm>> -> memref<32x100xi32, #tpu.memory_space<hbm>>
      tpu.enqueue_dma source(%dma_start3A_381 : memref<32x100xi32, #tpu.memory_space<hbm>>) target(%arg12 : memref<32x100xi32, #tpu.memory_space<vmem>>) target_semaphore(%run_scoped3A : memref<!tpu.dma_semaphore, #tpu.memory_space<semaphore_mem>>)
      %dma_wait3A_382 = arith.constant 0 : i32
      %dma_wait3A_383 = arith.constant 0 : i32
      %dma_wait3A_384 = tpu.memref_slice %arg5[%add3A, %dma_wait3A_382, %dma_wait3A_383] : memref<32x32x100xi32, #tpu.memory_space<hbm>> -> memref<1x32x100xi32, #tpu.memory_space<hbm>>
      %dma_wait3A_385 = tpu.memref_squeeze %dma_wait3A_384 : memref<1x32x100xi32, #tpu.memory_space<hbm>> -> memref<32x100xi32, #tpu.memory_space<hbm>>
      %dma_wait3A_386 = arith.constant 0 : i32
      %dma_wait3A_387 = arith.constant 0 : i32
      %dma_wait3A_388 = tpu.memref_slice %arg5[%add3A, %dma_wait3A_386, %dma_wait3A_387] : memref<32x32x100xi32, #tpu.memory_space<hbm>> -> memref<1x32x100xi32, #tpu.memory_space<hbm>>
      %dma_wait3A_389 = tpu.memref_squeeze %dma_wait3A_388 : memref<1x32x100xi32, #tpu.memory_space<hbm>> -> memref<32x100xi32, #tpu.memory_space<hbm>>
      tpu.wait_dma2 semaphore(%run_scoped3A : memref<!tpu.dma_semaphore, #tpu.memory_space<semaphore_mem>>) src(%dma_wait3A_389 : memref<32x100xi32, #tpu.memory_space<hbm>>) dst(%arg12 : memref<32x100xi32, #tpu.memory_space<vmem>>)
      tpu.yield
    }) : () -> ()
    "tpu.region"() ({
      %run_scoped3A = tpu.sem_alloc : memref<!tpu.dma_semaphore, #tpu.memory_space<semaphore_mem>>
      %dma_start3A_374 = arith.constant 0 : i32
      %dma_start3A_375 = arith.constant 0 : i32
      %dma_start3A_376 = tpu.memref_slice %arg6[%add3A, %dma_start3A_374, %dma_start3A_375] : memref<32x32x100xi32, #tpu.memory_space<hbm>> -> memref<1x32x100xi32, #tpu.memory_space<hbm>>
      %dma_start3A_377 = tpu.memref_squeeze %dma_start3A_376 : memref<1x32x100xi32, #tpu.memory_space<hbm>> -> memref<32x100xi32, #tpu.memory_space<hbm>>
      %dma_start3A_378 = arith.constant 0 : i32
      %dma_start3A_379 = arith.constant 0 : i32
      %dma_start3A_380 = tpu.memref_slice %arg6[%add3A, %dma_start3A_378, %dma_start3A_379] : memref<32x32x100xi32, #tpu.memory_space<hbm>> -> memref<1x32x100xi32, #tpu.memory_space<hbm>>
      %dma_start3A_381 = tpu.memref_squeeze %dma_start3A_380 : memref<1x32x100xi32, #tpu.memory_space<hbm>> -> memref<32x100xi32, #tpu.memory_space<hbm>>
      tpu.enqueue_dma source(%dma_start3A_381 : memref<32x100xi32, #tpu.memory_space<hbm>>) target(%arg13 : memref<32x100xi32, #tpu.memory_space<vmem>>) target_semaphore(%run_scoped3A : memref<!tpu.dma_semaphore, #tpu.memory_space<semaphore_mem>>)
      %dma_wait3A_382 = arith.constant 0 : i32
      %dma_wait3A_383 = arith.constant 0 : i32
      %dma_wait3A_384 = tpu.memref_slice %arg6[%add3A, %dma_wait3A_382, %dma_wait3A_383] : memref<32x32x100xi32, #tpu.memory_space<hbm>> -> memref<1x32x100xi32, #tpu.memory_space<hbm>>
      %dma_wait3A_385 = tpu.memref_squeeze %dma_wait3A_384 : memref<1x32x100xi32, #tpu.memory_space<hbm>> -> memref<32x100xi32, #tpu.memory_space<hbm>>
      %dma_wait3A_386 = arith.constant 0 : i32
      %dma_wait3A_387 = arith.constant 0 : i32
      %dma_wait3A_388 = tpu.memref_slice %arg6[%add3A, %dma_wait3A_386, %dma_wait3A_387] : memref<32x32x100xi32, #tpu.memory_space<hbm>> -> memref<1x32x100xi32, #tpu.memory_space<hbm>>
      %dma_wait3A_389 = tpu.memref_squeeze %dma_wait3A_388 : memref<1x32x100xi32, #tpu.memory_space<hbm>> -> memref<32x100xi32, #tpu.memory_space<hbm>>
      tpu.wait_dma2 semaphore(%run_scoped3A : memref<!tpu.dma_semaphore, #tpu.memory_space<semaphore_mem>>) src(%dma_wait3A_389 : memref<32x100xi32, #tpu.memory_space<hbm>>) dst(%arg13 : memref<32x100xi32, #tpu.memory_space<vmem>>)
      tpu.yield
    }) : () -> ()
    "tpu.region"() ({
      %run_scoped3A = tpu.sem_alloc : memref<!tpu.dma_semaphore, #tpu.memory_space<semaphore_mem>>
      %dma_start3A_374 = arith.constant 0 : i32
      %dma_start3A_375 = arith.constant 0 : i32
      %dma_start3A_376 = tpu.memref_slice %arg7[%add3A, %dma_start3A_374, %dma_start3A_375] : memref<32x32x100xi32, #tpu.memory_space<hbm>> -> memref<1x32x100xi32, #tpu.memory_space<hbm>>
      %dma_start3A_377 = tpu.memref_squeeze %dma_start3A_376 : memref<1x32x100xi32, #tpu.memory_space<hbm>> -> memref<32x100xi32, #tpu.memory_space<hbm>>
      %dma_start3A_378 = arith.constant 0 : i32
      %dma_start3A_379 = arith.constant 0 : i32
      %dma_start3A_380 = tpu.memref_slice %arg7[%add3A, %dma_start3A_378, %dma_start3A_379] : memref<32x32x100xi32, #tpu.memory_space<hbm>> -> memref<1x32x100xi32, #tpu.memory_space<hbm>>
      %dma_start3A_381 = tpu.memref_squeeze %dma_start3A_380 : memref<1x32x100xi32, #tpu.memory_space<hbm>> -> memref<32x100xi32, #tpu.memory_space<hbm>>
      tpu.enqueue_dma source(%dma_start3A_381 : memref<32x100xi32, #tpu.memory_space<hbm>>) target(%arg14 : memref<32x100xi32, #tpu.memory_space<vmem>>) target_semaphore(%run_scoped3A : memref<!tpu.dma_semaphore, #tpu.memory_space<semaphore_mem>>)
      %dma_wait3A_382 = arith.constant 0 : i32
      %dma_wait3A_383 = arith.constant 0 : i32
      %dma_wait3A_384 = tpu.memref_slice %arg7[%add3A, %dma_wait3A_382, %dma_wait3A_383] : memref<32x32x100xi32, #tpu.memory_space<hbm>> -> memref<1x32x100xi32, #tpu.memory_space<hbm>>
      %dma_wait3A_385 = tpu.memref_squeeze %dma_wait3A_384 : memref<1x32x100xi32, #tpu.memory_space<hbm>> -> memref<32x100xi32, #tpu.memory_space<hbm>>
      %dma_wait3A_386 = arith.constant 0 : i32
      %dma_wait3A_387 = arith.constant 0 : i32
      %dma_wait3A_388 = tpu.memref_slice %arg7[%add3A, %dma_wait3A_386, %dma_wait3A_387] : memref<32x32x100xi32, #tpu.memory_space<hbm>> -> memref<1x32x100xi32, #tpu.memory_space<hbm>>
      %dma_wait3A_389 = tpu.memref_squeeze %dma_wait3A_388 : memref<1x32x100xi32, #tpu.memory_space<hbm>> -> memref<32x100xi32, #tpu.memory_space<hbm>>
      tpu.wait_dma2 semaphore(%run_scoped3A : memref<!tpu.dma_semaphore, #tpu.memory_space<semaphore_mem>>) src(%dma_wait3A_389 : memref<32x100xi32, #tpu.memory_space<hbm>>) dst(%arg14 : memref<32x100xi32, #tpu.memory_space<vmem>>)
      tpu.yield
    }) : () -> ()
    "tpu.region"() ({
      %run_scoped3A = tpu.sem_alloc : memref<!tpu.dma_semaphore, #tpu.memory_space<semaphore_mem>>
      %dma_start3A_374 = arith.constant 0 : i32
      %dma_start3A_375 = arith.constant 0 : i32
      %dma_start3A_376 = tpu.memref_slice %arg8[%add3A, %dma_start3A_374, %dma_start3A_375] : memref<32x32x100xi32, #tpu.memory_space<hbm>> -> memref<1x32x100xi32, #tpu.memory_space<hbm>>
      %dma_start3A_377 = tpu.memref_squeeze %dma_start3A_376 : memref<1x32x100xi32, #tpu.memory_space<hbm>> -> memref<32x100xi32, #tpu.memory_space<hbm>>
      %dma_start3A_378 = arith.constant 0 : i32
      %dma_start3A_379 = arith.constant 0 : i32
      %dma_start3A_380 = tpu.memref_slice %arg8[%add3A, %dma_start3A_378, %dma_start3A_379] : memref<32x32x100xi32, #tpu.memory_space<hbm>> -> memref<1x32x100xi32, #tpu.memory_space<hbm>>
      %dma_start3A_381 = tpu.memref_squeeze %dma_start3A_380 : memref<1x32x100xi32, #tpu.memory_space<hbm>> -> memref<32x100xi32, #tpu.memory_space<hbm>>
      tpu.enqueue_dma source(%dma_start3A_381 : memref<32x100xi32, #tpu.memory_space<hbm>>) target(%arg15 : memref<32x100xi32, #tpu.memory_space<vmem>>) target_semaphore(%run_scoped3A : memref<!tpu.dma_semaphore, #tpu.memory_space<semaphore_mem>>)
      %dma_wait3A_382 = arith.constant 0 : i32
      %dma_wait3A_383 = arith.constant 0 : i32
      %dma_wait3A_384 = tpu.memref_slice %arg8[%add3A, %dma_wait3A_382, %dma_wait3A_383] : memref<32x32x100xi32, #tpu.memory_space<hbm>> -> memref<1x32x100xi32, #tpu.memory_space<hbm>>
      %dma_wait3A_385 = tpu.memref_squeeze %dma_wait3A_384 : memref<1x32x100xi32, #tpu.memory_space<hbm>> -> memref<32x100xi32, #tpu.memory_space<hbm>>
      %dma_wait3A_386 = arith.constant 0 : i32
      %dma_wait3A_387 = arith.constant 0 : i32
      %dma_wait3A_388 = tpu.memref_slice %arg8[%add3A, %dma_wait3A_386, %dma_wait3A_387] : memref<32x32x100xi32, #tpu.memory_space<hbm>> -> memref<1x32x100xi32, #tpu.memory_space<hbm>>
      %dma_wait3A_389 = tpu.memref_squeeze %dma_wait3A_388 : memref<1x32x100xi32, #tpu.memory_space<hbm>> -> memref<32x100xi32, #tpu.memory_space<hbm>>
      tpu.wait_dma2 semaphore(%run_scoped3A : memref<!tpu.dma_semaphore, #tpu.memory_space<semaphore_mem>>) src(%dma_wait3A_389 : memref<32x100xi32, #tpu.memory_space<hbm>>) dst(%arg15 : memref<32x100xi32, #tpu.memory_space<vmem>>)
      tpu.yield
    }) : () -> ()
    %dma_start3A = arith.constant 0 : i32
    %dma_start3A_1 = arith.constant 0 : i32
    %dma_start3A_2 = tpu.memref_slice %arg10[%dma_start3A, %dma_start3A_1] : memref<32x100xi32, #tpu.memory_space<vmem>> -> memref<1x100xi32, #tpu.memory_space<vmem>>
    %dma_start3A_3 = tpu.memref_squeeze %dma_start3A_2 : memref<1x100xi32, #tpu.memory_space<vmem>> -> memref<100xi32, #tpu.memory_space<vmem>>
    %dma_start3A_4 = arith.constant 0 : i32
    %dma_start3A_5 = arith.constant 0 : i32
    %dma_start3A_6 = tpu.memref_slice %arg2[%dma_start3A_4, %dma_start3A_5] : memref<100000x16xf32, #tpu.memory_space<hbm>> -> memref<100000x16xf32, #tpu.memory_space<hbm>>
    tpu.enqueue_indirect_dma source(%dma_start3A_6 : memref<100000x16xf32, #tpu.memory_space<hbm>>) target(%arg16 : memref<100x16xf32, #tpu.memory_space<vmem>>) offsets(%dma_start3A_3 : memref<100xi32, #tpu.memory_space<vmem>>) semaphore(%arg24 : memref<!tpu.dma_semaphore, #tpu.memory_space<semaphore_mem>>)
    %dma_start3A_7 = arith.constant 0 : i32
    %dma_start3A_8 = arith.constant 0 : i32
    %dma_start3A_9 = tpu.memref_slice %arg11[%dma_start3A_7, %dma_start3A_8] : memref<32x100xi32, #tpu.memory_space<vmem>> -> memref<1x100xi32, #tpu.memory_space<vmem>>
    %dma_start3A_10 = tpu.memref_squeeze %dma_start3A_9 : memref<1x100xi32, #tpu.memory_space<vmem>> -> memref<100xi32, #tpu.memory_space<vmem>>
    %dma_start3A_11 = arith.constant 0 : i32
    %dma_start3A_12 = arith.constant 0 : i32
    %dma_start3A_13 = tpu.memref_slice %arg2[%dma_start3A_11, %dma_start3A_12] : memref<100000x16xf32, #tpu.memory_space<hbm>> -> memref<100000x16xf32, #tpu.memory_space<hbm>>
    tpu.enqueue_indirect_dma source(%dma_start3A_13 : memref<100000x16xf32, #tpu.memory_space<hbm>>) target(%arg17 : memref<100x16xf32, #tpu.memory_space<vmem>>) offsets(%dma_start3A_10 : memref<100xi32, #tpu.memory_space<vmem>>) semaphore(%arg24 : memref<!tpu.dma_semaphore, #tpu.memory_space<semaphore_mem>>)
    %dma_start3A_14 = arith.constant 0 : i32
    %dma_start3A_15 = arith.constant 0 : i32
    %dma_start3A_16 = tpu.memref_slice %arg12[%dma_start3A_14, %dma_start3A_15] : memref<32x100xi32, #tpu.memory_space<vmem>> -> memref<1x100xi32, #tpu.memory_space<vmem>>
    %dma_start3A_17 = tpu.memref_squeeze %dma_start3A_16 : memref<1x100xi32, #tpu.memory_space<vmem>> -> memref<100xi32, #tpu.memory_space<vmem>>
    %dma_start3A_18 = arith.constant 0 : i32
    %dma_start3A_19 = arith.constant 0 : i32
    %dma_start3A_20 = tpu.memref_slice %arg2[%dma_start3A_18, %dma_start3A_19] : memref<100000x16xf32, #tpu.memory_space<hbm>> -> memref<100000x16xf32, #tpu.memory_space<hbm>>
    tpu.enqueue_indirect_dma source(%dma_start3A_20 : memref<100000x16xf32, #tpu.memory_space<hbm>>) target(%arg18 : memref<100x16xf32, #tpu.memory_space<vmem>>) offsets(%dma_start3A_17 : memref<100xi32, #tpu.memory_space<vmem>>) semaphore(%arg24 : memref<!tpu.dma_semaphore, #tpu.memory_space<semaphore_mem>>)
    %dma_start3A_21 = arith.constant 1 : i32
    %dma_start3A_22 = arith.constant 0 : i32
    %dma_start3A_23 = tpu.memref_slice %arg10[%dma_start3A_21, %dma_start3A_22] : memref<32x100xi32, #tpu.memory_space<vmem>> -> memref<1x100xi32, #tpu.memory_space<vmem>>
    %dma_start3A_24 = tpu.memref_squeeze %dma_start3A_23 : memref<1x100xi32, #tpu.memory_space<vmem>> -> memref<100xi32, #tpu.memory_space<vmem>>
    %dma_start3A_25 = arith.constant 0 : i32
    %dma_start3A_26 = arith.constant 0 : i32
    %dma_start3A_27 = tpu.memref_slice %arg2[%dma_start3A_25, %dma_start3A_26] : memref<100000x16xf32, #tpu.memory_space<hbm>> -> memref<100000x16xf32, #tpu.memory_space<hbm>>
    tpu.enqueue_indirect_dma source(%dma_start3A_27 : memref<100000x16xf32, #tpu.memory_space<hbm>>) target(%arg20 : memref<100x16xf32, #tpu.memory_space<vmem>>) offsets(%dma_start3A_24 : memref<100xi32, #tpu.memory_space<vmem>>) semaphore(%arg25 : memref<!tpu.dma_semaphore, #tpu.memory_space<semaphore_mem>>)
    %dma_start3A_28 = arith.constant 1 : i32
    %dma_start3A_29 = arith.constant 0 : i32
    %dma_start3A_30 = tpu.memref_slice %arg11[%dma_start3A_28, %dma_start3A_29] : memref<32x100xi32, #tpu.memory_space<vmem>> -> memref<1x100xi32, #tpu.memory_space<vmem>>
    %dma_start3A_31 = tpu.memref_squeeze %dma_start3A_30 : memref<1x100xi32, #tpu.memory_space<vmem>> -> memref<100xi32, #tpu.memory_space<vmem>>
    %dma_start3A_32 = arith.constant 0 : i32
    %dma_start3A_33 = arith.constant 0 : i32
    %dma_start3A_34 = tpu.memref_slice %arg2[%dma_start3A_32, %dma_start3A_33] : memref<100000x16xf32, #tpu.memory_space<hbm>> -> memref<100000x16xf32, #tpu.memory_space<hbm>>
    tpu.enqueue_indirect_dma source(%dma_start3A_34 : memref<100000x16xf32, #tpu.memory_space<hbm>>) target(%arg21 : memref<100x16xf32, #tpu.memory_space<vmem>>) offsets(%dma_start3A_31 : memref<100xi32, #tpu.memory_space<vmem>>) semaphore(%arg25 : memref<!tpu.dma_semaphore, #tpu.memory_space<semaphore_mem>>)
    %dma_start3A_35 = arith.constant 1 : i32
    %dma_start3A_36 = arith.constant 0 : i32
    %dma_start3A_37 = tpu.memref_slice %arg12[%dma_start3A_35, %dma_start3A_36] : memref<32x100xi32, #tpu.memory_space<vmem>> -> memref<1x100xi32, #tpu.memory_space<vmem>>
    %dma_start3A_38 = tpu.memref_squeeze %dma_start3A_37 : memref<1x100xi32, #tpu.memory_space<vmem>> -> memref<100xi32, #tpu.memory_space<vmem>>
    %dma_start3A_39 = arith.constant 0 : i32
    %dma_start3A_40 = arith.constant 0 : i32
    %dma_start3A_41 = tpu.memref_slice %arg2[%dma_start3A_39, %dma_start3A_40] : memref<100000x16xf32, #tpu.memory_space<hbm>> -> memref<100000x16xf32, #tpu.memory_space<hbm>>
    tpu.enqueue_indirect_dma source(%dma_start3A_41 : memref<100000x16xf32, #tpu.memory_space<hbm>>) target(%arg22 : memref<100x16xf32, #tpu.memory_space<vmem>>) offsets(%dma_start3A_38 : memref<100xi32, #tpu.memory_space<vmem>>) semaphore(%arg25 : memref<!tpu.dma_semaphore, #tpu.memory_space<semaphore_mem>>)
    %dma_wait3A = arith.constant 0 : i32
    %dma_wait3A_42 = arith.constant 0 : i32
    %dma_wait3A_43 = tpu.memref_slice %arg10[%dma_wait3A, %dma_wait3A_42] : memref<32x100xi32, #tpu.memory_space<vmem>> -> memref<1x100xi32, #tpu.memory_space<vmem>>
    %dma_wait3A_44 = tpu.memref_squeeze %dma_wait3A_43 : memref<1x100xi32, #tpu.memory_space<vmem>> -> memref<100xi32, #tpu.memory_space<vmem>>
    %dma_wait3A_45 = arith.constant 0 : i32
    %dma_wait3A_46 = arith.constant 0 : i32
    %dma_wait3A_47 = tpu.memref_slice %arg2[%dma_wait3A_45, %dma_wait3A_46] : memref<100000x16xf32, #tpu.memory_space<hbm>> -> memref<100000x16xf32, #tpu.memory_space<hbm>>
    tpu.wait_indirect_dma semaphore(%arg24 : memref<!tpu.dma_semaphore, #tpu.memory_space<semaphore_mem>>) src(%dma_wait3A_47 : memref<100000x16xf32, #tpu.memory_space<hbm>>) dst(%arg16 : memref<100x16xf32, #tpu.memory_space<vmem>>)
    %dma_wait3A_48 = arith.constant 0 : i32
    %dma_wait3A_49 = arith.constant 0 : i32
    %dma_wait3A_50 = tpu.memref_slice %arg11[%dma_wait3A_48, %dma_wait3A_49] : memref<32x100xi32, #tpu.memory_space<vmem>> -> memref<1x100xi32, #tpu.memory_space<vmem>>
    %dma_wait3A_51 = tpu.memref_squeeze %dma_wait3A_50 : memref<1x100xi32, #tpu.memory_space<vmem>> -> memref<100xi32, #tpu.memory_space<vmem>>
    %dma_wait3A_52 = arith.constant 0 : i32
    %dma_wait3A_53 = arith.constant 0 : i32
    %dma_wait3A_54 = tpu.memref_slice %arg2[%dma_wait3A_52, %dma_wait3A_53] : memref<100000x16xf32, #tpu.memory_space<hbm>> -> memref<100000x16xf32, #tpu.memory_space<hbm>>
    tpu.wait_indirect_dma semaphore(%arg24 : memref<!tpu.dma_semaphore, #tpu.memory_space<semaphore_mem>>) src(%dma_wait3A_54 : memref<100000x16xf32, #tpu.memory_space<hbm>>) dst(%arg17 : memref<100x16xf32, #tpu.memory_space<vmem>>)
    %dma_wait3A_55 = arith.constant 0 : i32
    %dma_wait3A_56 = arith.constant 0 : i32
    %dma_wait3A_57 = tpu.memref_slice %arg12[%dma_wait3A_55, %dma_wait3A_56] : memref<32x100xi32, #tpu.memory_space<vmem>> -> memref<1x100xi32, #tpu.memory_space<vmem>>
    %dma_wait3A_58 = tpu.memref_squeeze %dma_wait3A_57 : memref<1x100xi32, #tpu.memory_space<vmem>> -> memref<100xi32, #tpu.memory_space<vmem>>
    %dma_wait3A_59 = arith.constant 0 : i32
    %dma_wait3A_60 = arith.constant 0 : i32
    %dma_wait3A_61 = tpu.memref_slice %arg2[%dma_wait3A_59, %dma_wait3A_60] : memref<100000x16xf32, #tpu.memory_space<hbm>> -> memref<100000x16xf32, #tpu.memory_space<hbm>>
    tpu.wait_indirect_dma semaphore(%arg24 : memref<!tpu.dma_semaphore, #tpu.memory_space<semaphore_mem>>) src(%dma_wait3A_61 : memref<100000x16xf32, #tpu.memory_space<hbm>>) dst(%arg18 : memref<100x16xf32, #tpu.memory_space<vmem>>)
    %scan3A = arith.constant 0 : i32
    %scan3A_62 = arith.constant 0 : i32
    %scan3A_63 = arith.constant 100 : i32
    %scan3A_64 = arith.addi %scan3A_62, %scan3A_63 : i32
    %scan3A_65 = arith.constant 1 : i32
    %scan3A_66 = scf.for %scan3A_374 = %scan3A_62 to %scan3A_64 step %scan3A_65 iter_args(%scan3A_375 = %scan3A) -> (i32)  : i32 {
      %get3A = arith.index_cast %scan3A_374 : i32 to index
      %get3A_376 = arith.constant 0 : index
      %get3A_377 = tpu.vector_load %arg16[%get3A, %get3A_376] {strides = array<i32>} : memref<100x16xf32, #tpu.memory_space<vmem>>, vector<1x16xf32>,
      %get3A_378 = vector.shape_cast %get3A_377 : vector<1x16xf32> to vector<16xf32>
      %get3A_379 = arith.index_cast %scan3A_374 : i32 to index
      %get3A_380 = arith.constant 0 : index
      %get3A_381 = tpu.vector_load %arg17[%get3A_379, %get3A_380] {strides = array<i32>} : memref<100x16xf32, #tpu.memory_space<vmem>>, vector<1x16xf32>,
      %get3A_382 = vector.shape_cast %get3A_381 : vector<1x16xf32> to vector<16xf32>
      %add3A_383 = arith.addf %get3A_378, %get3A_382 : vector<16xf32>
      %get3A_384 = arith.index_cast %scan3A_374 : i32 to index
      %get3A_385 = arith.constant 0 : index
      %get3A_386 = tpu.vector_load %arg18[%get3A_384, %get3A_385] {strides = array<i32>} : memref<100x16xf32, #tpu.memory_space<vmem>>, vector<1x16xf32>,
      %get3A_387 = vector.shape_cast %get3A_386 : vector<1x16xf32> to vector<16xf32>
      %add3A_388 = arith.addf %add3A_383, %get3A_387 : vector<16xf32>
      %mul3A_389 = arith.constant 0.333333343 : f32
      %mul3A_390 = vector.broadcast %mul3A_389 : f32 to vector<16xf32>
      %mul3A_391 = arith.mulf %add3A_388, %mul3A_390 : vector<16xf32>
      %swap3A = arith.index_cast %scan3A_374 : i32 to index
      %swap3A_392 = arith.constant 0 : index
      %swap3A_393 = tpu.vector_load %arg19[%swap3A, %swap3A_392] {strides = array<i32>} : memref<100x16xf32, #tpu.memory_space<vmem>>, vector<1x16xf32>,
      %swap3A_394 = vector.shape_cast %swap3A_393 : vector<1x16xf32> to vector<16xf32>
      %swap3A_395 = vector.shape_cast %mul3A_391 : vector<16xf32> to vector<1x16xf32>
      tpu.vector_store %arg19[%swap3A, %swap3A_392], %swap3A_395 {strides = array<i32>} : memref<100x16xf32, #tpu.memory_space<vmem>>, vector<1x16xf32>,
      %scan3A_396 = arith.constant 0 : i32
      scf.yield %scan3A_396 : i32
    }
    %scan3A_67 = arith.constant 100 : i32
    %dma_start3A_68 = arith.constant 0 : i32
    %dma_start3A_69 = arith.constant 0 : i32
    %dma_start3A_70 = tpu.memref_slice %arg13[%dma_start3A_68, %dma_start3A_69] : memref<32x100xi32, #tpu.memory_space<vmem>> -> memref<1x100xi32, #tpu.memory_space<vmem>>
    %dma_start3A_71 = tpu.memref_squeeze %dma_start3A_70 : memref<1x100xi32, #tpu.memory_space<vmem>> -> memref<100xi32, #tpu.memory_space<vmem>>
    %dma_start3A_72 = arith.constant 0 : i32
    %dma_start3A_73 = arith.constant 0 : i32
    %dma_start3A_74 = tpu.memref_slice %arg9[%dma_start3A_72, %dma_start3A_73] : memref<200000x16xf32, #tpu.memory_space<hbm>> -> memref<200000x16xf32, #tpu.memory_space<hbm>>
    tpu.enqueue_indirect_dma source(%arg19 : memref<100x16xf32, #tpu.memory_space<vmem>>) target(%dma_start3A_74 : memref<200000x16xf32, #tpu.memory_space<hbm>>) offsets(%dma_start3A_71 : memref<100xi32, #tpu.memory_space<vmem>>) semaphore(%arg26 : memref<!tpu.dma_semaphore, #tpu.memory_space<semaphore_mem>>)
    %dma_start3A_75 = arith.constant 2 : i32
    %dma_start3A_76 = arith.constant 0 : i32
    %dma_start3A_77 = tpu.memref_slice %arg10[%dma_start3A_75, %dma_start3A_76] : memref<32x100xi32, #tpu.memory_space<vmem>> -> memref<1x100xi32, #tpu.memory_space<vmem>>
    %dma_start3A_78 = tpu.memref_squeeze %dma_start3A_77 : memref<1x100xi32, #tpu.memory_space<vmem>> -> memref<100xi32, #tpu.memory_space<vmem>>
    %dma_start3A_79 = arith.constant 0 : i32
    %dma_start3A_80 = arith.constant 0 : i32
    %dma_start3A_81 = tpu.memref_slice %arg2[%dma_start3A_79, %dma_start3A_80] : memref<100000x16xf32, #tpu.memory_space<hbm>> -> memref<100000x16xf32, #tpu.memory_space<hbm>>
    tpu.enqueue_indirect_dma source(%dma_start3A_81 : memref<100000x16xf32, #tpu.memory_space<hbm>>) target(%arg16 : memref<100x16xf32, #tpu.memory_space<vmem>>) offsets(%dma_start3A_78 : memref<100xi32, #tpu.memory_space<vmem>>) semaphore(%arg24 : memref<!tpu.dma_semaphore, #tpu.memory_space<semaphore_mem>>)
    %dma_start3A_82 = arith.constant 2 : i32
    %dma_start3A_83 = arith.constant 0 : i32
    %dma_start3A_84 = tpu.memref_slice %arg11[%dma_start3A_82, %dma_start3A_83] : memref<32x100xi32, #tpu.memory_space<vmem>> -> memref<1x100xi32, #tpu.memory_space<vmem>>
    %dma_start3A_85 = tpu.memref_squeeze %dma_start3A_84 : memref<1x100xi32, #tpu.memory_space<vmem>> -> memref<100xi32, #tpu.memory_space<vmem>>
    %dma_start3A_86 = arith.constant 0 : i32
    %dma_start3A_87 = arith.constant 0 : i32
    %dma_start3A_88 = tpu.memref_slice %arg2[%dma_start3A_86, %dma_start3A_87] : memref<100000x16xf32, #tpu.memory_space<hbm>> -> memref<100000x16xf32, #tpu.memory_space<hbm>>
    tpu.enqueue_indirect_dma source(%dma_start3A_88 : memref<100000x16xf32, #tpu.memory_space<hbm>>) target(%arg17 : memref<100x16xf32, #tpu.memory_space<vmem>>) offsets(%dma_start3A_85 : memref<100xi32, #tpu.memory_space<vmem>>) semaphore(%arg24 : memref<!tpu.dma_semaphore, #tpu.memory_space<semaphore_mem>>)
    %dma_start3A_89 = arith.constant 2 : i32
    %dma_start3A_90 = arith.constant 0 : i32
    %dma_start3A_91 = tpu.memref_slice %arg12[%dma_start3A_89, %dma_start3A_90] : memref<32x100xi32, #tpu.memory_space<vmem>> -> memref<1x100xi32, #tpu.memory_space<vmem>>
    %dma_start3A_92 = tpu.memref_squeeze %dma_start3A_91 : memref<1x100xi32, #tpu.memory_space<vmem>> -> memref<100xi32, #tpu.memory_space<vmem>>
    %dma_start3A_93 = arith.constant 0 : i32
    %dma_start3A_94 = arith.constant 0 : i32
    %dma_start3A_95 = tpu.memref_slice %arg2[%dma_start3A_93, %dma_start3A_94] : memref<100000x16xf32, #tpu.memory_space<hbm>> -> memref<100000x16xf32, #tpu.memory_space<hbm>>
    tpu.enqueue_indirect_dma source(%dma_start3A_95 : memref<100000x16xf32, #tpu.memory_space<hbm>>) target(%arg18 : memref<100x16xf32, #tpu.memory_space<vmem>>) offsets(%dma_start3A_92 : memref<100xi32, #tpu.memory_space<vmem>>) semaphore(%arg24 : memref<!tpu.dma_semaphore, #tpu.memory_space<semaphore_mem>>)
    %dma_wait3A_96 = arith.constant 1 : i32
    %dma_wait3A_97 = arith.constant 0 : i32
    %dma_wait3A_98 = tpu.memref_slice %arg10[%dma_wait3A_96, %dma_wait3A_97] : memref<32x100xi32, #tpu.memory_space<vmem>> -> memref<1x100xi32, #tpu.memory_space<vmem>>
    %dma_wait3A_99 = tpu.memref_squeeze %dma_wait3A_98 : memref<1x100xi32, #tpu.memory_space<vmem>> -> memref<100xi32, #tpu.memory_space<vmem>>
    %dma_wait3A_100 = arith.constant 0 : i32
    %dma_wait3A_101 = arith.constant 0 : i32
    %dma_wait3A_102 = tpu.memref_slice %arg2[%dma_wait3A_100, %dma_wait3A_101] : memref<100000x16xf32, #tpu.memory_space<hbm>> -> memref<100000x16xf32, #tpu.memory_space<hbm>>
    tpu.wait_indirect_dma semaphore(%arg25 : memref<!tpu.dma_semaphore, #tpu.memory_space<semaphore_mem>>) src(%dma_wait3A_102 : memref<100000x16xf32, #tpu.memory_space<hbm>>) dst(%arg20 : memref<100x16xf32, #tpu.memory_space<vmem>>)
    %dma_wait3A_103 = arith.constant 1 : i32
    %dma_wait3A_104 = arith.constant 0 : i32
    %dma_wait3A_105 = tpu.memref_slice %arg11[%dma_wait3A_103, %dma_wait3A_104] : memref<32x100xi32, #tpu.memory_space<vmem>> -> memref<1x100xi32, #tpu.memory_space<vmem>>
    %dma_wait3A_106 = tpu.memref_squeeze %dma_wait3A_105 : memref<1x100xi32, #tpu.memory_space<vmem>> -> memref<100xi32, #tpu.memory_space<vmem>>
    %dma_wait3A_107 = arith.constant 0 : i32
    %dma_wait3A_108 = arith.constant 0 : i32
    %dma_wait3A_109 = tpu.memref_slice %arg2[%dma_wait3A_107, %dma_wait3A_108] : memref<100000x16xf32, #tpu.memory_space<hbm>> -> memref<100000x16xf32, #tpu.memory_space<hbm>>
    tpu.wait_indirect_dma semaphore(%arg25 : memref<!tpu.dma_semaphore, #tpu.memory_space<semaphore_mem>>) src(%dma_wait3A_109 : memref<100000x16xf32, #tpu.memory_space<hbm>>) dst(%arg21 : memref<100x16xf32, #tpu.memory_space<vmem>>)
    %dma_wait3A_110 = arith.constant 1 : i32
    %dma_wait3A_111 = arith.constant 0 : i32
    %dma_wait3A_112 = tpu.memref_slice %arg12[%dma_wait3A_110, %dma_wait3A_111] : memref<32x100xi32, #tpu.memory_space<vmem>> -> memref<1x100xi32, #tpu.memory_space<vmem>>
    %dma_wait3A_113 = tpu.memref_squeeze %dma_wait3A_112 : memref<1x100xi32, #tpu.memory_space<vmem>> -> memref<100xi32, #tpu.memory_space<vmem>>
    %dma_wait3A_114 = arith.constant 0 : i32
    %dma_wait3A_115 = arith.constant 0 : i32
    %dma_wait3A_116 = tpu.memref_slice %arg2[%dma_wait3A_114, %dma_wait3A_115] : memref<100000x16xf32, #tpu.memory_space<hbm>> -> memref<100000x16xf32, #tpu.memory_space<hbm>>
    tpu.wait_indirect_dma semaphore(%arg25 : memref<!tpu.dma_semaphore, #tpu.memory_space<semaphore_mem>>) src(%dma_wait3A_116 : memref<100000x16xf32, #tpu.memory_space<hbm>>) dst(%arg22 : memref<100x16xf32, #tpu.memory_space<vmem>>)
    %scan3A_117 = arith.constant 0 : i32
    %scan3A_118 = arith.constant 0 : i32
    %scan3A_119 = arith.constant 100 : i32
    %scan3A_120 = arith.addi %scan3A_118, %scan3A_119 : i32
    %scan3A_121 = arith.constant 1 : i32
    %scan3A_122 = scf.for %scan3A_374 = %scan3A_118 to %scan3A_120 step %scan3A_121 iter_args(%scan3A_375 = %scan3A_117) -> (i32)  : i32 {
      %get3A = arith.index_cast %scan3A_374 : i32 to index
      %get3A_376 = arith.constant 0 : index
      %get3A_377 = tpu.vector_load %arg20[%get3A, %get3A_376] {strides = array<i32>} : memref<100x16xf32, #tpu.memory_space<vmem>>, vector<1x16xf32>,
      %get3A_378 = vector.shape_cast %get3A_377 : vector<1x16xf32> to vector<16xf32>
      %get3A_379 = arith.index_cast %scan3A_374 : i32 to index
      %get3A_380 = arith.constant 0 : index
      %get3A_381 = tpu.vector_load %arg21[%get3A_379, %get3A_380] {strides = array<i32>} : memref<100x16xf32, #tpu.memory_space<vmem>>, vector<1x16xf32>,
      %get3A_382 = vector.shape_cast %get3A_381 : vector<1x16xf32> to vector<16xf32>
      %add3A_383 = arith.addf %get3A_378, %get3A_382 : vector<16xf32>
      %get3A_384 = arith.index_cast %scan3A_374 : i32 to index
      %get3A_385 = arith.constant 0 : index
      %get3A_386 = tpu.vector_load %arg22[%get3A_384, %get3A_385] {strides = array<i32>} : memref<100x16xf32, #tpu.memory_space<vmem>>, vector<1x16xf32>,
      %get3A_387 = vector.shape_cast %get3A_386 : vector<1x16xf32> to vector<16xf32>
      %add3A_388 = arith.addf %add3A_383, %get3A_387 : vector<16xf32>
      %mul3A_389 = arith.constant 0.333333343 : f32
      %mul3A_390 = vector.broadcast %mul3A_389 : f32 to vector<16xf32>
      %mul3A_391 = arith.mulf %add3A_388, %mul3A_390 : vector<16xf32>
      %swap3A = arith.index_cast %scan3A_374 : i32 to index
      %swap3A_392 = arith.constant 0 : index
      %swap3A_393 = tpu.vector_load %arg23[%swap3A, %swap3A_392] {strides = array<i32>} : memref<100x16xf32, #tpu.memory_space<vmem>>, vector<1x16xf32>,
      %swap3A_394 = vector.shape_cast %swap3A_393 : vector<1x16xf32> to vector<16xf32>
      %swap3A_395 = vector.shape_cast %mul3A_391 : vector<16xf32> to vector<1x16xf32>
      tpu.vector_store %arg23[%swap3A, %swap3A_392], %swap3A_395 {strides = array<i32>} : memref<100x16xf32, #tpu.memory_space<vmem>>, vector<1x16xf32>,
      %scan3A_396 = arith.constant 0 : i32
      scf.yield %scan3A_396 : i32
    }
    %scan3A_123 = arith.constant 100 : i32
    %dma_start3A_124 = arith.constant 1 : i32
    %dma_start3A_125 = arith.constant 0 : i32
    %dma_start3A_126 = tpu.memref_slice %arg13[%dma_start3A_124, %dma_start3A_125] : memref<32x100xi32, #tpu.memory_space<vmem>> -> memref<1x100xi32, #tpu.memory_space<vmem>>
    %dma_start3A_127 = tpu.memref_squeeze %dma_start3A_126 : memref<1x100xi32, #tpu.memory_space<vmem>> -> memref<100xi32, #tpu.memory_space<vmem>>
    %dma_start3A_128 = arith.constant 0 : i32
    %dma_start3A_129 = arith.constant 0 : i32
    %dma_start3A_130 = tpu.memref_slice %arg9[%dma_start3A_128, %dma_start3A_129] : memref<200000x16xf32, #tpu.memory_space<hbm>> -> memref<200000x16xf32, #tpu.memory_space<hbm>>
    tpu.enqueue_indirect_dma source(%arg23 : memref<100x16xf32, #tpu.memory_space<vmem>>) target(%dma_start3A_130 : memref<200000x16xf32, #tpu.memory_space<hbm>>) offsets(%dma_start3A_127 : memref<100xi32, #tpu.memory_space<vmem>>) semaphore(%arg27 : memref<!tpu.dma_semaphore, #tpu.memory_space<semaphore_mem>>)
    %dma_start3A_131 = arith.constant 3 : i32
    %dma_start3A_132 = arith.constant 0 : i32
    %dma_start3A_133 = tpu.memref_slice %arg10[%dma_start3A_131, %dma_start3A_132] : memref<32x100xi32, #tpu.memory_space<vmem>> -> memref<1x100xi32, #tpu.memory_space<vmem>>
    %dma_start3A_134 = tpu.memref_squeeze %dma_start3A_133 : memref<1x100xi32, #tpu.memory_space<vmem>> -> memref<100xi32, #tpu.memory_space<vmem>>
    %dma_start3A_135 = arith.constant 0 : i32
    %dma_start3A_136 = arith.constant 0 : i32
    %dma_start3A_137 = tpu.memref_slice %arg2[%dma_start3A_135, %dma_start3A_136] : memref<100000x16xf32, #tpu.memory_space<hbm>> -> memref<100000x16xf32, #tpu.memory_space<hbm>>
    tpu.enqueue_indirect_dma source(%dma_start3A_137 : memref<100000x16xf32, #tpu.memory_space<hbm>>) target(%arg20 : memref<100x16xf32, #tpu.memory_space<vmem>>) offsets(%dma_start3A_134 : memref<100xi32, #tpu.memory_space<vmem>>) semaphore(%arg25 : memref<!tpu.dma_semaphore, #tpu.memory_space<semaphore_mem>>)
    %dma_start3A_138 = arith.constant 3 : i32
    %dma_start3A_139 = arith.constant 0 : i32
    %dma_start3A_140 = tpu.memref_slice %arg11[%dma_start3A_138, %dma_start3A_139] : memref<32x100xi32, #tpu.memory_space<vmem>> -> memref<1x100xi32, #tpu.memory_space<vmem>>
    %dma_start3A_141 = tpu.memref_squeeze %dma_start3A_140 : memref<1x100xi32, #tpu.memory_space<vmem>> -> memref<100xi32, #tpu.memory_space<vmem>>
    %dma_start3A_142 = arith.constant 0 : i32
    %dma_start3A_143 = arith.constant 0 : i32
    %dma_start3A_144 = tpu.memref_slice %arg2[%dma_start3A_142, %dma_start3A_143] : memref<100000x16xf32, #tpu.memory_space<hbm>> -> memref<100000x16xf32, #tpu.memory_space<hbm>>
    tpu.enqueue_indirect_dma source(%dma_start3A_144 : memref<100000x16xf32, #tpu.memory_space<hbm>>) target(%arg21 : memref<100x16xf32, #tpu.memory_space<vmem>>) offsets(%dma_start3A_141 : memref<100xi32, #tpu.memory_space<vmem>>) semaphore(%arg25 : memref<!tpu.dma_semaphore, #tpu.memory_space<semaphore_mem>>)
    %dma_start3A_145 = arith.constant 3 : i32
    %dma_start3A_146 = arith.constant 0 : i32
    %dma_start3A_147 = tpu.memref_slice %arg12[%dma_start3A_145, %dma_start3A_146] : memref<32x100xi32, #tpu.memory_space<vmem>> -> memref<1x100xi32, #tpu.memory_space<vmem>>
    %dma_start3A_148 = tpu.memref_squeeze %dma_start3A_147 : memref<1x100xi32, #tpu.memory_space<vmem>> -> memref<100xi32, #tpu.memory_space<vmem>>
    %dma_start3A_149 = arith.constant 0 : i32
    %dma_start3A_150 = arith.constant 0 : i32
    %dma_start3A_151 = tpu.memref_slice %arg2[%dma_start3A_149, %dma_start3A_150] : memref<100000x16xf32, #tpu.memory_space<hbm>> -> memref<100000x16xf32, #tpu.memory_space<hbm>>
    tpu.enqueue_indirect_dma source(%dma_start3A_151 : memref<100000x16xf32, #tpu.memory_space<hbm>>) target(%arg22 : memref<100x16xf32, #tpu.memory_space<vmem>>) offsets(%dma_start3A_148 : memref<100xi32, #tpu.memory_space<vmem>>) semaphore(%arg25 : memref<!tpu.dma_semaphore, #tpu.memory_space<semaphore_mem>>)
    %scan3A_152 = arith.constant 0 : i32
    %scan3A_153 = arith.constant 0 : i32
    %scan3A_154 = arith.constant 14 : i32
    %scan3A_155 = arith.addi %scan3A_153, %scan3A_154 : i32
    %scan3A_156 = arith.constant 1 : i32
    scf.for %scan3A_374 = %scan3A_153 to %scan3A_155 step %scan3A_156  : i32 {
      %mul3A_375 = arith.constant 2 : i32
      %mul3A_376 = arith.muli %mul3A_375, %scan3A_374 : i32
      %add3A_377 = arith.constant 2 : i32
      %add3A_378 = arith.addi %mul3A_376, %add3A_377 : i32
      %dma_wait3A_379 = arith.constant 0 : i32
      %dma_wait3A_380 = tpu.memref_slice %arg10[%add3A_378, %dma_wait3A_379] : memref<32x100xi32, #tpu.memory_space<vmem>> -> memref<1x100xi32, #tpu.memory_space<vmem>>
      %dma_wait3A_381 = tpu.memref_squeeze %dma_wait3A_380 : memref<1x100xi32, #tpu.memory_space<vmem>> -> memref<100xi32, #tpu.memory_space<vmem>>
      %dma_wait3A_382 = arith.constant 0 : i32
      %dma_wait3A_383 = arith.constant 0 : i32
      %dma_wait3A_384 = tpu.memref_slice %arg2[%dma_wait3A_382, %dma_wait3A_383] : memref<100000x16xf32, #tpu.memory_space<hbm>> -> memref<100000x16xf32, #tpu.memory_space<hbm>>
      tpu.wait_indirect_dma semaphore(%arg24 : memref<!tpu.dma_semaphore, #tpu.memory_space<semaphore_mem>>) src(%dma_wait3A_384 : memref<100000x16xf32, #tpu.memory_space<hbm>>) dst(%arg16 : memref<100x16xf32, #tpu.memory_space<vmem>>)
      %dma_wait3A_385 = arith.constant 0 : i32
      %dma_wait3A_386 = tpu.memref_slice %arg11[%add3A_378, %dma_wait3A_385] : memref<32x100xi32, #tpu.memory_space<vmem>> -> memref<1x100xi32, #tpu.memory_space<vmem>>
      %dma_wait3A_387 = tpu.memref_squeeze %dma_wait3A_386 : memref<1x100xi32, #tpu.memory_space<vmem>> -> memref<100xi32, #tpu.memory_space<vmem>>
      %dma_wait3A_388 = arith.constant 0 : i32
      %dma_wait3A_389 = arith.constant 0 : i32
      %dma_wait3A_390 = tpu.memref_slice %arg2[%dma_wait3A_388, %dma_wait3A_389] : memref<100000x16xf32, #tpu.memory_space<hbm>> -> memref<100000x16xf32, #tpu.memory_space<hbm>>
      tpu.wait_indirect_dma semaphore(%arg24 : memref<!tpu.dma_semaphore, #tpu.memory_space<semaphore_mem>>) src(%dma_wait3A_390 : memref<100000x16xf32, #tpu.memory_space<hbm>>) dst(%arg17 : memref<100x16xf32, #tpu.memory_space<vmem>>)
      %dma_wait3A_391 = arith.constant 0 : i32
      %dma_wait3A_392 = tpu.memref_slice %arg12[%add3A_378, %dma_wait3A_391] : memref<32x100xi32, #tpu.memory_space<vmem>> -> memref<1x100xi32, #tpu.memory_space<vmem>>
      %dma_wait3A_393 = tpu.memref_squeeze %dma_wait3A_392 : memref<1x100xi32, #tpu.memory_space<vmem>> -> memref<100xi32, #tpu.memory_space<vmem>>
      %dma_wait3A_394 = arith.constant 0 : i32
      %dma_wait3A_395 = arith.constant 0 : i32
      %dma_wait3A_396 = tpu.memref_slice %arg2[%dma_wait3A_394, %dma_wait3A_395] : memref<100000x16xf32, #tpu.memory_space<hbm>> -> memref<100000x16xf32, #tpu.memory_space<hbm>>
      tpu.wait_indirect_dma semaphore(%arg24 : memref<!tpu.dma_semaphore, #tpu.memory_space<semaphore_mem>>) src(%dma_wait3A_396 : memref<100000x16xf32, #tpu.memory_space<hbm>>) dst(%arg18 : memref<100x16xf32, #tpu.memory_space<vmem>>)
      %sub3A = arith.constant 2 : i32
      %sub3A_397 = arith.subi %add3A_378, %sub3A : i32
      %dma_wait3A_398 = arith.constant 0 : i32
      %dma_wait3A_399 = tpu.memref_slice %arg13[%sub3A_397, %dma_wait3A_398] : memref<32x100xi32, #tpu.memory_space<vmem>> -> memref<1x100xi32, #tpu.memory_space<vmem>>
      %dma_wait3A_400 = tpu.memref_squeeze %dma_wait3A_399 : memref<1x100xi32, #tpu.memory_space<vmem>> -> memref<100xi32, #tpu.memory_space<vmem>>
      %dma_wait3A_401 = arith.constant 0 : i32
      %dma_wait3A_402 = arith.constant 0 : i32
      %dma_wait3A_403 = tpu.memref_slice %arg9[%dma_wait3A_401, %dma_wait3A_402] : memref<200000x16xf32, #tpu.memory_space<hbm>> -> memref<200000x16xf32, #tpu.memory_space<hbm>>
      tpu.wait_indirect_dma semaphore(%arg26 : memref<!tpu.dma_semaphore, #tpu.memory_space<semaphore_mem>>) src(%arg19 : memref<100x16xf32, #tpu.memory_space<vmem>>) dst(%dma_wait3A_403 : memref<200000x16xf32, #tpu.memory_space<hbm>>)
      %scan3A_404 = arith.constant 0 : i32
      %scan3A_405 = arith.constant 0 : i32
      %scan3A_406 = arith.constant 100 : i32
      %scan3A_407 = arith.addi %scan3A_405, %scan3A_406 : i32
      %scan3A_408 = arith.constant 1 : i32
      %scan3A_409 = scf.for %scan3A_498 = %scan3A_405 to %scan3A_407 step %scan3A_408 iter_args(%scan3A_499 = %scan3A_404) -> (i32)  : i32 {
        %get3A = arith.index_cast %scan3A_498 : i32 to index
        %get3A_500 = arith.constant 0 : index
        %get3A_501 = tpu.vector_load %arg16[%get3A, %get3A_500] {strides = array<i32>} : memref<100x16xf32, #tpu.memory_space<vmem>>, vector<1x16xf32>,
        %get3A_502 = vector.shape_cast %get3A_501 : vector<1x16xf32> to vector<16xf32>
        %get3A_503 = arith.index_cast %scan3A_498 : i32 to index
        %get3A_504 = arith.constant 0 : index
        %get3A_505 = tpu.vector_load %arg17[%get3A_503, %get3A_504] {strides = array<i32>} : memref<100x16xf32, #tpu.memory_space<vmem>>, vector<1x16xf32>,
        %get3A_506 = vector.shape_cast %get3A_505 : vector<1x16xf32> to vector<16xf32>
        %add3A_507 = arith.addf %get3A_502, %get3A_506 : vector<16xf32>
        %get3A_508 = arith.index_cast %scan3A_498 : i32 to index
        %get3A_509 = arith.constant 0 : index
        %get3A_510 = tpu.vector_load %arg18[%get3A_508, %get3A_509] {strides = array<i32>} : memref<100x16xf32, #tpu.memory_space<vmem>>, vector<1x16xf32>,
        %get3A_511 = vector.shape_cast %get3A_510 : vector<1x16xf32> to vector<16xf32>
        %add3A_512 = arith.addf %add3A_507, %get3A_511 : vector<16xf32>
        %mul3A_513 = arith.constant 0.333333343 : f32
        %mul3A_514 = vector.broadcast %mul3A_513 : f32 to vector<16xf32>
        %mul3A_515 = arith.mulf %add3A_512, %mul3A_514 : vector<16xf32>
        %swap3A = arith.index_cast %scan3A_498 : i32 to index
        %swap3A_516 = arith.constant 0 : index
        %swap3A_517 = tpu.vector_load %arg19[%swap3A, %swap3A_516] {strides = array<i32>} : memref<100x16xf32, #tpu.memory_space<vmem>>, vector<1x16xf32>,
        %swap3A_518 = vector.shape_cast %swap3A_517 : vector<1x16xf32> to vector<16xf32>
        %swap3A_519 = vector.shape_cast %mul3A_515 : vector<16xf32> to vector<1x16xf32>
        tpu.vector_store %arg19[%swap3A, %swap3A_516], %swap3A_519 {strides = array<i32>} : memref<100x16xf32, #tpu.memory_space<vmem>>, vector<1x16xf32>,
        %scan3A_520 = arith.constant 0 : i32
        scf.yield %scan3A_520 : i32
      }
      %scan3A_410 = arith.constant 100 : i32
      %dma_start3A_411 = arith.constant 0 : i32
      %dma_start3A_412 = tpu.memref_slice %arg13[%add3A_378, %dma_start3A_411] : memref<32x100xi32, #tpu.memory_space<vmem>> -> memref<1x100xi32, #tpu.memory_space<vmem>>
      %dma_start3A_413 = tpu.memref_squeeze %dma_start3A_412 : memref<1x100xi32, #tpu.memory_space<vmem>> -> memref<100xi32, #tpu.memory_space<vmem>>
      %dma_start3A_414 = arith.constant 0 : i32
      %dma_start3A_415 = arith.constant 0 : i32
      %dma_start3A_416 = tpu.memref_slice %arg9[%dma_start3A_414, %dma_start3A_415] : memref<200000x16xf32, #tpu.memory_space<hbm>> -> memref<200000x16xf32, #tpu.memory_space<hbm>>
      tpu.enqueue_indirect_dma source(%arg19 : memref<100x16xf32, #tpu.memory_space<vmem>>) target(%dma_start3A_416 : memref<200000x16xf32, #tpu.memory_space<hbm>>) offsets(%dma_start3A_413 : memref<100xi32, #tpu.memory_space<vmem>>) semaphore(%arg26 : memref<!tpu.dma_semaphore, #tpu.memory_space<semaphore_mem>>)
      %add3A_417 = arith.constant 2 : i32
      %add3A_418 = arith.addi %add3A_378, %add3A_417 : i32
      %dma_start3A_419 = arith.constant 0 : i32
      %dma_start3A_420 = tpu.memref_slice %arg10[%add3A_418, %dma_start3A_419] : memref<32x100xi32, #tpu.memory_space<vmem>> -> memref<1x100xi32, #tpu.memory_space<vmem>>
      %dma_start3A_421 = tpu.memref_squeeze %dma_start3A_420 : memref<1x100xi32, #tpu.memory_space<vmem>> -> memref<100xi32, #tpu.memory_space<vmem>>
      %dma_start3A_422 = arith.constant 0 : i32
      %dma_start3A_423 = arith.constant 0 : i32
      %dma_start3A_424 = tpu.memref_slice %arg2[%dma_start3A_422, %dma_start3A_423] : memref<100000x16xf32, #tpu.memory_space<hbm>> -> memref<100000x16xf32, #tpu.memory_space<hbm>>
      tpu.enqueue_indirect_dma source(%dma_start3A_424 : memref<100000x16xf32, #tpu.memory_space<hbm>>) target(%arg16 : memref<100x16xf32, #tpu.memory_space<vmem>>) offsets(%dma_start3A_421 : memref<100xi32, #tpu.memory_space<vmem>>) semaphore(%arg24 : memref<!tpu.dma_semaphore, #tpu.memory_space<semaphore_mem>>)
      %dma_start3A_425 = arith.constant 0 : i32
      %dma_start3A_426 = tpu.memref_slice %arg11[%add3A_418, %dma_start3A_425] : memref<32x100xi32, #tpu.memory_space<vmem>> -> memref<1x100xi32, #tpu.memory_space<vmem>>
      %dma_start3A_427 = tpu.memref_squeeze %dma_start3A_426 : memref<1x100xi32, #tpu.memory_space<vmem>> -> memref<100xi32, #tpu.memory_space<vmem>>
      %dma_start3A_428 = arith.constant 0 : i32
      %dma_start3A_429 = arith.constant 0 : i32
      %dma_start3A_430 = tpu.memref_slice %arg2[%dma_start3A_428, %dma_start3A_429] : memref<100000x16xf32, #tpu.memory_space<hbm>> -> memref<100000x16xf32, #tpu.memory_space<hbm>>
      tpu.enqueue_indirect_dma source(%dma_start3A_430 : memref<100000x16xf32, #tpu.memory_space<hbm>>) target(%arg17 : memref<100x16xf32, #tpu.memory_space<vmem>>) offsets(%dma_start3A_427 : memref<100xi32, #tpu.memory_space<vmem>>) semaphore(%arg24 : memref<!tpu.dma_semaphore, #tpu.memory_space<semaphore_mem>>)
      %dma_start3A_431 = arith.constant 0 : i32
      %dma_start3A_432 = tpu.memref_slice %arg12[%add3A_418, %dma_start3A_431] : memref<32x100xi32, #tpu.memory_space<vmem>> -> memref<1x100xi32, #tpu.memory_space<vmem>>
      %dma_start3A_433 = tpu.memref_squeeze %dma_start3A_432 : memref<1x100xi32, #tpu.memory_space<vmem>> -> memref<100xi32, #tpu.memory_space<vmem>>
      %dma_start3A_434 = arith.constant 0 : i32
      %dma_start3A_435 = arith.constant 0 : i32
      %dma_start3A_436 = tpu.memref_slice %arg2[%dma_start3A_434, %dma_start3A_435] : memref<100000x16xf32, #tpu.memory_space<hbm>> -> memref<100000x16xf32, #tpu.memory_space<hbm>>
      tpu.enqueue_indirect_dma source(%dma_start3A_436 : memref<100000x16xf32, #tpu.memory_space<hbm>>) target(%arg18 : memref<100x16xf32, #tpu.memory_space<vmem>>) offsets(%dma_start3A_433 : memref<100xi32, #tpu.memory_space<vmem>>) semaphore(%arg24 : memref<!tpu.dma_semaphore, #tpu.memory_space<semaphore_mem>>)
      %add3A_437 = arith.constant 1 : i32
      %add3A_438 = arith.addi %add3A_378, %add3A_437 : i32
      %dma_wait3A_439 = arith.constant 0 : i32
      %dma_wait3A_440 = tpu.memref_slice %arg10[%add3A_438, %dma_wait3A_439] : memref<32x100xi32, #tpu.memory_space<vmem>> -> memref<1x100xi32, #tpu.memory_space<vmem>>
      %dma_wait3A_441 = tpu.memref_squeeze %dma_wait3A_440 : memref<1x100xi32, #tpu.memory_space<vmem>> -> memref<100xi32, #tpu.memory_space<vmem>>
      %dma_wait3A_442 = arith.constant 0 : i32
      %dma_wait3A_443 = arith.constant 0 : i32
      %dma_wait3A_444 = tpu.memref_slice %arg2[%dma_wait3A_442, %dma_wait3A_443] : memref<100000x16xf32, #tpu.memory_space<hbm>> -> memref<100000x16xf32, #tpu.memory_space<hbm>>
      tpu.wait_indirect_dma semaphore(%arg25 : memref<!tpu.dma_semaphore, #tpu.memory_space<semaphore_mem>>) src(%dma_wait3A_444 : memref<100000x16xf32, #tpu.memory_space<hbm>>) dst(%arg20 : memref<100x16xf32, #tpu.memory_space<vmem>>)
      %dma_wait3A_445 = arith.constant 0 : i32
      %dma_wait3A_446 = tpu.memref_slice %arg11[%add3A_438, %dma_wait3A_445] : memref<32x100xi32, #tpu.memory_space<vmem>> -> memref<1x100xi32, #tpu.memory_space<vmem>>
      %dma_wait3A_447 = tpu.memref_squeeze %dma_wait3A_446 : memref<1x100xi32, #tpu.memory_space<vmem>> -> memref<100xi32, #tpu.memory_space<vmem>>
      %dma_wait3A_448 = arith.constant 0 : i32
      %dma_wait3A_449 = arith.constant 0 : i32
      %dma_wait3A_450 = tpu.memref_slice %arg2[%dma_wait3A_448, %dma_wait3A_449] : memref<100000x16xf32, #tpu.memory_space<hbm>> -> memref<100000x16xf32, #tpu.memory_space<hbm>>
      tpu.wait_indirect_dma semaphore(%arg25 : memref<!tpu.dma_semaphore, #tpu.memory_space<semaphore_mem>>) src(%dma_wait3A_450 : memref<100000x16xf32, #tpu.memory_space<hbm>>) dst(%arg21 : memref<100x16xf32, #tpu.memory_space<vmem>>)
      %dma_wait3A_451 = arith.constant 0 : i32
      %dma_wait3A_452 = tpu.memref_slice %arg12[%add3A_438, %dma_wait3A_451] : memref<32x100xi32, #tpu.memory_space<vmem>> -> memref<1x100xi32, #tpu.memory_space<vmem>>
      %dma_wait3A_453 = tpu.memref_squeeze %dma_wait3A_452 : memref<1x100xi32, #tpu.memory_space<vmem>> -> memref<100xi32, #tpu.memory_space<vmem>>
      %dma_wait3A_454 = arith.constant 0 : i32
      %dma_wait3A_455 = arith.constant 0 : i32
      %dma_wait3A_456 = tpu.memref_slice %arg2[%dma_wait3A_454, %dma_wait3A_455] : memref<100000x16xf32, #tpu.memory_space<hbm>> -> memref<100000x16xf32, #tpu.memory_space<hbm>>
      tpu.wait_indirect_dma semaphore(%arg25 : memref<!tpu.dma_semaphore, #tpu.memory_space<semaphore_mem>>) src(%dma_wait3A_456 : memref<100000x16xf32, #tpu.memory_space<hbm>>) dst(%arg22 : memref<100x16xf32, #tpu.memory_space<vmem>>)
      %sub3A_457 = arith.constant 2 : i32
      %sub3A_458 = arith.subi %add3A_438, %sub3A_457 : i32
      %dma_wait3A_459 = arith.constant 0 : i32
      %dma_wait3A_460 = tpu.memref_slice %arg13[%sub3A_458, %dma_wait3A_459] : memref<32x100xi32, #tpu.memory_space<vmem>> -> memref<1x100xi32, #tpu.memory_space<vmem>>
      %dma_wait3A_461 = tpu.memref_squeeze %dma_wait3A_460 : memref<1x100xi32, #tpu.memory_space<vmem>> -> memref<100xi32, #tpu.memory_space<vmem>>
      %dma_wait3A_462 = arith.constant 0 : i32
      %dma_wait3A_463 = arith.constant 0 : i32
      %dma_wait3A_464 = tpu.memref_slice %arg9[%dma_wait3A_462, %dma_wait3A_463] : memref<200000x16xf32, #tpu.memory_space<hbm>> -> memref<200000x16xf32, #tpu.memory_space<hbm>>
      tpu.wait_indirect_dma semaphore(%arg27 : memref<!tpu.dma_semaphore, #tpu.memory_space<semaphore_mem>>) src(%arg23 : memref<100x16xf32, #tpu.memory_space<vmem>>) dst(%dma_wait3A_464 : memref<200000x16xf32, #tpu.memory_space<hbm>>)
      %scan3A_465 = arith.constant 0 : i32
      %scan3A_466 = arith.constant 0 : i32
      %scan3A_467 = arith.constant 100 : i32
      %scan3A_468 = arith.addi %scan3A_466, %scan3A_467 : i32
      %scan3A_469 = arith.constant 1 : i32
      %scan3A_470 = scf.for %scan3A_498 = %scan3A_466 to %scan3A_468 step %scan3A_469 iter_args(%scan3A_499 = %scan3A_465) -> (i32)  : i32 {
        %get3A = arith.index_cast %scan3A_498 : i32 to index
        %get3A_500 = arith.constant 0 : index
        %get3A_501 = tpu.vector_load %arg20[%get3A, %get3A_500] {strides = array<i32>} : memref<100x16xf32, #tpu.memory_space<vmem>>, vector<1x16xf32>,
        %get3A_502 = vector.shape_cast %get3A_501 : vector<1x16xf32> to vector<16xf32>
        %get3A_503 = arith.index_cast %scan3A_498 : i32 to index
        %get3A_504 = arith.constant 0 : index
        %get3A_505 = tpu.vector_load %arg21[%get3A_503, %get3A_504] {strides = array<i32>} : memref<100x16xf32, #tpu.memory_space<vmem>>, vector<1x16xf32>,
        %get3A_506 = vector.shape_cast %get3A_505 : vector<1x16xf32> to vector<16xf32>
        %add3A_507 = arith.addf %get3A_502, %get3A_506 : vector<16xf32>
        %get3A_508 = arith.index_cast %scan3A_498 : i32 to index
        %get3A_509 = arith.constant 0 : index
        %get3A_510 = tpu.vector_load %arg22[%get3A_508, %get3A_509] {strides = array<i32>} : memref<100x16xf32, #tpu.memory_space<vmem>>, vector<1x16xf32>,
        %get3A_511 = vector.shape_cast %get3A_510 : vector<1x16xf32> to vector<16xf32>
        %add3A_512 = arith.addf %add3A_507, %get3A_511 : vector<16xf32>
        %mul3A_513 = arith.constant 0.333333343 : f32
        %mul3A_514 = vector.broadcast %mul3A_513 : f32 to vector<16xf32>
        %mul3A_515 = arith.mulf %add3A_512, %mul3A_514 : vector<16xf32>
        %swap3A = arith.index_cast %scan3A_498 : i32 to index
        %swap3A_516 = arith.constant 0 : index
        %swap3A_517 = tpu.vector_load %arg23[%swap3A, %swap3A_516] {strides = array<i32>} : memref<100x16xf32, #tpu.memory_space<vmem>>, vector<1x16xf32>,
        %swap3A_518 = vector.shape_cast %swap3A_517 : vector<1x16xf32> to vector<16xf32>
        %swap3A_519 = vector.shape_cast %mul3A_515 : vector<16xf32> to vector<1x16xf32>
        tpu.vector_store %arg23[%swap3A, %swap3A_516], %swap3A_519 {strides = array<i32>} : memref<100x16xf32, #tpu.memory_space<vmem>>, vector<1x16xf32>,
        %scan3A_520 = arith.constant 0 : i32
        scf.yield %scan3A_520 : i32
      }
      %scan3A_471 = arith.constant 100 : i32
      %dma_start3A_472 = arith.constant 0 : i32
      %dma_start3A_473 = tpu.memref_slice %arg13[%add3A_438, %dma_start3A_472] : memref<32x100xi32, #tpu.memory_space<vmem>> -> memref<1x100xi32, #tpu.memory_space<vmem>>
      %dma_start3A_474 = tpu.memref_squeeze %dma_start3A_473 : memref<1x100xi32, #tpu.memory_space<vmem>> -> memref<100xi32, #tpu.memory_space<vmem>>
      %dma_start3A_475 = arith.constant 0 : i32
      %dma_start3A_476 = arith.constant 0 : i32
      %dma_start3A_477 = tpu.memref_slice %arg9[%dma_start3A_475, %dma_start3A_476] : memref<200000x16xf32, #tpu.memory_space<hbm>> -> memref<200000x16xf32, #tpu.memory_space<hbm>>
      tpu.enqueue_indirect_dma source(%arg23 : memref<100x16xf32, #tpu.memory_space<vmem>>) target(%dma_start3A_477 : memref<200000x16xf32, #tpu.memory_space<hbm>>) offsets(%dma_start3A_474 : memref<100xi32, #tpu.memory_space<vmem>>) semaphore(%arg27 : memref<!tpu.dma_semaphore, #tpu.memory_space<semaphore_mem>>)
      %add3A_478 = arith.constant 2 : i32
      %add3A_479 = arith.addi %add3A_438, %add3A_478 : i32
      %dma_start3A_480 = arith.constant 0 : i32
      %dma_start3A_481 = tpu.memref_slice %arg10[%add3A_479, %dma_start3A_480] : memref<32x100xi32, #tpu.memory_space<vmem>> -> memref<1x100xi32, #tpu.memory_space<vmem>>
      %dma_start3A_482 = tpu.memref_squeeze %dma_start3A_481 : memref<1x100xi32, #tpu.memory_space<vmem>> -> memref<100xi32, #tpu.memory_space<vmem>>
      %dma_start3A_483 = arith.constant 0 : i32
      %dma_start3A_484 = arith.constant 0 : i32
      %dma_start3A_485 = tpu.memref_slice %arg2[%dma_start3A_483, %dma_start3A_484] : memref<100000x16xf32, #tpu.memory_space<hbm>> -> memref<100000x16xf32, #tpu.memory_space<hbm>>
      tpu.enqueue_indirect_dma source(%dma_start3A_485 : memref<100000x16xf32, #tpu.memory_space<hbm>>) target(%arg20 : memref<100x16xf32, #tpu.memory_space<vmem>>) offsets(%dma_start3A_482 : memref<100xi32, #tpu.memory_space<vmem>>) semaphore(%arg25 : memref<!tpu.dma_semaphore, #tpu.memory_space<semaphore_mem>>)
      %dma_start3A_486 = arith.constant 0 : i32
      %dma_start3A_487 = tpu.memref_slice %arg11[%add3A_479, %dma_start3A_486] : memref<32x100xi32, #tpu.memory_space<vmem>> -> memref<1x100xi32, #tpu.memory_space<vmem>>
      %dma_start3A_488 = tpu.memref_squeeze %dma_start3A_487 : memref<1x100xi32, #tpu.memory_space<vmem>> -> memref<100xi32, #tpu.memory_space<vmem>>
      %dma_start3A_489 = arith.constant 0 : i32
      %dma_start3A_490 = arith.constant 0 : i32
      %dma_start3A_491 = tpu.memref_slice %arg2[%dma_start3A_489, %dma_start3A_490] : memref<100000x16xf32, #tpu.memory_space<hbm>> -> memref<100000x16xf32, #tpu.memory_space<hbm>>
      tpu.enqueue_indirect_dma source(%dma_start3A_491 : memref<100000x16xf32, #tpu.memory_space<hbm>>) target(%arg21 : memref<100x16xf32, #tpu.memory_space<vmem>>) offsets(%dma_start3A_488 : memref<100xi32, #tpu.memory_space<vmem>>) semaphore(%arg25 : memref<!tpu.dma_semaphore, #tpu.memory_space<semaphore_mem>>)
      %dma_start3A_492 = arith.constant 0 : i32
      %dma_start3A_493 = tpu.memref_slice %arg12[%add3A_479, %dma_start3A_492] : memref<32x100xi32, #tpu.memory_space<vmem>> -> memref<1x100xi32, #tpu.memory_space<vmem>>
      %dma_start3A_494 = tpu.memref_squeeze %dma_start3A_493 : memref<1x100xi32, #tpu.memory_space<vmem>> -> memref<100xi32, #tpu.memory_space<vmem>>
      %dma_start3A_495 = arith.constant 0 : i32
      %dma_start3A_496 = arith.constant 0 : i32
      %dma_start3A_497 = tpu.memref_slice %arg2[%dma_start3A_495, %dma_start3A_496] : memref<100000x16xf32, #tpu.memory_space<hbm>> -> memref<100000x16xf32, #tpu.memory_space<hbm>>
      tpu.enqueue_indirect_dma source(%dma_start3A_497 : memref<100000x16xf32, #tpu.memory_space<hbm>>) target(%arg22 : memref<100x16xf32, #tpu.memory_space<vmem>>) offsets(%dma_start3A_494 : memref<100xi32, #tpu.memory_space<vmem>>) semaphore(%arg25 : memref<!tpu.dma_semaphore, #tpu.memory_space<semaphore_mem>>)
    }
    %scan3A_157 = arith.constant 14 : i32
    %dma_wait3A_158 = arith.constant 30 : i32
    %dma_wait3A_159 = arith.constant 0 : i32
    %dma_wait3A_160 = tpu.memref_slice %arg10[%dma_wait3A_158, %dma_wait3A_159] : memref<32x100xi32, #tpu.memory_space<vmem>> -> memref<1x100xi32, #tpu.memory_space<vmem>>
    %dma_wait3A_161 = tpu.memref_squeeze %dma_wait3A_160 : memref<1x100xi32, #tpu.memory_space<vmem>> -> memref<100xi32, #tpu.memory_space<vmem>>
    %dma_wait3A_162 = arith.constant 0 : i32
    %dma_wait3A_163 = arith.constant 0 : i32
    %dma_wait3A_164 = tpu.memref_slice %arg2[%dma_wait3A_162, %dma_wait3A_163] : memref<100000x16xf32, #tpu.memory_space<hbm>> -> memref<100000x16xf32, #tpu.memory_space<hbm>>
    tpu.wait_indirect_dma semaphore(%arg24 : memref<!tpu.dma_semaphore, #tpu.memory_space<semaphore_mem>>) src(%dma_wait3A_164 : memref<100000x16xf32, #tpu.memory_space<hbm>>) dst(%arg16 : memref<100x16xf32, #tpu.memory_space<vmem>>)
    %dma_wait3A_165 = arith.constant 30 : i32
    %dma_wait3A_166 = arith.constant 0 : i32
    %dma_wait3A_167 = tpu.memref_slice %arg11[%dma_wait3A_165, %dma_wait3A_166] : memref<32x100xi32, #tpu.memory_space<vmem>> -> memref<1x100xi32, #tpu.memory_space<vmem>>
    %dma_wait3A_168 = tpu.memref_squeeze %dma_wait3A_167 : memref<1x100xi32, #tpu.memory_space<vmem>> -> memref<100xi32, #tpu.memory_space<vmem>>
    %dma_wait3A_169 = arith.constant 0 : i32
    %dma_wait3A_170 = arith.constant 0 : i32
    %dma_wait3A_171 = tpu.memref_slice %arg2[%dma_wait3A_169, %dma_wait3A_170] : memref<100000x16xf32, #tpu.memory_space<hbm>> -> memref<100000x16xf32, #tpu.memory_space<hbm>>
    tpu.wait_indirect_dma semaphore(%arg24 : memref<!tpu.dma_semaphore, #tpu.memory_space<semaphore_mem>>) src(%dma_wait3A_171 : memref<100000x16xf32, #tpu.memory_space<hbm>>) dst(%arg17 : memref<100x16xf32, #tpu.memory_space<vmem>>)
    %dma_wait3A_172 = arith.constant 30 : i32
    %dma_wait3A_173 = arith.constant 0 : i32
    %dma_wait3A_174 = tpu.memref_slice %arg12[%dma_wait3A_172, %dma_wait3A_173] : memref<32x100xi32, #tpu.memory_space<vmem>> -> memref<1x100xi32, #tpu.memory_space<vmem>>
    %dma_wait3A_175 = tpu.memref_squeeze %dma_wait3A_174 : memref<1x100xi32, #tpu.memory_space<vmem>> -> memref<100xi32, #tpu.memory_space<vmem>>
    %dma_wait3A_176 = arith.constant 0 : i32
    %dma_wait3A_177 = arith.constant 0 : i32
    %dma_wait3A_178 = tpu.memref_slice %arg2[%dma_wait3A_176, %dma_wait3A_177] : memref<100000x16xf32, #tpu.memory_space<hbm>> -> memref<100000x16xf32, #tpu.memory_space<hbm>>
    tpu.wait_indirect_dma semaphore(%arg24 : memref<!tpu.dma_semaphore, #tpu.memory_space<semaphore_mem>>) src(%dma_wait3A_178 : memref<100000x16xf32, #tpu.memory_space<hbm>>) dst(%arg18 : memref<100x16xf32, #tpu.memory_space<vmem>>)
    %dma_wait3A_179 = arith.constant 28 : i32
    %dma_wait3A_180 = arith.constant 0 : i32
    %dma_wait3A_181 = tpu.memref_slice %arg13[%dma_wait3A_179, %dma_wait3A_180] : memref<32x100xi32, #tpu.memory_space<vmem>> -> memref<1x100xi32, #tpu.memory_space<vmem>>
    %dma_wait3A_182 = tpu.memref_squeeze %dma_wait3A_181 : memref<1x100xi32, #tpu.memory_space<vmem>> -> memref<100xi32, #tpu.memory_space<vmem>>
    %dma_wait3A_183 = arith.constant 0 : i32
    %dma_wait3A_184 = arith.constant 0 : i32
    %dma_wait3A_185 = tpu.memref_slice %arg9[%dma_wait3A_183, %dma_wait3A_184] : memref<200000x16xf32, #tpu.memory_space<hbm>> -> memref<200000x16xf32, #tpu.memory_space<hbm>>
    tpu.wait_indirect_dma semaphore(%arg26 : memref<!tpu.dma_semaphore, #tpu.memory_space<semaphore_mem>>) src(%arg19 : memref<100x16xf32, #tpu.memory_space<vmem>>) dst(%dma_wait3A_185 : memref<200000x16xf32, #tpu.memory_space<hbm>>)
    %scan3A_186 = arith.constant 0 : i32
    %scan3A_187 = arith.constant 0 : i32
    %scan3A_188 = arith.constant 100 : i32
    %scan3A_189 = arith.addi %scan3A_187, %scan3A_188 : i32
    %scan3A_190 = arith.constant 1 : i32
    %scan3A_191 = scf.for %scan3A_374 = %scan3A_187 to %scan3A_189 step %scan3A_190 iter_args(%scan3A_375 = %scan3A_186) -> (i32)  : i32 {
      %get3A = arith.index_cast %scan3A_374 : i32 to index
      %get3A_376 = arith.constant 0 : index
      %get3A_377 = tpu.vector_load %arg16[%get3A, %get3A_376] {strides = array<i32>} : memref<100x16xf32, #tpu.memory_space<vmem>>, vector<1x16xf32>,
      %get3A_378 = vector.shape_cast %get3A_377 : vector<1x16xf32> to vector<16xf32>
      %get3A_379 = arith.index_cast %scan3A_374 : i32 to index
      %get3A_380 = arith.constant 0 : index
      %get3A_381 = tpu.vector_load %arg17[%get3A_379, %get3A_380] {strides = array<i32>} : memref<100x16xf32, #tpu.memory_space<vmem>>, vector<1x16xf32>,
      %get3A_382 = vector.shape_cast %get3A_381 : vector<1x16xf32> to vector<16xf32>
      %add3A_383 = arith.addf %get3A_378, %get3A_382 : vector<16xf32>
      %get3A_384 = arith.index_cast %scan3A_374 : i32 to index
      %get3A_385 = arith.constant 0 : index
      %get3A_386 = tpu.vector_load %arg18[%get3A_384, %get3A_385] {strides = array<i32>} : memref<100x16xf32, #tpu.memory_space<vmem>>, vector<1x16xf32>,
      %get3A_387 = vector.shape_cast %get3A_386 : vector<1x16xf32> to vector<16xf32>
      %add3A_388 = arith.addf %add3A_383, %get3A_387 : vector<16xf32>
      %mul3A_389 = arith.constant 0.333333343 : f32
      %mul3A_390 = vector.broadcast %mul3A_389 : f32 to vector<16xf32>
      %mul3A_391 = arith.mulf %add3A_388, %mul3A_390 : vector<16xf32>
      %swap3A = arith.index_cast %scan3A_374 : i32 to index
      %swap3A_392 = arith.constant 0 : index
      %swap3A_393 = tpu.vector_load %arg19[%swap3A, %swap3A_392] {strides = array<i32>} : memref<100x16xf32, #tpu.memory_space<vmem>>, vector<1x16xf32>,
      %swap3A_394 = vector.shape_cast %swap3A_393 : vector<1x16xf32> to vector<16xf32>
      %swap3A_395 = vector.shape_cast %mul3A_391 : vector<16xf32> to vector<1x16xf32>
      tpu.vector_store %arg19[%swap3A, %swap3A_392], %swap3A_395 {strides = array<i32>} : memref<100x16xf32, #tpu.memory_space<vmem>>, vector<1x16xf32>,
      %scan3A_396 = arith.constant 0 : i32
      scf.yield %scan3A_396 : i32
    }
    %scan3A_192 = arith.constant 100 : i32
    %dma_start3A_193 = arith.constant 30 : i32
    %dma_start3A_194 = arith.constant 0 : i32
    %dma_start3A_195 = tpu.memref_slice %arg13[%dma_start3A_193, %dma_start3A_194] : memref<32x100xi32, #tpu.memory_space<vmem>> -> memref<1x100xi32, #tpu.memory_space<vmem>>
    %dma_start3A_196 = tpu.memref_squeeze %dma_start3A_195 : memref<1x100xi32, #tpu.memory_space<vmem>> -> memref<100xi32, #tpu.memory_space<vmem>>
    %dma_start3A_197 = arith.constant 0 : i32
    %dma_start3A_198 = arith.constant 0 : i32
    %dma_start3A_199 = tpu.memref_slice %arg9[%dma_start3A_197, %dma_start3A_198] : memref<200000x16xf32, #tpu.memory_space<hbm>> -> memref<200000x16xf32, #tpu.memory_space<hbm>>
    tpu.enqueue_indirect_dma source(%arg19 : memref<100x16xf32, #tpu.memory_space<vmem>>) target(%dma_start3A_199 : memref<200000x16xf32, #tpu.memory_space<hbm>>) offsets(%dma_start3A_196 : memref<100xi32, #tpu.memory_space<vmem>>) semaphore(%arg26 : memref<!tpu.dma_semaphore, #tpu.memory_space<semaphore_mem>>)
    %dma_wait3A_200 = arith.constant 31 : i32
    %dma_wait3A_201 = arith.constant 0 : i32
    %dma_wait3A_202 = tpu.memref_slice %arg10[%dma_wait3A_200, %dma_wait3A_201] : memref<32x100xi32, #tpu.memory_space<vmem>> -> memref<1x100xi32, #tpu.memory_space<vmem>>
    %dma_wait3A_203 = tpu.memref_squeeze %dma_wait3A_202 : memref<1x100xi32, #tpu.memory_space<vmem>> -> memref<100xi32, #tpu.memory_space<vmem>>
    %dma_wait3A_204 = arith.constant 0 : i32
    %dma_wait3A_205 = arith.constant 0 : i32
    %dma_wait3A_206 = tpu.memref_slice %arg2[%dma_wait3A_204, %dma_wait3A_205] : memref<100000x16xf32, #tpu.memory_space<hbm>> -> memref<100000x16xf32, #tpu.memory_space<hbm>>
    tpu.wait_indirect_dma semaphore(%arg25 : memref<!tpu.dma_semaphore, #tpu.memory_space<semaphore_mem>>) src(%dma_wait3A_206 : memref<100000x16xf32, #tpu.memory_space<hbm>>) dst(%arg20 : memref<100x16xf32, #tpu.memory_space<vmem>>)
    %dma_wait3A_207 = arith.constant 31 : i32
    %dma_wait3A_208 = arith.constant 0 : i32
    %dma_wait3A_209 = tpu.memref_slice %arg11[%dma_wait3A_207, %dma_wait3A_208] : memref<32x100xi32, #tpu.memory_space<vmem>> -> memref<1x100xi32, #tpu.memory_space<vmem>>
    %dma_wait3A_210 = tpu.memref_squeeze %dma_wait3A_209 : memref<1x100xi32, #tpu.memory_space<vmem>> -> memref<100xi32, #tpu.memory_space<vmem>>
    %dma_wait3A_211 = arith.constant 0 : i32
    %dma_wait3A_212 = arith.constant 0 : i32
    %dma_wait3A_213 = tpu.memref_slice %arg2[%dma_wait3A_211, %dma_wait3A_212] : memref<100000x16xf32, #tpu.memory_space<hbm>> -> memref<100000x16xf32, #tpu.memory_space<hbm>>
    tpu.wait_indirect_dma semaphore(%arg25 : memref<!tpu.dma_semaphore, #tpu.memory_space<semaphore_mem>>) src(%dma_wait3A_213 : memref<100000x16xf32, #tpu.memory_space<hbm>>) dst(%arg21 : memref<100x16xf32, #tpu.memory_space<vmem>>)
    %dma_wait3A_214 = arith.constant 31 : i32
    %dma_wait3A_215 = arith.constant 0 : i32
    %dma_wait3A_216 = tpu.memref_slice %arg12[%dma_wait3A_214, %dma_wait3A_215] : memref<32x100xi32, #tpu.memory_space<vmem>> -> memref<1x100xi32, #tpu.memory_space<vmem>>
    %dma_wait3A_217 = tpu.memref_squeeze %dma_wait3A_216 : memref<1x100xi32, #tpu.memory_space<vmem>> -> memref<100xi32, #tpu.memory_space<vmem>>
    %dma_wait3A_218 = arith.constant 0 : i32
    %dma_wait3A_219 = arith.constant 0 : i32
    %dma_wait3A_220 = tpu.memref_slice %arg2[%dma_wait3A_218, %dma_wait3A_219] : memref<100000x16xf32, #tpu.memory_space<hbm>> -> memref<100000x16xf32, #tpu.memory_space<hbm>>
    tpu.wait_indirect_dma semaphore(%arg25 : memref<!tpu.dma_semaphore, #tpu.memory_space<semaphore_mem>>) src(%dma_wait3A_220 : memref<100000x16xf32, #tpu.memory_space<hbm>>) dst(%arg22 : memref<100x16xf32, #tpu.memory_space<vmem>>)
    %dma_wait3A_221 = arith.constant 29 : i32
    %dma_wait3A_222 = arith.constant 0 : i32
    %dma_wait3A_223 = tpu.memref_slice %arg13[%dma_wait3A_221, %dma_wait3A_222] : memref<32x100xi32, #tpu.memory_space<vmem>> -> memref<1x100xi32, #tpu.memory_space<vmem>>
    %dma_wait3A_224 = tpu.memref_squeeze %dma_wait3A_223 : memref<1x100xi32, #tpu.memory_space<vmem>> -> memref<100xi32, #tpu.memory_space<vmem>>
    %dma_wait3A_225 = arith.constant 0 : i32
    %dma_wait3A_226 = arith.constant 0 : i32
    %dma_wait3A_227 = tpu.memref_slice %arg9[%dma_wait3A_225, %dma_wait3A_226] : memref<200000x16xf32, #tpu.memory_space<hbm>> -> memref<200000x16xf32, #tpu.memory_space<hbm>>
    tpu.wait_indirect_dma semaphore(%arg27 : memref<!tpu.dma_semaphore, #tpu.memory_space<semaphore_mem>>) src(%arg23 : memref<100x16xf32, #tpu.memory_space<vmem>>) dst(%dma_wait3A_227 : memref<200000x16xf32, #tpu.memory_space<hbm>>)
    %scan3A_228 = arith.constant 0 : i32
    %scan3A_229 = arith.constant 0 : i32
    %scan3A_230 = arith.constant 100 : i32
    %scan3A_231 = arith.addi %scan3A_229, %scan3A_230 : i32
    %scan3A_232 = arith.constant 1 : i32
    %scan3A_233 = scf.for %scan3A_374 = %scan3A_229 to %scan3A_231 step %scan3A_232 iter_args(%scan3A_375 = %scan3A_228) -> (i32)  : i32 {
      %get3A = arith.index_cast %scan3A_374 : i32 to index
      %get3A_376 = arith.constant 0 : index
      %get3A_377 = tpu.vector_load %arg20[%get3A, %get3A_376] {strides = array<i32>} : memref<100x16xf32, #tpu.memory_space<vmem>>, vector<1x16xf32>,
      %get3A_378 = vector.shape_cast %get3A_377 : vector<1x16xf32> to vector<16xf32>
      %get3A_379 = arith.index_cast %scan3A_374 : i32 to index
      %get3A_380 = arith.constant 0 : index
      %get3A_381 = tpu.vector_load %arg21[%get3A_379, %get3A_380] {strides = array<i32>} : memref<100x16xf32, #tpu.memory_space<vmem>>, vector<1x16xf32>,
      %get3A_382 = vector.shape_cast %get3A_381 : vector<1x16xf32> to vector<16xf32>
      %add3A_383 = arith.addf %get3A_378, %get3A_382 : vector<16xf32>
      %get3A_384 = arith.index_cast %scan3A_374 : i32 to index
      %get3A_385 = arith.constant 0 : index
      %get3A_386 = tpu.vector_load %arg22[%get3A_384, %get3A_385] {strides = array<i32>} : memref<100x16xf32, #tpu.memory_space<vmem>>, vector<1x16xf32>,
      %get3A_387 = vector.shape_cast %get3A_386 : vector<1x16xf32> to vector<16xf32>
      %add3A_388 = arith.addf %add3A_383, %get3A_387 : vector<16xf32>
      %mul3A_389 = arith.constant 0.333333343 : f32
      %mul3A_390 = vector.broadcast %mul3A_389 : f32 to vector<16xf32>
      %mul3A_391 = arith.mulf %add3A_388, %mul3A_390 : vector<16xf32>
      %swap3A = arith.index_cast %scan3A_374 : i32 to index
      %swap3A_392 = arith.constant 0 : index
      %swap3A_393 = tpu.vector_load %arg23[%swap3A, %swap3A_392] {strides = array<i32>} : memref<100x16xf32, #tpu.memory_space<vmem>>, vector<1x16xf32>,
      %swap3A_394 = vector.shape_cast %swap3A_393 : vector<1x16xf32> to vector<16xf32>
      %swap3A_395 = vector.shape_cast %mul3A_391 : vector<16xf32> to vector<1x16xf32>
      tpu.vector_store %arg23[%swap3A, %swap3A_392], %swap3A_395 {strides = array<i32>} : memref<100x16xf32, #tpu.memory_space<vmem>>, vector<1x16xf32>,
      %scan3A_396 = arith.constant 0 : i32
      scf.yield %scan3A_396 : i32
    }
    %scan3A_234 = arith.constant 100 : i32
    %dma_start3A_235 = arith.constant 31 : i32
    %dma_start3A_236 = arith.constant 0 : i32
    %dma_start3A_237 = tpu.memref_slice %arg13[%dma_start3A_235, %dma_start3A_236] : memref<32x100xi32, #tpu.memory_space<vmem>> -> memref<1x100xi32, #tpu.memory_space<vmem>>
    %dma_start3A_238 = tpu.memref_squeeze %dma_start3A_237 : memref<1x100xi32, #tpu.memory_space<vmem>> -> memref<100xi32, #tpu.memory_space<vmem>>
    %dma_start3A_239 = arith.constant 0 : i32
    %dma_start3A_240 = arith.constant 0 : i32
    %dma_start3A_241 = tpu.memref_slice %arg9[%dma_start3A_239, %dma_start3A_240] : memref<200000x16xf32, #tpu.memory_space<hbm>> -> memref<200000x16xf32, #tpu.memory_space<hbm>>
    tpu.enqueue_indirect_dma source(%arg23 : memref<100x16xf32, #tpu.memory_space<vmem>>) target(%dma_start3A_241 : memref<200000x16xf32, #tpu.memory_space<hbm>>) offsets(%dma_start3A_238 : memref<100xi32, #tpu.memory_space<vmem>>) semaphore(%arg27 : memref<!tpu.dma_semaphore, #tpu.memory_space<semaphore_mem>>)
    %dma_wait3A_242 = arith.constant 30 : i32
    %dma_wait3A_243 = arith.constant 0 : i32
    %dma_wait3A_244 = tpu.memref_slice %arg13[%dma_wait3A_242, %dma_wait3A_243] : memref<32x100xi32, #tpu.memory_space<vmem>> -> memref<1x100xi32, #tpu.memory_space<vmem>>
    %dma_wait3A_245 = tpu.memref_squeeze %dma_wait3A_244 : memref<1x100xi32, #tpu.memory_space<vmem>> -> memref<100xi32, #tpu.memory_space<vmem>>
    %dma_wait3A_246 = arith.constant 0 : i32
    %dma_wait3A_247 = arith.constant 0 : i32
    %dma_wait3A_248 = tpu.memref_slice %arg9[%dma_wait3A_246, %dma_wait3A_247] : memref<200000x16xf32, #tpu.memory_space<hbm>> -> memref<200000x16xf32, #tpu.memory_space<hbm>>
    tpu.wait_indirect_dma semaphore(%arg26 : memref<!tpu.dma_semaphore, #tpu.memory_space<semaphore_mem>>) src(%arg19 : memref<100x16xf32, #tpu.memory_space<vmem>>) dst(%dma_wait3A_248 : memref<200000x16xf32, #tpu.memory_space<hbm>>)
    %dma_wait3A_249 = arith.constant 31 : i32
    %dma_wait3A_250 = arith.constant 0 : i32
    %dma_wait3A_251 = tpu.memref_slice %arg13[%dma_wait3A_249, %dma_wait3A_250] : memref<32x100xi32, #tpu.memory_space<vmem>> -> memref<1x100xi32, #tpu.memory_space<vmem>>
    %dma_wait3A_252 = tpu.memref_squeeze %dma_wait3A_251 : memref<1x100xi32, #tpu.memory_space<vmem>> -> memref<100xi32, #tpu.memory_space<vmem>>
    %dma_wait3A_253 = arith.constant 0 : i32
    %dma_wait3A_254 = arith.constant 0 : i32
    %dma_wait3A_255 = tpu.memref_slice %arg9[%dma_wait3A_253, %dma_wait3A_254] : memref<200000x16xf32, #tpu.memory_space<hbm>> -> memref<200000x16xf32, #tpu.memory_space<hbm>>
    tpu.wait_indirect_dma semaphore(%arg27 : memref<!tpu.dma_semaphore, #tpu.memory_space<semaphore_mem>>) src(%arg23 : memref<100x16xf32, #tpu.memory_space<vmem>>) dst(%dma_wait3A_255 : memref<200000x16xf32, #tpu.memory_space<hbm>>)
    %dma_start3A_256 = arith.constant 0 : i32
    %dma_start3A_257 = arith.constant 0 : i32
    %dma_start3A_258 = tpu.memref_slice %arg14[%dma_start3A_256, %dma_start3A_257] : memref<32x100xi32, #tpu.memory_space<vmem>> -> memref<1x100xi32, #tpu.memory_space<vmem>>
    %dma_start3A_259 = tpu.memref_squeeze %dma_start3A_258 : memref<1x100xi32, #tpu.memory_space<vmem>> -> memref<100xi32, #tpu.memory_space<vmem>>
    %dma_start3A_260 = arith.constant 0 : i32
    %dma_start3A_261 = arith.constant 0 : i32
    %dma_start3A_262 = tpu.memref_slice %arg2[%dma_start3A_260, %dma_start3A_261] : memref<100000x16xf32, #tpu.memory_space<hbm>> -> memref<100000x16xf32, #tpu.memory_space<hbm>>
    tpu.enqueue_indirect_dma source(%dma_start3A_262 : memref<100000x16xf32, #tpu.memory_space<hbm>>) target(%arg16 : memref<100x16xf32, #tpu.memory_space<vmem>>) offsets(%dma_start3A_259 : memref<100xi32, #tpu.memory_space<vmem>>) semaphore(%arg28 : memref<!tpu.dma_semaphore, #tpu.memory_space<semaphore_mem>>)
    %dma_start3A_263 = arith.constant 1 : i32
    %dma_start3A_264 = arith.constant 0 : i32
    %dma_start3A_265 = tpu.memref_slice %arg14[%dma_start3A_263, %dma_start3A_264] : memref<32x100xi32, #tpu.memory_space<vmem>> -> memref<1x100xi32, #tpu.memory_space<vmem>>
    %dma_start3A_266 = tpu.memref_squeeze %dma_start3A_265 : memref<1x100xi32, #tpu.memory_space<vmem>> -> memref<100xi32, #tpu.memory_space<vmem>>
    %dma_start3A_267 = arith.constant 0 : i32
    %dma_start3A_268 = arith.constant 0 : i32
    %dma_start3A_269 = tpu.memref_slice %arg2[%dma_start3A_267, %dma_start3A_268] : memref<100000x16xf32, #tpu.memory_space<hbm>> -> memref<100000x16xf32, #tpu.memory_space<hbm>>
    tpu.enqueue_indirect_dma source(%dma_start3A_269 : memref<100000x16xf32, #tpu.memory_space<hbm>>) target(%arg17 : memref<100x16xf32, #tpu.memory_space<vmem>>) offsets(%dma_start3A_266 : memref<100xi32, #tpu.memory_space<vmem>>) semaphore(%arg29 : memref<!tpu.dma_semaphore, #tpu.memory_space<semaphore_mem>>)
    %dma_start3A_270 = arith.constant 2 : i32
    %dma_start3A_271 = arith.constant 0 : i32
    %dma_start3A_272 = tpu.memref_slice %arg14[%dma_start3A_270, %dma_start3A_271] : memref<32x100xi32, #tpu.memory_space<vmem>> -> memref<1x100xi32, #tpu.memory_space<vmem>>
    %dma_start3A_273 = tpu.memref_squeeze %dma_start3A_272 : memref<1x100xi32, #tpu.memory_space<vmem>> -> memref<100xi32, #tpu.memory_space<vmem>>
    %dma_start3A_274 = arith.constant 0 : i32
    %dma_start3A_275 = arith.constant 0 : i32
    %dma_start3A_276 = tpu.memref_slice %arg2[%dma_start3A_274, %dma_start3A_275] : memref<100000x16xf32, #tpu.memory_space<hbm>> -> memref<100000x16xf32, #tpu.memory_space<hbm>>
    tpu.enqueue_indirect_dma source(%dma_start3A_276 : memref<100000x16xf32, #tpu.memory_space<hbm>>) target(%arg18 : memref<100x16xf32, #tpu.memory_space<vmem>>) offsets(%dma_start3A_273 : memref<100xi32, #tpu.memory_space<vmem>>) semaphore(%arg30 : memref<!tpu.dma_semaphore, #tpu.memory_space<semaphore_mem>>)
    %dma_wait3A_277 = arith.constant 0 : i32
    %dma_wait3A_278 = arith.constant 0 : i32
    %dma_wait3A_279 = tpu.memref_slice %arg14[%dma_wait3A_277, %dma_wait3A_278] : memref<32x100xi32, #tpu.memory_space<vmem>> -> memref<1x100xi32, #tpu.memory_space<vmem>>
    %dma_wait3A_280 = tpu.memref_squeeze %dma_wait3A_279 : memref<1x100xi32, #tpu.memory_space<vmem>> -> memref<100xi32, #tpu.memory_space<vmem>>
    %dma_wait3A_281 = arith.constant 0 : i32
    %dma_wait3A_282 = arith.constant 0 : i32
    %dma_wait3A_283 = tpu.memref_slice %arg2[%dma_wait3A_281, %dma_wait3A_282] : memref<100000x16xf32, #tpu.memory_space<hbm>> -> memref<100000x16xf32, #tpu.memory_space<hbm>>
    tpu.wait_indirect_dma semaphore(%arg28 : memref<!tpu.dma_semaphore, #tpu.memory_space<semaphore_mem>>) src(%dma_wait3A_283 : memref<100000x16xf32, #tpu.memory_space<hbm>>) dst(%arg16 : memref<100x16xf32, #tpu.memory_space<vmem>>)
    %dma_start3A_284 = arith.constant 0 : i32
    %dma_start3A_285 = arith.constant 0 : i32
    %dma_start3A_286 = tpu.memref_slice %arg15[%dma_start3A_284, %dma_start3A_285] : memref<32x100xi32, #tpu.memory_space<vmem>> -> memref<1x100xi32, #tpu.memory_space<vmem>>
    %dma_start3A_287 = tpu.memref_squeeze %dma_start3A_286 : memref<1x100xi32, #tpu.memory_space<vmem>> -> memref<100xi32, #tpu.memory_space<vmem>>
    %dma_start3A_288 = arith.constant 0 : i32
    %dma_start3A_289 = arith.constant 0 : i32
    %dma_start3A_290 = tpu.memref_slice %arg9[%dma_start3A_288, %dma_start3A_289] : memref<200000x16xf32, #tpu.memory_space<hbm>> -> memref<200000x16xf32, #tpu.memory_space<hbm>>
    tpu.enqueue_indirect_dma source(%arg16 : memref<100x16xf32, #tpu.memory_space<vmem>>) target(%dma_start3A_290 : memref<200000x16xf32, #tpu.memory_space<hbm>>) offsets(%dma_start3A_287 : memref<100xi32, #tpu.memory_space<vmem>>) semaphore(%arg32 : memref<!tpu.dma_semaphore, #tpu.memory_space<semaphore_mem>>)
    %dma_start3A_291 = arith.constant 3 : i32
    %dma_start3A_292 = arith.constant 0 : i32
    %dma_start3A_293 = tpu.memref_slice %arg14[%dma_start3A_291, %dma_start3A_292] : memref<32x100xi32, #tpu.memory_space<vmem>> -> memref<1x100xi32, #tpu.memory_space<vmem>>
    %dma_start3A_294 = tpu.memref_squeeze %dma_start3A_293 : memref<1x100xi32, #tpu.memory_space<vmem>> -> memref<100xi32, #tpu.memory_space<vmem>>
    %dma_start3A_295 = arith.constant 0 : i32
    %dma_start3A_296 = arith.constant 0 : i32
    %dma_start3A_297 = tpu.memref_slice %arg2[%dma_start3A_295, %dma_start3A_296] : memref<100000x16xf32, #tpu.memory_space<hbm>> -> memref<100000x16xf32, #tpu.memory_space<hbm>>
    tpu.enqueue_indirect_dma source(%dma_start3A_297 : memref<100000x16xf32, #tpu.memory_space<hbm>>) target(%arg19 : memref<100x16xf32, #tpu.memory_space<vmem>>) offsets(%dma_start3A_294 : memref<100xi32, #tpu.memory_space<vmem>>) semaphore(%arg31 : memref<!tpu.dma_semaphore, #tpu.memory_space<semaphore_mem>>)
    %dma_wait3A_298 = arith.constant 1 : i32
    %dma_wait3A_299 = arith.constant 0 : i32
    %dma_wait3A_300 = tpu.memref_slice %arg14[%dma_wait3A_298, %dma_wait3A_299] : memref<32x100xi32, #tpu.memory_space<vmem>> -> memref<1x100xi32, #tpu.memory_space<vmem>>
    %dma_wait3A_301 = tpu.memref_squeeze %dma_wait3A_300 : memref<1x100xi32, #tpu.memory_space<vmem>> -> memref<100xi32, #tpu.memory_space<vmem>>
    %dma_wait3A_302 = arith.constant 0 : i32
    %dma_wait3A_303 = arith.constant 0 : i32
    %dma_wait3A_304 = tpu.memref_slice %arg2[%dma_wait3A_302, %dma_wait3A_303] : memref<100000x16xf32, #tpu.memory_space<hbm>> -> memref<100000x16xf32, #tpu.memory_space<hbm>>
    tpu.wait_indirect_dma semaphore(%arg29 : memref<!tpu.dma_semaphore, #tpu.memory_space<semaphore_mem>>) src(%dma_wait3A_304 : memref<100000x16xf32, #tpu.memory_space<hbm>>) dst(%arg17 : memref<100x16xf32, #tpu.memory_space<vmem>>)
    %dma_start3A_305 = arith.constant 1 : i32
    %dma_start3A_306 = arith.constant 0 : i32
    %dma_start3A_307 = tpu.memref_slice %arg15[%dma_start3A_305, %dma_start3A_306] : memref<32x100xi32, #tpu.memory_space<vmem>> -> memref<1x100xi32, #tpu.memory_space<vmem>>
    %dma_start3A_308 = tpu.memref_squeeze %dma_start3A_307 : memref<1x100xi32, #tpu.memory_space<vmem>> -> memref<100xi32, #tpu.memory_space<vmem>>
    %dma_start3A_309 = arith.constant 0 : i32
    %dma_start3A_310 = arith.constant 0 : i32
    %dma_start3A_311 = tpu.memref_slice %arg9[%dma_start3A_309, %dma_start3A_310] : memref<200000x16xf32, #tpu.memory_space<hbm>> -> memref<200000x16xf32, #tpu.memory_space<hbm>>
    tpu.enqueue_indirect_dma source(%arg17 : memref<100x16xf32, #tpu.memory_space<vmem>>) target(%dma_start3A_311 : memref<200000x16xf32, #tpu.memory_space<hbm>>) offsets(%dma_start3A_308 : memref<100xi32, #tpu.memory_space<vmem>>) semaphore(%arg33 : memref<!tpu.dma_semaphore, #tpu.memory_space<semaphore_mem>>)
    %scan3A_312 = arith.constant 0 : i32
    %scan3A_313 = arith.constant 0 : i32
    %scan3A_314 = arith.constant 7 : i32
    %scan3A_315 = arith.addi %scan3A_313, %scan3A_314 : i32
    %scan3A_316 = arith.constant 1 : i32
    scf.for %scan3A_374 = %scan3A_313 to %scan3A_315 step %scan3A_316  : i32 {
      %mul3A_375 = arith.constant 4 : i32
      %mul3A_376 = arith.muli %mul3A_375, %scan3A_374 : i32
      %add3A_377 = arith.constant 2 : i32
      %add3A_378 = arith.addi %mul3A_376, %add3A_377 : i32
      %add3A_379 = arith.constant 0 : i32
      %add3A_380 = arith.addi %add3A_378, %add3A_379 : i32
      %sub3A = arith.constant 2 : i32
      %sub3A_381 = arith.subi %add3A_380, %sub3A : i32
      %dma_wait3A_382 = arith.constant 0 : i32
      %dma_wait3A_383 = tpu.memref_slice %arg15[%sub3A_381, %dma_wait3A_382] : memref<32x100xi32, #tpu.memory_space<vmem>> -> memref<1x100xi32, #tpu.memory_space<vmem>>
      %dma_wait3A_384 = tpu.memref_squeeze %dma_wait3A_383 : memref<1x100xi32, #tpu.memory_space<vmem>> -> memref<100xi32, #tpu.memory_space<vmem>>
      %dma_wait3A_385 = arith.constant 0 : i32
      %dma_wait3A_386 = arith.constant 0 : i32
      %dma_wait3A_387 = tpu.memref_slice %arg9[%dma_wait3A_385, %dma_wait3A_386] : memref<200000x16xf32, #tpu.memory_space<hbm>> -> memref<200000x16xf32, #tpu.memory_space<hbm>>
      tpu.wait_indirect_dma semaphore(%arg32 : memref<!tpu.dma_semaphore, #tpu.memory_space<semaphore_mem>>) src(%arg16 : memref<100x16xf32, #tpu.memory_space<vmem>>) dst(%dma_wait3A_387 : memref<200000x16xf32, #tpu.memory_space<hbm>>)
      %add3A_388 = arith.constant 2 : i32
      %add3A_389 = arith.addi %add3A_380, %add3A_388 : i32
      %dma_start3A_390 = arith.constant 0 : i32
      %dma_start3A_391 = tpu.memref_slice %arg14[%add3A_389, %dma_start3A_390] : memref<32x100xi32, #tpu.memory_space<vmem>> -> memref<1x100xi32, #tpu.memory_space<vmem>>
      %dma_start3A_392 = tpu.memref_squeeze %dma_start3A_391 : memref<1x100xi32, #tpu.memory_space<vmem>> -> memref<100xi32, #tpu.memory_space<vmem>>
      %dma_start3A_393 = arith.constant 0 : i32
      %dma_start3A_394 = arith.constant 0 : i32
      %dma_start3A_395 = tpu.memref_slice %arg2[%dma_start3A_393, %dma_start3A_394] : memref<100000x16xf32, #tpu.memory_space<hbm>> -> memref<100000x16xf32, #tpu.memory_space<hbm>>
      tpu.enqueue_indirect_dma source(%dma_start3A_395 : memref<100000x16xf32, #tpu.memory_space<hbm>>) target(%arg16 : memref<100x16xf32, #tpu.memory_space<vmem>>) offsets(%dma_start3A_392 : memref<100xi32, #tpu.memory_space<vmem>>) semaphore(%arg28 : memref<!tpu.dma_semaphore, #tpu.memory_space<semaphore_mem>>)
      %dma_wait3A_396 = arith.constant 0 : i32
      %dma_wait3A_397 = tpu.memref_slice %arg14[%add3A_380, %dma_wait3A_396] : memref<32x100xi32, #tpu.memory_space<vmem>> -> memref<1x100xi32, #tpu.memory_space<vmem>>
      %dma_wait3A_398 = tpu.memref_squeeze %dma_wait3A_397 : memref<1x100xi32, #tpu.memory_space<vmem>> -> memref<100xi32, #tpu.memory_space<vmem>>
      %dma_wait3A_399 = arith.constant 0 : i32
      %dma_wait3A_400 = arith.constant 0 : i32
      %dma_wait3A_401 = tpu.memref_slice %arg2[%dma_wait3A_399, %dma_wait3A_400] : memref<100000x16xf32, #tpu.memory_space<hbm>> -> memref<100000x16xf32, #tpu.memory_space<hbm>>
      tpu.wait_indirect_dma semaphore(%arg30 : memref<!tpu.dma_semaphore, #tpu.memory_space<semaphore_mem>>) src(%dma_wait3A_401 : memref<100000x16xf32, #tpu.memory_space<hbm>>) dst(%arg18 : memref<100x16xf32, #tpu.memory_space<vmem>>)
      %dma_start3A_402 = arith.constant 0 : i32
      %dma_start3A_403 = tpu.memref_slice %arg15[%add3A_380, %dma_start3A_402] : memref<32x100xi32, #tpu.memory_space<vmem>> -> memref<1x100xi32, #tpu.memory_space<vmem>>
      %dma_start3A_404 = tpu.memref_squeeze %dma_start3A_403 : memref<1x100xi32, #tpu.memory_space<vmem>> -> memref<100xi32, #tpu.memory_space<vmem>>
      %dma_start3A_405 = arith.constant 0 : i32
      %dma_start3A_406 = arith.constant 0 : i32
      %dma_start3A_407 = tpu.memref_slice %arg9[%dma_start3A_405, %dma_start3A_406] : memref<200000x16xf32, #tpu.memory_space<hbm>> -> memref<200000x16xf32, #tpu.memory_space<hbm>>
      tpu.enqueue_indirect_dma source(%arg18 : memref<100x16xf32, #tpu.memory_space<vmem>>) target(%dma_start3A_407 : memref<200000x16xf32, #tpu.memory_space<hbm>>) offsets(%dma_start3A_404 : memref<100xi32, #tpu.memory_space<vmem>>) semaphore(%arg34 : memref<!tpu.dma_semaphore, #tpu.memory_space<semaphore_mem>>)
      %add3A_408 = arith.constant 1 : i32
      %add3A_409 = arith.addi %add3A_378, %add3A_408 : i32
      %sub3A_410 = arith.constant 2 : i32
      %sub3A_411 = arith.subi %add3A_409, %sub3A_410 : i32
      %dma_wait3A_412 = arith.constant 0 : i32
      %dma_wait3A_413 = tpu.memref_slice %arg15[%sub3A_411, %dma_wait3A_412] : memref<32x100xi32, #tpu.memory_space<vmem>> -> memref<1x100xi32, #tpu.memory_space<vmem>>
      %dma_wait3A_414 = tpu.memref_squeeze %dma_wait3A_413 : memref<1x100xi32, #tpu.memory_space<vmem>> -> memref<100xi32, #tpu.memory_space<vmem>>
      %dma_wait3A_415 = arith.constant 0 : i32
      %dma_wait3A_416 = arith.constant 0 : i32
      %dma_wait3A_417 = tpu.memref_slice %arg9[%dma_wait3A_415, %dma_wait3A_416] : memref<200000x16xf32, #tpu.memory_space<hbm>> -> memref<200000x16xf32, #tpu.memory_space<hbm>>
      tpu.wait_indirect_dma semaphore(%arg33 : memref<!tpu.dma_semaphore, #tpu.memory_space<semaphore_mem>>) src(%arg17 : memref<100x16xf32, #tpu.memory_space<vmem>>) dst(%dma_wait3A_417 : memref<200000x16xf32, #tpu.memory_space<hbm>>)
      %add3A_418 = arith.constant 2 : i32
      %add3A_419 = arith.addi %add3A_409, %add3A_418 : i32
      %dma_start3A_420 = arith.constant 0 : i32
      %dma_start3A_421 = tpu.memref_slice %arg14[%add3A_419, %dma_start3A_420] : memref<32x100xi32, #tpu.memory_space<vmem>> -> memref<1x100xi32, #tpu.memory_space<vmem>>
      %dma_start3A_422 = tpu.memref_squeeze %dma_start3A_421 : memref<1x100xi32, #tpu.memory_space<vmem>> -> memref<100xi32, #tpu.memory_space<vmem>>
      %dma_start3A_423 = arith.constant 0 : i32
      %dma_start3A_424 = arith.constant 0 : i32
      %dma_start3A_425 = tpu.memref_slice %arg2[%dma_start3A_423, %dma_start3A_424] : memref<100000x16xf32, #tpu.memory_space<hbm>> -> memref<100000x16xf32, #tpu.memory_space<hbm>>
      tpu.enqueue_indirect_dma source(%dma_start3A_425 : memref<100000x16xf32, #tpu.memory_space<hbm>>) target(%arg17 : memref<100x16xf32, #tpu.memory_space<vmem>>) offsets(%dma_start3A_422 : memref<100xi32, #tpu.memory_space<vmem>>) semaphore(%arg29 : memref<!tpu.dma_semaphore, #tpu.memory_space<semaphore_mem>>)
      %dma_wait3A_426 = arith.constant 0 : i32
      %dma_wait3A_427 = tpu.memref_slice %arg14[%add3A_409, %dma_wait3A_426] : memref<32x100xi32, #tpu.memory_space<vmem>> -> memref<1x100xi32, #tpu.memory_space<vmem>>
      %dma_wait3A_428 = tpu.memref_squeeze %dma_wait3A_427 : memref<1x100xi32, #tpu.memory_space<vmem>> -> memref<100xi32, #tpu.memory_space<vmem>>
      %dma_wait3A_429 = arith.constant 0 : i32
      %dma_wait3A_430 = arith.constant 0 : i32
      %dma_wait3A_431 = tpu.memref_slice %arg2[%dma_wait3A_429, %dma_wait3A_430] : memref<100000x16xf32, #tpu.memory_space<hbm>> -> memref<100000x16xf32, #tpu.memory_space<hbm>>
      tpu.wait_indirect_dma semaphore(%arg31 : memref<!tpu.dma_semaphore, #tpu.memory_space<semaphore_mem>>) src(%dma_wait3A_431 : memref<100000x16xf32, #tpu.memory_space<hbm>>) dst(%arg19 : memref<100x16xf32, #tpu.memory_space<vmem>>)
      %dma_start3A_432 = arith.constant 0 : i32
      %dma_start3A_433 = tpu.memref_slice %arg15[%add3A_409, %dma_start3A_432] : memref<32x100xi32, #tpu.memory_space<vmem>> -> memref<1x100xi32, #tpu.memory_space<vmem>>
      %dma_start3A_434 = tpu.memref_squeeze %dma_start3A_433 : memref<1x100xi32, #tpu.memory_space<vmem>> -> memref<100xi32, #tpu.memory_space<vmem>>
      %dma_start3A_435 = arith.constant 0 : i32
      %dma_start3A_436 = arith.constant 0 : i32
      %dma_start3A_437 = tpu.memref_slice %arg9[%dma_start3A_435, %dma_start3A_436] : memref<200000x16xf32, #tpu.memory_space<hbm>> -> memref<200000x16xf32, #tpu.memory_space<hbm>>
      tpu.enqueue_indirect_dma source(%arg19 : memref<100x16xf32, #tpu.memory_space<vmem>>) target(%dma_start3A_437 : memref<200000x16xf32, #tpu.memory_space<hbm>>) offsets(%dma_start3A_434 : memref<100xi32, #tpu.memory_space<vmem>>) semaphore(%arg35 : memref<!tpu.dma_semaphore, #tpu.memory_space<semaphore_mem>>)
      %add3A_438 = arith.constant 2 : i32
      %add3A_439 = arith.addi %add3A_378, %add3A_438 : i32
      %sub3A_440 = arith.constant 2 : i32
      %sub3A_441 = arith.subi %add3A_439, %sub3A_440 : i32
      %dma_wait3A_442 = arith.constant 0 : i32
      %dma_wait3A_443 = tpu.memref_slice %arg15[%sub3A_441, %dma_wait3A_442] : memref<32x100xi32, #tpu.memory_space<vmem>> -> memref<1x100xi32, #tpu.memory_space<vmem>>
      %dma_wait3A_444 = tpu.memref_squeeze %dma_wait3A_443 : memref<1x100xi32, #tpu.memory_space<vmem>> -> memref<100xi32, #tpu.memory_space<vmem>>
      %dma_wait3A_445 = arith.constant 0 : i32
      %dma_wait3A_446 = arith.constant 0 : i32
      %dma_wait3A_447 = tpu.memref_slice %arg9[%dma_wait3A_445, %dma_wait3A_446] : memref<200000x16xf32, #tpu.memory_space<hbm>> -> memref<200000x16xf32, #tpu.memory_space<hbm>>
      tpu.wait_indirect_dma semaphore(%arg34 : memref<!tpu.dma_semaphore, #tpu.memory_space<semaphore_mem>>) src(%arg18 : memref<100x16xf32, #tpu.memory_space<vmem>>) dst(%dma_wait3A_447 : memref<200000x16xf32, #tpu.memory_space<hbm>>)
      %add3A_448 = arith.constant 2 : i32
      %add3A_449 = arith.addi %add3A_439, %add3A_448 : i32
      %dma_start3A_450 = arith.constant 0 : i32
      %dma_start3A_451 = tpu.memref_slice %arg14[%add3A_449, %dma_start3A_450] : memref<32x100xi32, #tpu.memory_space<vmem>> -> memref<1x100xi32, #tpu.memory_space<vmem>>
      %dma_start3A_452 = tpu.memref_squeeze %dma_start3A_451 : memref<1x100xi32, #tpu.memory_space<vmem>> -> memref<100xi32, #tpu.memory_space<vmem>>
      %dma_start3A_453 = arith.constant 0 : i32
      %dma_start3A_454 = arith.constant 0 : i32
      %dma_start3A_455 = tpu.memref_slice %arg2[%dma_start3A_453, %dma_start3A_454] : memref<100000x16xf32, #tpu.memory_space<hbm>> -> memref<100000x16xf32, #tpu.memory_space<hbm>>
      tpu.enqueue_indirect_dma source(%dma_start3A_455 : memref<100000x16xf32, #tpu.memory_space<hbm>>) target(%arg18 : memref<100x16xf32, #tpu.memory_space<vmem>>) offsets(%dma_start3A_452 : memref<100xi32, #tpu.memory_space<vmem>>) semaphore(%arg30 : memref<!tpu.dma_semaphore, #tpu.memory_space<semaphore_mem>>)
      %dma_wait3A_456 = arith.constant 0 : i32
      %dma_wait3A_457 = tpu.memref_slice %arg14[%add3A_439, %dma_wait3A_456] : memref<32x100xi32, #tpu.memory_space<vmem>> -> memref<1x100xi32, #tpu.memory_space<vmem>>
      %dma_wait3A_458 = tpu.memref_squeeze %dma_wait3A_457 : memref<1x100xi32, #tpu.memory_space<vmem>> -> memref<100xi32, #tpu.memory_space<vmem>>
      %dma_wait3A_459 = arith.constant 0 : i32
      %dma_wait3A_460 = arith.constant 0 : i32
      %dma_wait3A_461 = tpu.memref_slice %arg2[%dma_wait3A_459, %dma_wait3A_460] : memref<100000x16xf32, #tpu.memory_space<hbm>> -> memref<100000x16xf32, #tpu.memory_space<hbm>>
      tpu.wait_indirect_dma semaphore(%arg28 : memref<!tpu.dma_semaphore, #tpu.memory_space<semaphore_mem>>) src(%dma_wait3A_461 : memref<100000x16xf32, #tpu.memory_space<hbm>>) dst(%arg16 : memref<100x16xf32, #tpu.memory_space<vmem>>)
      %dma_start3A_462 = arith.constant 0 : i32
      %dma_start3A_463 = tpu.memref_slice %arg15[%add3A_439, %dma_start3A_462] : memref<32x100xi32, #tpu.memory_space<vmem>> -> memref<1x100xi32, #tpu.memory_space<vmem>>
      %dma_start3A_464 = tpu.memref_squeeze %dma_start3A_463 : memref<1x100xi32, #tpu.memory_space<vmem>> -> memref<100xi32, #tpu.memory_space<vmem>>
      %dma_start3A_465 = arith.constant 0 : i32
      %dma_start3A_466 = arith.constant 0 : i32
      %dma_start3A_467 = tpu.memref_slice %arg9[%dma_start3A_465, %dma_start3A_466] : memref<200000x16xf32, #tpu.memory_space<hbm>> -> memref<200000x16xf32, #tpu.memory_space<hbm>>
      tpu.enqueue_indirect_dma source(%arg16 : memref<100x16xf32, #tpu.memory_space<vmem>>) target(%dma_start3A_467 : memref<200000x16xf32, #tpu.memory_space<hbm>>) offsets(%dma_start3A_464 : memref<100xi32, #tpu.memory_space<vmem>>) semaphore(%arg32 : memref<!tpu.dma_semaphore, #tpu.memory_space<semaphore_mem>>)
      %add3A_468 = arith.constant 3 : i32
      %add3A_469 = arith.addi %add3A_378, %add3A_468 : i32
      %sub3A_470 = arith.constant 2 : i32
      %sub3A_471 = arith.subi %add3A_469, %sub3A_470 : i32
      %dma_wait3A_472 = arith.constant 0 : i32
      %dma_wait3A_473 = tpu.memref_slice %arg15[%sub3A_471, %dma_wait3A_472] : memref<32x100xi32, #tpu.memory_space<vmem>> -> memref<1x100xi32, #tpu.memory_space<vmem>>
      %dma_wait3A_474 = tpu.memref_squeeze %dma_wait3A_473 : memref<1x100xi32, #tpu.memory_space<vmem>> -> memref<100xi32, #tpu.memory_space<vmem>>
      %dma_wait3A_475 = arith.constant 0 : i32
      %dma_wait3A_476 = arith.constant 0 : i32
      %dma_wait3A_477 = tpu.memref_slice %arg9[%dma_wait3A_475, %dma_wait3A_476] : memref<200000x16xf32, #tpu.memory_space<hbm>> -> memref<200000x16xf32, #tpu.memory_space<hbm>>
      tpu.wait_indirect_dma semaphore(%arg35 : memref<!tpu.dma_semaphore, #tpu.memory_space<semaphore_mem>>) src(%arg19 : memref<100x16xf32, #tpu.memory_space<vmem>>) dst(%dma_wait3A_477 : memref<200000x16xf32, #tpu.memory_space<hbm>>)
      %add3A_478 = arith.constant 2 : i32
      %add3A_479 = arith.addi %add3A_469, %add3A_478 : i32
      %dma_start3A_480 = arith.constant 0 : i32
      %dma_start3A_481 = tpu.memref_slice %arg14[%add3A_479, %dma_start3A_480] : memref<32x100xi32, #tpu.memory_space<vmem>> -> memref<1x100xi32, #tpu.memory_space<vmem>>
      %dma_start3A_482 = tpu.memref_squeeze %dma_start3A_481 : memref<1x100xi32, #tpu.memory_space<vmem>> -> memref<100xi32, #tpu.memory_space<vmem>>
      %dma_start3A_483 = arith.constant 0 : i32
      %dma_start3A_484 = arith.constant 0 : i32
      %dma_start3A_485 = tpu.memref_slice %arg2[%dma_start3A_483, %dma_start3A_484] : memref<100000x16xf32, #tpu.memory_space<hbm>> -> memref<100000x16xf32, #tpu.memory_space<hbm>>
      tpu.enqueue_indirect_dma source(%dma_start3A_485 : memref<100000x16xf32, #tpu.memory_space<hbm>>) target(%arg19 : memref<100x16xf32, #tpu.memory_space<vmem>>) offsets(%dma_start3A_482 : memref<100xi32, #tpu.memory_space<vmem>>) semaphore(%arg31 : memref<!tpu.dma_semaphore, #tpu.memory_space<semaphore_mem>>)
      %dma_wait3A_486 = arith.constant 0 : i32
      %dma_wait3A_487 = tpu.memref_slice %arg14[%add3A_469, %dma_wait3A_486] : memref<32x100xi32, #tpu.memory_space<vmem>> -> memref<1x100xi32, #tpu.memory_space<vmem>>
      %dma_wait3A_488 = tpu.memref_squeeze %dma_wait3A_487 : memref<1x100xi32, #tpu.memory_space<vmem>> -> memref<100xi32, #tpu.memory_space<vmem>>
      %dma_wait3A_489 = arith.constant 0 : i32
      %dma_wait3A_490 = arith.constant 0 : i32
      %dma_wait3A_491 = tpu.memref_slice %arg2[%dma_wait3A_489, %dma_wait3A_490] : memref<100000x16xf32, #tpu.memory_space<hbm>> -> memref<100000x16xf32, #tpu.memory_space<hbm>>
      tpu.wait_indirect_dma semaphore(%arg29 : memref<!tpu.dma_semaphore, #tpu.memory_space<semaphore_mem>>) src(%dma_wait3A_491 : memref<100000x16xf32, #tpu.memory_space<hbm>>) dst(%arg17 : memref<100x16xf32, #tpu.memory_space<vmem>>)
      %dma_start3A_492 = arith.constant 0 : i32
      %dma_start3A_493 = tpu.memref_slice %arg15[%add3A_469, %dma_start3A_492] : memref<32x100xi32, #tpu.memory_space<vmem>> -> memref<1x100xi32, #tpu.memory_space<vmem>>
      %dma_start3A_494 = tpu.memref_squeeze %dma_start3A_493 : memref<1x100xi32, #tpu.memory_space<vmem>> -> memref<100xi32, #tpu.memory_space<vmem>>
      %dma_start3A_495 = arith.constant 0 : i32
      %dma_start3A_496 = arith.constant 0 : i32
      %dma_start3A_497 = tpu.memref_slice %arg9[%dma_start3A_495, %dma_start3A_496] : memref<200000x16xf32, #tpu.memory_space<hbm>> -> memref<200000x16xf32, #tpu.memory_space<hbm>>
      tpu.enqueue_indirect_dma source(%arg17 : memref<100x16xf32, #tpu.memory_space<vmem>>) target(%dma_start3A_497 : memref<200000x16xf32, #tpu.memory_space<hbm>>) offsets(%dma_start3A_494 : memref<100xi32, #tpu.memory_space<vmem>>) semaphore(%arg33 : memref<!tpu.dma_semaphore, #tpu.memory_space<semaphore_mem>>)
    }
    %scan3A_317 = arith.constant 7 : i32
    %dma_wait3A_318 = arith.constant 28 : i32
    %dma_wait3A_319 = arith.constant 0 : i32
    %dma_wait3A_320 = tpu.memref_slice %arg15[%dma_wait3A_318, %dma_wait3A_319] : memref<32x100xi32, #tpu.memory_space<vmem>> -> memref<1x100xi32, #tpu.memory_space<vmem>>
    %dma_wait3A_321 = tpu.memref_squeeze %dma_wait3A_320 : memref<1x100xi32, #tpu.memory_space<vmem>> -> memref<100xi32, #tpu.memory_space<vmem>>
    %dma_wait3A_322 = arith.constant 0 : i32
    %dma_wait3A_323 = arith.constant 0 : i32
    %dma_wait3A_324 = tpu.memref_slice %arg9[%dma_wait3A_322, %dma_wait3A_323] : memref<200000x16xf32, #tpu.memory_space<hbm>> -> memref<200000x16xf32, #tpu.memory_space<hbm>>
    tpu.wait_indirect_dma semaphore(%arg32 : memref<!tpu.dma_semaphore, #tpu.memory_space<semaphore_mem>>) src(%arg16 : memref<100x16xf32, #tpu.memory_space<vmem>>) dst(%dma_wait3A_324 : memref<200000x16xf32, #tpu.memory_space<hbm>>)
    %dma_wait3A_325 = arith.constant 30 : i32
    %dma_wait3A_326 = arith.constant 0 : i32
    %dma_wait3A_327 = tpu.memref_slice %arg14[%dma_wait3A_325, %dma_wait3A_326] : memref<32x100xi32, #tpu.memory_space<vmem>> -> memref<1x100xi32, #tpu.memory_space<vmem>>
    %dma_wait3A_328 = tpu.memref_squeeze %dma_wait3A_327 : memref<1x100xi32, #tpu.memory_space<vmem>> -> memref<100xi32, #tpu.memory_space<vmem>>
    %dma_wait3A_329 = arith.constant 0 : i32
    %dma_wait3A_330 = arith.constant 0 : i32
    %dma_wait3A_331 = tpu.memref_slice %arg2[%dma_wait3A_329, %dma_wait3A_330] : memref<100000x16xf32, #tpu.memory_space<hbm>> -> memref<100000x16xf32, #tpu.memory_space<hbm>>
    tpu.wait_indirect_dma semaphore(%arg30 : memref<!tpu.dma_semaphore, #tpu.memory_space<semaphore_mem>>) src(%dma_wait3A_331 : memref<100000x16xf32, #tpu.memory_space<hbm>>) dst(%arg18 : memref<100x16xf32, #tpu.memory_space<vmem>>)
    %dma_start3A_332 = arith.constant 30 : i32
    %dma_start3A_333 = arith.constant 0 : i32
    %dma_start3A_334 = tpu.memref_slice %arg15[%dma_start3A_332, %dma_start3A_333] : memref<32x100xi32, #tpu.memory_space<vmem>> -> memref<1x100xi32, #tpu.memory_space<vmem>>
    %dma_start3A_335 = tpu.memref_squeeze %dma_start3A_334 : memref<1x100xi32, #tpu.memory_space<vmem>> -> memref<100xi32, #tpu.memory_space<vmem>>
    %dma_start3A_336 = arith.constant 0 : i32
    %dma_start3A_337 = arith.constant 0 : i32
    %dma_start3A_338 = tpu.memref_slice %arg9[%dma_start3A_336, %dma_start3A_337] : memref<200000x16xf32, #tpu.memory_space<hbm>> -> memref<200000x16xf32, #tpu.memory_space<hbm>>
    tpu.enqueue_indirect_dma source(%arg18 : memref<100x16xf32, #tpu.memory_space<vmem>>) target(%dma_start3A_338 : memref<200000x16xf32, #tpu.memory_space<hbm>>) offsets(%dma_start3A_335 : memref<100xi32, #tpu.memory_space<vmem>>) semaphore(%arg34 : memref<!tpu.dma_semaphore, #tpu.memory_space<semaphore_mem>>)
    %dma_wait3A_339 = arith.constant 29 : i32
    %dma_wait3A_340 = arith.constant 0 : i32
    %dma_wait3A_341 = tpu.memref_slice %arg15[%dma_wait3A_339, %dma_wait3A_340] : memref<32x100xi32, #tpu.memory_space<vmem>> -> memref<1x100xi32, #tpu.memory_space<vmem>>
    %dma_wait3A_342 = tpu.memref_squeeze %dma_wait3A_341 : memref<1x100xi32, #tpu.memory_space<vmem>> -> memref<100xi32, #tpu.memory_space<vmem>>
    %dma_wait3A_343 = arith.constant 0 : i32
    %dma_wait3A_344 = arith.constant 0 : i32
    %dma_wait3A_345 = tpu.memref_slice %arg9[%dma_wait3A_343, %dma_wait3A_344] : memref<200000x16xf32, #tpu.memory_space<hbm>> -> memref<200000x16xf32, #tpu.memory_space<hbm>>
    tpu.wait_indirect_dma semaphore(%arg33 : memref<!tpu.dma_semaphore, #tpu.memory_space<semaphore_mem>>) src(%arg17 : memref<100x16xf32, #tpu.memory_space<vmem>>) dst(%dma_wait3A_345 : memref<200000x16xf32, #tpu.memory_space<hbm>>)
    %dma_wait3A_346 = arith.constant 31 : i32
    %dma_wait3A_347 = arith.constant 0 : i32
    %dma_wait3A_348 = tpu.memref_slice %arg14[%dma_wait3A_346, %dma_wait3A_347] : memref<32x100xi32, #tpu.memory_space<vmem>> -> memref<1x100xi32, #tpu.memory_space<vmem>>
    %dma_wait3A_349 = tpu.memref_squeeze %dma_wait3A_348 : memref<1x100xi32, #tpu.memory_space<vmem>> -> memref<100xi32, #tpu.memory_space<vmem>>
    %dma_wait3A_350 = arith.constant 0 : i32
    %dma_wait3A_351 = arith.constant 0 : i32
    %dma_wait3A_352 = tpu.memref_slice %arg2[%dma_wait3A_350, %dma_wait3A_351] : memref<100000x16xf32, #tpu.memory_space<hbm>> -> memref<100000x16xf32, #tpu.memory_space<hbm>>
    tpu.wait_indirect_dma semaphore(%arg31 : memref<!tpu.dma_semaphore, #tpu.memory_space<semaphore_mem>>) src(%dma_wait3A_352 : memref<100000x16xf32, #tpu.memory_space<hbm>>) dst(%arg19 : memref<100x16xf32, #tpu.memory_space<vmem>>)
    %dma_start3A_353 = arith.constant 31 : i32
    %dma_start3A_354 = arith.constant 0 : i32
    %dma_start3A_355 = tpu.memref_slice %arg15[%dma_start3A_353, %dma_start3A_354] : memref<32x100xi32, #tpu.memory_space<vmem>> -> memref<1x100xi32, #tpu.memory_space<vmem>>
    %dma_start3A_356 = tpu.memref_squeeze %dma_start3A_355 : memref<1x100xi32, #tpu.memory_space<vmem>> -> memref<100xi32, #tpu.memory_space<vmem>>
    %dma_start3A_357 = arith.constant 0 : i32
    %dma_start3A_358 = arith.constant 0 : i32
    %dma_start3A_359 = tpu.memref_slice %arg9[%dma_start3A_357, %dma_start3A_358] : memref<200000x16xf32, #tpu.memory_space<hbm>> -> memref<200000x16xf32, #tpu.memory_space<hbm>>
    tpu.enqueue_indirect_dma source(%arg19 : memref<100x16xf32, #tpu.memory_space<vmem>>) target(%dma_start3A_359 : memref<200000x16xf32, #tpu.memory_space<hbm>>) offsets(%dma_start3A_356 : memref<100xi32, #tpu.memory_space<vmem>>) semaphore(%arg35 : memref<!tpu.dma_semaphore, #tpu.memory_space<semaphore_mem>>)
    %dma_wait3A_360 = arith.constant 30 : i32
    %dma_wait3A_361 = arith.constant 0 : i32
    %dma_wait3A_362 = tpu.memref_slice %arg15[%dma_wait3A_360, %dma_wait3A_361] : memref<32x100xi32, #tpu.memory_space<vmem>> -> memref<1x100xi32, #tpu.memory_space<vmem>>
    %dma_wait3A_363 = tpu.memref_squeeze %dma_wait3A_362 : memref<1x100xi32, #tpu.memory_space<vmem>> -> memref<100xi32, #tpu.memory_space<vmem>>
    %dma_wait3A_364 = arith.constant 0 : i32
    %dma_wait3A_365 = arith.constant 0 : i32
    %dma_wait3A_366 = tpu.memref_slice %arg9[%dma_wait3A_364, %dma_wait3A_365] : memref<200000x16xf32, #tpu.memory_space<hbm>> -> memref<200000x16xf32, #tpu.memory_space<hbm>>
    tpu.wait_indirect_dma semaphore(%arg34 : memref<!tpu.dma_semaphore, #tpu.memory_space<semaphore_mem>>) src(%arg18 : memref<100x16xf32, #tpu.memory_space<vmem>>) dst(%dma_wait3A_366 : memref<200000x16xf32, #tpu.memory_space<hbm>>)
    %dma_wait3A_367 = arith.constant 31 : i32
    %dma_wait3A_368 = arith.constant 0 : i32
    %dma_wait3A_369 = tpu.memref_slice %arg15[%dma_wait3A_367, %dma_wait3A_368] : memref<32x100xi32, #tpu.memory_space<vmem>> -> memref<1x100xi32, #tpu.memory_space<vmem>>
    %dma_wait3A_370 = tpu.memref_squeeze %dma_wait3A_369 : memref<1x100xi32, #tpu.memory_space<vmem>> -> memref<100xi32, #tpu.memory_space<vmem>>
    %dma_wait3A_371 = arith.constant 0 : i32
    %dma_wait3A_372 = arith.constant 0 : i32
    %dma_wait3A_373 = tpu.memref_slice %arg9[%dma_wait3A_371, %dma_wait3A_372] : memref<200000x16xf32, #tpu.memory_space<hbm>> -> memref<200000x16xf32, #tpu.memory_space<hbm>>
    tpu.wait_indirect_dma semaphore(%arg35 : memref<!tpu.dma_semaphore, #tpu.memory_space<semaphore_mem>>) src(%arg19 : memref<100x16xf32, #tpu.memory_space<vmem>>) dst(%dma_wait3A_373 : memref<200000x16xf32, #tpu.memory_space<hbm>>)
    return
  }
}

</mosaic_0001>

<sc_bundles>
// kernel: kernel.4.cloned.1.call-start
scs
__scs_entry_jumppad:
0x0: {  	(pc) =	sbr.rel $0x88, $3  }
0x1: {  	(tag) =	ssettag $0x0;
	lr =	simm.s32 $0x1  }
0x2: {  	[smem:$0x3F9C] =	sst lr;
	_ =	strace $0xD0000000  }
0x3: {  	_ = 	snop  }
0x4: {  	_ = 	snop  }
0x5: {  	_ = 	snop  }
0x6: {  	_ = 	snop  }
0x7: {  	_ = 	snop  }
__scs_overlays_trampoline_lowered:
0x8: {  	[smem:$0x3FAB] =	sst s0  }
0x9: {  	[smem:$0x3FAC] =	sst s1  }
0xa: {  	[smem:$0x3FAD] =	sst s2  }
0xb: {  	[smem:$0x3FAE] =	sst s3  }
0xc: {  	[smem:$0x3FAF] =	sst s4  }
0xd: {  	[smem:$0x3FB0] =	sst s5  }
0xe: {  	[smem:$0x3FB1] =	sst s6  }
0xf: {  	[smem:$0x3FB2] =	sst s7  }
0x10: {  	[smem:$0x3FB3] =	sst s8  }
0x11: {  	[smem:$0x3FB4] =	sst s9;
	s0 =	simm.s32 @!p0 $0x0  }
0x12: {  	s1 =	sld [smem:$0x3F9A];
	s0 =	simm.s32 @p0 $0x1  }
0x13: {  	[smem:$0x3FB5] =	sst s0;
	s0 =	simm.s32 @!p1 $0x0  }
0x14: {  	s2 =	sld [smem:$0x3F99];
	s0 =	simm.s32 @p1 $0x1  }
0x15: {  	[smem:$0x3FB6] =	sst s0;
	s0 =	simm.s32 @!p2 $0x0  }
0x16: {  	s3 =	sld [smem:$0x3FDB];
	s0 =	simm.s32 @p2 $0x1  }
0x17: {  	s4 =	simm.s32 $0x1BF5;
	[smem:$0x3FB8] =	sst s0  }
0x18: {  	s0 =	sld [smem:$0x3F9B];
	_ =	swait.ge [sflag:s4], $0x0  }
0x19: {  	s7 =	sld [smem:$0x3F9C]  }
0x1a: {  	s8 =	sadd.s32 $0xFFFFE003, lr  }
0x1b: {  	s9 =	sadd.s32 $0xFFFFFEF7, lr;
	s5 =	simm.s32 $0xFFFFFFFF;
	p2 =	slt.u32 s8, $0xFFFFF086  }
0x1c: {  	p1 =	slt.u32 s9, $0xF7A;
	s5 =	simm.s32 @!p2 $0x0  }
0x1d: {  	s5 =	simm.s32 @p1 $0x1;
	p0 =	seq.s32 s7, s2  }
0x1e: {  	s7 =	smul.u32 @!p0 $0xF7A, s2;
	p2 =	seq.s32 @!p0 s5, $0x0  }
0x1f: {  	s9 =	smul.u32 $0xF7A, s1;
	s8 =	simm.s32 @!p0 $0x1BF5;
	p2 =	por !p2, p0  }
0x20: {  	[sflag:s8] =	ssyncset.s32 @!p0 $0xFFFFF086;
	s6 =	sadd.s32 @!p0 s3, s7;
	s7 =	simm.s32 @!p0 $0x108  }
0x21: {  	s3 =	sadd.s32 s3, s9;
	s6 =	sadd.s32 @!p0 $0x88, s6;
	s7 =	simm.s32 @p2 $0x1082  }
0x22: {  	[simem:s7], [sflag:s8] =	dma.local @!p0 [hbm:s6], $0xF7A  }
0x23: {  	s9 =	sor.u32 $0xD0000000, s2;
	s6 =	simm.s32 $0x108;
	_ =	swait.ge @!p0 [sflag:s8], $0x0  }
0x24: {  	s3 =	sadd.s32 $0x88, s3;
	s6 =	simm.s32 @!p1 $0x1082;
	[sflag:s4] =	ssyncset.s32 $0xFFFFF086  }
0x25: {  	[simem:s6], [sflag:s4] =	dma.local [hbm:s3], $0xF7A  }
0x26: {  	[smem:$0x3F9C] =	sst s1;
	(tag) =	ssettag s2;
	_ =	strace s9  }
0x27: {  	s1 =	sld [smem:$0x3FAC]  }
0x28: {  	s2 =	sld [smem:$0x3FAD]  }
0x29: {  	s4 =	sld [smem:$0x3FAF]  }
0x2a: {  	p0 =	seq.s32 s5, $0x0;
	s5 =	sld [smem:$0x3FB0]  }
0x2b: {  	s6 =	sld [smem:$0x3FB1]  }
0x2c: {  	s7 =	sld [smem:$0x3FB2]  }
0x2d: {  	s3 =	simm.s32 $0x108;
	s8 =	sld [smem:$0x3FB3]  }
0x2e: {  	s3 =	simm.s32 @!p0 $0x1082;
	s9 =	sld [smem:$0x3FB4]  }
0x2f: {  	lr =	sadd.s32 s0, s3;
	s0 =	sld [smem:$0x3FAB]  }
0x30: {  	s3 =	sld [smem:$0x3FAE]  }
0x31: {  	[smem:$0x3FB7] =	sst s10  }
0x32: {  	s10 =	sld [smem:$0x3FB5];
	_ =	sdelay $0x3  }
0x33: {  	p0 =	seq.s32 s10, $0x1;
	s10 =	sld [smem:$0x3FB7];
	_ =	sdelay $0x3  }
0x34: {  	[smem:$0x3FB7] =	sst s10  }
0x35: {  	s10 =	sld [smem:$0x3FB6];
	_ =	sdelay $0x3  }
0x36: {  	p1 =	seq.s32 s10, $0x1;
	s10 =	sld [smem:$0x3FB7];
	_ =	sdelay $0x3  }
0x37: {  	[smem:$0x3FB7] =	sst s10  }
0x38: {  	s10 =	sld [smem:$0x3FB8]  }
0x39: {  	_ = 	snop;
	(pc) =	sbr.ind lr, $3  }
0x3a: {  	_ = 	snop  }
0x3b: {  	_ = 	snop  }
0x3c: {  	p2 =	seq.s32 s10, $0x1;
	s10 =	sld [smem:$0x3FB7]  }
0x3d: {  	_ =	shalt  }
0x3e: {  	_ =	shalt  }
0x3f: {  	_ =	shalt  }
0x40: {  	_ =	shalt  }
0x41: {  	_ =	shalt  }
0x42: {  	_ =	shalt  }
0x43: {  	_ =	shalt  }
0x44: {  	_ =	shalt  }
0x45: {  	_ =	shalt  }
0x46: {  	_ =	shalt  }
0x47: {  	_ =	shalt  }
0x48: {  	_ =	shalt  }
0x49: {  	_ =	shalt  }
0x4a: {  	_ =	shalt  }
0x4b: {  	_ =	shalt  }
0x4c: {  	_ =	shalt  }
0x4d: {  	_ =	shalt  }
0x4e: {  	_ =	shalt  }
0x4f: {  	_ =	shalt  }
0x50: {  	_ =	shalt  }
0x51: {  	_ =	shalt  }
0x52: {  	_ =	shalt  }
0x53: {  	_ =	shalt  }
0x54: {  	_ =	shalt  }
0x55: {  	_ =	shalt  }
0x56: {  	_ =	shalt  }
0x57: {  	_ =	shalt  }
0x58: {  	_ =	shalt  }
0x59: {  	_ =	shalt  }
0x5a: {  	_ =	shalt  }
0x5b: {  	_ =	shalt  }
0x5c: {  	_ =	shalt  }
0x5d: {  	_ =	shalt  }
0x5e: {  	_ =	shalt  }
0x5f: {  	_ =	shalt  }
0x60: {  	_ =	shalt  }
0x61: {  	_ =	shalt  }
0x62: {  	_ =	shalt  }
0x63: {  	_ =	shalt  }
0x64: {  	_ =	shalt  }
0x65: {  	_ =	shalt  }
0x66: {  	_ =	shalt  }
0x67: {  	_ =	shalt  }
0x68: {  	_ =	shalt  }
0x69: {  	_ =	shalt  }
0x6a: {  	_ =	shalt  }
0x6b: {  	_ =	shalt  }
0x6c: {  	_ =	shalt  }
0x6d: {  	_ =	shalt  }
0x6e: {  	_ =	shalt  }
0x6f: {  	_ =	shalt  }
0x70: {  	_ =	shalt  }
0x71: {  	_ =	shalt  }
0x72: {  	_ =	shalt  }
0x73: {  	_ =	shalt  }
0x74: {  	_ =	shalt  }
0x75: {  	_ =	shalt  }
0x76: {  	_ =	shalt  }
0x77: {  	_ =	shalt  }
0x78: {  	_ =	shalt  }
0x79: {  	_ =	shalt  }
0x7a: {  	_ =	shalt  }
0x7b: {  	_ =	shalt  }
0x7c: {  	_ =	shalt  }
0x7d: {  	_ =	shalt  }
0x7e: {  	_ =	shalt  }
0x7f: {  	_ =	shalt  }
0x80: {  	_ =	shalt  }
0x81: {  	_ =	shalt  }
0x82: {  	_ =	shalt  }
0x83: {  	_ =	shalt  }
0x84: {  	_ =	shalt  }
0x85: {  	_ =	shalt  }
0x86: {  	_ =	shalt  }
0x87: {  	_ =	shalt  }
.Lfunc_end0:
.L_simem_size_0:
called_computation_lowered:
.L_overlay_start_0:
0x88: {  	s2 =	sld [smem:$0x3FD9]  }
0x89: {  	s3 =	sld [smem:$0x3FFE];
	_ =	sdelay $0x1  }
0x8a: {  	s1 =	srdreg.scid  }
0x8b: {  	s0 =	sand.u32 $0x1, s1  }
0x8c: {  	s14 =	sshll.u32 s0, $0xA;
	s2 =	sadd.s32 s3, s2  }
0x8d: {  	s2 =	sadd.s32 s2, s14  }
0x8e: {  	[smem:$0x3FC3] =	sst s2  }
0x8f: {  	_ = 	snop  }
0x90: {  	s2 =	sld [smem:$0x3FD0];
	_ =	sdelay $0x2  }
0x91: {  	s15 =	simm.s32 $0xB;
	s4 =	simm.s32 $0x10  }
0x92: {  	[smem:s4], [sflag:s15] =	dma.local [hbm:s2], $0x1  }
0x93: {  	_ =	swait.eq [sflag:s15], $0x1  }
0x94: {  	[sflag:s15] =	ssyncset.done $0x0  }
0x95: {  	[sflag:s15] =	ssyncadd.s32 $0xFFFFFFFF  }
0x96: {  	s16 =	sld [smem:$0x10];
	(tm) =	ssettm $0x1  }
0x97: {  	s17 =	sld [smem:$0x3FFB];
	_ =	sdelay $0x3  }
0x98: {  	_ =	strace s17  }
0x99: {  	s3 =	sld [smem:$0x3FFC];
	_ =	sdelay $0x3  }
0x9a: {  	_ =	strace s3  }
0x9b: {  	s3 =	sld [smem:$0x3FFD];
	_ =	sdelay $0x3  }
0x9c: {  	_ =	strace s3  }
0x9d: {  	_ =	strace $0x8FFFFFFF  }
0x9e: {  	s18 =	sld [smem:$0x3FDB];
	_ =	sdelay $0x1  }
0x9f: {  	s19 =	simm.s32 $_scs_section_size  }
0xa0: {  	s5 =	simm.s32 $_size__tile_overlayer_lowered;
	s6 =	simm.s32 $_tile_overlayer_lowered  }
0xa1: {  	s22 =	simm.s32 $0x1BFF;
	s21 =	sshll.u32 s6, $0x1;
	s3 =	sadd.s32 s19, s18  }
0xa2: {  	s7 =	simm.s32 $0x0;
	s20 =	sshll.u32 s5, $0x1;
	s5 =	sadd.s32 s21, s3  }
0xa3: {  	[timem:s7], [sflag:s22] =	dma.local [hbm:s5], s20  }
0xa4: {  	_ =	swait.ge [sflag:s22], s20  }
0xa5: {  	s4 =	ssub.s32 $0x0, s20;
	[sflag:s22] =	ssyncset.done $0x0  }
0xa6: {  	[sflag:s22] =	ssyncadd.s32 s4;
	_ =	sdelay $0x1  }
0xa7: {  	s23 =	simm.s32 $0x1B8B  }
0xa8: {  	_ =	swait.ge [sflag:s23], $0x1  }
0xa9: {  	[sflag:s23] =	ssyncset.done $0x0  }
0xaa: {  	s25 =	simm.s32 $0x1B8E;
	s24 =	sld [smem:$0x3FFE];
	[sflag:s23] =	ssyncadd.s32 $0xFFFFFFFF  }
0xab: {  	s26 =	simm.s32 $execute0_lowered;
	[smem:$0x3FD2] =	sst s25  }
0xac: {  	s5 =	sshll.u32 s26, $0x1;
	_ =	strace $0x80000046;
	[dreg:$0x1] =	wrdreg $0xFFFFFFFF  }
0xad: {  	s28 =	simm.s32 $_size_execute0_lowered;
	s3 =	sadd.s32 s3, s5;
	[dreg:$0x0] =	wrdreg $0x0  }
0xae: {  	s5 =	sshll.u32 s28, $0x1;
	[dreg:$0x2] =	wrdreg s3  }
0xaf: {  	[dreg:$0x3] =	wrdreg s5  }
0xb0: {  	[dreg:$0x4] =	wrdreg $0xC0  }
0xb1: {  	_ =	task [dreg:s7], $0x5FFFF  }
0xb2: {  	[dreg:$0x1] =	wrdreg $0xFFFFFFFF  }
0xb3: {  	[dreg:$0x0] =	wrdreg $0x60  }
0xb4: {  	[dreg:$0x2] =	wrdreg s24  }
0xb5: {  	[dreg:$0x3] =	wrdreg s16  }
0xb6: {  	[dreg:$0x4] =	wrdreg $0x9  }
0xb7: {  	_ =	task.clear_ibuf [dreg:s7], $0x5FFFF;
	_ =	strace $0x90000046  }
0xb8: {  	s29 =	simm.s32 $0x9;
	_ =	strace $0x80000048  }
0xb9: {  	_ =	swait.ge [sflag:s29], $0x1  }
0xba: {  	[sflag:s29] =	ssyncadd.s32 $0xFFFFFFFF  }
0xbb: {  	_ =	strace $0x90000048  }
0xbc: {  	_ =	sfence  }
0xbd: {  	s30 =	sld [smem:$0x0];
	_ =	sdelay $0x2  }
0xbe: {  	s31 =	sshll.u32 s1, $0xD;
	s1 =	sshrl.u32 s1, $0x2  }
0xbf: {  	s3 =	sand.u32 $0x4000, s31;
	s1 =	sadd.s32 s1, s30  }
0xc0: {  	s0 =	sor.u32 s3, s0;
	s1 =	sshll.u32 s1, $0x11  }
0xc1: {  	s0 =	sor.u32 s1, s0  }
0xc2: {  	s0 =	sadd.s32 $0x8F2B, s0  }
0xc3: {  	[sflag:s0] =	ssyncadd.remote.s32 $0x1  }
0xc4: {  	_ =	sfence.sel $0xFFFF  }
0xc5: {  	[dreg:$0x0] =	wrdreg $0xFFFFFFFF;
	(pc) =	sbr.abs _section_cstart, $3  }
0xc6: {  	[dreg:$0x1] =	wrdreg $0xFFFFFFFF  }
0xc7: {  	_ =	task.clear_ibuf [dreg:s7], $0x2FFFF;
	_ =	strace $0x9FFFFFFF  }
0xc8: {  	(tm) =	ssettm $0x7FFFFFFF  }
0xc9: {  	_ =	shalt  }
tec
execute0_lowered:
.L_overlay_start_1:
0x0: {  	(tag) =	ssettag $0x1  }
0x1: {  	s0 =	rddreg [dreg:$0x0];
	s1 =	srdreg.scid  }
0x2: {  	s3 =	stileid.u32;
	s2 =	rddreg [dreg:$0x1];
	s4 =	simm.s32 $0x0  }
0x3: {  	s12 =	simm.s32 $0xD;
	s11 =	simm.s32 $0x2700;
	s10 =	simm.s32 $0x3400  }
0x4: {  	s18 =	simm.s32 $0x64;
	s19 =	simm.s32 $0x4E00;
	s28 =	simm.s32 $0x7380  }
0x5: {  	s29 =	simm.s32 $0x1;
	s30 =	simm.s32 $0x60C0;
	s31 =	simm.s32 $0x4  }
0x6: {  	s13 =	simm.s32 $0x9;
	s1 =	sand.u32 $0x1, s1;
	s3 =	sshll.u32 s3, $0x1  }
0x7: {  	s14 =	simm.s32 $0x7;
	s15 =	simm.s32 $0x8;
	s3 =	sor.u32 s1, s3  }
0x8: {  	s16 =	simm.s32 $0xC;
	[smem:$0x7FF] =	sst s4;
	s5 =	smul.u32 $0x1A0, s3  }
0x9: {  	s7 =	simm.s32 $0x0;
	s4 =	sadd.s32 $0x28400, s0;
	_ =	strace $0x80000047  }
0xa: {  	s1 =	ssub.s32 $0x2, s1;
	s6 =	sadd.s32 s5, s0;
	s21 =	sadd.s32 s2, s5  }
0xb: {  	s3 =	sadd.s32 $0x1AEE00, s0;
	[dreg:$0x3] =	wrdreg s21;
	s22 =	sadd.s32 $0x21C00, s6  }
0xc: {  	s20 =	sshrl.u32 s1, $0x1;
	s23 =	sadd.s32 $0x1E800, s6;
	[dreg:$0x4] =	wrdreg s22  }
0xd: {  	s0 =	ssub.s32 s1, s20;
	s24 =	sadd.s32 $0x8000, s6;
	[dreg:$0x5] =	wrdreg s23  }
0xe: {  	s20 =	simm.s32 $0x5440;
	s25 =	sadd.s32 $0x25000, s6;
	[dreg:$0x6] =	wrdreg s24  }
0xf: {  	s1 =	simm.s32 $0x5;
	s26 =	sadd.s32 $0xB400, s6;
	[dreg:$0x7] =	wrdreg s25  }
0x10: {  	s5 =	simm.s32 $0xA;
	s0 =	smax.u32 s0, $0x1;
	[dreg:$0x8] =	wrdreg s26  }
0x11: {  	s21 =	simm.s32 $0x5A80;
	s6 =	simm.s32 $0xB;
	[dreg:$0x9] =	wrdreg s0  }
0x12: {  	s23 =	simm.s32 $0x6700;
	s25 =	simm.s32 $0x6D40;
	s22 =	simm.s32 $0x2  }
0x13: {  	s26 =	simm.s32 $0x79C0;
	s24 =	simm.s32 $0x3;
	s0 =	simm.s32 $0x6  }
.LBB2_1:
0x14: {  	[dreg:$0xa] =	wrdreg s7  }
0x15: {  	s2 =	simm.s32 $0x0;
	s8 =	rddreg [dreg:$0x3]  }
0x16: {  	[tilespmem:s2], [sflag:$0xD] =	stream.linear.gather [hbm4b:s8+s2], $0xD00, $0x38;
	[tilespmem:$0x8000] =	vst v63  }
0x17: {  	_ =	swait.ge [sflag:s12], $0xD00  }
0x18: {  	[sflag:s12] =	ssyncset.done $0x0  }
0x19: {  	s8 =	simm.s32 $0xD00;
	s9 =	rddreg [dreg:$0x4];
	[sflag:s12] =	ssyncadd.s32 $0xFFFFF300  }
0x1a: {  	[tilespmem:s8], [sflag:$0xD] =	stream.linear.gather [hbm4b:s9+s2], $0xD00, $0x38;
	[tilespmem:$0x8000] =	vst v63  }
0x1b: {  	_ =	swait.ge [sflag:s12], $0xD00  }
0x1c: {  	[sflag:s12] =	ssyncset.done $0x0  }
0x1d: {  	s9 =	simm.s32 $0x1A00;
	s17 =	rddreg [dreg:$0x5];
	[sflag:s12] =	ssyncadd.s32 $0xFFFFF300  }
0x1e: {  	[tilespmem:s9], [sflag:$0xD] =	stream.linear.gather [hbm4b:s17+s2], $0xD00, $0x38;
	[tilespmem:$0x8000] =	vst v63  }
0x1f: {  	_ =	swait.ge [sflag:s12], $0xD00  }
0x20: {  	[sflag:s12] =	ssyncset.done $0x0  }
0x21: {  	s17 =	rddreg [dreg:$0x6];
	[sflag:s12] =	ssyncadd.s32 $0xFFFFF300  }
0x22: {  	[tilespmem:s11], [sflag:$0xD] =	stream.linear.gather [hbm4b:s17+s2], $0xD00, $0x38;
	[tilespmem:$0x8000] =	vst v63  }
0x23: {  	_ =	swait.ge [sflag:s12], $0xD00  }
0x24: {  	[sflag:s12] =	ssyncset.done $0x0  }
0x25: {  	s17 =	rddreg [dreg:$0x7];
	[sflag:s12] =	ssyncadd.s32 $0xFFFFF300  }
0x26: {  	[tilespmem:s10], [sflag:$0xD] =	stream.linear.gather [hbm4b:s17+s2], $0xD00, $0x38;
	[tilespmem:$0x8000] =	vst v63  }
0x27: {  	_ =	swait.ge [sflag:s12], $0xD00  }
0x28: {  	[sflag:s12] =	ssyncset.done $0x0  }
0x29: {  	s17 =	simm.s32 $0x4100;
	s10 =	rddreg [dreg:$0x8];
	[sflag:s12] =	ssyncadd.s32 $0xFFFFF300  }
0x2a: {  	[tilespmem:s17], [sflag:$0xD] =	stream.linear.gather [hbm4b:s10+s2], $0xD00, $0x38;
	[tilespmem:$0x8000] =	vst v63  }
0x2b: {  	_ =	swait.ge [sflag:s12], $0xD00  }
0x2c: {  	[sflag:s12] =	ssyncset.done $0x0  }
0x2d: {  	[sflag:s12] =	ssyncadd.s32 $0xFFFFF300  }
0x2e: {  	[tilespmem:s19], [sflag:$0x1] =	stream.indirect.gather [hbm4b:s3+s18], $0x10, s2, s18, $0xb8;
	[tilespmem:$0x8000] =	vst v63  }
0x2f: {  	_ = 	snop  }
0x30: {  	[tilespmem:s20], [sflag:$0x1] =	stream.indirect.gather [hbm4b:s3+s18], $0x10, s8, s18, $0xb8;
	[tilespmem:$0x8000] =	vst v63  }
0x31: {  	_ = 	snop  }
0x32: {  	[tilespmem:s21], [sflag:$0x1] =	stream.indirect.gather [hbm4b:s3+s18], $0x10, s9, s18, $0xb8;
	[tilespmem:$0x8000] =	vst v63  }
0x33: {  	s9 =	simm.s32 $0x68  }
0x34: {  	[tilespmem:s23], [sflag:$0x2] =	stream.indirect.gather [hbm4b:s3+s18], $0x10, s9, s18, $0xb8;
	[tilespmem:$0x8000] =	vst v63  }
0x35: {  	s10 =	simm.s32 $0xD68  }
0x36: {  	[tilespmem:s25], [sflag:$0x2] =	stream.indirect.gather [hbm4b:s3+s18], $0x10, s10, s18, $0xb8;
	[tilespmem:$0x8000] =	vst v63  }
0x37: {  	s17 =	simm.s32 $0x1A68  }
0x38: {  	[tilespmem:s28], [sflag:$0x2] =	stream.indirect.gather [hbm4b:s3+s18], $0x10, s17, s18, $0xb8;
	[tilespmem:$0x8000] =	vst v63  }
0x39: {  	_ =	swait.ge [sflag:s29], $0x640  }
0x3a: {  	[sflag:s29] =	ssyncset.done $0x0  }
0x3b: {  	[sflag:s29] =	ssyncadd.s32 $0xFFFFF9C0  }
0x3c: {  	_ =	swait.ge [sflag:s29], $0x640  }
0x3d: {  	[sflag:s29] =	ssyncset.done $0x0  }
0x3e: {  	[sflag:s29] =	ssyncadd.s32 $0xFFFFF9C0  }
0x3f: {  	_ =	swait.ge [sflag:s29], $0x640  }
0x40: {  	[sflag:s29] =	ssyncset.done $0x0  }
0x41: {  	s8 =	simm.s32 $0x0;
	[sflag:s29] =	ssyncadd.s32 $0xFFFFF9C0  }
0x42: {  	v0 =	vld [tilespmem:s8+$0x4E00]  }
0x43: {  	v1 =	vld [tilespmem:s8+$0x5440];
	_ =	sdelay $0x1  }
0x44: {  	v2 =	vld [tilespmem:s8+$0x5A80];
	_ =	sdelay $0x2  }
0x45: {  	s9 =	simm.s32 $0x10;
	v1 =	vadd.f32 v1, v0  }
0x46: {  	v0 =	vld [tilespmem:s9+$0x4E00]  }
0x47: {  	v3 =	vadd.f32 v2, v1;
	v2 =	vld [tilespmem:s9+$0x5440];
	_ =	sdelay $0x1  }
0x48: {  	v1 =	vld [tilespmem:s9+$0x5A80]  }
0x49: {  	s10 =	simm.s32 $0x80;
	v3 =	vmul.f32 $3.333333430e-01, v3  }
.LBB2_2:
0x4a: {  	s2 =	sshra.s32 s10, $0x2;
	p0 =	sne.s32 s10, $0x18C0  }
.Ltmp0:
0x4b: {  	s10 =	sadd.s32 $0x40, s10;
	v4 =	vadd.f32 v2, v0;
	v0 =	vld [tilespmem:s2+$0x4E00];
	[tilespmem:s8+$0x60C0] =	vst v3;
	(pc) =	sbr.rel @p0 .LBB2_2-.Ltmp0, $4  }
0x4c: {  	s8 =	smov.u32 s9;
	s9 =	smov.u32 s2;
	v2 =	vld [tilespmem:s2+$0x5440]  }
0x4d: {  	v3 =	vadd.f32 v1, v4  }
0x4e: {  	v1 =	vld [tilespmem:s9+$0x5A80]  }
0x4f: {  	v3 =	vmul.f32 $3.333333430e-01, v3  }
0x50: {  	_ = 	snop  }
0x51: {  	v0 =	vadd.f32 v2, v0;
	_ =	sdelay $0x1  }
0x52: {  	v0 =	vadd.f32 v1, v0;
	_ =	sdelay $0x1  }
0x53: {  	v0 =	vmul.f32 $3.333333430e-01, v0  }
0x54: {  	[tilespmem:s8+$0x60C0] =	vst v3  }
0x55: {  	[tilespmem:s9+$0x60C0] =	vst v0  }
0x56: {  	[hbm4b:s4+s18] =	stream.indirect.scatter [tilespmem:s30], [sflag:$0x3], $0x10, s11, s18, $0xb8;
	[tilespmem:$0x8000] =	vst v63  }
0x57: {  	s2 =	simm.s32 $0xD0  }
0x58: {  	[tilespmem:s19], [sflag:$0x1] =	stream.indirect.gather [hbm4b:s3+s18], $0x10, s2, s18, $0xb8;
	[tilespmem:$0x8000] =	vst v63  }
0x59: {  	s11 =	simm.s32 $0xDD0  }
0x5a: {  	[tilespmem:s20], [sflag:$0x1] =	stream.indirect.gather [hbm4b:s3+s18], $0x10, s11, s18, $0xb8;
	[tilespmem:$0x8000] =	vst v63  }
0x5b: {  	s17 =	simm.s32 $0x1AD0  }
0x5c: {  	[tilespmem:s21], [sflag:$0x1] =	stream.indirect.gather [hbm4b:s3+s18], $0x10, s17, s18, $0xb8;
	[tilespmem:$0x8000] =	vst v63  }
0x5d: {  	_ =	swait.ge [sflag:s22], $0x640  }
0x5e: {  	[sflag:s22] =	ssyncset.done $0x0  }
0x5f: {  	[sflag:s22] =	ssyncadd.s32 $0xFFFFF9C0  }
0x60: {  	_ =	swait.ge [sflag:s22], $0x640  }
0x61: {  	[sflag:s22] =	ssyncset.done $0x0  }
0x62: {  	[sflag:s22] =	ssyncadd.s32 $0xFFFFF9C0  }
0x63: {  	_ =	swait.ge [sflag:s22], $0x640  }
0x64: {  	[sflag:s22] =	ssyncset.done $0x0  }
0x65: {  	s8 =	simm.s32 $0x0;
	[sflag:s22] =	ssyncadd.s32 $0xFFFFF9C0  }
0x66: {  	v0 =	vld [tilespmem:s8+$0x6700]  }
0x67: {  	v1 =	vld [tilespmem:s8+$0x6D40];
	_ =	sdelay $0x1  }
0x68: {  	v2 =	vld [tilespmem:s8+$0x7380];
	_ =	sdelay $0x2  }
0x69: {  	s9 =	simm.s32 $0x10;
	v1 =	vadd.f32 v1, v0  }
0x6a: {  	v0 =	vld [tilespmem:s9+$0x6700]  }
0x6b: {  	v3 =	vadd.f32 v2, v1;
	v2 =	vld [tilespmem:s9+$0x6D40];
	_ =	sdelay $0x1  }
0x6c: {  	v1 =	vld [tilespmem:s9+$0x7380]  }
0x6d: {  	s10 =	simm.s32 $0x80;
	v3 =	vmul.f32 $3.333333430e-01, v3  }
.LBB2_4:
0x6e: {  	s2 =	sshra.s32 s10, $0x2;
	p0 =	sne.s32 s10, $0x18C0  }
.Ltmp1:
0x6f: {  	s10 =	sadd.s32 $0x40, s10;
	v4 =	vadd.f32 v2, v0;
	v0 =	vld [tilespmem:s2+$0x6700];
	[tilespmem:s8+$0x79C0] =	vst v3;
	(pc) =	sbr.rel @p0 .LBB2_4-.Ltmp1, $4  }
0x70: {  	s8 =	smov.u32 s9;
	s9 =	smov.u32 s2;
	v2 =	vld [tilespmem:s2+$0x6D40]  }
0x71: {  	v3 =	vadd.f32 v1, v4  }
0x72: {  	v1 =	vld [tilespmem:s9+$0x7380]  }
0x73: {  	v3 =	vmul.f32 $3.333333430e-01, v3  }
0x74: {  	_ = 	snop  }
0x75: {  	v0 =	vadd.f32 v2, v0;
	_ =	sdelay $0x1  }
0x76: {  	v0 =	vadd.f32 v1, v0;
	_ =	sdelay $0x1  }
0x77: {  	v0 =	vmul.f32 $3.333333430e-01, v0  }
0x78: {  	[tilespmem:s8+$0x79C0] =	vst v3  }
0x79: {  	s2 =	simm.s32 $0x2768;
	[tilespmem:s9+$0x79C0] =	vst v0  }
0x7a: {  	[hbm4b:s4+s18] =	stream.indirect.scatter [tilespmem:s26], [sflag:$0x4], $0x10, s2, s18, $0xb8;
	[tilespmem:$0x8000] =	vst v63  }
0x7b: {  	s10 =	simm.s32 $0x138  }
0x7c: {  	[tilespmem:s23], [sflag:$0x2] =	stream.indirect.gather [hbm4b:s3+s18], $0x10, s10, s18, $0xb8;
	[tilespmem:$0x8000] =	vst v63  }
0x7d: {  	s11 =	simm.s32 $0xE38  }
0x7e: {  	[tilespmem:s25], [sflag:$0x2] =	stream.indirect.gather [hbm4b:s3+s18], $0x10, s11, s18, $0xb8;
	[tilespmem:$0x8000] =	vst v63  }
0x7f: {  	s17 =	simm.s32 $0x1B38  }
0x80: {  	[tilespmem:s28], [sflag:$0x2] =	stream.indirect.gather [hbm4b:s3+s18], $0x10, s17, s18, $0xb8;
	[tilespmem:$0x8000] =	vst v63  }
0x81: {  	s17 =	simm.s32 $0x0  }
.LBB2_6:
0x82: {  	_ =	swait.ge [sflag:s29], $0x640  }
0x83: {  	[sflag:s29] =	ssyncset.done $0x0  }
0x84: {  	[sflag:s29] =	ssyncadd.s32 $0xFFFFF9C0  }
0x85: {  	_ =	swait.ge [sflag:s29], $0x640  }
0x86: {  	[sflag:s29] =	ssyncset.done $0x0  }
0x87: {  	[sflag:s29] =	ssyncadd.s32 $0xFFFFF9C0  }
0x88: {  	_ =	swait.ge [sflag:s29], $0x640  }
0x89: {  	[sflag:s29] =	ssyncset.done $0x0  }
0x8a: {  	[sflag:s29] =	ssyncadd.s32 $0xFFFFF9C0  }
0x8b: {  	_ =	swait.ge [sflag:s24], $0x640  }
0x8c: {  	[sflag:s24] =	ssyncset.done $0x0  }
0x8d: {  	s8 =	simm.s32 $0x0;
	[sflag:s24] =	ssyncadd.s32 $0xFFFFF9C0  }
0x8e: {  	v0 =	vld [tilespmem:s8+$0x4E00]  }
0x8f: {  	v1 =	vld [tilespmem:s8+$0x5440];
	_ =	sdelay $0x1  }
0x90: {  	v2 =	vld [tilespmem:s8+$0x5A80];
	_ =	sdelay $0x2  }
0x91: {  	s10 =	simm.s32 $0x10;
	v1 =	vadd.f32 v1, v0  }
0x92: {  	v0 =	vld [tilespmem:s10+$0x4E00]  }
0x93: {  	v3 =	vadd.f32 v2, v1;
	v2 =	vld [tilespmem:s10+$0x5440];
	_ =	sdelay $0x1  }
0x94: {  	v1 =	vld [tilespmem:s10+$0x5A80]  }
0x95: {  	s9 =	simm.s32 $0x80;
	v3 =	vmul.f32 $3.333333430e-01, v3  }
.LBB2_7:
0x96: {  	s2 =	sshra.s32 s9, $0x2;
	p0 =	sne.s32 s9, $0x18C0  }
.Ltmp2:
0x97: {  	s9 =	sadd.s32 $0x40, s9;
	v4 =	vadd.f32 v2, v0;
	v0 =	vld [tilespmem:s2+$0x4E00];
	[tilespmem:s8+$0x60C0] =	vst v3;
	(pc) =	sbr.rel @p0 .LBB2_7-.Ltmp2, $4  }
0x98: {  	s8 =	smov.u32 s10;
	s10 =	smov.u32 s2;
	v2 =	vld [tilespmem:s2+$0x5440]  }
0x99: {  	v3 =	vadd.f32 v1, v4  }
0x9a: {  	v1 =	vld [tilespmem:s10+$0x5A80]  }
0x9b: {  	v3 =	vmul.f32 $3.333333430e-01, v3  }
0x9c: {  	_ = 	snop  }
0x9d: {  	v0 =	vadd.f32 v2, v0;
	_ =	sdelay $0x1  }
0x9e: {  	v0 =	vadd.f32 v1, v0  }
0x9f: {  	s2 =	smul.u32 $0x340, s17  }
0xa0: {  	v0 =	vmul.f32 $3.333333430e-01, v0  }
0xa1: {  	[tilespmem:s8+$0x60C0] =	vst v3;
	s9 =	sshra.s32 s2, $0x2  }
0xa2: {  	s8 =	smul.u32 $0xD0, s17;
	s2 =	sadd.s32 $0x27D0, s9;
	[tilespmem:s10+$0x60C0] =	vst v0  }
0xa3: {  	[hbm4b:s4+s18] =	stream.indirect.scatter [tilespmem:s30], [sflag:$0x3], $0x10, s2, s18, $0xb8;
	[tilespmem:$0x8000] =	vst v63  }
0xa4: {  	s7 =	sadd.s32 $0x1A0, s8  }
0xa5: {  	[tilespmem:s19], [sflag:$0x1] =	stream.indirect.gather [hbm4b:s3+s18], $0x10, s7, s18, $0xb8;
	[tilespmem:$0x8000] =	vst v63  }
0xa6: {  	s10 =	sadd.s32 $0xEA0, s8  }
0xa7: {  	[tilespmem:s20], [sflag:$0x1] =	stream.indirect.gather [hbm4b:s3+s18], $0x10, s10, s18, $0xb8;
	[tilespmem:$0x8000] =	vst v63  }
0xa8: {  	s11 =	sadd.s32 $0x1BA0, s8  }
0xa9: {  	[tilespmem:s21], [sflag:$0x1] =	stream.indirect.gather [hbm4b:s3+s18], $0x10, s11, s18, $0xb8;
	[tilespmem:$0x8000] =	vst v63  }
0xaa: {  	_ =	swait.ge [sflag:s22], $0x640  }
0xab: {  	[sflag:s22] =	ssyncset.done $0x0  }
0xac: {  	[sflag:s22] =	ssyncadd.s32 $0xFFFFF9C0  }
0xad: {  	_ =	swait.ge [sflag:s22], $0x640  }
0xae: {  	[sflag:s22] =	ssyncset.done $0x0  }
0xaf: {  	[sflag:s22] =	ssyncadd.s32 $0xFFFFF9C0  }
0xb0: {  	_ =	swait.ge [sflag:s22], $0x640  }
0xb1: {  	[sflag:s22] =	ssyncset.done $0x0  }
0xb2: {  	[sflag:s22] =	ssyncadd.s32 $0xFFFFF9C0  }
0xb3: {  	_ =	swait.ge [sflag:s31], $0x640  }
0xb4: {  	[sflag:s31] =	ssyncset.done $0x0  }
0xb5: {  	s10 =	simm.s32 $0x0;
	[sflag:s31] =	ssyncadd.s32 $0xFFFFF9C0  }
0xb6: {  	v0 =	vld [tilespmem:s10+$0x6700]  }
0xb7: {  	v1 =	vld [tilespmem:s10+$0x6D40];
	_ =	sdelay $0x1  }
0xb8: {  	v2 =	vld [tilespmem:s10+$0x7380];
	_ =	sdelay $0x2  }
0xb9: {  	s11 =	simm.s32 $0x10;
	v1 =	vadd.f32 v1, v0  }
0xba: {  	v0 =	vld [tilespmem:s11+$0x6700]  }
0xbb: {  	v3 =	vadd.f32 v2, v1;
	v2 =	vld [tilespmem:s11+$0x6D40];
	_ =	sdelay $0x1  }
0xbc: {  	v1 =	vld [tilespmem:s11+$0x7380]  }
0xbd: {  	s2 =	simm.s32 $0x80;
	v3 =	vmul.f32 $3.333333430e-01, v3  }
.LBB2_9:
0xbe: {  	s7 =	sshra.s32 s2, $0x2;
	p0 =	sne.s32 s2, $0x18C0  }
.Ltmp3:
0xbf: {  	s2 =	sadd.s32 $0x40, s2;
	v4 =	vadd.f32 v2, v0;
	v0 =	vld [tilespmem:s7+$0x6700];
	[tilespmem:s10+$0x79C0] =	vst v3;
	(pc) =	sbr.rel @p0 .LBB2_9-.Ltmp3, $4  }
0xc0: {  	s10 =	smov.u32 s11;
	s11 =	smov.u32 s7;
	v2 =	vld [tilespmem:s7+$0x6D40]  }
0xc1: {  	v3 =	vadd.f32 v1, v4  }
0xc2: {  	v1 =	vld [tilespmem:s11+$0x7380]  }
0xc3: {  	v3 =	vmul.f32 $3.333333430e-01, v3  }
0xc4: {  	_ = 	snop  }
0xc5: {  	v0 =	vadd.f32 v2, v0;
	_ =	sdelay $0x1  }
0xc6: {  	v0 =	vadd.f32 v1, v0;
	_ =	sdelay $0x1  }
0xc7: {  	v0 =	vmul.f32 $3.333333430e-01, v0  }
0xc8: {  	[tilespmem:s10+$0x79C0] =	vst v3  }
0xc9: {  	s2 =	sadd.s32 $0x2838, s9;
	s17 =	sadd.s32 $0x1, s17;
	[tilespmem:s11+$0x79C0] =	vst v0  }
0xca: {  	[hbm4b:s4+s18] =	stream.indirect.scatter [tilespmem:s26], [sflag:$0x4], $0x10, s2, s18, $0xb8;
	[tilespmem:$0x8000] =	vst v63  }
0xcb: {  	s9 =	sadd.s32 $0x208, s8;
	p0 =	sne.s32 s17, $0xE  }
0xcc: {  	[tilespmem:s23], [sflag:$0x2] =	stream.indirect.gather [hbm4b:s3+s18], $0x10, s9, s18, $0xb8;
	[tilespmem:$0x8000] =	vst v63  }
.Ltmp4:
0xcd: {  	_ = 	snop;
	(pc) =	sbr.rel @p0 .LBB2_6-.Ltmp4, $4  }
0xce: {  	s10 =	sadd.s32 $0xF08, s8  }
0xcf: {  	[tilespmem:s25], [sflag:$0x2] =	stream.indirect.gather [hbm4b:s3+s18], $0x10, s10, s18, $0xb8;
	[tilespmem:$0x8000] =	vst v63  }
0xd0: {  	s11 =	sadd.s32 $0x1C08, s8  }
0xd1: {  	[tilespmem:s28], [sflag:$0x2] =	stream.indirect.gather [hbm4b:s3+s18], $0x10, s11, s18, $0xb8;
	[tilespmem:$0x8000] =	vst v63  }
0xd2: {  	_ =	swait.ge [sflag:s29], $0x640  }
0xd3: {  	[sflag:s29] =	ssyncset.done $0x0  }
0xd4: {  	[sflag:s29] =	ssyncadd.s32 $0xFFFFF9C0  }
0xd5: {  	_ =	swait.ge [sflag:s29], $0x640  }
0xd6: {  	[sflag:s29] =	ssyncset.done $0x0  }
0xd7: {  	[sflag:s29] =	ssyncadd.s32 $0xFFFFF9C0  }
0xd8: {  	_ =	swait.ge [sflag:s29], $0x640  }
0xd9: {  	[sflag:s29] =	ssyncset.done $0x0  }
0xda: {  	[sflag:s29] =	ssyncadd.s32 $0xFFFFF9C0  }
0xdb: {  	_ =	swait.ge [sflag:s24], $0x640  }
0xdc: {  	[sflag:s24] =	ssyncset.done $0x0  }
0xdd: {  	s8 =	simm.s32 $0x0;
	[sflag:s24] =	ssyncadd.s32 $0xFFFFF9C0  }
0xde: {  	v0 =	vld [tilespmem:s8+$0x4E00]  }
0xdf: {  	v1 =	vld [tilespmem:s8+$0x5440];
	_ =	sdelay $0x1  }
0xe0: {  	v2 =	vld [tilespmem:s8+$0x5A80];
	_ =	sdelay $0x2  }
0xe1: {  	s9 =	simm.s32 $0x10;
	v1 =	vadd.f32 v1, v0  }
0xe2: {  	v0 =	vld [tilespmem:s9+$0x4E00]  }
0xe3: {  	v3 =	vadd.f32 v2, v1;
	v2 =	vld [tilespmem:s9+$0x5440];
	_ =	sdelay $0x1  }
0xe4: {  	v1 =	vld [tilespmem:s9+$0x5A80]  }
0xe5: {  	s2 =	simm.s32 $0x80;
	v3 =	vmul.f32 $3.333333430e-01, v3  }
.LBB2_12:
0xe6: {  	s7 =	sshra.s32 s2, $0x2;
	p0 =	sne.s32 s2, $0x18C0  }
.Ltmp5:
0xe7: {  	s2 =	sadd.s32 $0x40, s2;
	v4 =	vadd.f32 v2, v0;
	v0 =	vld [tilespmem:s7+$0x4E00];
	[tilespmem:s8+$0x60C0] =	vst v3;
	(pc) =	sbr.rel @p0 .LBB2_12-.Ltmp5, $4  }
0xe8: {  	s8 =	smov.u32 s9;
	s9 =	smov.u32 s7;
	v2 =	vld [tilespmem:s7+$0x5440]  }
0xe9: {  	v3 =	vadd.f32 v1, v4  }
0xea: {  	v1 =	vld [tilespmem:s9+$0x5A80]  }
0xeb: {  	v3 =	vmul.f32 $3.333333430e-01, v3  }
0xec: {  	_ = 	snop  }
0xed: {  	v0 =	vadd.f32 v2, v0;
	_ =	sdelay $0x1  }
0xee: {  	v0 =	vadd.f32 v1, v0;
	_ =	sdelay $0x1  }
0xef: {  	v0 =	vmul.f32 $3.333333430e-01, v0  }
0xf0: {  	[tilespmem:s8+$0x60C0] =	vst v3  }
0xf1: {  	s2 =	simm.s32 $0x3330;
	[tilespmem:s9+$0x60C0] =	vst v0  }
0xf2: {  	[hbm4b:s4+s18] =	stream.indirect.scatter [tilespmem:s30], [sflag:$0x3], $0x10, s2, s18, $0xb8;
	[tilespmem:$0x8000] =	vst v63  }
0xf3: {  	_ =	swait.ge [sflag:s22], $0x640  }
0xf4: {  	[sflag:s22] =	ssyncset.done $0x0  }
0xf5: {  	[sflag:s22] =	ssyncadd.s32 $0xFFFFF9C0  }
0xf6: {  	_ =	swait.ge [sflag:s22], $0x640  }
0xf7: {  	[sflag:s22] =	ssyncset.done $0x0  }
0xf8: {  	[sflag:s22] =	ssyncadd.s32 $0xFFFFF9C0  }
0xf9: {  	_ =	swait.ge [sflag:s22], $0x640  }
0xfa: {  	[sflag:s22] =	ssyncset.done $0x0  }
0xfb: {  	[sflag:s22] =	ssyncadd.s32 $0xFFFFF9C0  }
0xfc: {  	_ =	swait.ge [sflag:s31], $0x640  }
0xfd: {  	[sflag:s31] =	ssyncset.done $0x0  }
0xfe: {  	s8 =	simm.s32 $0x0;
	[sflag:s31] =	ssyncadd.s32 $0xFFFFF9C0  }
0xff: {  	v0 =	vld [tilespmem:s8+$0x6700]  }
0x100: {  	v1 =	vld [tilespmem:s8+$0x6D40];
	_ =	sdelay $0x1  }
0x101: {  	v2 =	vld [tilespmem:s8+$0x7380];
	_ =	sdelay $0x2  }
0x102: {  	s9 =	simm.s32 $0x10;
	v1 =	vadd.f32 v1, v0  }
0x103: {  	v0 =	vld [tilespmem:s9+$0x6700]  }
0x104: {  	v3 =	vadd.f32 v2, v1;
	v2 =	vld [tilespmem:s9+$0x6D40];
	_ =	sdelay $0x1  }
0x105: {  	v1 =	vld [tilespmem:s9+$0x7380]  }
0x106: {  	s11 =	simm.s32 $0x2700;
	s10 =	simm.s32 $0x3400;
	s2 =	simm.s32 $0x80;
	v3 =	vmul.f32 $3.333333430e-01, v3  }
.LBB2_14:
0x107: {  	s7 =	sshra.s32 s2, $0x2;
	p0 =	sne.s32 s2, $0x18C0  }
.Ltmp6:
0x108: {  	s2 =	sadd.s32 $0x40, s2;
	v4 =	vadd.f32 v2, v0;
	v0 =	vld [tilespmem:s7+$0x6700];
	[tilespmem:s8+$0x79C0] =	vst v3;
	(pc) =	sbr.rel @p0 .LBB2_14-.Ltmp6, $4  }
0x109: {  	s8 =	smov.u32 s9;
	s9 =	smov.u32 s7;
	v2 =	vld [tilespmem:s7+$0x6D40]  }
0x10a: {  	v3 =	vadd.f32 v1, v4  }
0x10b: {  	v1 =	vld [tilespmem:s9+$0x7380]  }
0x10c: {  	v3 =	vmul.f32 $3.333333430e-01, v3  }
0x10d: {  	_ = 	snop  }
0x10e: {  	v0 =	vadd.f32 v2, v0;
	_ =	sdelay $0x1  }
0x10f: {  	v0 =	vadd.f32 v1, v0;
	_ =	sdelay $0x1  }
0x110: {  	v0 =	vmul.f32 $3.333333430e-01, v0  }
0x111: {  	[tilespmem:s8+$0x79C0] =	vst v3  }
0x112: {  	s2 =	simm.s32 $0x3398;
	[tilespmem:s9+$0x79C0] =	vst v0  }
0x113: {  	[hbm4b:s4+s18] =	stream.indirect.scatter [tilespmem:s26], [sflag:$0x4], $0x10, s2, s18, $0xb8;
	[tilespmem:$0x8000] =	vst v63  }
0x114: {  	_ =	swait.ge [sflag:s24], $0x640  }
0x115: {  	[sflag:s24] =	ssyncset.done $0x0  }
0x116: {  	[sflag:s24] =	ssyncadd.s32 $0xFFFFF9C0  }
0x117: {  	_ =	swait.ge [sflag:s31], $0x640  }
0x118: {  	[sflag:s31] =	ssyncset.done $0x0  }
0x119: {  	[sflag:s31] =	ssyncadd.s32 $0xFFFFF9C0  }
0x11a: {  	[tilespmem:s19], [sflag:$0x5] =	stream.indirect.gather [hbm4b:s3+s18], $0x10, s10, s18, $0xb8;
	[tilespmem:$0x8000] =	vst v63  }
0x11b: {  	s7 =	simm.s32 $0x3468  }
0x11c: {  	[tilespmem:s20], [sflag:$0x6] =	stream.indirect.gather [hbm4b:s3+s18], $0x10, s7, s18, $0xb8;
	[tilespmem:$0x8000] =	vst v63  }
0x11d: {  	s8 =	simm.s32 $0x34D0  }
0x11e: {  	[tilespmem:s21], [sflag:$0x7] =	stream.indirect.gather [hbm4b:s3+s18], $0x10, s8, s18, $0xb8;
	[tilespmem:$0x8000] =	vst v63  }
0x11f: {  	_ =	swait.ge [sflag:s1], $0x640  }
0x120: {  	[sflag:s1] =	ssyncset.done $0x0  }
0x121: {  	s9 =	simm.s32 $0x4100;
	[sflag:s1] =	ssyncadd.s32 $0xFFFFF9C0  }
0x122: {  	[hbm4b:s4+s18] =	stream.indirect.scatter [tilespmem:s19], [sflag:$0x9], $0x10, s9, s18, $0xb8;
	[tilespmem:$0x8000] =	vst v63  }
0x123: {  	s17 =	simm.s32 $0x3538  }
0x124: {  	[tilespmem:s30], [sflag:$0x8] =	stream.indirect.gather [hbm4b:s3+s18], $0x10, s17, s18, $0xb8;
	[tilespmem:$0x8000] =	vst v63  }
0x125: {  	_ =	swait.ge [sflag:s0], $0x640  }
0x126: {  	[sflag:s0] =	ssyncset.done $0x0  }
0x127: {  	s7 =	simm.s32 $0x4168;
	[sflag:s0] =	ssyncadd.s32 $0xFFFFF9C0  }
0x128: {  	[hbm4b:s4+s18] =	stream.indirect.scatter [tilespmem:s20], [sflag:$0xA], $0x10, s7, s18, $0xb8;
	[tilespmem:$0x8000] =	vst v63  }
0x129: {  	_ =	swait.ge [sflag:s13], $0x640  }
0x12a: {  	[sflag:s13] =	ssyncset.done $0x0  }
0x12b: {  	s8 =	simm.s32 $0x35A0;
	[sflag:s13] =	ssyncadd.s32 $0xFFFFF9C0  }
0x12c: {  	[tilespmem:s19], [sflag:$0x5] =	stream.indirect.gather [hbm4b:s3+s18], $0x10, s8, s18, $0xb8;
	[tilespmem:$0x8000] =	vst v63  }
0x12d: {  	_ =	swait.ge [sflag:s14], $0x640  }
0x12e: {  	[sflag:s14] =	ssyncset.done $0x0  }
0x12f: {  	s9 =	simm.s32 $0x41D0;
	[sflag:s14] =	ssyncadd.s32 $0xFFFFF9C0  }
0x130: {  	[hbm4b:s4+s18] =	stream.indirect.scatter [tilespmem:s21], [sflag:$0xB], $0x10, s9, s18, $0xb8;
	[tilespmem:$0x8000] =	vst v63  }
0x131: {  	_ =	swait.ge [sflag:s5], $0x640  }
0x132: {  	[sflag:s5] =	ssyncset.done $0x0  }
0x133: {  	s17 =	simm.s32 $0x3608;
	[sflag:s5] =	ssyncadd.s32 $0xFFFFF9C0  }
0x134: {  	[tilespmem:s20], [sflag:$0x6] =	stream.indirect.gather [hbm4b:s3+s18], $0x10, s17, s18, $0xb8;
	[tilespmem:$0x8000] =	vst v63  }
0x135: {  	_ =	swait.ge [sflag:s15], $0x640  }
0x136: {  	[sflag:s15] =	ssyncset.done $0x0  }
0x137: {  	s7 =	simm.s32 $0x4238;
	[sflag:s15] =	ssyncadd.s32 $0xFFFFF9C0  }
0x138: {  	[hbm4b:s4+s18] =	stream.indirect.scatter [tilespmem:s30], [sflag:$0xC], $0x10, s7, s18, $0xb8;
	[tilespmem:$0x8000] =	vst v63  }
0x139: {  	_ =	swait.ge [sflag:s6], $0x640  }
0x13a: {  	[sflag:s6] =	ssyncset.done $0x0  }
0x13b: {  	s8 =	simm.s32 $0x3670;
	[sflag:s6] =	ssyncadd.s32 $0xFFFFF9C0  }
0x13c: {  	[tilespmem:s21], [sflag:$0x7] =	stream.indirect.gather [hbm4b:s3+s18], $0x10, s8, s18, $0xb8;
	[tilespmem:$0x8000] =	vst v63  }
0x13d: {  	_ =	swait.ge [sflag:s1], $0x640  }
0x13e: {  	[sflag:s1] =	ssyncset.done $0x0  }
0x13f: {  	s9 =	simm.s32 $0x42A0;
	[sflag:s1] =	ssyncadd.s32 $0xFFFFF9C0  }
0x140: {  	[hbm4b:s4+s18] =	stream.indirect.scatter [tilespmem:s19], [sflag:$0x9], $0x10, s9, s18, $0xb8;
	[tilespmem:$0x8000] =	vst v63  }
0x141: {  	_ =	swait.ge [sflag:s16], $0x640  }
0x142: {  	[sflag:s16] =	ssyncset.done $0x0  }
0x143: {  	s17 =	simm.s32 $0x36D8;
	[sflag:s16] =	ssyncadd.s32 $0xFFFFF9C0  }
0x144: {  	[tilespmem:s30], [sflag:$0x8] =	stream.indirect.gather [hbm4b:s3+s18], $0x10, s17, s18, $0xb8;
	[tilespmem:$0x8000] =	vst v63  }
0x145: {  	_ =	swait.ge [sflag:s0], $0x640  }
0x146: {  	[sflag:s0] =	ssyncset.done $0x0  }
0x147: {  	s2 =	simm.s32 $0x4308;
	s17 =	simm.s32 $0x680;
	[sflag:s0] =	ssyncadd.s32 $0xFFFFF9C0  }
.LBB2_16:
0x148: {  	[hbm4b:s4+s18] =	stream.indirect.scatter [tilespmem:s20], [sflag:$0xA], $0x10, s2, s18, $0xb8;
	[tilespmem:$0x8000] =	vst v63  }
0x149: {  	s2 =	smov.u32 s17  }
0x14a: {  	p0 =	sne.s32 s17, $0x2700;
	s17 =	sadd.s32 $0x680, s17;
	_ =	swait.ge [sflag:s13], $0x640  }
0x14b: {  	s8 =	sshra.s32 s2, $0x2;
	[sflag:s13] =	ssyncset.done $0x0  }
0x14c: {  	s2 =	sadd.s32 $0x35A0, s8;
	[sflag:s13] =	ssyncadd.s32 $0xFFFFF9C0  }
0x14d: {  	[tilespmem:s19], [sflag:$0x5] =	stream.indirect.gather [hbm4b:s3+s18], $0x10, s2, s18, $0xb8;
	[tilespmem:$0x8000] =	vst v63  }
0x14e: {  	_ =	swait.ge [sflag:s14], $0x640  }
0x14f: {  	[sflag:s14] =	ssyncset.done $0x0  }
0x150: {  	s2 =	sadd.s32 $0x41D0, s8;
	[sflag:s14] =	ssyncadd.s32 $0xFFFFF9C0  }
0x151: {  	[hbm4b:s4+s18] =	stream.indirect.scatter [tilespmem:s21], [sflag:$0xB], $0x10, s2, s18, $0xb8;
	[tilespmem:$0x8000] =	vst v63  }
0x152: {  	_ =	swait.ge [sflag:s5], $0x640  }
0x153: {  	[sflag:s5] =	ssyncset.done $0x0  }
0x154: {  	s2 =	sadd.s32 $0x3608, s8;
	[sflag:s5] =	ssyncadd.s32 $0xFFFFF9C0  }
0x155: {  	[tilespmem:s20], [sflag:$0x6] =	stream.indirect.gather [hbm4b:s3+s18], $0x10, s2, s18, $0xb8;
	[tilespmem:$0x8000] =	vst v63  }
0x156: {  	_ =	swait.ge [sflag:s15], $0x640  }
0x157: {  	[sflag:s15] =	ssyncset.done $0x0  }
0x158: {  	s2 =	sadd.s32 $0x4238, s8;
	[sflag:s15] =	ssyncadd.s32 $0xFFFFF9C0  }
0x159: {  	[hbm4b:s4+s18] =	stream.indirect.scatter [tilespmem:s30], [sflag:$0xC], $0x10, s2, s18, $0xb8;
	[tilespmem:$0x8000] =	vst v63  }
0x15a: {  	_ =	swait.ge [sflag:s6], $0x640  }
0x15b: {  	[sflag:s6] =	ssyncset.done $0x0  }
0x15c: {  	s2 =	sadd.s32 $0x3670, s8;
	[sflag:s6] =	ssyncadd.s32 $0xFFFFF9C0  }
0x15d: {  	[tilespmem:s21], [sflag:$0x7] =	stream.indirect.gather [hbm4b:s3+s18], $0x10, s2, s18, $0xb8;
	[tilespmem:$0x8000] =	vst v63  }
0x15e: {  	_ =	swait.ge [sflag:s1], $0x640  }
0x15f: {  	[sflag:s1] =	ssyncset.done $0x0  }
0x160: {  	s2 =	sadd.s32 $0x42A0, s8;
	[sflag:s1] =	ssyncadd.s32 $0xFFFFF9C0  }
0x161: {  	[hbm4b:s4+s18] =	stream.indirect.scatter [tilespmem:s19], [sflag:$0x9], $0x10, s2, s18, $0xb8;
	[tilespmem:$0x8000] =	vst v63  }
0x162: {  	_ =	swait.ge [sflag:s16], $0x640  }
0x163: {  	[sflag:s16] =	ssyncset.done $0x0  }
.Ltmp7:
0x164: {  	s2 =	sadd.s32 $0x36D8, s8;
	[sflag:s16] =	ssyncadd.s32 $0xFFFFF9C0;
	(pc) =	sbr.rel @p0 .LBB2_16-.Ltmp7, $4  }
0x165: {  	[tilespmem:s30], [sflag:$0x8] =	stream.indirect.gather [hbm4b:s3+s18], $0x10, s2, s18, $0xb8;
	[tilespmem:$0x8000] =	vst v63  }
0x166: {  	_ =	swait.ge [sflag:s0], $0x640  }
0x167: {  	[sflag:s0] =	ssyncset.done $0x0  }
0x168: {  	s2 =	sadd.s32 $0x4308, s8;
	[sflag:s0] =	ssyncadd.s32 $0xFFFFF9C0  }
0x169: {  	[hbm4b:s4+s18] =	stream.indirect.scatter [tilespmem:s20], [sflag:$0xA], $0x10, s2, s18, $0xb8;
	[tilespmem:$0x8000] =	vst v63  }
0x16a: {  	_ =	swait.ge [sflag:s13], $0x640  }
0x16b: {  	[sflag:s13] =	ssyncset.done $0x0  }
0x16c: {  	[sflag:s13] =	ssyncadd.s32 $0xFFFFF9C0  }
0x16d: {  	_ =	swait.ge [sflag:s14], $0x640  }
0x16e: {  	[sflag:s14] =	ssyncset.done $0x0  }
0x16f: {  	s8 =	simm.s32 $0x4D30;
	[sflag:s14] =	ssyncadd.s32 $0xFFFFF9C0  }
0x170: {  	[hbm4b:s4+s18] =	stream.indirect.scatter [tilespmem:s21], [sflag:$0xB], $0x10, s8, s18, $0xb8;
	[tilespmem:$0x8000] =	vst v63  }
0x171: {  	_ =	swait.ge [sflag:s5], $0x640  }
0x172: {  	[sflag:s5] =	ssyncset.done $0x0  }
0x173: {  	[sflag:s5] =	ssyncadd.s32 $0xFFFFF9C0  }
0x174: {  	_ =	swait.ge [sflag:s15], $0x640  }
0x175: {  	[sflag:s15] =	ssyncset.done $0x0  }
0x176: {  	s9 =	simm.s32 $0x4D98;
	[sflag:s15] =	ssyncadd.s32 $0xFFFFF9C0  }
0x177: {  	[hbm4b:s4+s18] =	stream.indirect.scatter [tilespmem:s30], [sflag:$0xC], $0x10, s9, s18, $0xb8;
	[tilespmem:$0x8000] =	vst v63  }
0x178: {  	_ =	swait.ge [sflag:s6], $0x640  }
0x179: {  	[sflag:s6] =	ssyncset.done $0x0  }
0x17a: {  	[sflag:s6] =	ssyncadd.s32 $0xFFFFF9C0  }
0x17b: {  	_ =	swait.ge [sflag:s16], $0x640  }
0x17c: {  	s7 =	rddreg [dreg:$0xa]  }
0x17d: {  	s17 =	rddreg [dreg:$0x9];
	s7 =	sadd.s32 $0x1, s7  }
0x17e: {  	p0 =	sne.s32 s7, s17  }
.Ltmp8:
0x17f: {  	_ = 	snop;
	(pc) =	sbr.rel @p0 .LBB2_1-.Ltmp8, $3  }
0x180: {  	_ =	sdelay $0x1  }
0x181: {  	[sflag:s16] =	ssyncset.done $0x0  }
0x182: {  	[sflag:s16] =	ssyncadd.s32 $0xFFFFF9C0  }
0x183: {  	_ =	sfence.sel $0x180000  }
0x184: {  	[bflag:$0x0] =	sbarrier.arrive $0xFFFF  }
0x185: {  	_ =	strace $0x90000047  }
0x186: {  	s0 =	stileid.u32;
	[bflag:$0x2] =	sbarrier.arrive $0xFFFF  }
0x187: {  	p0 =	sne.s32 s0, $0x0;
	s0 =	rddreg [dreg:$0x2]  }
0x188: {  	s0 =	sadd.s32 @!p0 $0x100000, s0  }
0x189: {  	[sflag:s0] =	ssyncadd.tile.s32 @!p0 $0x1;
	_ =	shalt  }
.Lfunc_end2:
_tile_overlayer_lowered:
.L_overlay_start_2:
0x18a: {  	(tag) =	ssettag $0x2  }
0x18b: {  	s0 =	rddreg [dreg:$0x0];
	s2 =	stileid.u32  }
0x18c: {  	s1 =	rddreg [dreg:$0x1];
	p0 =	sne.s32 s2, $0x0  }
0x18d: {  	s3 =	rddreg [dreg:$0x2];
	[bflag:$0x3] =	sbarrier.arrive $0xFFFF;
	s2 =	simm.s32 @!p0 $0x1C0D  }
0x18e: {  	[timem:s3], [sflag:s2] =	dma.local @!p0 [hbm:s0], s1  }
0x18f: {  	s0 =	simm.s32 @!p0 $0xD  }
0x190: {  	_ =	swait.ge @!p0 [sflag:s0], s1  }
0x191: {  	s1 =	ssub.s32 @!p0 $0x0, s1;
	[sflag:s0] =	ssyncset.done @!p0 $0x0  }
0x192: {  	[sflag:s0] =	ssyncadd.s32 @!p0 s1  }
0x193: {  	[bflag:$0x3] =	sbarrier.arrive $0xFFFF  }
0x194: {  	_ =	shalt  }

// kernel: kernel.7.cloned.1.call-start
scs
__scs_entry_jumppad:
0x0: {  	(pc) =	sbr.rel $0x88, $3  }
0x1: {  	(tag) =	ssettag $0x0;
	lr =	simm.s32 $0x1  }
0x2: {  	[smem:$0x3F9C] =	sst lr;
	_ =	strace $0xD0000000  }
0x3: {  	_ = 	snop  }
0x4: {  	_ = 	snop  }
0x5: {  	_ = 	snop  }
0x6: {  	_ = 	snop  }
0x7: {  	_ = 	snop  }
__scs_overlays_trampoline_lowered:
0x8: {  	[smem:$0x3FAB] =	sst s0  }
0x9: {  	[smem:$0x3FAC] =	sst s1  }
0xa: {  	[smem:$0x3FAD] =	sst s2  }
0xb: {  	[smem:$0x3FAE] =	sst s3  }
0xc: {  	[smem:$0x3FAF] =	sst s4  }
0xd: {  	[smem:$0x3FB0] =	sst s5  }
0xe: {  	[smem:$0x3FB1] =	sst s6  }
0xf: {  	[smem:$0x3FB2] =	sst s7  }
0x10: {  	[smem:$0x3FB3] =	sst s8  }
0x11: {  	[smem:$0x3FB4] =	sst s9;
	s0 =	simm.s32 @!p0 $0x0  }
0x12: {  	s1 =	sld [smem:$0x3F9A];
	s0 =	simm.s32 @p0 $0x1  }
0x13: {  	[smem:$0x3FB5] =	sst s0;
	s0 =	simm.s32 @!p1 $0x0  }
0x14: {  	s2 =	sld [smem:$0x3F99];
	s0 =	simm.s32 @p1 $0x1  }
0x15: {  	[smem:$0x3FB6] =	sst s0;
	s0 =	simm.s32 @!p2 $0x0  }
0x16: {  	s3 =	sld [smem:$0x3FDB];
	s0 =	simm.s32 @p2 $0x1  }
0x17: {  	s4 =	simm.s32 $0x1BF5;
	[smem:$0x3FB8] =	sst s0  }
0x18: {  	s0 =	sld [smem:$0x3F9B];
	_ =	swait.ge [sflag:s4], $0x0  }
0x19: {  	s7 =	sld [smem:$0x3F9C]  }
0x1a: {  	s8 =	sadd.s32 $0xFFFFE003, lr  }
0x1b: {  	s9 =	sadd.s32 $0xFFFFFEF7, lr;
	s5 =	simm.s32 $0xFFFFFFFF;
	p2 =	slt.u32 s8, $0xFFFFF086  }
0x1c: {  	p1 =	slt.u32 s9, $0xF7A;
	s5 =	simm.s32 @!p2 $0x0  }
0x1d: {  	s5 =	simm.s32 @p1 $0x1;
	p0 =	seq.s32 s7, s2  }
0x1e: {  	s7 =	smul.u32 @!p0 $0xF7A, s2;
	p2 =	seq.s32 @!p0 s5, $0x0  }
0x1f: {  	s9 =	smul.u32 $0xF7A, s1;
	s8 =	simm.s32 @!p0 $0x1BF5;
	p2 =	por !p2, p0  }
0x20: {  	[sflag:s8] =	ssyncset.s32 @!p0 $0xFFFFF086;
	s6 =	sadd.s32 @!p0 s3, s7;
	s7 =	simm.s32 @!p0 $0x108  }
0x21: {  	s3 =	sadd.s32 s3, s9;
	s6 =	sadd.s32 @!p0 $0x88, s6;
	s7 =	simm.s32 @p2 $0x1082  }
0x22: {  	[simem:s7], [sflag:s8] =	dma.local @!p0 [hbm:s6], $0xF7A  }
0x23: {  	s9 =	sor.u32 $0xD0000000, s2;
	s6 =	simm.s32 $0x108;
	_ =	swait.ge @!p0 [sflag:s8], $0x0  }
0x24: {  	s3 =	sadd.s32 $0x88, s3;
	s6 =	simm.s32 @!p1 $0x1082;
	[sflag:s4] =	ssyncset.s32 $0xFFFFF086  }
0x25: {  	[simem:s6], [sflag:s4] =	dma.local [hbm:s3], $0xF7A  }
0x26: {  	[smem:$0x3F9C] =	sst s1;
	(tag) =	ssettag s2;
	_ =	strace s9  }
0x27: {  	s1 =	sld [smem:$0x3FAC]  }
0x28: {  	s2 =	sld [smem:$0x3FAD]  }
0x29: {  	s4 =	sld [smem:$0x3FAF]  }
0x2a: {  	p0 =	seq.s32 s5, $0x0;
	s5 =	sld [smem:$0x3FB0]  }
0x2b: {  	s6 =	sld [smem:$0x3FB1]  }
0x2c: {  	s7 =	sld [smem:$0x3FB2]  }
0x2d: {  	s3 =	simm.s32 $0x108;
	s8 =	sld [smem:$0x3FB3]  }
0x2e: {  	s3 =	simm.s32 @!p0 $0x1082;
	s9 =	sld [smem:$0x3FB4]  }
0x2f: {  	lr =	sadd.s32 s0, s3;
	s0 =	sld [smem:$0x3FAB]  }
0x30: {  	s3 =	sld [smem:$0x3FAE]  }
0x31: {  	[smem:$0x3FB7] =	sst s10  }
0x32: {  	s10 =	sld [smem:$0x3FB5];
	_ =	sdelay $0x3  }
0x33: {  	p0 =	seq.s32 s10, $0x1;
	s10 =	sld [smem:$0x3FB7];
	_ =	sdelay $0x3  }
0x34: {  	[smem:$0x3FB7] =	sst s10  }
0x35: {  	s10 =	sld [smem:$0x3FB6];
	_ =	sdelay $0x3  }
0x36: {  	p1 =	seq.s32 s10, $0x1;
	s10 =	sld [smem:$0x3FB7];
	_ =	sdelay $0x3  }
0x37: {  	[smem:$0x3FB7] =	sst s10  }
0x38: {  	s10 =	sld [smem:$0x3FB8]  }
0x39: {  	_ = 	snop;
	(pc) =	sbr.ind lr, $3  }
0x3a: {  	_ = 	snop  }
0x3b: {  	_ = 	snop  }
0x3c: {  	p2 =	seq.s32 s10, $0x1;
	s10 =	sld [smem:$0x3FB7]  }
0x3d: {  	_ =	shalt  }
0x3e: {  	_ =	shalt  }
0x3f: {  	_ =	shalt  }
0x40: {  	_ =	shalt  }
0x41: {  	_ =	shalt  }
0x42: {  	_ =	shalt  }
0x43: {  	_ =	shalt  }
0x44: {  	_ =	shalt  }
0x45: {  	_ =	shalt  }
0x46: {  	_ =	shalt  }
0x47: {  	_ =	shalt  }
0x48: {  	_ =	shalt  }
0x49: {  	_ =	shalt  }
0x4a: {  	_ =	shalt  }
0x4b: {  	_ =	shalt  }
0x4c: {  	_ =	shalt  }
0x4d: {  	_ =	shalt  }
0x4e: {  	_ =	shalt  }
0x4f: {  	_ =	shalt  }
0x50: {  	_ =	shalt  }
0x51: {  	_ =	shalt  }
0x52: {  	_ =	shalt  }
0x53: {  	_ =	shalt  }
0x54: {  	_ =	shalt  }
0x55: {  	_ =	shalt  }
0x56: {  	_ =	shalt  }
0x57: {  	_ =	shalt  }
0x58: {  	_ =	shalt  }
0x59: {  	_ =	shalt  }
0x5a: {  	_ =	shalt  }
0x5b: {  	_ =	shalt  }
0x5c: {  	_ =	shalt  }
0x5d: {  	_ =	shalt  }
0x5e: {  	_ =	shalt  }
0x5f: {  	_ =	shalt  }
0x60: {  	_ =	shalt  }
0x61: {  	_ =	shalt  }
0x62: {  	_ =	shalt  }
0x63: {  	_ =	shalt  }
0x64: {  	_ =	shalt  }
0x65: {  	_ =	shalt  }
0x66: {  	_ =	shalt  }
0x67: {  	_ =	shalt  }
0x68: {  	_ =	shalt  }
0x69: {  	_ =	shalt  }
0x6a: {  	_ =	shalt  }
0x6b: {  	_ =	shalt  }
0x6c: {  	_ =	shalt  }
0x6d: {  	_ =	shalt  }
0x6e: {  	_ =	shalt  }
0x6f: {  	_ =	shalt  }
0x70: {  	_ =	shalt  }
0x71: {  	_ =	shalt  }
0x72: {  	_ =	shalt  }
0x73: {  	_ =	shalt  }
0x74: {  	_ =	shalt  }
0x75: {  	_ =	shalt  }
0x76: {  	_ =	shalt  }
0x77: {  	_ =	shalt  }
0x78: {  	_ =	shalt  }
0x79: {  	_ =	shalt  }
0x7a: {  	_ =	shalt  }
0x7b: {  	_ =	shalt  }
0x7c: {  	_ =	shalt  }
0x7d: {  	_ =	shalt  }
0x7e: {  	_ =	shalt  }
0x7f: {  	_ =	shalt  }
0x80: {  	_ =	shalt  }
0x81: {  	_ =	shalt  }
0x82: {  	_ =	shalt  }
0x83: {  	_ =	shalt  }
0x84: {  	_ =	shalt  }
0x85: {  	_ =	shalt  }
0x86: {  	_ =	shalt  }
0x87: {  	_ =	shalt  }
.Lfunc_end0:
.L_simem_size_0:
called_computation.1_lowered:
.L_overlay_start_0:
0x88: {  	s2 =	sld [smem:$0x3FD9]  }
0x89: {  	s3 =	sld [smem:$0x3FFE];
	_ =	sdelay $0x1  }
0x8a: {  	s1 =	srdreg.scid  }
0x8b: {  	s0 =	sand.u32 $0x1, s1  }
0x8c: {  	s15 =	sshll.u32 s0, $0xA;
	s2 =	sadd.s32 s3, s2  }
0x8d: {  	s2 =	sadd.s32 s2, s15  }
0x8e: {  	[smem:$0x3FC3] =	sst s2  }
0x8f: {  	_ = 	snop  }
0x90: {  	s16 =	sld [smem:$0x3FD0];
	_ =	sdelay $0x2  }
0x91: {  	s4 =	simm.s32 $0xB;
	s5 =	simm.s32 $0x10;
	s2 =	sld [smem:$0x3FC8]  }
0x92: {  	[smem:s5], [sflag:s4] =	dma.local [hbm:s16], $0x1  }
0x93: {  	_ =	swait.eq [sflag:s4], $0x1  }
0x94: {  	[sflag:s4] =	ssyncset.done $0x0  }
0x95: {  	[sflag:s4] =	ssyncadd.s32 $0xFFFFFFFF  }
0x96: {  	s17 =	sld [smem:$0x11];
	(tm) =	ssettm $0x1  }
0x97: {  	s18 =	sld [smem:$0x3FFB];
	_ =	sdelay $0x3  }
0x98: {  	_ =	strace s18  }
0x99: {  	s3 =	sld [smem:$0x3FFC];
	_ =	sdelay $0x3  }
0x9a: {  	_ =	strace s3  }
0x9b: {  	s3 =	sld [smem:$0x3FFD];
	_ =	sdelay $0x3  }
0x9c: {  	_ =	strace s3  }
0x9d: {  	_ =	strace $0x8FFFFFFF  }
0x9e: {  	s19 =	sld [smem:$0x3FDB];
	_ =	sdelay $0x1  }
0x9f: {  	s20 =	simm.s32 $_scs_section_size  }
0xa0: {  	s6 =	simm.s32 $_size__tile_overlayer_lowered;
	s7 =	simm.s32 $_tile_overlayer_lowered  }
0xa1: {  	s8 =	simm.s32 $0x1BFF;
	s21 =	sshll.u32 s7, $0x1;
	s5 =	sadd.s32 s20, s19  }
0xa2: {  	s22 =	simm.s32 $0x0;
	s6 =	sshll.u32 s6, $0x1;
	s7 =	sadd.s32 s21, s5  }
0xa3: {  	[timem:s22], [sflag:s8] =	dma.local [hbm:s7], s6  }
0xa4: {  	_ =	swait.ge [sflag:s8], s6  }
0xa5: {  	s6 =	ssub.s32 $0x0, s6;
	[sflag:s8] =	ssyncset.done $0x0  }
0xa6: {  	[sflag:s8] =	ssyncadd.s32 s6;
	_ =	sdelay $0x1  }
0xa7: {  	s23 =	simm.s32 $0x1B8B  }
0xa8: {  	_ =	swait.ge [sflag:s23], $0x1  }
0xa9: {  	[sflag:s23] =	ssyncset.done $0x0  }
0xaa: {  	[sflag:s23] =	ssyncadd.s32 $0xFFFFFFFF  }
0xab: {  	s6 =	sld [smem:$0x0]  }
0xac: {  	s7 =	sand.u32 $0xFFFFFFFE, s1  }
0xad: {  	p0 =	sne.s32 s1, s7  }
0xae: {  	s7 =	sshll.u32 @p0 s7, $0xE  }
0xaf: {  	s7 =	sadd.s32 @p0 $0x11B8D, s7;
	s8 =	sshll.u32 @p0 s6, $0x11  }
0xb0: {  	s7 =	sor.u32 @p0 s8, s7  }
0xb1: {  	[sflag:s7] =	ssyncadd.remote.s32 @p0 $0x1;
	_ =	sdelay $0x1  }
0xb2: {  	s7 =	simm.s32 @p0 $0x1B8D  }
0xb3: {  	_ =	swait.eq @p0 [sflag:s7], $0x1  }
0xb4: {  	[sflag:s7] =	ssyncadd.s32 @p0 $0xFFFFFFFF  }
0xb5: {  	s8 =	sshll.u32 @!p0 s1, $0xE  }
0xb6: {  	s8 =	sor.u32 @!p0 $0x4000, s8;
	s7 =	simm.s32 @!p0 $0x1B8D  }
0xb7: {  	s6 =	sshll.u32 @!p0 s6, $0x11;
	s8 =	sadd.s32 @!p0 $0x11B8D, s8;
	_ =	swait.eq @!p0 [sflag:s7], $0x1  }
0xb8: {  	s6 =	sor.u32 @!p0 s6, s8;
	[sflag:s7] =	ssyncadd.s32 @!p0 $0xFFFFFFFF  }
0xb9: {  	s25 =	simm.s32 $0x1B8E;
	s24 =	sld [smem:$0x3FFE];
	[sflag:s6] =	ssyncadd.remote.s32 @!p0 $0x1  }
0xba: {  	s26 =	simm.s32 $execute0_lowered;
	[smem:$0x3FD2] =	sst s25  }
0xbb: {  	s7 =	sshll.u32 s26, $0x1;
	_ =	strace $0x80000049;
	[dreg:$0x1] =	wrdreg $0xFFFFFFFF  }
0xbc: {  	s28 =	simm.s32 $_size_execute0_lowered;
	s5 =	sadd.s32 s5, s7;
	[dreg:$0x0] =	wrdreg $0x0  }
0xbd: {  	s7 =	sshll.u32 s28, $0x1;
	[dreg:$0x2] =	wrdreg s5  }
0xbe: {  	[dreg:$0x3] =	wrdreg s7  }
0xbf: {  	[dreg:$0x4] =	wrdreg $0xC0  }
0xc0: {  	_ =	task [dreg:s22], $0x5FFFF  }
0xc1: {  	[dreg:$0x1] =	wrdreg $0xFFFFFFFF  }
0xc2: {  	[dreg:$0x0] =	wrdreg $0x60  }
0xc3: {  	[dreg:$0x2] =	wrdreg s2  }
0xc4: {  	[dreg:$0x3] =	wrdreg s24  }
0xc5: {  	[dreg:$0x4] =	wrdreg s17  }
0xc6: {  	[dreg:$0x5] =	wrdreg $0xA  }
0xc7: {  	_ =	task.clear_ibuf [dreg:s22], $0x6FFFF;
	_ =	strace $0x90000049  }
0xc8: {  	s29 =	simm.s32 $0xA;
	_ =	strace $0x8000004B  }
0xc9: {  	_ =	swait.ge [sflag:s29], $0x1  }
0xca: {  	[sflag:s29] =	ssyncadd.s32 $0xFFFFFFFF  }
0xcb: {  	_ =	strace $0x9000004B  }
0xcc: {  	_ =	sfence  }
0xcd: {  	s30 =	sld [smem:$0x0];
	_ =	sdelay $0x2  }
0xce: {  	s31 =	sshll.u32 s1, $0xD;
	s1 =	sshrl.u32 s1, $0x2  }
0xcf: {  	s4 =	sand.u32 $0x4000, s31;
	s1 =	sadd.s32 s1, s30  }
0xd0: {  	s0 =	sor.u32 s4, s0;
	s1 =	sshll.u32 s1, $0x11  }
0xd1: {  	s0 =	sor.u32 s1, s0  }
0xd2: {  	s0 =	sadd.s32 $0x8F2B, s0  }
0xd3: {  	[sflag:s0] =	ssyncadd.remote.s32 $0x1  }
0xd4: {  	_ =	sfence.sel $0xFFFF  }
0xd5: {  	[dreg:$0x0] =	wrdreg $0xFFFFFFFF;
	(pc) =	sbr.abs _section_cstart, $3  }
0xd6: {  	[dreg:$0x1] =	wrdreg $0xFFFFFFFF  }
0xd7: {  	_ =	task.clear_ibuf [dreg:s22], $0x2FFFF;
	_ =	strace $0x9FFFFFFF  }
0xd8: {  	(tm) =	ssettm $0x7FFFFFFF  }
0xd9: {  	_ =	shalt  }
tec
execute0_lowered:
.L_overlay_start_1:
0x0: {  	(tag) =	ssettag $0x1  }
0x1: {  	s2 =	rddreg [dreg:$0x0]  }
0x2: {  	s0 =	rddreg [dreg:$0x1];
	s1 =	srdreg.scid  }
0x3: {  	s3 =	rddreg [dreg:$0x2];
	s4 =	stileid.u32;
	s6 =	simm.s32 $0x0  }
0x4: {  	s12 =	simm.s32 $0xD;
	s10 =	simm.s32 $0x3000;
	s11 =	simm.s32 $0x4000  }
0x5: {  	s18 =	simm.s32 $0x64;
	s19 =	simm.s32 $0x6000;
	s28 =	simm.s32 $0x19800  }
0x6: {  	s29 =	simm.s32 $0x1;
	s30 =	simm.s32 $0xFC00;
	s31 =	simm.s32 $0x4  }
0x7: {  	s13 =	simm.s32 $0x9;
	s14 =	simm.s32 $0x7;
	s1 =	sand.u32 $0x1, s1  }
0x8: {  	s15 =	simm.s32 $0xA;
	s4 =	sshll.u32 s4, $0xA;
	s5 =	sshll.u32 s1, $0x9  }
0x9: {  	s16 =	simm.s32 $0x8;
	s17 =	simm.s32 $0xB;
	s4 =	sor.u32 s5, s4  }
0xa: {  	s7 =	simm.s32 $0x0;
	[smem:$0x7FF] =	sst s6;
	s4 =	sadd.s32 s0, s4  }
0xb: {  	_ =	strace $0x8000004A;
	s22 =	sadd.s32 $0x1A800, s4;
	[dreg:$0x4] =	wrdreg s4  }
0xc: {  	s6 =	simm.s32 $0xC;
	s23 =	sadd.s32 $0x12800, s4;
	[dreg:$0x5] =	wrdreg s22  }
0xd: {  	s1 =	ssub.s32 $0x2, s1;
	s24 =	sadd.s32 $0x16800, s4;
	[dreg:$0x6] =	wrdreg s23  }
0xe: {  	s20 =	sshrl.u32 s1, $0x1;
	s25 =	sadd.s32 $0x4000, s4;
	[dreg:$0x7] =	wrdreg s24  }
0xf: {  	s21 =	ssub.s32 s1, s20;
	s26 =	sadd.s32 $0xE800, s4;
	[dreg:$0x8] =	wrdreg s25  }
0x10: {  	s20 =	simm.s32 $0x9400;
	s0 =	smax.u32 s21, $0x1;
	[dreg:$0x9] =	wrdreg s26  }
0x11: {  	s1 =	simm.s32 $0x6;
	s21 =	simm.s32 $0xC800;
	[dreg:$0xa] =	wrdreg s0  }
0x12: {  	s23 =	simm.s32 $0x13000;
	s25 =	simm.s32 $0x16400;
	s22 =	simm.s32 $0x2  }
0x13: {  	s26 =	simm.s32 $0x1CC00;
	s24 =	simm.s32 $0x3;
	s0 =	simm.s32 $0x5  }
.LBB2_1:
0x14: {  	s4 =	simm.s32 $0x0;
	s5 =	rddreg [dreg:$0x5]  }
0x15: {  	[tilespmem:s4], [sflag:$0xD] =	stream.linear.gather [hbm4b:s5+s4], $0x1000, $0x38;
	v63 =	vld [tilespmem:$0x0]  }
0x16: {  	_ =	swait.ge [sflag:s12], $0x1000  }
0x17: {  	[sflag:s12] =	ssyncset.done $0x0  }
0x18: {  	s8 =	simm.s32 $0x1000;
	s9 =	rddreg [dreg:$0x6];
	[sflag:s12] =	ssyncadd.s32 $0xFFFFF000  }
0x19: {  	[tilespmem:s8], [sflag:$0xD] =	stream.linear.gather [hbm4b:s9+s4], $0x1000, $0x38;
	v63 =	vld [tilespmem:$0x0]  }
0x1a: {  	_ =	swait.ge [sflag:s12], $0x1000  }
0x1b: {  	[sflag:s12] =	ssyncset.done $0x0  }
0x1c: {  	s9 =	simm.s32 $0x2000;
	s5 =	rddreg [dreg:$0x7];
	[sflag:s12] =	ssyncadd.s32 $0xFFFFF000  }
0x1d: {  	[tilespmem:s9], [sflag:$0xD] =	stream.linear.gather [hbm4b:s5+s4], $0x1000, $0x38;
	v63 =	vld [tilespmem:$0x0]  }
0x1e: {  	_ =	swait.ge [sflag:s12], $0x1000  }
0x1f: {  	[sflag:s12] =	ssyncset.done $0x0  }
0x20: {  	s5 =	rddreg [dreg:$0x8];
	[sflag:s12] =	ssyncadd.s32 $0xFFFFF000  }
0x21: {  	[tilespmem:s10], [sflag:$0xD] =	stream.linear.gather [hbm4b:s5+s4], $0x1000, $0x38;
	v63 =	vld [tilespmem:$0x0]  }
0x22: {  	_ =	swait.ge [sflag:s12], $0x1000  }
0x23: {  	[sflag:s12] =	ssyncset.done $0x0  }
0x24: {  	s5 =	rddreg [dreg:$0x9];
	[sflag:s12] =	ssyncadd.s32 $0xFFFFF000  }
0x25: {  	[tilespmem:s11], [sflag:$0xD] =	stream.linear.gather [hbm4b:s5+s4], $0x1000, $0x38;
	v63 =	vld [tilespmem:$0x0]  }
0x26: {  	_ =	swait.ge [sflag:s12], $0x1000  }
0x27: {  	[sflag:s12] =	ssyncset.done $0x0  }
0x28: {  	s11 =	simm.s32 $0x5000;
	s5 =	rddreg [dreg:$0x4];
	[sflag:s12] =	ssyncadd.s32 $0xFFFFF000  }
0x29: {  	[tilespmem:s11], [sflag:$0xD] =	stream.linear.gather [hbm4b:s5+s4], $0x1000, $0x38;
	v63 =	vld [tilespmem:$0x0]  }
0x2a: {  	_ =	swait.ge [sflag:s12], $0x1000  }
0x2b: {  	[sflag:s12] =	ssyncset.done $0x0  }
0x2c: {  	[sflag:s12] =	ssyncadd.s32 $0xFFFFF000  }
0x2d: {  	[tilespmem:s19], [sflag:$0x1] =	stream.indirect.gather [hbm4b:s2+s18], $0x80, s4, s18, $0xb8;
	v63 =	vld [tilespmem:$0x0]  }
0x2e: {  	_ = 	snop  }
0x2f: {  	[tilespmem:s20], [sflag:$0x1] =	stream.indirect.gather [hbm4b:s2+s18], $0x80, s8, s18, $0xb8;
	v63 =	vld [tilespmem:$0x0]  }
0x30: {  	_ = 	snop  }
0x31: {  	[tilespmem:s21], [sflag:$0x1] =	stream.indirect.gather [hbm4b:s2+s18], $0x80, s9, s18, $0xb8;
	v63 =	vld [tilespmem:$0x0]  }
0x32: {  	s8 =	simm.s32 $0x80  }
0x33: {  	[tilespmem:s23], [sflag:$0x2] =	stream.indirect.gather [hbm4b:s2+s18], $0x80, s8, s18, $0xb8;
	v63 =	vld [tilespmem:$0x0]  }
0x34: {  	s9 =	simm.s32 $0x1080  }
0x35: {  	[tilespmem:s25], [sflag:$0x2] =	stream.indirect.gather [hbm4b:s2+s18], $0x80, s9, s18, $0xb8;
	v63 =	vld [tilespmem:$0x0]  }
0x36: {  	s11 =	simm.s32 $0x2080  }
0x37: {  	[tilespmem:s28], [sflag:$0x2] =	stream.indirect.gather [hbm4b:s2+s18], $0x80, s11, s18, $0xb8;
	v63 =	vld [tilespmem:$0x0]  }
0x38: {  	_ =	swait.ge [sflag:s29], $0x3200  }
0x39: {  	[sflag:s29] =	ssyncset.done $0x0  }
0x3a: {  	[sflag:s29] =	ssyncadd.s32 $0xFFFFCE00  }
0x3b: {  	_ =	swait.ge [sflag:s29], $0x3200  }
0x3c: {  	[sflag:s29] =	ssyncset.done $0x0  }
0x3d: {  	[sflag:s29] =	ssyncadd.s32 $0xFFFFCE00  }
0x3e: {  	_ =	swait.ge [sflag:s29], $0x3200  }
0x3f: {  	[sflag:s29] =	ssyncset.done $0x0  }
0x40: {  	s8 =	simm.s32 $0x0;
	[sflag:s29] =	ssyncadd.s32 $0xFFFFCE00  }
0x41: {  	v0 =	vld [tilespmem:s8+$0x6070]  }
0x42: {  	v1 =	vld [tilespmem:s8+$0x9470]  }
0x43: {  	v2 =	vld [tilespmem:s8+$0x6000]  }
0x44: {  	v3 =	vld [tilespmem:s8+$0xC870]  }
0x45: {  	v4 =	vld [tilespmem:s8+$0x9400]  }
0x46: {  	v5 =	vld [tilespmem:s8+$0x6010]  }
0x47: {  	v6 =	vld [tilespmem:s8+$0x9410]  }
0x48: {  	v7 =	vld [tilespmem:s8+$0x9420]  }
0x49: {  	v9 =	vld [tilespmem:s8+$0x9430]  }
0x4a: {  	v10 =	vld [tilespmem:s8+$0x6040]  }
0x4b: {  	v11 =	vld [tilespmem:s8+$0x9440]  }
0x4c: {  	v12 =	vld [tilespmem:s8+$0x9450]  }
0x4d: {  	v13 =	vld [tilespmem:s8+$0x6060]  }
0x4e: {  	v14 =	vld [tilespmem:s8+$0x9460];
	v0 =	vadd.f32 v1, v0  }
0x4f: {  	v1 =	vld [tilespmem:s8+$0x6020]  }
0x50: {  	v0 =	vadd.f32 v3, v0;
	v3 =	vld [tilespmem:s8+$0x6030]  }
0x51: {  	v15 =	vld [tilespmem:s8+$0xC800]  }
0x52: {  	v16 =	vld [tilespmem:s8+$0xC810];
	v0 =	vmul.f32 $3.333333430e-01, v0  }
0x53: {  	v17 =	vld [tilespmem:s8+$0xC820]  }
0x54: {  	v2 =	vadd.f32 v4, v2;
	v18 =	vadd.f32 v6, v5;
	[tilespmem:s8+$0xFC70] =	vst v0;
	v0 =	vld [tilespmem:s8+$0x6050]  }
0x55: {  	v8 =	vld [tilespmem:s8+$0xC830];
	v19 =	vadd.f32 v7, v1;
	v4 =	vadd.f32 v9, v3  }
0x56: {  	v7 =	vld [tilespmem:s8+$0xC840];
	v3 =	vadd.f32 v11, v10;
	v10 =	vadd.f32 v15, v2  }
0x57: {  	v6 =	vld [tilespmem:s8+$0xC850]  }
0x58: {  	s9 =	simm.s32 $0x80;
	v5 =	vld [tilespmem:s8+$0xC860];
	v9 =	vadd.f32 v16, v18;
	v11 =	vmul.f32 $3.333333430e-01, v10;
	v10 =	vadd.f32 v17, v19  }
0x59: {  	s5 =	simm.s32 $0x400;
	v1 =	vld [tilespmem:s9+$0x6070];
	v2 =	vadd.f32 v12, v0;
	v0 =	vadd.f32 v14, v13  }
.LBB2_2:
0x5a: {  	p0 =	sne.s32 s5, $0xC600;
	v12 =	vld [tilespmem:s9+$0x9470];
	v9 =	vmul.f32 $3.333333430e-01, v9;
	v4 =	vadd.f32 v8, v4  }
0x5b: {  	v8 =	vld [tilespmem:s9+$0x6000];
	[tilespmem:s8+$0xFC00] =	vst v11;
	v10 =	vmul.f32 $3.333333430e-01, v10;
	v3 =	vadd.f32 v7, v3  }
0x5c: {  	v7 =	vld [tilespmem:s9+$0xC870];
	[tilespmem:s8+$0xFC10] =	vst v9;
	v4 =	vmul.f32 $3.333333430e-01, v4;
	v2 =	vadd.f32 v6, v2  }
0x5d: {  	v6 =	vld [tilespmem:s9+$0x9400];
	[tilespmem:s8+$0xFC20] =	vst v10;
	v3 =	vmul.f32 $3.333333430e-01, v3;
	v0 =	vadd.f32 v5, v0  }
0x5e: {  	v5 =	vld [tilespmem:s9+$0x6010];
	[tilespmem:s8+$0xFC30] =	vst v4;
	v2 =	vmul.f32 $3.333333430e-01, v2  }
0x5f: {  	v4 =	vld [tilespmem:s9+$0x9410];
	v1 =	vadd.f32 v12, v1;
	[tilespmem:s8+$0xFC40] =	vst v3;
	v0 =	vmul.f32 $3.333333430e-01, v0  }
0x60: {  	v3 =	vld [tilespmem:s9+$0x6020];
	[tilespmem:s8+$0xFC50] =	vst v2  }
0x61: {  	v2 =	vld [tilespmem:s9+$0x9420];
	v1 =	vadd.f32 v7, v1;
	[tilespmem:s8+$0xFC60] =	vst v0;
	s8 =	smov.u32 s9  }
0x62: {  	v6 =	vadd.f32 v6, v8;
	v0 =	vld [tilespmem:s8+$0x6030]  }
0x63: {  	v7 =	vld [tilespmem:s8+$0x9430];
	v1 =	vmul.f32 $3.333333430e-01, v1  }
0x64: {  	v5 =	vadd.f32 v4, v5;
	v8 =	vld [tilespmem:s8+$0x6040]  }
0x65: {  	v9 =	vld [tilespmem:s8+$0x9440];
	[tilespmem:s8+$0xFC70] =	vst v1  }
0x66: {  	v10 =	vadd.f32 v2, v3;
	v1 =	vld [tilespmem:s8+$0x6050]  }
0x67: {  	v2 =	vld [tilespmem:s8+$0x9450]  }
0x68: {  	v4 =	vadd.f32 v7, v0;
	v0 =	vld [tilespmem:s8+$0x6060]  }
0x69: {  	v11 =	vld [tilespmem:s8+$0x9460]  }
0x6a: {  	v12 =	vld [tilespmem:s8+$0xC800];
	v3 =	vadd.f32 v9, v8  }
0x6b: {  	v9 =	vld [tilespmem:s8+$0xC810]  }
0x6c: {  	v13 =	vld [tilespmem:s8+$0xC820];
	v2 =	vadd.f32 v2, v1  }
.Ltmp0:
0x6d: {  	v8 =	vld [tilespmem:s8+$0xC830];
	(pc) =	sbr.rel @p0 .LBB2_2-.Ltmp0, $4  }
0x6e: {  	v7 =	vld [tilespmem:s8+$0xC840];
	v0 =	vadd.f32 v11, v0  }
0x6f: {  	v11 =	vadd.f32 v12, v6;
	v6 =	vld [tilespmem:s8+$0xC850]  }
0x70: {  	s9 =	sshra.s32 s5, $0x2;
	v9 =	vadd.f32 v9, v5;
	v5 =	vld [tilespmem:s8+$0xC860]  }
0x71: {  	s5 =	sadd.s32 $0x200, s5;
	v1 =	vld [tilespmem:s9+$0x6070];
	v11 =	vmul.f32 $3.333333430e-01, v11;
	v10 =	vadd.f32 v13, v10  }
0x72: {  	v12 =	vld [tilespmem:s9+$0x9470];
	v9 =	vmul.f32 $3.333333430e-01, v9;
	v4 =	vadd.f32 v8, v4  }
0x73: {  	v13 =	vld [tilespmem:s9+$0x6000];
	[tilespmem:s8+$0xFC00] =	vst v11;
	v8 =	vmul.f32 $3.333333430e-01, v10;
	v3 =	vadd.f32 v7, v3  }
0x74: {  	v11 =	vld [tilespmem:s9+$0xC870];
	[tilespmem:s8+$0xFC10] =	vst v9;
	v4 =	vmul.f32 $3.333333430e-01, v4;
	v2 =	vadd.f32 v6, v2  }
0x75: {  	v9 =	vld [tilespmem:s9+$0x9400];
	[tilespmem:s8+$0xFC20] =	vst v8;
	v3 =	vmul.f32 $3.333333430e-01, v3;
	v0 =	vadd.f32 v5, v0  }
0x76: {  	v7 =	vld [tilespmem:s9+$0x6010];
	[tilespmem:s8+$0xFC30] =	vst v4;
	v2 =	vmul.f32 $3.333333430e-01, v2  }
0x77: {  	v4 =	vld [tilespmem:s9+$0x9410];
	[tilespmem:s8+$0xFC40] =	vst v3;
	v0 =	vmul.f32 $3.333333430e-01, v0  }
0x78: {  	v1 =	vadd.f32 v12, v1;
	v3 =	vld [tilespmem:s9+$0x6020];
	[tilespmem:s8+$0xFC50] =	vst v2  }
0x79: {  	v2 =	vld [tilespmem:s9+$0x9420];
	[tilespmem:s8+$0xFC60] =	vst v0  }
0x7a: {  	v0 =	vadd.f32 v11, v1;
	v1 =	vld [tilespmem:s9+$0x6030]  }
0x7b: {  	v5 =	vld [tilespmem:s9+$0x9430]  }
0x7c: {  	v6 =	vld [tilespmem:s9+$0x6040]  }
0x7d: {  	v8 =	vld [tilespmem:s9+$0x9440]  }
0x7e: {  	v10 =	vld [tilespmem:s9+$0x9450]  }
0x7f: {  	v11 =	vld [tilespmem:s9+$0x6060]  }
0x80: {  	v56 =	vld [tilespmem:s9+$0x9460]  }
0x81: {  	v14 =	vld [tilespmem:s9+$0xC800]  }
0x82: {  	v15 =	vld [tilespmem:s9+$0xC810]  }
0x83: {  	v16 =	vld [tilespmem:s9+$0xC820];
	v0 =	vmul.f32 $3.333333430e-01, v0  }
0x84: {  	v57 =	vld [tilespmem:s9+$0xC830]  }
0x85: {  	v9 =	vadd.f32 v9, v13;
	[tilespmem:s9+$0xFC70] =	vst v0;
	v0 =	vld [tilespmem:s9+$0x6050]  }
0x86: {  	v4 =	vadd.f32 v4, v7;
	v7 =	vld [tilespmem:s9+$0xC840]  }
0x87: {  	v2 =	vadd.f32 v2, v3;
	v3 =	vadd.f32 v14, v9;
	v9 =	vld [tilespmem:s9+$0xC850]  }
0x88: {  	v1 =	vadd.f32 v5, v1;
	v4 =	vadd.f32 v15, v4;
	v5 =	vld [tilespmem:s9+$0xC860]  }
0x89: {  	v6 =	vadd.f32 v8, v6;
	v2 =	vadd.f32 v16, v2;
	v3 =	vmul.f32 $3.333333430e-01, v3  }
0x8a: {  	v4 =	vmul.f32 $3.333333430e-01, v4;
	v1 =	vadd.f32 v57, v1;
	v0 =	vadd.f32 v10, v0  }
0x8b: {  	v8 =	vadd.f32 v56, v11;
	v2 =	vmul.f32 $3.333333430e-01, v2;
	[tilespmem:s9+$0xFC00] =	vst v3;
	v3 =	vadd.f32 v7, v6  }
0x8c: {  	[tilespmem:s9+$0xFC10] =	vst v4;
	v1 =	vmul.f32 $3.333333430e-01, v1;
	v0 =	vadd.f32 v9, v0  }
0x8d: {  	[tilespmem:s9+$0xFC20] =	vst v2;
	v2 =	vmul.f32 $3.333333430e-01, v3;
	v3 =	vadd.f32 v5, v8  }
0x8e: {  	[tilespmem:s9+$0xFC30] =	vst v1;
	v0 =	vmul.f32 $3.333333430e-01, v0  }
0x8f: {  	[tilespmem:s9+$0xFC40] =	vst v2;
	v1 =	vmul.f32 $3.333333430e-01, v3  }
0x90: {  	[tilespmem:s9+$0xFC50] =	vst v0  }
0x91: {  	[tilespmem:s9+$0xFC60] =	vst v1  }
0x92: {  	[hbm4b:s3+s18] =	stream.indirect.scatter [tilespmem:s30], [sflag:$0x3], $0x80, s10, s18, $0xb8;
	v63 =	vld [tilespmem:$0x0]  }
0x93: {  	s4 =	simm.s32 $0x100  }
0x94: {  	[tilespmem:s19], [sflag:$0x1] =	stream.indirect.gather [hbm4b:s2+s18], $0x80, s4, s18, $0xb8;
	v63 =	vld [tilespmem:$0x0]  }
0x95: {  	s10 =	simm.s32 $0x1100  }
0x96: {  	[tilespmem:s20], [sflag:$0x1] =	stream.indirect.gather [hbm4b:s2+s18], $0x80, s10, s18, $0xb8;
	v63 =	vld [tilespmem:$0x0]  }
0x97: {  	s11 =	simm.s32 $0x2100  }
0x98: {  	[tilespmem:s21], [sflag:$0x1] =	stream.indirect.gather [hbm4b:s2+s18], $0x80, s11, s18, $0xb8;
	v63 =	vld [tilespmem:$0x0]  }
0x99: {  	_ =	swait.ge [sflag:s22], $0x3200  }
0x9a: {  	[sflag:s22] =	ssyncset.done $0x0  }
0x9b: {  	[sflag:s22] =	ssyncadd.s32 $0xFFFFCE00  }
0x9c: {  	_ =	swait.ge [sflag:s22], $0x3200  }
0x9d: {  	[sflag:s22] =	ssyncset.done $0x0  }
0x9e: {  	[sflag:s22] =	ssyncadd.s32 $0xFFFFCE00  }
0x9f: {  	_ =	swait.ge [sflag:s22], $0x3200  }
0xa0: {  	[sflag:s22] =	ssyncset.done $0x0  }
0xa1: {  	s8 =	simm.s32 $0x0;
	[sflag:s22] =	ssyncadd.s32 $0xFFFFCE00  }
0xa2: {  	v0 =	vld [tilespmem:s8+$0x13070]  }
0xa3: {  	v1 =	vld [tilespmem:s8+$0x16470]  }
0xa4: {  	v2 =	vld [tilespmem:s8+$0x13000]  }
0xa5: {  	v3 =	vld [tilespmem:s8+$0x19870]  }
0xa6: {  	v4 =	vld [tilespmem:s8+$0x16400]  }
0xa7: {  	v5 =	vld [tilespmem:s8+$0x13010]  }
0xa8: {  	v6 =	vld [tilespmem:s8+$0x16410]  }
0xa9: {  	v7 =	vld [tilespmem:s8+$0x16420]  }
0xaa: {  	v9 =	vld [tilespmem:s8+$0x16430]  }
0xab: {  	v10 =	vld [tilespmem:s8+$0x13040]  }
0xac: {  	v11 =	vld [tilespmem:s8+$0x16440]  }
0xad: {  	v58 =	vld [tilespmem:s8+$0x16450]  }
0xae: {  	v59 =	vld [tilespmem:s8+$0x13060]  }
0xaf: {  	v60 =	vld [tilespmem:s8+$0x16460];
	v0 =	vadd.f32 v1, v0  }
0xb0: {  	v1 =	vld [tilespmem:s8+$0x13020]  }
0xb1: {  	v0 =	vadd.f32 v3, v0;
	v3 =	vld [tilespmem:s8+$0x13030]  }
0xb2: {  	v61 =	vld [tilespmem:s8+$0x19800]  }
0xb3: {  	v62 =	vld [tilespmem:s8+$0x19810];
	v0 =	vmul.f32 $3.333333430e-01, v0  }
0xb4: {  	v17 =	vld [tilespmem:s8+$0x19820]  }
0xb5: {  	v2 =	vadd.f32 v4, v2;
	v18 =	vadd.f32 v6, v5;
	[tilespmem:s8+$0x1CC70] =	vst v0;
	v0 =	vld [tilespmem:s8+$0x13050]  }
0xb6: {  	v8 =	vld [tilespmem:s8+$0x19830];
	v19 =	vadd.f32 v7, v1;
	v4 =	vadd.f32 v9, v3  }
0xb7: {  	v7 =	vld [tilespmem:s8+$0x19840];
	v3 =	vadd.f32 v11, v10;
	v10 =	vadd.f32 v61, v2  }
0xb8: {  	v6 =	vld [tilespmem:s8+$0x19850]  }
0xb9: {  	s9 =	simm.s32 $0x80;
	v5 =	vld [tilespmem:s8+$0x19860];
	v9 =	vadd.f32 v62, v18;
	v11 =	vmul.f32 $3.333333430e-01, v10;
	v10 =	vadd.f32 v17, v19  }
0xba: {  	s5 =	simm.s32 $0x400;
	v1 =	vld [tilespmem:s9+$0x13070];
	v2 =	vadd.f32 v58, v0;
	v0 =	vadd.f32 v60, v59  }
.LBB2_4:
0xbb: {  	p0 =	sne.s32 s5, $0xC600;
	v12 =	vld [tilespmem:s9+$0x16470];
	v9 =	vmul.f32 $3.333333430e-01, v9;
	v4 =	vadd.f32 v8, v4  }
0xbc: {  	v8 =	vld [tilespmem:s9+$0x13000];
	[tilespmem:s8+$0x1CC00] =	vst v11;
	v10 =	vmul.f32 $3.333333430e-01, v10;
	v3 =	vadd.f32 v7, v3  }
0xbd: {  	v7 =	vld [tilespmem:s9+$0x19870];
	[tilespmem:s8+$0x1CC10] =	vst v9;
	v4 =	vmul.f32 $3.333333430e-01, v4;
	v2 =	vadd.f32 v6, v2  }
0xbe: {  	v6 =	vld [tilespmem:s9+$0x16400];
	[tilespmem:s8+$0x1CC20] =	vst v10;
	v3 =	vmul.f32 $3.333333430e-01, v3;
	v0 =	vadd.f32 v5, v0  }
0xbf: {  	v5 =	vld [tilespmem:s9+$0x13010];
	[tilespmem:s8+$0x1CC30] =	vst v4;
	v2 =	vmul.f32 $3.333333430e-01, v2  }
0xc0: {  	v4 =	vld [tilespmem:s9+$0x16410];
	v1 =	vadd.f32 v12, v1;
	[tilespmem:s8+$0x1CC40] =	vst v3;
	v0 =	vmul.f32 $3.333333430e-01, v0  }
0xc1: {  	v3 =	vld [tilespmem:s9+$0x13020];
	[tilespmem:s8+$0x1CC50] =	vst v2  }
0xc2: {  	v2 =	vld [tilespmem:s9+$0x16420];
	v1 =	vadd.f32 v7, v1;
	[tilespmem:s8+$0x1CC60] =	vst v0;
	s8 =	smov.u32 s9  }
0xc3: {  	v6 =	vadd.f32 v6, v8;
	v0 =	vld [tilespmem:s8+$0x13030]  }
0xc4: {  	v7 =	vld [tilespmem:s8+$0x16430];
	v1 =	vmul.f32 $3.333333430e-01, v1  }
0xc5: {  	v5 =	vadd.f32 v4, v5;
	v8 =	vld [tilespmem:s8+$0x13040]  }
0xc6: {  	v9 =	vld [tilespmem:s8+$0x16440];
	[tilespmem:s8+$0x1CC70] =	vst v1  }
0xc7: {  	v10 =	vadd.f32 v2, v3;
	v1 =	vld [tilespmem:s8+$0x13050]  }
0xc8: {  	v2 =	vld [tilespmem:s8+$0x16450]  }
0xc9: {  	v4 =	vadd.f32 v7, v0;
	v0 =	vld [tilespmem:s8+$0x13060]  }
0xca: {  	v11 =	vld [tilespmem:s8+$0x16460]  }
0xcb: {  	v12 =	vld [tilespmem:s8+$0x19800];
	v3 =	vadd.f32 v9, v8  }
0xcc: {  	v9 =	vld [tilespmem:s8+$0x19810]  }
0xcd: {  	v13 =	vld [tilespmem:s8+$0x19820];
	v2 =	vadd.f32 v2, v1  }
.Ltmp1:
0xce: {  	v8 =	vld [tilespmem:s8+$0x19830];
	(pc) =	sbr.rel @p0 .LBB2_4-.Ltmp1, $4  }
0xcf: {  	v7 =	vld [tilespmem:s8+$0x19840];
	v0 =	vadd.f32 v11, v0  }
0xd0: {  	v11 =	vadd.f32 v12, v6;
	v6 =	vld [tilespmem:s8+$0x19850]  }
0xd1: {  	s9 =	sshra.s32 s5, $0x2;
	v9 =	vadd.f32 v9, v5;
	v5 =	vld [tilespmem:s8+$0x19860]  }
0xd2: {  	s5 =	sadd.s32 $0x200, s5;
	v1 =	vld [tilespmem:s9+$0x13070];
	v11 =	vmul.f32 $3.333333430e-01, v11;
	v10 =	vadd.f32 v13, v10  }
0xd3: {  	v12 =	vld [tilespmem:s9+$0x16470];
	v9 =	vmul.f32 $3.333333430e-01, v9;
	v4 =	vadd.f32 v8, v4  }
0xd4: {  	v13 =	vld [tilespmem:s9+$0x13000];
	[tilespmem:s8+$0x1CC00] =	vst v11;
	v43 =	vmul.f32 $3.333333430e-01, v10;
	v3 =	vadd.f32 v7, v3  }
0xd5: {  	v11 =	vld [tilespmem:s9+$0x19870];
	[tilespmem:s8+$0x1CC10] =	vst v9;
	v4 =	vmul.f32 $3.333333430e-01, v4;
	v2 =	vadd.f32 v6, v2  }
0xd6: {  	v9 =	vld [tilespmem:s9+$0x16400];
	[tilespmem:s8+$0x1CC20] =	vst v43;
	v3 =	vmul.f32 $3.333333430e-01, v3;
	v0 =	vadd.f32 v5, v0  }
0xd7: {  	v44 =	vld [tilespmem:s9+$0x13010];
	[tilespmem:s8+$0x1CC30] =	vst v4;
	v2 =	vmul.f32 $3.333333430e-01, v2  }
0xd8: {  	v4 =	vld [tilespmem:s9+$0x16410];
	[tilespmem:s8+$0x1CC40] =	vst v3;
	v0 =	vmul.f32 $3.333333430e-01, v0  }
0xd9: {  	v3 =	vld [tilespmem:s9+$0x13020];
	[tilespmem:s8+$0x1CC50] =	vst v2  }
0xda: {  	v2 =	vld [tilespmem:s9+$0x16420];
	[tilespmem:s8+$0x1CC60] =	vst v0  }
0xdb: {  	v46 =	vld [tilespmem:s9+$0x13030]  }
0xdc: {  	v47 =	vld [tilespmem:s9+$0x16430]  }
0xdd: {  	v48 =	vld [tilespmem:s9+$0x13040]  }
0xde: {  	v8 =	vld [tilespmem:s9+$0x16440]  }
0xdf: {  	v49 =	vld [tilespmem:s9+$0x13050]  }
0xe0: {  	v50 =	vld [tilespmem:s9+$0x16450]  }
0xe1: {  	v51 =	vld [tilespmem:s9+$0x13060]  }
0xe2: {  	v52 =	vld [tilespmem:s9+$0x16460]  }
0xe3: {  	v14 =	vld [tilespmem:s9+$0x19800]  }
0xe4: {  	v15 =	vld [tilespmem:s9+$0x19810]  }
0xe5: {  	v1 =	vadd.f32 v12, v1;
	v16 =	vld [tilespmem:s9+$0x19820]  }
0xe6: {  	v9 =	vadd.f32 v9, v13;
	v53 =	vld [tilespmem:s9+$0x19830]  }
0xe7: {  	v45 =	vadd.f32 v11, v1;
	v54 =	vld [tilespmem:s9+$0x19840];
	v4 =	vadd.f32 v4, v44  }
0xe8: {  	v56 =	vld [tilespmem:s9+$0x19850];
	v2 =	vadd.f32 v2, v3;
	v55 =	vadd.f32 v14, v9  }
0xe9: {  	v57 =	vld [tilespmem:s9+$0x19860];
	v0 =	vmul.f32 $3.333333430e-01, v45;
	v1 =	vadd.f32 v47, v46;
	v4 =	vadd.f32 v15, v4  }
0xea: {  	v6 =	vadd.f32 v8, v48;
	v2 =	vadd.f32 v16, v2;
	v3 =	vmul.f32 $3.333333430e-01, v55  }
0xeb: {  	[tilespmem:s9+$0x1CC70] =	vst v0;
	v0 =	vadd.f32 v50, v49;
	v4 =	vmul.f32 $3.333333430e-01, v4;
	v1 =	vadd.f32 v53, v1  }
0xec: {  	v58 =	vadd.f32 v52, v51;
	v59 =	vadd.f32 v54, v6;
	v2 =	vmul.f32 $3.333333430e-01, v2;
	[tilespmem:s9+$0x1CC00] =	vst v3  }
0xed: {  	v0 =	vadd.f32 v56, v0;
	[tilespmem:s9+$0x1CC10] =	vst v4;
	v1 =	vmul.f32 $3.333333430e-01, v1  }
0xee: {  	v61 =	vadd.f32 v57, v58;
	v60 =	vmul.f32 $3.333333430e-01, v59;
	[tilespmem:s9+$0x1CC20] =	vst v2  }
0xef: {  	v0 =	vmul.f32 $3.333333430e-01, v0;
	[tilespmem:s9+$0x1CC30] =	vst v1  }
0xf0: {  	v62 =	vmul.f32 $3.333333430e-01, v61;
	[tilespmem:s9+$0x1CC40] =	vst v60  }
0xf1: {  	[tilespmem:s9+$0x1CC50] =	vst v0  }
0xf2: {  	s4 =	simm.s32 $0x3080;
	[tilespmem:s9+$0x1CC60] =	vst v62  }
0xf3: {  	[hbm4b:s3+s18] =	stream.indirect.scatter [tilespmem:s26], [sflag:$0x4], $0x80, s4, s18, $0xb8;
	v63 =	vld [tilespmem:$0x0]  }
0xf4: {  	s9 =	simm.s32 $0x180  }
0xf5: {  	[tilespmem:s23], [sflag:$0x2] =	stream.indirect.gather [hbm4b:s2+s18], $0x80, s9, s18, $0xb8;
	v63 =	vld [tilespmem:$0x0]  }
0xf6: {  	s10 =	simm.s32 $0x1180  }
0xf7: {  	[tilespmem:s25], [sflag:$0x2] =	stream.indirect.gather [hbm4b:s2+s18], $0x80, s10, s18, $0xb8;
	v63 =	vld [tilespmem:$0x0]  }
0xf8: {  	s11 =	simm.s32 $0x2180;
	s8 =	simm.s32 $0x0  }
0xf9: {  	[tilespmem:s28], [sflag:$0x2] =	stream.indirect.gather [hbm4b:s2+s18], $0x80, s11, s18, $0xb8;
	v63 =	vld [tilespmem:$0x0]  }
.LBB2_6:
0xfa: {  	_ =	swait.ge [sflag:s29], $0x3200  }
0xfb: {  	[sflag:s29] =	ssyncset.done $0x0  }
0xfc: {  	[sflag:s29] =	ssyncadd.s32 $0xFFFFCE00  }
0xfd: {  	_ =	swait.ge [sflag:s29], $0x3200  }
0xfe: {  	[sflag:s29] =	ssyncset.done $0x0  }
0xff: {  	[sflag:s29] =	ssyncadd.s32 $0xFFFFCE00  }
0x100: {  	_ =	swait.ge [sflag:s29], $0x3200  }
0x101: {  	[sflag:s29] =	ssyncset.done $0x0  }
0x102: {  	[sflag:s29] =	ssyncadd.s32 $0xFFFFCE00  }
0x103: {  	_ =	swait.ge [sflag:s24], $0x3200  }
0x104: {  	[sflag:s24] =	ssyncset.done $0x0  }
0x105: {  	s9 =	simm.s32 $0x0;
	[sflag:s24] =	ssyncadd.s32 $0xFFFFCE00  }
0x106: {  	v0 =	vld [tilespmem:s9+$0x6070]  }
0x107: {  	v1 =	vld [tilespmem:s9+$0x9470]  }
0x108: {  	v2 =	vld [tilespmem:s9+$0x6000]  }
0x109: {  	v3 =	vld [tilespmem:s9+$0xC870]  }
0x10a: {  	v4 =	vld [tilespmem:s9+$0x9400]  }
0x10b: {  	v5 =	vld [tilespmem:s9+$0x6010]  }
0x10c: {  	v6 =	vld [tilespmem:s9+$0x9410]  }
0x10d: {  	v7 =	vld [tilespmem:s9+$0x9420]  }
0x10e: {  	v9 =	vld [tilespmem:s9+$0x9430]  }
0x10f: {  	v10 =	vld [tilespmem:s9+$0x6040]  }
0x110: {  	v11 =	vld [tilespmem:s9+$0x9440]  }
0x111: {  	v12 =	vld [tilespmem:s9+$0x9450]  }
0x112: {  	v13 =	vld [tilespmem:s9+$0x6060]  }
0x113: {  	v14 =	vld [tilespmem:s9+$0x9460];
	v0 =	vadd.f32 v1, v0  }
0x114: {  	v1 =	vld [tilespmem:s9+$0x6020]  }
0x115: {  	v0 =	vadd.f32 v3, v0;
	v3 =	vld [tilespmem:s9+$0x6030]  }
0x116: {  	v15 =	vld [tilespmem:s9+$0xC800]  }
0x117: {  	v16 =	vld [tilespmem:s9+$0xC810];
	v0 =	vmul.f32 $3.333333430e-01, v0  }
0x118: {  	v17 =	vld [tilespmem:s9+$0xC820]  }
0x119: {  	v2 =	vadd.f32 v4, v2;
	v18 =	vadd.f32 v6, v5;
	[tilespmem:s9+$0xFC70] =	vst v0;
	v0 =	vld [tilespmem:s9+$0x6050]  }
0x11a: {  	v8 =	vld [tilespmem:s9+$0xC830];
	v19 =	vadd.f32 v7, v1;
	v4 =	vadd.f32 v9, v3  }
0x11b: {  	v7 =	vld [tilespmem:s9+$0xC840];
	v3 =	vadd.f32 v11, v10;
	v10 =	vadd.f32 v15, v2  }
0x11c: {  	v6 =	vld [tilespmem:s9+$0xC850]  }
0x11d: {  	s11 =	simm.s32 $0x80;
	v5 =	vld [tilespmem:s9+$0xC860];
	v9 =	vadd.f32 v16, v18;
	v11 =	vmul.f32 $3.333333430e-01, v10;
	v10 =	vadd.f32 v17, v19  }
0x11e: {  	s5 =	simm.s32 $0x400;
	v1 =	vld [tilespmem:s11+$0x6070];
	v2 =	vadd.f32 v12, v0;
	v0 =	vadd.f32 v14, v13  }
.LBB2_7:
0x11f: {  	p0 =	sne.s32 s5, $0xC600;
	v12 =	vld [tilespmem:s11+$0x9470];
	v9 =	vmul.f32 $3.333333430e-01, v9;
	v4 =	vadd.f32 v8, v4  }
0x120: {  	v8 =	vld [tilespmem:s11+$0x6000];
	[tilespmem:s9+$0xFC00] =	vst v11;
	v10 =	vmul.f32 $3.333333430e-01, v10;
	v3 =	vadd.f32 v7, v3  }
0x121: {  	v7 =	vld [tilespmem:s11+$0xC870];
	[tilespmem:s9+$0xFC10] =	vst v9;
	v4 =	vmul.f32 $3.333333430e-01, v4;
	v2 =	vadd.f32 v6, v2  }
0x122: {  	v6 =	vld [tilespmem:s11+$0x9400];
	[tilespmem:s9+$0xFC20] =	vst v10;
	v3 =	vmul.f32 $3.333333430e-01, v3;
	v0 =	vadd.f32 v5, v0  }
0x123: {  	v5 =	vld [tilespmem:s11+$0x6010];
	[tilespmem:s9+$0xFC30] =	vst v4;
	v2 =	vmul.f32 $3.333333430e-01, v2  }
0x124: {  	v4 =	vld [tilespmem:s11+$0x9410];
	v1 =	vadd.f32 v12, v1;
	[tilespmem:s9+$0xFC40] =	vst v3;
	v0 =	vmul.f32 $3.333333430e-01, v0  }
0x125: {  	v3 =	vld [tilespmem:s11+$0x6020];
	[tilespmem:s9+$0xFC50] =	vst v2  }
0x126: {  	v2 =	vld [tilespmem:s11+$0x9420];
	v1 =	vadd.f32 v7, v1;
	[tilespmem:s9+$0xFC60] =	vst v0;
	s9 =	smov.u32 s11  }
0x127: {  	v6 =	vadd.f32 v6, v8;
	v0 =	vld [tilespmem:s9+$0x6030]  }
0x128: {  	v7 =	vld [tilespmem:s9+$0x9430];
	v1 =	vmul.f32 $3.333333430e-01, v1  }
0x129: {  	v5 =	vadd.f32 v4, v5;
	v8 =	vld [tilespmem:s9+$0x6040]  }
0x12a: {  	v9 =	vld [tilespmem:s9+$0x9440];
	[tilespmem:s9+$0xFC70] =	vst v1  }
0x12b: {  	v10 =	vadd.f32 v2, v3;
	v1 =	vld [tilespmem:s9+$0x6050]  }
0x12c: {  	v2 =	vld [tilespmem:s9+$0x9450]  }
0x12d: {  	v4 =	vadd.f32 v7, v0;
	v0 =	vld [tilespmem:s9+$0x6060]  }
0x12e: {  	v11 =	vld [tilespmem:s9+$0x9460]  }
0x12f: {  	v12 =	vld [tilespmem:s9+$0xC800];
	v3 =	vadd.f32 v9, v8  }
0x130: {  	v9 =	vld [tilespmem:s9+$0xC810]  }
0x131: {  	v13 =	vld [tilespmem:s9+$0xC820];
	v2 =	vadd.f32 v2, v1  }
.Ltmp2:
0x132: {  	v8 =	vld [tilespmem:s9+$0xC830];
	(pc) =	sbr.rel @p0 .LBB2_7-.Ltmp2, $4  }
0x133: {  	v7 =	vld [tilespmem:s9+$0xC840];
	v0 =	vadd.f32 v11, v0  }
0x134: {  	v11 =	vadd.f32 v12, v6;
	v6 =	vld [tilespmem:s9+$0xC850]  }
0x135: {  	s11 =	sshra.s32 s5, $0x2;
	v9 =	vadd.f32 v9, v5;
	v5 =	vld [tilespmem:s9+$0xC860]  }
0x136: {  	s5 =	sadd.s32 $0x200, s5;
	v1 =	vld [tilespmem:s11+$0x6070];
	v11 =	vmul.f32 $3.333333430e-01, v11;
	v10 =	vadd.f32 v13, v10  }
0x137: {  	v12 =	vld [tilespmem:s11+$0x9470];
	v9 =	vmul.f32 $3.333333430e-01, v9;
	v4 =	vadd.f32 v8, v4  }
0x138: {  	v13 =	vld [tilespmem:s11+$0x6000];
	[tilespmem:s9+$0xFC00] =	vst v11;
	v8 =	vmul.f32 $3.333333430e-01, v10;
	v3 =	vadd.f32 v7, v3  }
0x139: {  	v11 =	vld [tilespmem:s11+$0xC870];
	[tilespmem:s9+$0xFC10] =	vst v9;
	v4 =	vmul.f32 $3.333333430e-01, v4;
	v2 =	vadd.f32 v6, v2  }
0x13a: {  	v9 =	vld [tilespmem:s11+$0x9400];
	[tilespmem:s9+$0xFC20] =	vst v8;
	v3 =	vmul.f32 $3.333333430e-01, v3;
	v0 =	vadd.f32 v5, v0  }
0x13b: {  	v7 =	vld [tilespmem:s11+$0x6010];
	[tilespmem:s9+$0xFC30] =	vst v4;
	v2 =	vmul.f32 $3.333333430e-01, v2  }
0x13c: {  	v4 =	vld [tilespmem:s11+$0x9410];
	[tilespmem:s9+$0xFC40] =	vst v3;
	v0 =	vmul.f32 $3.333333430e-01, v0  }
0x13d: {  	v1 =	vadd.f32 v12, v1;
	v3 =	vld [tilespmem:s11+$0x6020];
	[tilespmem:s9+$0xFC50] =	vst v2  }
0x13e: {  	v2 =	vld [tilespmem:s11+$0x9420];
	[tilespmem:s9+$0xFC60] =	vst v0  }
0x13f: {  	v0 =	vadd.f32 v11, v1;
	v1 =	vld [tilespmem:s11+$0x6030]  }
0x140: {  	v5 =	vld [tilespmem:s11+$0x9430]  }
0x141: {  	v6 =	vld [tilespmem:s11+$0x6040]  }
0x142: {  	v8 =	vld [tilespmem:s11+$0x9440]  }
0x143: {  	v10 =	vld [tilespmem:s11+$0x9450]  }
0x144: {  	v11 =	vld [tilespmem:s11+$0x6060]  }
0x145: {  	v56 =	vld [tilespmem:s11+$0x9460]  }
0x146: {  	v14 =	vld [tilespmem:s11+$0xC800]  }
0x147: {  	v15 =	vld [tilespmem:s11+$0xC810]  }
0x148: {  	v16 =	vld [tilespmem:s11+$0xC820];
	v0 =	vmul.f32 $3.333333430e-01, v0  }
0x149: {  	v57 =	vld [tilespmem:s11+$0xC830]  }
0x14a: {  	v9 =	vadd.f32 v9, v13;
	[tilespmem:s11+$0xFC70] =	vst v0;
	v0 =	vld [tilespmem:s11+$0x6050]  }
0x14b: {  	v4 =	vadd.f32 v4, v7;
	v7 =	vld [tilespmem:s11+$0xC840]  }
0x14c: {  	v2 =	vadd.f32 v2, v3;
	v3 =	vadd.f32 v14, v9;
	v9 =	vld [tilespmem:s11+$0xC850]  }
0x14d: {  	v1 =	vadd.f32 v5, v1;
	v4 =	vadd.f32 v15, v4;
	v5 =	vld [tilespmem:s11+$0xC860]  }
0x14e: {  	v6 =	vadd.f32 v8, v6;
	v2 =	vadd.f32 v16, v2;
	v3 =	vmul.f32 $3.333333430e-01, v3  }
0x14f: {  	v4 =	vmul.f32 $3.333333430e-01, v4;
	v1 =	vadd.f32 v57, v1;
	v0 =	vadd.f32 v10, v0  }
0x150: {  	v8 =	vadd.f32 v56, v11;
	v2 =	vmul.f32 $3.333333430e-01, v2;
	[tilespmem:s11+$0xFC00] =	vst v3;
	v3 =	vadd.f32 v7, v6  }
0x151: {  	[tilespmem:s11+$0xFC10] =	vst v4;
	v1 =	vmul.f32 $3.333333430e-01, v1;
	v0 =	vadd.f32 v9, v0  }
0x152: {  	[tilespmem:s11+$0xFC20] =	vst v2;
	v2 =	vmul.f32 $3.333333430e-01, v3;
	v3 =	vadd.f32 v5, v8  }
0x153: {  	[tilespmem:s11+$0xFC30] =	vst v1;
	v0 =	vmul.f32 $3.333333430e-01, v0  }
0x154: {  	s9 =	sshll.u32 s8, $0x8;
	[tilespmem:s11+$0xFC40] =	vst v2;
	v1 =	vmul.f32 $3.333333430e-01, v3  }
0x155: {  	s10 =	sand.u32 $0x3FFFFF00, s9;
	[tilespmem:s11+$0xFC50] =	vst v0  }
0x156: {  	s4 =	sadd.s32 $0x3100, s10;
	[tilespmem:s11+$0xFC60] =	vst v1  }
0x157: {  	[hbm4b:s3+s18] =	stream.indirect.scatter [tilespmem:s30], [sflag:$0x3], $0x80, s4, s18, $0xb8;
	v63 =	vld [tilespmem:$0x0]  }
0x158: {  	s11 =	sadd.s32 $0x200, s9  }
0x159: {  	[tilespmem:s19], [sflag:$0x1] =	stream.indirect.gather [hbm4b:s2+s18], $0x80, s11, s18, $0xb8;
	v63 =	vld [tilespmem:$0x0]  }
0x15a: {  	s5 =	sadd.s32 $0x1200, s9  }
0x15b: {  	[tilespmem:s20], [sflag:$0x1] =	stream.indirect.gather [hbm4b:s2+s18], $0x80, s5, s18, $0xb8;
	v63 =	vld [tilespmem:$0x0]  }
0x15c: {  	s11 =	sadd.s32 $0x2200, s9  }
0x15d: {  	[tilespmem:s21], [sflag:$0x1] =	stream.indirect.gather [hbm4b:s2+s18], $0x80, s11, s18, $0xb8;
	v63 =	vld [tilespmem:$0x0]  }
0x15e: {  	_ =	swait.ge [sflag:s22], $0x3200  }
0x15f: {  	[sflag:s22] =	ssyncset.done $0x0  }
0x160: {  	[sflag:s22] =	ssyncadd.s32 $0xFFFFCE00  }
0x161: {  	_ =	swait.ge [sflag:s22], $0x3200  }
0x162: {  	[sflag:s22] =	ssyncset.done $0x0  }
0x163: {  	[sflag:s22] =	ssyncadd.s32 $0xFFFFCE00  }
0x164: {  	_ =	swait.ge [sflag:s22], $0x3200  }
0x165: {  	[sflag:s22] =	ssyncset.done $0x0  }
0x166: {  	[sflag:s22] =	ssyncadd.s32 $0xFFFFCE00  }
0x167: {  	_ =	swait.ge [sflag:s31], $0x3200  }
0x168: {  	[sflag:s31] =	ssyncset.done $0x0  }
0x169: {  	s11 =	simm.s32 $0x0;
	[sflag:s31] =	ssyncadd.s32 $0xFFFFCE00  }
0x16a: {  	v0 =	vld [tilespmem:s11+$0x13070]  }
0x16b: {  	v1 =	vld [tilespmem:s11+$0x16470]  }
0x16c: {  	v2 =	vld [tilespmem:s11+$0x13000]  }
0x16d: {  	v3 =	vld [tilespmem:s11+$0x19870]  }
0x16e: {  	v4 =	vld [tilespmem:s11+$0x16400]  }
0x16f: {  	v5 =	vld [tilespmem:s11+$0x13010]  }
0x170: {  	v6 =	vld [tilespmem:s11+$0x16410]  }
0x171: {  	v7 =	vld [tilespmem:s11+$0x16420]  }
0x172: {  	v9 =	vld [tilespmem:s11+$0x16430]  }
0x173: {  	v10 =	vld [tilespmem:s11+$0x13040]  }
0x174: {  	v11 =	vld [tilespmem:s11+$0x16440]  }
0x175: {  	v58 =	vld [tilespmem:s11+$0x16450]  }
0x176: {  	v59 =	vld [tilespmem:s11+$0x13060]  }
0x177: {  	v60 =	vld [tilespmem:s11+$0x16460];
	v0 =	vadd.f32 v1, v0  }
0x178: {  	v1 =	vld [tilespmem:s11+$0x13020]  }
0x179: {  	v0 =	vadd.f32 v3, v0;
	v3 =	vld [tilespmem:s11+$0x13030]  }
0x17a: {  	v61 =	vld [tilespmem:s11+$0x19800]  }
0x17b: {  	v62 =	vld [tilespmem:s11+$0x19810];
	v0 =	vmul.f32 $3.333333430e-01, v0  }
0x17c: {  	v17 =	vld [tilespmem:s11+$0x19820]  }
0x17d: {  	v2 =	vadd.f32 v4, v2;
	v18 =	vadd.f32 v6, v5;
	[tilespmem:s11+$0x1CC70] =	vst v0;
	v0 =	vld [tilespmem:s11+$0x13050]  }
0x17e: {  	v8 =	vld [tilespmem:s11+$0x19830];
	v19 =	vadd.f32 v7, v1;
	v4 =	vadd.f32 v9, v3  }
0x17f: {  	v7 =	vld [tilespmem:s11+$0x19840];
	v3 =	vadd.f32 v11, v10;
	v10 =	vadd.f32 v61, v2  }
0x180: {  	v6 =	vld [tilespmem:s11+$0x19850]  }
0x181: {  	s5 =	simm.s32 $0x80;
	v5 =	vld [tilespmem:s11+$0x19860];
	v9 =	vadd.f32 v62, v18;
	v11 =	vmul.f32 $3.333333430e-01, v10;
	v10 =	vadd.f32 v17, v19  }
0x182: {  	s4 =	simm.s32 $0x400;
	v1 =	vld [tilespmem:s5+$0x13070];
	v2 =	vadd.f32 v58, v0;
	v0 =	vadd.f32 v60, v59  }
.LBB2_9:
0x183: {  	p0 =	sne.s32 s4, $0xC600;
	v12 =	vld [tilespmem:s5+$0x16470];
	v9 =	vmul.f32 $3.333333430e-01, v9;
	v4 =	vadd.f32 v8, v4  }
0x184: {  	v8 =	vld [tilespmem:s5+$0x13000];
	[tilespmem:s11+$0x1CC00] =	vst v11;
	v10 =	vmul.f32 $3.333333430e-01, v10;
	v3 =	vadd.f32 v7, v3  }
0x185: {  	v7 =	vld [tilespmem:s5+$0x19870];
	[tilespmem:s11+$0x1CC10] =	vst v9;
	v4 =	vmul.f32 $3.333333430e-01, v4;
	v2 =	vadd.f32 v6, v2  }
0x186: {  	v6 =	vld [tilespmem:s5+$0x16400];
	[tilespmem:s11+$0x1CC20] =	vst v10;
	v3 =	vmul.f32 $3.333333430e-01, v3;
	v0 =	vadd.f32 v5, v0  }
0x187: {  	v5 =	vld [tilespmem:s5+$0x13010];
	[tilespmem:s11+$0x1CC30] =	vst v4;
	v2 =	vmul.f32 $3.333333430e-01, v2  }
0x188: {  	v4 =	vld [tilespmem:s5+$0x16410];
	v1 =	vadd.f32 v12, v1;
	[tilespmem:s11+$0x1CC40] =	vst v3;
	v0 =	vmul.f32 $3.333333430e-01, v0  }
0x189: {  	v3 =	vld [tilespmem:s5+$0x13020];
	[tilespmem:s11+$0x1CC50] =	vst v2  }
0x18a: {  	v2 =	vld [tilespmem:s5+$0x16420];
	v1 =	vadd.f32 v7, v1;
	[tilespmem:s11+$0x1CC60] =	vst v0;
	s11 =	smov.u32 s5  }
0x18b: {  	v6 =	vadd.f32 v6, v8;
	v0 =	vld [tilespmem:s11+$0x13030]  }
0x18c: {  	v7 =	vld [tilespmem:s11+$0x16430];
	v1 =	vmul.f32 $3.333333430e-01, v1  }
0x18d: {  	v5 =	vadd.f32 v4, v5;
	v8 =	vld [tilespmem:s11+$0x13040]  }
0x18e: {  	v9 =	vld [tilespmem:s11+$0x16440];
	[tilespmem:s11+$0x1CC70] =	vst v1  }
0x18f: {  	v10 =	vadd.f32 v2, v3;
	v1 =	vld [tilespmem:s11+$0x13050]  }
0x190: {  	v2 =	vld [tilespmem:s11+$0x16450]  }
0x191: {  	v4 =	vadd.f32 v7, v0;
	v0 =	vld [tilespmem:s11+$0x13060]  }
0x192: {  	v11 =	vld [tilespmem:s11+$0x16460]  }
0x193: {  	v12 =	vld [tilespmem:s11+$0x19800];
	v3 =	vadd.f32 v9, v8  }
0x194: {  	v9 =	vld [tilespmem:s11+$0x19810]  }
0x195: {  	v13 =	vld [tilespmem:s11+$0x19820];
	v2 =	vadd.f32 v2, v1  }
.Ltmp3:
0x196: {  	v8 =	vld [tilespmem:s11+$0x19830];
	(pc) =	sbr.rel @p0 .LBB2_9-.Ltmp3, $4  }
0x197: {  	v7 =	vld [tilespmem:s11+$0x19840];
	v0 =	vadd.f32 v11, v0  }
0x198: {  	v11 =	vadd.f32 v12, v6;
	v6 =	vld [tilespmem:s11+$0x19850]  }
0x199: {  	s5 =	sshra.s32 s4, $0x2;
	v9 =	vadd.f32 v9, v5;
	v5 =	vld [tilespmem:s11+$0x19860]  }
0x19a: {  	s4 =	sadd.s32 $0x200, s4;
	v1 =	vld [tilespmem:s5+$0x13070];
	v11 =	vmul.f32 $3.333333430e-01, v11;
	v10 =	vadd.f32 v13, v10  }
0x19b: {  	v12 =	vld [tilespmem:s5+$0x16470];
	v9 =	vmul.f32 $3.333333430e-01, v9;
	v4 =	vadd.f32 v8, v4  }
0x19c: {  	v13 =	vld [tilespmem:s5+$0x13000];
	[tilespmem:s11+$0x1CC00] =	vst v11;
	v43 =	vmul.f32 $3.333333430e-01, v10;
	v3 =	vadd.f32 v7, v3  }
0x19d: {  	v11 =	vld [tilespmem:s5+$0x19870];
	[tilespmem:s11+$0x1CC10] =	vst v9;
	v4 =	vmul.f32 $3.333333430e-01, v4;
	v2 =	vadd.f32 v6, v2  }
0x19e: {  	v9 =	vld [tilespmem:s5+$0x16400];
	[tilespmem:s11+$0x1CC20] =	vst v43;
	v3 =	vmul.f32 $3.333333430e-01, v3;
	v0 =	vadd.f32 v5, v0  }
0x19f: {  	v44 =	vld [tilespmem:s5+$0x13010];
	[tilespmem:s11+$0x1CC30] =	vst v4;
	v2 =	vmul.f32 $3.333333430e-01, v2  }
0x1a0: {  	v4 =	vld [tilespmem:s5+$0x16410];
	[tilespmem:s11+$0x1CC40] =	vst v3;
	v0 =	vmul.f32 $3.333333430e-01, v0  }
0x1a1: {  	v3 =	vld [tilespmem:s5+$0x13020];
	[tilespmem:s11+$0x1CC50] =	vst v2  }
0x1a2: {  	v2 =	vld [tilespmem:s5+$0x16420];
	[tilespmem:s11+$0x1CC60] =	vst v0  }
0x1a3: {  	v46 =	vld [tilespmem:s5+$0x13030]  }
0x1a4: {  	v47 =	vld [tilespmem:s5+$0x16430]  }
0x1a5: {  	v48 =	vld [tilespmem:s5+$0x13040]  }
0x1a6: {  	v8 =	vld [tilespmem:s5+$0x16440]  }
0x1a7: {  	v49 =	vld [tilespmem:s5+$0x13050]  }
0x1a8: {  	v50 =	vld [tilespmem:s5+$0x16450]  }
0x1a9: {  	v51 =	vld [tilespmem:s5+$0x13060]  }
0x1aa: {  	v52 =	vld [tilespmem:s5+$0x16460]  }
0x1ab: {  	v14 =	vld [tilespmem:s5+$0x19800]  }
0x1ac: {  	v15 =	vld [tilespmem:s5+$0x19810]  }
0x1ad: {  	v1 =	vadd.f32 v12, v1;
	v16 =	vld [tilespmem:s5+$0x19820]  }
0x1ae: {  	v9 =	vadd.f32 v9, v13;
	v53 =	vld [tilespmem:s5+$0x19830]  }
0x1af: {  	v45 =	vadd.f32 v11, v1;
	v54 =	vld [tilespmem:s5+$0x19840];
	v4 =	vadd.f32 v4, v44  }
0x1b0: {  	v56 =	vld [tilespmem:s5+$0x19850];
	v2 =	vadd.f32 v2, v3;
	v55 =	vadd.f32 v14, v9  }
0x1b1: {  	v57 =	vld [tilespmem:s5+$0x19860];
	v0 =	vmul.f32 $3.333333430e-01, v45;
	v1 =	vadd.f32 v47, v46;
	v4 =	vadd.f32 v15, v4  }
0x1b2: {  	v6 =	vadd.f32 v8, v48;
	v2 =	vadd.f32 v16, v2;
	v3 =	vmul.f32 $3.333333430e-01, v55  }
0x1b3: {  	[tilespmem:s5+$0x1CC70] =	vst v0;
	v0 =	vadd.f32 v50, v49;
	v4 =	vmul.f32 $3.333333430e-01, v4;
	v1 =	vadd.f32 v53, v1  }
0x1b4: {  	v58 =	vadd.f32 v52, v51;
	v59 =	vadd.f32 v54, v6;
	v2 =	vmul.f32 $3.333333430e-01, v2;
	[tilespmem:s5+$0x1CC00] =	vst v3  }
0x1b5: {  	v0 =	vadd.f32 v56, v0;
	[tilespmem:s5+$0x1CC10] =	vst v4;
	v1 =	vmul.f32 $3.333333430e-01, v1  }
0x1b6: {  	v61 =	vadd.f32 v57, v58;
	v60 =	vmul.f32 $3.333333430e-01, v59;
	[tilespmem:s5+$0x1CC20] =	vst v2  }
0x1b7: {  	v0 =	vmul.f32 $3.333333430e-01, v0;
	[tilespmem:s5+$0x1CC30] =	vst v1  }
0x1b8: {  	v62 =	vmul.f32 $3.333333430e-01, v61;
	[tilespmem:s5+$0x1CC40] =	vst v60  }
0x1b9: {  	[tilespmem:s5+$0x1CC50] =	vst v0  }
0x1ba: {  	s4 =	sadd.s32 $0x3180, s10;
	s8 =	sadd.s32 $0x1, s8;
	[tilespmem:s5+$0x1CC60] =	vst v62  }
0x1bb: {  	[hbm4b:s3+s18] =	stream.indirect.scatter [tilespmem:s26], [sflag:$0x4], $0x80, s4, s18, $0xb8;
	v63 =	vld [tilespmem:$0x0]  }
0x1bc: {  	p0 =	sne.s32 s8, $0xE;
	s5 =	sadd.s32 $0x280, s9  }
0x1bd: {  	[tilespmem:s23], [sflag:$0x2] =	stream.indirect.gather [hbm4b:s2+s18], $0x80, s5, s18, $0xb8;
	v63 =	vld [tilespmem:$0x0]  }
.Ltmp4:
0x1be: {  	_ = 	snop;
	(pc) =	sbr.rel @p0 .LBB2_6-.Ltmp4, $4  }
0x1bf: {  	s10 =	sadd.s32 $0x1280, s9  }
0x1c0: {  	[tilespmem:s25], [sflag:$0x2] =	stream.indirect.gather [hbm4b:s2+s18], $0x80, s10, s18, $0xb8;
	v63 =	vld [tilespmem:$0x0]  }
0x1c1: {  	s11 =	sadd.s32 $0x2280, s9  }
0x1c2: {  	[tilespmem:s28], [sflag:$0x2] =	stream.indirect.gather [hbm4b:s2+s18], $0x80, s11, s18, $0xb8;
	v63 =	vld [tilespmem:$0x0]  }
0x1c3: {  	_ =	swait.ge [sflag:s29], $0x3200  }
0x1c4: {  	[sflag:s29] =	ssyncset.done $0x0  }
0x1c5: {  	[sflag:s29] =	ssyncadd.s32 $0xFFFFCE00  }
0x1c6: {  	_ =	swait.ge [sflag:s29], $0x3200  }
0x1c7: {  	[sflag:s29] =	ssyncset.done $0x0  }
0x1c8: {  	[sflag:s29] =	ssyncadd.s32 $0xFFFFCE00  }
0x1c9: {  	_ =	swait.ge [sflag:s29], $0x3200  }
0x1ca: {  	[sflag:s29] =	ssyncset.done $0x0  }
0x1cb: {  	[sflag:s29] =	ssyncadd.s32 $0xFFFFCE00  }
0x1cc: {  	_ =	swait.ge [sflag:s24], $0x3200  }
0x1cd: {  	[sflag:s24] =	ssyncset.done $0x0  }
0x1ce: {  	s8 =	simm.s32 $0x0;
	[sflag:s24] =	ssyncadd.s32 $0xFFFFCE00  }
0x1cf: {  	v0 =	vld [tilespmem:s8+$0x6070]  }
0x1d0: {  	v1 =	vld [tilespmem:s8+$0x9470]  }
0x1d1: {  	v2 =	vld [tilespmem:s8+$0x6000]  }
0x1d2: {  	v3 =	vld [tilespmem:s8+$0xC870]  }
0x1d3: {  	v4 =	vld [tilespmem:s8+$0x9400]  }
0x1d4: {  	v5 =	vld [tilespmem:s8+$0x6010]  }
0x1d5: {  	v6 =	vld [tilespmem:s8+$0x9410]  }
0x1d6: {  	v7 =	vld [tilespmem:s8+$0x9420]  }
0x1d7: {  	v9 =	vld [tilespmem:s8+$0x9430]  }
0x1d8: {  	v10 =	vld [tilespmem:s8+$0x6040]  }
0x1d9: {  	v11 =	vld [tilespmem:s8+$0x9440]  }
0x1da: {  	v12 =	vld [tilespmem:s8+$0x9450]  }
0x1db: {  	v13 =	vld [tilespmem:s8+$0x6060]  }
0x1dc: {  	v14 =	vld [tilespmem:s8+$0x9460];
	v0 =	vadd.f32 v1, v0  }
0x1dd: {  	v1 =	vld [tilespmem:s8+$0x6020]  }
0x1de: {  	v0 =	vadd.f32 v3, v0;
	v3 =	vld [tilespmem:s8+$0x6030]  }
0x1df: {  	v15 =	vld [tilespmem:s8+$0xC800]  }
0x1e0: {  	v16 =	vld [tilespmem:s8+$0xC810];
	v0 =	vmul.f32 $3.333333430e-01, v0  }
0x1e1: {  	v17 =	vld [tilespmem:s8+$0xC820]  }
0x1e2: {  	v2 =	vadd.f32 v4, v2;
	v18 =	vadd.f32 v6, v5;
	[tilespmem:s8+$0xFC70] =	vst v0;
	v0 =	vld [tilespmem:s8+$0x6050]  }
0x1e3: {  	v8 =	vld [tilespmem:s8+$0xC830];
	v19 =	vadd.f32 v7, v1;
	v4 =	vadd.f32 v9, v3  }
0x1e4: {  	v7 =	vld [tilespmem:s8+$0xC840];
	v3 =	vadd.f32 v11, v10;
	v10 =	vadd.f32 v15, v2  }
0x1e5: {  	v6 =	vld [tilespmem:s8+$0xC850]  }
0x1e6: {  	s5 =	simm.s32 $0x80;
	v5 =	vld [tilespmem:s8+$0xC860];
	v9 =	vadd.f32 v16, v18;
	v11 =	vmul.f32 $3.333333430e-01, v10;
	v10 =	vadd.f32 v17, v19  }
0x1e7: {  	s4 =	simm.s32 $0x400;
	v1 =	vld [tilespmem:s5+$0x6070];
	v2 =	vadd.f32 v12, v0;
	v0 =	vadd.f32 v14, v13  }
.LBB2_12:
0x1e8: {  	p0 =	sne.s32 s4, $0xC600;
	v12 =	vld [tilespmem:s5+$0x9470];
	v9 =	vmul.f32 $3.333333430e-01, v9;
	v4 =	vadd.f32 v8, v4  }
0x1e9: {  	v8 =	vld [tilespmem:s5+$0x6000];
	[tilespmem:s8+$0xFC00] =	vst v11;
	v10 =	vmul.f32 $3.333333430e-01, v10;
	v3 =	vadd.f32 v7, v3  }
0x1ea: {  	v7 =	vld [tilespmem:s5+$0xC870];
	[tilespmem:s8+$0xFC10] =	vst v9;
	v4 =	vmul.f32 $3.333333430e-01, v4;
	v2 =	vadd.f32 v6, v2  }
0x1eb: {  	v6 =	vld [tilespmem:s5+$0x9400];
	[tilespmem:s8+$0xFC20] =	vst v10;
	v3 =	vmul.f32 $3.333333430e-01, v3;
	v0 =	vadd.f32 v5, v0  }
0x1ec: {  	v5 =	vld [tilespmem:s5+$0x6010];
	[tilespmem:s8+$0xFC30] =	vst v4;
	v2 =	vmul.f32 $3.333333430e-01, v2  }
0x1ed: {  	v4 =	vld [tilespmem:s5+$0x9410];
	v1 =	vadd.f32 v12, v1;
	[tilespmem:s8+$0xFC40] =	vst v3;
	v0 =	vmul.f32 $3.333333430e-01, v0  }
0x1ee: {  	v3 =	vld [tilespmem:s5+$0x6020];
	[tilespmem:s8+$0xFC50] =	vst v2  }
0x1ef: {  	v2 =	vld [tilespmem:s5+$0x9420];
	v1 =	vadd.f32 v7, v1;
	[tilespmem:s8+$0xFC60] =	vst v0;
	s8 =	smov.u32 s5  }
0x1f0: {  	v6 =	vadd.f32 v6, v8;
	v0 =	vld [tilespmem:s8+$0x6030]  }
0x1f1: {  	v7 =	vld [tilespmem:s8+$0x9430];
	v1 =	vmul.f32 $3.333333430e-01, v1  }
0x1f2: {  	v5 =	vadd.f32 v4, v5;
	v8 =	vld [tilespmem:s8+$0x6040]  }
0x1f3: {  	v9 =	vld [tilespmem:s8+$0x9440];
	[tilespmem:s8+$0xFC70] =	vst v1  }
0x1f4: {  	v10 =	vadd.f32 v2, v3;
	v1 =	vld [tilespmem:s8+$0x6050]  }
0x1f5: {  	v2 =	vld [tilespmem:s8+$0x9450]  }
0x1f6: {  	v4 =	vadd.f32 v7, v0;
	v0 =	vld [tilespmem:s8+$0x6060]  }
0x1f7: {  	v11 =	vld [tilespmem:s8+$0x9460]  }
0x1f8: {  	v12 =	vld [tilespmem:s8+$0xC800];
	v3 =	vadd.f32 v9, v8  }
0x1f9: {  	v9 =	vld [tilespmem:s8+$0xC810]  }
0x1fa: {  	v13 =	vld [tilespmem:s8+$0xC820];
	v2 =	vadd.f32 v2, v1  }
.Ltmp5:
0x1fb: {  	v8 =	vld [tilespmem:s8+$0xC830];
	(pc) =	sbr.rel @p0 .LBB2_12-.Ltmp5, $4  }
0x1fc: {  	v7 =	vld [tilespmem:s8+$0xC840];
	v0 =	vadd.f32 v11, v0  }
0x1fd: {  	v11 =	vadd.f32 v12, v6;
	v6 =	vld [tilespmem:s8+$0xC850]  }
0x1fe: {  	s5 =	sshra.s32 s4, $0x2;
	v9 =	vadd.f32 v9, v5;
	v5 =	vld [tilespmem:s8+$0xC860]  }
0x1ff: {  	s4 =	sadd.s32 $0x200, s4;
	v1 =	vld [tilespmem:s5+$0x6070];
	v11 =	vmul.f32 $3.333333430e-01, v11;
	v10 =	vadd.f32 v13, v10  }
0x200: {  	v12 =	vld [tilespmem:s5+$0x9470];
	v9 =	vmul.f32 $3.333333430e-01, v9;
	v4 =	vadd.f32 v8, v4  }
0x201: {  	v13 =	vld [tilespmem:s5+$0x6000];
	[tilespmem:s8+$0xFC00] =	vst v11;
	v8 =	vmul.f32 $3.333333430e-01, v10;
	v3 =	vadd.f32 v7, v3  }
0x202: {  	v11 =	vld [tilespmem:s5+$0xC870];
	[tilespmem:s8+$0xFC10] =	vst v9;
	v4 =	vmul.f32 $3.333333430e-01, v4;
	v2 =	vadd.f32 v6, v2  }
0x203: {  	v9 =	vld [tilespmem:s5+$0x9400];
	[tilespmem:s8+$0xFC20] =	vst v8;
	v3 =	vmul.f32 $3.333333430e-01, v3;
	v0 =	vadd.f32 v5, v0  }
0x204: {  	v7 =	vld [tilespmem:s5+$0x6010];
	[tilespmem:s8+$0xFC30] =	vst v4;
	v2 =	vmul.f32 $3.333333430e-01, v2  }
0x205: {  	v4 =	vld [tilespmem:s5+$0x9410];
	[tilespmem:s8+$0xFC40] =	vst v3;
	v0 =	vmul.f32 $3.333333430e-01, v0  }
0x206: {  	v1 =	vadd.f32 v12, v1;
	v3 =	vld [tilespmem:s5+$0x6020];
	[tilespmem:s8+$0xFC50] =	vst v2  }
0x207: {  	v2 =	vld [tilespmem:s5+$0x9420];
	[tilespmem:s8+$0xFC60] =	vst v0  }
0x208: {  	v0 =	vadd.f32 v11, v1;
	v1 =	vld [tilespmem:s5+$0x6030]  }
0x209: {  	v5 =	vld [tilespmem:s5+$0x9430]  }
0x20a: {  	v6 =	vld [tilespmem:s5+$0x6040]  }
0x20b: {  	v8 =	vld [tilespmem:s5+$0x9440]  }
0x20c: {  	v10 =	vld [tilespmem:s5+$0x9450]  }
0x20d: {  	v11 =	vld [tilespmem:s5+$0x6060]  }
0x20e: {  	v56 =	vld [tilespmem:s5+$0x9460]  }
0x20f: {  	v14 =	vld [tilespmem:s5+$0xC800]  }
0x210: {  	v15 =	vld [tilespmem:s5+$0xC810]  }
0x211: {  	v16 =	vld [tilespmem:s5+$0xC820];
	v0 =	vmul.f32 $3.333333430e-01, v0  }
0x212: {  	v57 =	vld [tilespmem:s5+$0xC830]  }
0x213: {  	v9 =	vadd.f32 v9, v13;
	[tilespmem:s5+$0xFC70] =	vst v0;
	v0 =	vld [tilespmem:s5+$0x6050]  }
0x214: {  	v4 =	vadd.f32 v4, v7;
	v7 =	vld [tilespmem:s5+$0xC840]  }
0x215: {  	v2 =	vadd.f32 v2, v3;
	v3 =	vadd.f32 v14, v9;
	v9 =	vld [tilespmem:s5+$0xC850]  }
0x216: {  	v1 =	vadd.f32 v5, v1;
	v4 =	vadd.f32 v15, v4;
	v5 =	vld [tilespmem:s5+$0xC860]  }
0x217: {  	v6 =	vadd.f32 v8, v6;
	v2 =	vadd.f32 v16, v2;
	v3 =	vmul.f32 $3.333333430e-01, v3  }
0x218: {  	v4 =	vmul.f32 $3.333333430e-01, v4;
	v1 =	vadd.f32 v57, v1;
	v0 =	vadd.f32 v10, v0  }
0x219: {  	v8 =	vadd.f32 v56, v11;
	v2 =	vmul.f32 $3.333333430e-01, v2;
	[tilespmem:s5+$0xFC00] =	vst v3;
	v3 =	vadd.f32 v7, v6  }
0x21a: {  	[tilespmem:s5+$0xFC10] =	vst v4;
	v1 =	vmul.f32 $3.333333430e-01, v1;
	v0 =	vadd.f32 v9, v0  }
0x21b: {  	[tilespmem:s5+$0xFC20] =	vst v2;
	v2 =	vmul.f32 $3.333333430e-01, v3;
	v3 =	vadd.f32 v5, v8  }
0x21c: {  	[tilespmem:s5+$0xFC30] =	vst v1;
	v0 =	vmul.f32 $3.333333430e-01, v0  }
0x21d: {  	[tilespmem:s5+$0xFC40] =	vst v2;
	v1 =	vmul.f32 $3.333333430e-01, v3  }
0x21e: {  	[tilespmem:s5+$0xFC50] =	vst v0  }
0x21f: {  	s4 =	simm.s32 $0x3F00;
	[tilespmem:s5+$0xFC60] =	vst v1  }
0x220: {  	[hbm4b:s3+s18] =	stream.indirect.scatter [tilespmem:s30], [sflag:$0x3], $0x80, s4, s18, $0xb8;
	v63 =	vld [tilespmem:$0x0]  }
0x221: {  	_ =	swait.ge [sflag:s22], $0x3200  }
0x222: {  	[sflag:s22] =	ssyncset.done $0x0  }
0x223: {  	[sflag:s22] =	ssyncadd.s32 $0xFFFFCE00  }
0x224: {  	_ =	swait.ge [sflag:s22], $0x3200  }
0x225: {  	[sflag:s22] =	ssyncset.done $0x0  }
0x226: {  	[sflag:s22] =	ssyncadd.s32 $0xFFFFCE00  }
0x227: {  	_ =	swait.ge [sflag:s22], $0x3200  }
0x228: {  	[sflag:s22] =	ssyncset.done $0x0  }
0x229: {  	[sflag:s22] =	ssyncadd.s32 $0xFFFFCE00  }
0x22a: {  	_ =	swait.ge [sflag:s31], $0x3200  }
0x22b: {  	[sflag:s31] =	ssyncset.done $0x0  }
0x22c: {  	s8 =	simm.s32 $0x0;
	[sflag:s31] =	ssyncadd.s32 $0xFFFFCE00  }
0x22d: {  	v0 =	vld [tilespmem:s8+$0x13070]  }
0x22e: {  	v1 =	vld [tilespmem:s8+$0x16470]  }
0x22f: {  	v2 =	vld [tilespmem:s8+$0x13000]  }
0x230: {  	v3 =	vld [tilespmem:s8+$0x19870]  }
0x231: {  	v4 =	vld [tilespmem:s8+$0x16400]  }
0x232: {  	v5 =	vld [tilespmem:s8+$0x13010]  }
0x233: {  	v6 =	vld [tilespmem:s8+$0x16410]  }
0x234: {  	v7 =	vld [tilespmem:s8+$0x16420]  }
0x235: {  	v9 =	vld [tilespmem:s8+$0x16430]  }
0x236: {  	v10 =	vld [tilespmem:s8+$0x13040]  }
0x237: {  	v11 =	vld [tilespmem:s8+$0x16440]  }
0x238: {  	v58 =	vld [tilespmem:s8+$0x16450]  }
0x239: {  	v59 =	vld [tilespmem:s8+$0x13060]  }
0x23a: {  	v60 =	vld [tilespmem:s8+$0x16460];
	v0 =	vadd.f32 v1, v0  }
0x23b: {  	v1 =	vld [tilespmem:s8+$0x13020]  }
0x23c: {  	v0 =	vadd.f32 v3, v0;
	v3 =	vld [tilespmem:s8+$0x13030]  }
0x23d: {  	v61 =	vld [tilespmem:s8+$0x19800]  }
0x23e: {  	v62 =	vld [tilespmem:s8+$0x19810];
	v0 =	vmul.f32 $3.333333430e-01, v0  }
0x23f: {  	v17 =	vld [tilespmem:s8+$0x19820]  }
0x240: {  	v2 =	vadd.f32 v4, v2;
	v18 =	vadd.f32 v6, v5;
	[tilespmem:s8+$0x1CC70] =	vst v0;
	v0 =	vld [tilespmem:s8+$0x13050]  }
0x241: {  	v8 =	vld [tilespmem:s8+$0x19830];
	v19 =	vadd.f32 v7, v1;
	v4 =	vadd.f32 v9, v3  }
0x242: {  	v7 =	vld [tilespmem:s8+$0x19840];
	v3 =	vadd.f32 v11, v10;
	v10 =	vadd.f32 v61, v2  }
0x243: {  	v6 =	vld [tilespmem:s8+$0x19850]  }
0x244: {  	s5 =	simm.s32 $0x80;
	v5 =	vld [tilespmem:s8+$0x19860];
	v9 =	vadd.f32 v62, v18;
	v11 =	vmul.f32 $3.333333430e-01, v10;
	v10 =	vadd.f32 v17, v19  }
0x245: {  	s10 =	simm.s32 $0x3000;
	s11 =	simm.s32 $0x4000;
	s4 =	simm.s32 $0x400;
	v1 =	vld [tilespmem:s5+$0x13070];
	v2 =	vadd.f32 v58, v0;
	v0 =	vadd.f32 v60, v59  }
.LBB2_14:
0x246: {  	p0 =	sne.s32 s4, $0xC600;
	v12 =	vld [tilespmem:s5+$0x16470];
	v9 =	vmul.f32 $3.333333430e-01, v9;
	v4 =	vadd.f32 v8, v4  }
0x247: {  	v8 =	vld [tilespmem:s5+$0x13000];
	[tilespmem:s8+$0x1CC00] =	vst v11;
	v10 =	vmul.f32 $3.333333430e-01, v10;
	v3 =	vadd.f32 v7, v3  }
0x248: {  	v7 =	vld [tilespmem:s5+$0x19870];
	[tilespmem:s8+$0x1CC10] =	vst v9;
	v4 =	vmul.f32 $3.333333430e-01, v4;
	v2 =	vadd.f32 v6, v2  }
0x249: {  	v6 =	vld [tilespmem:s5+$0x16400];
	[tilespmem:s8+$0x1CC20] =	vst v10;
	v3 =	vmul.f32 $3.333333430e-01, v3;
	v0 =	vadd.f32 v5, v0  }
0x24a: {  	v5 =	vld [tilespmem:s5+$0x13010];
	[tilespmem:s8+$0x1CC30] =	vst v4;
	v2 =	vmul.f32 $3.333333430e-01, v2  }
0x24b: {  	v4 =	vld [tilespmem:s5+$0x16410];
	v1 =	vadd.f32 v12, v1;
	[tilespmem:s8+$0x1CC40] =	vst v3;
	v0 =	vmul.f32 $3.333333430e-01, v0  }
0x24c: {  	v3 =	vld [tilespmem:s5+$0x13020];
	[tilespmem:s8+$0x1CC50] =	vst v2  }
0x24d: {  	v2 =	vld [tilespmem:s5+$0x16420];
	v1 =	vadd.f32 v7, v1;
	[tilespmem:s8+$0x1CC60] =	vst v0;
	s8 =	smov.u32 s5  }
0x24e: {  	v6 =	vadd.f32 v6, v8;
	v0 =	vld [tilespmem:s8+$0x13030]  }
0x24f: {  	v7 =	vld [tilespmem:s8+$0x16430];
	v1 =	vmul.f32 $3.333333430e-01, v1  }
0x250: {  	v5 =	vadd.f32 v4, v5;
	v8 =	vld [tilespmem:s8+$0x13040]  }
0x251: {  	v9 =	vld [tilespmem:s8+$0x16440];
	[tilespmem:s8+$0x1CC70] =	vst v1  }
0x252: {  	v10 =	vadd.f32 v2, v3;
	v1 =	vld [tilespmem:s8+$0x13050]  }
0x253: {  	v2 =	vld [tilespmem:s8+$0x16450]  }
0x254: {  	v4 =	vadd.f32 v7, v0;
	v0 =	vld [tilespmem:s8+$0x13060]  }
0x255: {  	v11 =	vld [tilespmem:s8+$0x16460]  }
0x256: {  	v12 =	vld [tilespmem:s8+$0x19800];
	v3 =	vadd.f32 v9, v8  }
0x257: {  	v9 =	vld [tilespmem:s8+$0x19810]  }
0x258: {  	v13 =	vld [tilespmem:s8+$0x19820];
	v2 =	vadd.f32 v2, v1  }
.Ltmp6:
0x259: {  	v8 =	vld [tilespmem:s8+$0x19830];
	(pc) =	sbr.rel @p0 .LBB2_14-.Ltmp6, $4  }
0x25a: {  	v7 =	vld [tilespmem:s8+$0x19840];
	v0 =	vadd.f32 v11, v0  }
0x25b: {  	v11 =	vadd.f32 v12, v6;
	v6 =	vld [tilespmem:s8+$0x19850]  }
0x25c: {  	s5 =	sshra.s32 s4, $0x2;
	v9 =	vadd.f32 v9, v5;
	v5 =	vld [tilespmem:s8+$0x19860]  }
0x25d: {  	s4 =	sadd.s32 $0x200, s4;
	v1 =	vld [tilespmem:s5+$0x13070];
	v11 =	vmul.f32 $3.333333430e-01, v11;
	v10 =	vadd.f32 v13, v10  }
0x25e: {  	v12 =	vld [tilespmem:s5+$0x16470];
	v9 =	vmul.f32 $3.333333430e-01, v9;
	v4 =	vadd.f32 v8, v4  }
0x25f: {  	v13 =	vld [tilespmem:s5+$0x13000];
	[tilespmem:s8+$0x1CC00] =	vst v11;
	v43 =	vmul.f32 $3.333333430e-01, v10;
	v3 =	vadd.f32 v7, v3  }
0x260: {  	v11 =	vld [tilespmem:s5+$0x19870];
	[tilespmem:s8+$0x1CC10] =	vst v9;
	v4 =	vmul.f32 $3.333333430e-01, v4;
	v2 =	vadd.f32 v6, v2  }
0x261: {  	v9 =	vld [tilespmem:s5+$0x16400];
	[tilespmem:s8+$0x1CC20] =	vst v43;
	v3 =	vmul.f32 $3.333333430e-01, v3;
	v0 =	vadd.f32 v5, v0  }
0x262: {  	v44 =	vld [tilespmem:s5+$0x13010];
	[tilespmem:s8+$0x1CC30] =	vst v4;
	v2 =	vmul.f32 $3.333333430e-01, v2  }
0x263: {  	v4 =	vld [tilespmem:s5+$0x16410];
	[tilespmem:s8+$0x1CC40] =	vst v3;
	v0 =	vmul.f32 $3.333333430e-01, v0  }
0x264: {  	v3 =	vld [tilespmem:s5+$0x13020];
	[tilespmem:s8+$0x1CC50] =	vst v2  }
0x265: {  	v2 =	vld [tilespmem:s5+$0x16420];
	[tilespmem:s8+$0x1CC60] =	vst v0  }
0x266: {  	v46 =	vld [tilespmem:s5+$0x13030]  }
0x267: {  	v47 =	vld [tilespmem:s5+$0x16430]  }
0x268: {  	v48 =	vld [tilespmem:s5+$0x13040]  }
0x269: {  	v8 =	vld [tilespmem:s5+$0x16440]  }
0x26a: {  	v49 =	vld [tilespmem:s5+$0x13050]  }
0x26b: {  	v50 =	vld [tilespmem:s5+$0x16450]  }
0x26c: {  	v51 =	vld [tilespmem:s5+$0x13060]  }
0x26d: {  	v52 =	vld [tilespmem:s5+$0x16460]  }
0x26e: {  	v14 =	vld [tilespmem:s5+$0x19800]  }
0x26f: {  	v15 =	vld [tilespmem:s5+$0x19810]  }
0x270: {  	v1 =	vadd.f32 v12, v1;
	v16 =	vld [tilespmem:s5+$0x19820]  }
0x271: {  	v9 =	vadd.f32 v9, v13;
	v53 =	vld [tilespmem:s5+$0x19830]  }
0x272: {  	v45 =	vadd.f32 v11, v1;
	v54 =	vld [tilespmem:s5+$0x19840];
	v4 =	vadd.f32 v4, v44  }
0x273: {  	v56 =	vld [tilespmem:s5+$0x19850];
	v2 =	vadd.f32 v2, v3;
	v55 =	vadd.f32 v14, v9  }
0x274: {  	v57 =	vld [tilespmem:s5+$0x19860];
	v0 =	vmul.f32 $3.333333430e-01, v45;
	v1 =	vadd.f32 v47, v46;
	v4 =	vadd.f32 v15, v4  }
0x275: {  	v6 =	vadd.f32 v8, v48;
	v2 =	vadd.f32 v16, v2;
	v3 =	vmul.f32 $3.333333430e-01, v55  }
0x276: {  	[tilespmem:s5+$0x1CC70] =	vst v0;
	v0 =	vadd.f32 v50, v49;
	v4 =	vmul.f32 $3.333333430e-01, v4;
	v1 =	vadd.f32 v53, v1  }
0x277: {  	v58 =	vadd.f32 v52, v51;
	v59 =	vadd.f32 v54, v6;
	v2 =	vmul.f32 $3.333333430e-01, v2;
	[tilespmem:s5+$0x1CC00] =	vst v3  }
0x278: {  	v0 =	vadd.f32 v56, v0;
	[tilespmem:s5+$0x1CC10] =	vst v4;
	v1 =	vmul.f32 $3.333333430e-01, v1  }
0x279: {  	v61 =	vadd.f32 v57, v58;
	v60 =	vmul.f32 $3.333333430e-01, v59;
	[tilespmem:s5+$0x1CC20] =	vst v2  }
0x27a: {  	v0 =	vmul.f32 $3.333333430e-01, v0;
	[tilespmem:s5+$0x1CC30] =	vst v1  }
0x27b: {  	v62 =	vmul.f32 $3.333333430e-01, v61;
	[tilespmem:s5+$0x1CC40] =	vst v60  }
0x27c: {  	[tilespmem:s5+$0x1CC50] =	vst v0  }
0x27d: {  	s4 =	simm.s32 $0x3F80;
	[tilespmem:s5+$0x1CC60] =	vst v62  }
0x27e: {  	[hbm4b:s3+s18] =	stream.indirect.scatter [tilespmem:s26], [sflag:$0x4], $0x80, s4, s18, $0xb8;
	v63 =	vld [tilespmem:$0x0]  }
0x27f: {  	_ =	swait.ge [sflag:s24], $0x3200  }
0x280: {  	[sflag:s24] =	ssyncset.done $0x0  }
0x281: {  	[sflag:s24] =	ssyncadd.s32 $0xFFFFCE00  }
0x282: {  	_ =	swait.ge [sflag:s31], $0x3200  }
0x283: {  	[sflag:s31] =	ssyncset.done $0x0  }
0x284: {  	[sflag:s31] =	ssyncadd.s32 $0xFFFFCE00  }
0x285: {  	[tilespmem:s19], [sflag:$0x5] =	stream.indirect.gather [hbm4b:s2+s18], $0x80, s11, s18, $0xb8;
	v63 =	vld [tilespmem:$0x0]  }
0x286: {  	s5 =	simm.s32 $0x4080  }
0x287: {  	[tilespmem:s20], [sflag:$0x6] =	stream.indirect.gather [hbm4b:s2+s18], $0x80, s5, s18, $0xb8;
	v63 =	vld [tilespmem:$0x0]  }
0x288: {  	s8 =	simm.s32 $0x4100  }
0x289: {  	[tilespmem:s21], [sflag:$0x7] =	stream.indirect.gather [hbm4b:s2+s18], $0x80, s8, s18, $0xb8;
	v63 =	vld [tilespmem:$0x0]  }
0x28a: {  	_ =	swait.ge [sflag:s0], $0x3200  }
0x28b: {  	[sflag:s0] =	ssyncset.done $0x0  }
0x28c: {  	s9 =	simm.s32 $0x5000;
	[sflag:s0] =	ssyncadd.s32 $0xFFFFCE00  }
0x28d: {  	[hbm4b:s3+s18] =	stream.indirect.scatter [tilespmem:s19], [sflag:$0x9], $0x80, s9, s18, $0xb8;
	v63 =	vld [tilespmem:$0x0]  }
0x28e: {  	s5 =	simm.s32 $0x4180  }
0x28f: {  	[tilespmem:s30], [sflag:$0x8] =	stream.indirect.gather [hbm4b:s2+s18], $0x80, s5, s18, $0xb8;
	v63 =	vld [tilespmem:$0x0]  }
0x290: {  	_ =	swait.ge [sflag:s1], $0x3200  }
0x291: {  	[sflag:s1] =	ssyncset.done $0x0  }
0x292: {  	s8 =	simm.s32 $0x5080;
	[sflag:s1] =	ssyncadd.s32 $0xFFFFCE00  }
0x293: {  	[hbm4b:s3+s18] =	stream.indirect.scatter [tilespmem:s20], [sflag:$0xA], $0x80, s8, s18, $0xb8;
	v63 =	vld [tilespmem:$0x0]  }
0x294: {  	_ =	swait.ge [sflag:s13], $0x3200  }
0x295: {  	[sflag:s13] =	ssyncset.done $0x0  }
0x296: {  	s9 =	simm.s32 $0x4200;
	[sflag:s13] =	ssyncadd.s32 $0xFFFFCE00  }
0x297: {  	[tilespmem:s19], [sflag:$0x5] =	stream.indirect.gather [hbm4b:s2+s18], $0x80, s9, s18, $0xb8;
	v63 =	vld [tilespmem:$0x0]  }
0x298: {  	_ =	swait.ge [sflag:s14], $0x3200  }
0x299: {  	[sflag:s14] =	ssyncset.done $0x0  }
0x29a: {  	s5 =	simm.s32 $0x5100;
	[sflag:s14] =	ssyncadd.s32 $0xFFFFCE00  }
0x29b: {  	[hbm4b:s3+s18] =	stream.indirect.scatter [tilespmem:s21], [sflag:$0xB], $0x80, s5, s18, $0xb8;
	v63 =	vld [tilespmem:$0x0]  }
0x29c: {  	_ =	swait.ge [sflag:s15], $0x3200  }
0x29d: {  	[sflag:s15] =	ssyncset.done $0x0  }
0x29e: {  	s8 =	simm.s32 $0x4280;
	[sflag:s15] =	ssyncadd.s32 $0xFFFFCE00  }
0x29f: {  	[tilespmem:s20], [sflag:$0x6] =	stream.indirect.gather [hbm4b:s2+s18], $0x80, s8, s18, $0xb8;
	v63 =	vld [tilespmem:$0x0]  }
0x2a0: {  	_ =	swait.ge [sflag:s16], $0x3200  }
0x2a1: {  	[sflag:s16] =	ssyncset.done $0x0  }
0x2a2: {  	s9 =	simm.s32 $0x5180;
	[sflag:s16] =	ssyncadd.s32 $0xFFFFCE00  }
0x2a3: {  	[hbm4b:s3+s18] =	stream.indirect.scatter [tilespmem:s30], [sflag:$0xC], $0x80, s9, s18, $0xb8;
	v63 =	vld [tilespmem:$0x0]  }
0x2a4: {  	_ =	swait.ge [sflag:s17], $0x3200  }
0x2a5: {  	[sflag:s17] =	ssyncset.done $0x0  }
0x2a6: {  	s5 =	simm.s32 $0x4300;
	[sflag:s17] =	ssyncadd.s32 $0xFFFFCE00  }
0x2a7: {  	[tilespmem:s21], [sflag:$0x7] =	stream.indirect.gather [hbm4b:s2+s18], $0x80, s5, s18, $0xb8;
	v63 =	vld [tilespmem:$0x0]  }
0x2a8: {  	_ =	swait.ge [sflag:s0], $0x3200  }
0x2a9: {  	[sflag:s0] =	ssyncset.done $0x0  }
0x2aa: {  	s8 =	simm.s32 $0x5200;
	[sflag:s0] =	ssyncadd.s32 $0xFFFFCE00  }
0x2ab: {  	[hbm4b:s3+s18] =	stream.indirect.scatter [tilespmem:s19], [sflag:$0x9], $0x80, s8, s18, $0xb8;
	v63 =	vld [tilespmem:$0x0]  }
0x2ac: {  	_ =	swait.ge [sflag:s6], $0x3200  }
0x2ad: {  	[sflag:s6] =	ssyncset.done $0x0  }
0x2ae: {  	s9 =	simm.s32 $0x4380;
	[sflag:s6] =	ssyncadd.s32 $0xFFFFCE00  }
0x2af: {  	[tilespmem:s30], [sflag:$0x8] =	stream.indirect.gather [hbm4b:s2+s18], $0x80, s9, s18, $0xb8;
	v63 =	vld [tilespmem:$0x0]  }
0x2b0: {  	_ =	swait.ge [sflag:s1], $0x3200  }
0x2b1: {  	[sflag:s1] =	ssyncset.done $0x0  }
0x2b2: {  	s4 =	simm.s32 $0x800;
	s5 =	simm.s32 $0x5280;
	[sflag:s1] =	ssyncadd.s32 $0xFFFFCE00  }
.LBB2_16:
0x2b3: {  	[hbm4b:s3+s18] =	stream.indirect.scatter [tilespmem:s20], [sflag:$0xA], $0x80, s5, s18, $0xb8;
	v63 =	vld [tilespmem:$0x0]  }
0x2b4: {  	s5 =	smov.u32 s4  }
0x2b5: {  	p0 =	sne.s32 s4, $0x3000;
	s4 =	sadd.s32 $0x800, s4;
	_ =	swait.ge [sflag:s13], $0x3200  }
0x2b6: {  	s5 =	sshra.s32 s5, $0x2;
	[sflag:s13] =	ssyncset.done $0x0  }
0x2b7: {  	s8 =	sadd.s32 $0x4200, s5;
	[sflag:s13] =	ssyncadd.s32 $0xFFFFCE00  }
0x2b8: {  	[tilespmem:s19], [sflag:$0x5] =	stream.indirect.gather [hbm4b:s2+s18], $0x80, s8, s18, $0xb8;
	v63 =	vld [tilespmem:$0x0]  }
0x2b9: {  	_ =	swait.ge [sflag:s14], $0x3200  }
0x2ba: {  	[sflag:s14] =	ssyncset.done $0x0  }
0x2bb: {  	s8 =	sadd.s32 $0x5100, s5;
	[sflag:s14] =	ssyncadd.s32 $0xFFFFCE00  }
0x2bc: {  	[hbm4b:s3+s18] =	stream.indirect.scatter [tilespmem:s21], [sflag:$0xB], $0x80, s8, s18, $0xb8;
	v63 =	vld [tilespmem:$0x0]  }
0x2bd: {  	_ =	swait.ge [sflag:s15], $0x3200  }
0x2be: {  	[sflag:s15] =	ssyncset.done $0x0  }
0x2bf: {  	s8 =	sadd.s32 $0x4280, s5;
	[sflag:s15] =	ssyncadd.s32 $0xFFFFCE00  }
0x2c0: {  	[tilespmem:s20], [sflag:$0x6] =	stream.indirect.gather [hbm4b:s2+s18], $0x80, s8, s18, $0xb8;
	v63 =	vld [tilespmem:$0x0]  }
0x2c1: {  	_ =	swait.ge [sflag:s16], $0x3200  }
0x2c2: {  	[sflag:s16] =	ssyncset.done $0x0  }
0x2c3: {  	s8 =	sadd.s32 $0x5180, s5;
	[sflag:s16] =	ssyncadd.s32 $0xFFFFCE00  }
0x2c4: {  	[hbm4b:s3+s18] =	stream.indirect.scatter [tilespmem:s30], [sflag:$0xC], $0x80, s8, s18, $0xb8;
	v63 =	vld [tilespmem:$0x0]  }
0x2c5: {  	_ =	swait.ge [sflag:s17], $0x3200  }
0x2c6: {  	[sflag:s17] =	ssyncset.done $0x0  }
0x2c7: {  	s8 =	sadd.s32 $0x4300, s5;
	[sflag:s17] =	ssyncadd.s32 $0xFFFFCE00  }
0x2c8: {  	[tilespmem:s21], [sflag:$0x7] =	stream.indirect.gather [hbm4b:s2+s18], $0x80, s8, s18, $0xb8;
	v63 =	vld [tilespmem:$0x0]  }
0x2c9: {  	_ =	swait.ge [sflag:s0], $0x3200  }
0x2ca: {  	[sflag:s0] =	ssyncset.done $0x0  }
0x2cb: {  	s8 =	sadd.s32 $0x5200, s5;
	[sflag:s0] =	ssyncadd.s32 $0xFFFFCE00  }
0x2cc: {  	[hbm4b:s3+s18] =	stream.indirect.scatter [tilespmem:s19], [sflag:$0x9], $0x80, s8, s18, $0xb8;
	v63 =	vld [tilespmem:$0x0]  }
0x2cd: {  	_ =	swait.ge [sflag:s6], $0x3200  }
0x2ce: {  	[sflag:s6] =	ssyncset.done $0x0  }
.Ltmp7:
0x2cf: {  	s8 =	sadd.s32 $0x4380, s5;
	[sflag:s6] =	ssyncadd.s32 $0xFFFFCE00;
	(pc) =	sbr.rel @p0 .LBB2_16-.Ltmp7, $4  }
0x2d0: {  	[tilespmem:s30], [sflag:$0x8] =	stream.indirect.gather [hbm4b:s2+s18], $0x80, s8, s18, $0xb8;
	v63 =	vld [tilespmem:$0x0]  }
0x2d1: {  	_ =	swait.ge [sflag:s1], $0x3200  }
0x2d2: {  	[sflag:s1] =	ssyncset.done $0x0  }
0x2d3: {  	s5 =	sadd.s32 $0x5280, s5;
	[sflag:s1] =	ssyncadd.s32 $0xFFFFCE00  }
0x2d4: {  	[hbm4b:s3+s18] =	stream.indirect.scatter [tilespmem:s20], [sflag:$0xA], $0x80, s5, s18, $0xb8;
	v63 =	vld [tilespmem:$0x0]  }
0x2d5: {  	_ =	swait.ge [sflag:s13], $0x3200  }
0x2d6: {  	[sflag:s13] =	ssyncset.done $0x0  }
0x2d7: {  	[sflag:s13] =	ssyncadd.s32 $0xFFFFCE00  }
0x2d8: {  	_ =	swait.ge [sflag:s14], $0x3200  }
0x2d9: {  	[sflag:s14] =	ssyncset.done $0x0  }
0x2da: {  	s4 =	simm.s32 $0x5F00;
	[sflag:s14] =	ssyncadd.s32 $0xFFFFCE00  }
0x2db: {  	[hbm4b:s3+s18] =	stream.indirect.scatter [tilespmem:s21], [sflag:$0xB], $0x80, s4, s18, $0xb8;
	v63 =	vld [tilespmem:$0x0]  }
0x2dc: {  	_ =	swait.ge [sflag:s15], $0x3200  }
0x2dd: {  	[sflag:s15] =	ssyncset.done $0x0  }
0x2de: {  	[sflag:s15] =	ssyncadd.s32 $0xFFFFCE00  }
0x2df: {  	_ =	swait.ge [sflag:s16], $0x3200  }
0x2e0: {  	[sflag:s16] =	ssyncset.done $0x0  }
0x2e1: {  	s8 =	simm.s32 $0x5F80;
	[sflag:s16] =	ssyncadd.s32 $0xFFFFCE00  }
0x2e2: {  	[hbm4b:s3+s18] =	stream.indirect.scatter [tilespmem:s30], [sflag:$0xC], $0x80, s8, s18, $0xb8;
	v63 =	vld [tilespmem:$0x0]  }
0x2e3: {  	_ =	swait.ge [sflag:s17], $0x3200  }
0x2e4: {  	[sflag:s17] =	ssyncset.done $0x0  }
0x2e5: {  	[sflag:s17] =	ssyncadd.s32 $0xFFFFCE00  }
0x2e6: {  	_ =	swait.ge [sflag:s6], $0x3200  }
0x2e7: {  	s7 =	sadd.s32 $0x1, s7;
	s9 =	rddreg [dreg:$0xa]  }
0x2e8: {  	p0 =	sne.s32 s7, s9  }
.Ltmp8:
0x2e9: {  	_ = 	snop;
	(pc) =	sbr.rel @p0 .LBB2_1-.Ltmp8, $3  }
0x2ea: {  	_ =	sdelay $0x1  }
0x2eb: {  	[sflag:s6] =	ssyncset.done $0x0  }
0x2ec: {  	[sflag:s6] =	ssyncadd.s32 $0xFFFFCE00  }
0x2ed: {  	_ =	sfence.sel $0x180000  }
0x2ee: {  	[bflag:$0x0] =	sbarrier.arrive $0xFFFF  }
0x2ef: {  	_ =	strace $0x9000004A  }
0x2f0: {  	s0 =	stileid.u32;
	[bflag:$0x2] =	sbarrier.arrive $0xFFFF  }
0x2f1: {  	p0 =	sne.s32 s0, $0x0;
	s0 =	rddreg [dreg:$0x3]  }
0x2f2: {  	s0 =	sadd.s32 @!p0 $0x100000, s0  }
0x2f3: {  	[sflag:s0] =	ssyncadd.tile.s32 @!p0 $0x1;
	_ =	shalt  }
.Lfunc_end2:
_tile_overlayer_lowered:
.L_overlay_start_2:
0x2f4: {  	(tag) =	ssettag $0x2  }
0x2f5: {  	s0 =	rddreg [dreg:$0x0];
	s2 =	stileid.u32  }
0x2f6: {  	s1 =	rddreg [dreg:$0x1];
	p0 =	sne.s32 s2, $0x0  }
0x2f7: {  	s3 =	rddreg [dreg:$0x2];
	[bflag:$0x3] =	sbarrier.arrive $0xFFFF;
	s2 =	simm.s32 @!p0 $0x1C0D  }
0x2f8: {  	[timem:s3], [sflag:s2] =	dma.local @!p0 [hbm:s0], s1  }
0x2f9: {  	s0 =	simm.s32 @!p0 $0xD  }
0x2fa: {  	_ =	swait.ge @!p0 [sflag:s0], s1  }
0x2fb: {  	s1 =	ssub.s32 @!p0 $0x0, s1;
	[sflag:s0] =	ssyncset.done @!p0 $0x0  }
0x2fc: {  	[sflag:s0] =	ssyncadd.s32 @!p0 s1  }
0x2fd: {  	[bflag:$0x3] =	sbarrier.arrive $0xFFFF  }
0x2fe: {  	_ =	shalt  }

</sc_bundles>
